<compile_context>
chip_gen: v7x
topology: tpu7x:2x2x1
jax: 0.10.2.dev20260603
libtpu: 0.0.44.dev20260713+nightly
codegen_flags: <defaults>
</compile_context>

<pallas_src>
import functools

import jax
import jax.numpy as jnp
from jax import lax
from jax.experimental import pallas as pl
from jax.experimental.pallas import tpu as pltpu
from jax.experimental.pallas import tpu_sc as plsc

N_NODES = 10000
N_EDGES = 320000
D = 128

NC = 2
NS = 16
NW = NC * NS

E_PER_W = N_EDGES // NW
CHUNK = 80
NCHUNK = E_PER_W // CHUNK
NSLOT = 4
ROWS_A = 624
TAIL = N_NODES - NS * ROWS_A
ZROWS = 48


def _sc_segment_sum(x, ei):
  mesh = plsc.VectorSubcoreMesh(core_axis_name="c", subcore_axis_name="s")

  @functools.partial(
      pl.kernel,
      mesh=mesh,
      out_type=jax.ShapeDtypeStruct((NC, N_NODES, D), jnp.float32),
      scratch_types=dict(
          sring=pltpu.VMEM((NSLOT * CHUNK,), jnp.int32),
          dring=pltpu.VMEM((NSLOT, CHUNK), jnp.int32),
          rows0=pltpu.VMEM((CHUNK, D), jnp.float32),
          rows1=pltpu.VMEM((CHUNK, D), jnp.float32),
          rows2=pltpu.VMEM((CHUNK, D), jnp.float32),
          rows3=pltpu.VMEM((CHUNK, D), jnp.float32),
          zbuf=pltpu.VMEM((ZROWS, D), jnp.float32),
          acc=pltpu.VMEM_SHARED((N_NODES, D), jnp.float32),
          g0=pltpu.SemaphoreType.DMA,
          g1=pltpu.SemaphoreType.DMA,
          g2=pltpu.SemaphoreType.DMA,
          g3=pltpu.SemaphoreType.DMA,
          s0=pltpu.SemaphoreType.DMA,
          s1=pltpu.SemaphoreType.DMA,
          s2=pltpu.SemaphoreType.DMA,
          s3=pltpu.SemaphoreType.DMA,
          si=pltpu.SemaphoreType.DMA,
          sd=pltpu.SemaphoreType.DMA,
          semz=pltpu.SemaphoreType.DMA,
      ),
  )
  def seg_sum(x_hbm, ei_hbm, out_hbm, *, sring, dring, rows0,
              rows1, rows2, rows3, zbuf, acc, g0, g1, g2, g3, s0, s1, s2,
              s3, si, sd, semz):
    c = lax.axis_index("c")
    s_ax = lax.axis_index("s")
    wid = s_ax * NC + c
    rows = [rows0, rows1, rows2, rows3]
    semg = [g0, g1, g2, g3]
    sems = [s0, s1, s2, s3]

    def sl(k):
      return sring.at[pl.ds(k * CHUNK, CHUNK)]

    def load_pair(jj, m):
      off = pl.multiple_of(wid * E_PER_W + jj * CHUNK, CHUNK)
      pltpu.async_copy(ei_hbm.at[pl.ds(off, CHUNK)], sl(m), si)
      pltpu.async_copy(ei_hbm.at[pl.ds(off + N_EDGES, CHUNK)], dring.at[m],
                       sd)

    def drain_si():
      pltpu.make_async_copy(ei_hbm.at[pl.ds(0, CHUNK)], sl(0), si).wait()

    def drain_sd():
      pltpu.make_async_copy(ei_hbm.at[pl.ds(0, CHUNK)], dring.at[0],
                            sd).wait()

    def g_issue(k):
      pltpu.async_copy(x_hbm.at[sl(k)], rows[k], semg[k])

    def g_wait(k):
      pltpu.make_async_copy(x_hbm.at[sl(k)], rows[k], semg[k]).wait()

    def s_issue(k):
      pltpu.async_copy(rows[k], acc.at[dring.at[k]], sems[k], add=True)

    def s_wait(k):
      pltpu.make_async_copy(rows[k], acc.at[dring.at[k]], sems[k]).wait()

    for t in range(3):
      load_pair(t, t)
    drain_si()
    g_issue(0)
    drain_si()
    g_issue(1)

    for i in range(ZROWS):
      for k in range(D // 16):
        zbuf[i, pl.ds(k * 16, 16)] = jnp.zeros((16,), jnp.float32)
    base = s_ax * ROWS_A
    zcopies = [
        pltpu.async_copy(zbuf, acc.at[pl.ds(base + t * ZROWS, ZROWS)], semz)
        for t in range(ROWS_A // ZROWS)
    ]

    @pl.when(s_ax == NS - 1)
    def _zero_tail():
      pltpu.async_copy(zbuf.at[pl.ds(0, TAIL)],
                       acc.at[pl.ds(NS * ROWS_A, TAIL)], semz).wait()

    for zc in zcopies:
      zc.wait()
    plsc.subcore_barrier()

    g_wait(0)
    drain_sd()
    s_issue(0)
    load_pair(3, 3)
    drain_si()
    g_issue(2)

    def body(i, _):
      jb = 4 * i + 1
      for kk in range(4):
        j = jb + kk
        k = (1 + kk) % 4
        g_wait(k)
        drain_sd()
        s_issue(k)
        s_wait((k - 1) % 4)
        load_pair(j + 3, (k - 1) % 4)
        drain_si()
        g_issue((k + 2) % 4)
      return 0
    lax.fori_loop(0, 30, body, 0)

    g_wait(1)
    drain_sd()
    s_issue(1)
    s_wait(0)
    load_pair(124, 0)
    drain_si()
    g_issue(3)

    g_wait(2)
    drain_sd()
    s_issue(2)
    s_wait(1)
    drain_si()
    g_issue(0)

    g_wait(3)
    drain_sd()
    s_issue(3)
    s_wait(2)

    g_wait(0)
    drain_sd()
    s_issue(0)
    s_wait(3)
    s_wait(0)

    plsc.subcore_barrier()
    pltpu.sync_copy(acc.at[pl.ds(base, ROWS_A)],
                    out_hbm.at[c, pl.ds(base, ROWS_A)])

    @pl.when(s_ax == NS - 1)
    def _copy_tail():
      pltpu.sync_copy(acc.at[pl.ds(NS * ROWS_A, TAIL)],
                      out_hbm.at[c, pl.ds(NS * ROWS_A, TAIL)])

  return seg_sum(x, ei)


def _tc_linear(p, W, b2):
  blk = 2000

  def body(p_ref, w_ref, b_ref, o_ref):
    h = p_ref[0] + p_ref[1]
    o_ref[...] = lax.dot_general(
        h, w_ref[...], (((1,), (1,)), ((), ())),
        preferred_element_type=jnp.float32) + b_ref[...]

  return pl.pallas_call(
      body,
      grid=(N_NODES // blk,),
      in_specs=[
          pl.BlockSpec((NC, blk, D), lambda i: (0, i, 0)),
          pl.BlockSpec((D, D), lambda i: (0, 0)),
          pl.BlockSpec((1, D), lambda i: (0, 0)),
      ],
      out_specs=pl.BlockSpec((blk, D), lambda i: (i, 0)),
      out_shape=jax.ShapeDtypeStruct((N_NODES, D), jnp.float32),
  )(p, W, b2)


@jax.jit
def kernel(inputs, edge_index, W, b):
  partials = _sc_segment_sum(inputs, edge_index.reshape(2 * N_EDGES))
  return _tc_linear(partials, W, b.reshape(1, D))

# --- scband reference (transcript-rebuilt; emitter-appended) ---
"""Pipeline reference for scband-gnnlayer-62285615726744 (READ-ONLY COPY).

The authoritative reference and input builder live on the scoring server;
editing this copy changes nothing except your own understanding.
"""

import jax, jax.numpy as jnp
import numpy as np

N_NODES = 10000
N_EDGES = 320000
D_IN = 128
D_OUT = 128


def setup_inputs(seed: int = 0) -> dict:
    key = jax.random.key(seed)
    k1, k2, k3, k4 = jax.random.split(key, 4)
    inputs = jax.random.normal(k1, (N_NODES, D_IN), dtype=jnp.float32)
    edge_index = jax.random.randint(k2, (2, N_EDGES), 0, N_NODES, dtype=jnp.int32)
    # Linear layer params (torch nn.Linear style: W [out, in], b [out])
    bound = 1.0 / np.sqrt(D_IN)
    W = jax.random.uniform(k3, (D_OUT, D_IN), minval=-bound, maxval=bound, dtype=jnp.float32)
    b = jax.random.uniform(k4, (D_OUT,), minval=-bound, maxval=bound, dtype=jnp.float32)
    return {"inputs": inputs, "edge_index": edge_index, "W": W, "b": b}


def reference(inputs, edge_index, W, b):
    # DGL update_all with message = src['h'], reduce = sum over mailbox
    # is equivalent to a scatter-add of source features onto destination nodes.
    src = edge_index[0]
    dst = edge_index[1]
    msgs = jnp.take(inputs, src, axis=0)          # gather: [E, D_IN]
    h = jax.ops.segment_sum(msgs, dst, num_segments=N_NODES)  # scatter-add: [N, D_IN]
    # nn.Linear
    return h @ W.T + b

if __name__ == "__main__":
    import jax
    _d = setup_inputs()
    print(jax.jit(kernel)(*tuple(_d.values())))

</pallas_src>

<mosaic_0001>
#map = affine_map<(d0, d1) -> (0, 0)>
#map1 = affine_map<(d0, d1) -> (0)>
#map2 = affine_map<(d0, d1) -> (0, 0, 0)>
module attributes {stable_mosaic.version = 14 : i64} {
  func.func @seg_sum(%arg0: i32, %arg1: i32, %arg2: memref<10000x128xf32, #tpu.memory_space<hbm>>, %arg3: memref<640000xi32, #tpu.memory_space<hbm>>, %arg4: memref<2x10000x128xf32, #tpu.memory_space<hbm>>, %arg5: memref<10000x128xf32, #tpu.memory_space<vmem_shared>>, %arg6: memref<4x80xi32, #tpu.memory_space<vmem>>, %arg7: memref<!tpu.dma_semaphore, #tpu.memory_space<semaphore_mem>>, %arg8: memref<!tpu.dma_semaphore, #tpu.memory_space<semaphore_mem>>, %arg9: memref<!tpu.dma_semaphore, #tpu.memory_space<semaphore_mem>>, %arg10: memref<!tpu.dma_semaphore, #tpu.memory_space<semaphore_mem>>, %arg11: memref<80x128xf32, #tpu.memory_space<vmem>>, %arg12: memref<80x128xf32, #tpu.memory_space<vmem>>, %arg13: memref<80x128xf32, #tpu.memory_space<vmem>>, %arg14: memref<80x128xf32, #tpu.memory_space<vmem>>, %arg15: memref<!tpu.dma_semaphore, #tpu.memory_space<semaphore_mem>>, %arg16: memref<!tpu.dma_semaphore, #tpu.memory_space<semaphore_mem>>, %arg17: memref<!tpu.dma_semaphore, #tpu.memory_space<semaphore_mem>>, %arg18: memref<!tpu.dma_semaphore, #tpu.memory_space<semaphore_mem>>, %arg19: memref<!tpu.dma_semaphore, #tpu.memory_space<semaphore_mem>>, %arg20: memref<!tpu.dma_semaphore, #tpu.memory_space<semaphore_mem>>, %arg21: memref<!tpu.dma_semaphore, #tpu.memory_space<semaphore_mem>>, %arg22: memref<320xi32, #tpu.memory_space<vmem>>, %arg23: memref<48x128xf32, #tpu.memory_space<vmem>>) attributes {dimension_semantics = [#tpu.dimension_semantics<core_parallel>, #tpu.dimension_semantics<subcore_parallel>], iteration_bounds = array<i64: 2, 16>, scalar_prefetch = 0 : i64, scratch_operands = 19 : i64, tpu.core_type = #tpu.core_type<sc_vector_subcore>, window_params = [{transform_indices = #map}, {transform_indices = #map1}, {transform_indices = #map2}]} {
    %mul3A = arith.constant 2 : i32
    %mul3A_0 = arith.muli %arg1, %mul3A : i32
    %add3A = arith.addi %mul3A_0, %arg0 : i32
    %mul3A_1 = arith.constant 10000 : i32
    %mul3A_2 = arith.muli %add3A, %mul3A_1 : i32
    %add3A_3 = arith.constant 0 : i32
    %add3A_4 = arith.addi %mul3A_2, %add3A_3 : i32
    %multiple_of3A = tpu.assume_multiple %add3A_4, 80 : i32
    %dma_start3A = arith.constant 0 : i32
    %dma_start3A_5 = tpu.memref_slice %arg22[%dma_start3A] : memref<320xi32, #tpu.memory_space<vmem>> -> memref<80xi32, #tpu.memory_space<vmem>>
    %dma_start3A_6 = tpu.memref_slice %arg3[%multiple_of3A] : memref<640000xi32, #tpu.memory_space<hbm>> -> memref<80xi32, #tpu.memory_space<hbm>>
    %dma_start3A_7 = arith.constant 0 : i32
    %dma_start3A_8 = tpu.memref_slice %arg22[%dma_start3A_7] : memref<320xi32, #tpu.memory_space<vmem>> -> memref<80xi32, #tpu.memory_space<vmem>>
    %dma_start3A_9 = tpu.memref_slice %arg3[%multiple_of3A] : memref<640000xi32, #tpu.memory_space<hbm>> -> memref<80xi32, #tpu.memory_space<hbm>>
    tpu.enqueue_dma source(%dma_start3A_9 : memref<80xi32, #tpu.memory_space<hbm>>) target(%dma_start3A_8 : memref<80xi32, #tpu.memory_space<vmem>>) target_semaphore(%arg21 : memref<!tpu.dma_semaphore, #tpu.memory_space<semaphore_mem>>)
    %add3A_10 = arith.constant 320000 : i32
    %add3A_11 = arith.addi %multiple_of3A, %add3A_10 : i32
    %dma_start3A_12 = arith.constant 0 : i32
    %dma_start3A_13 = arith.constant 0 : i32
    %dma_start3A_14 = tpu.memref_slice %arg6[%dma_start3A_12, %dma_start3A_13] : memref<4x80xi32, #tpu.memory_space<vmem>> -> memref<1x80xi32, #tpu.memory_space<vmem>>
    %dma_start3A_15 = tpu.memref_squeeze %dma_start3A_14 : memref<1x80xi32, #tpu.memory_space<vmem>> -> memref<80xi32, #tpu.memory_space<vmem>>
    %dma_start3A_16 = tpu.memref_slice %arg3[%add3A_11] : memref<640000xi32, #tpu.memory_space<hbm>> -> memref<80xi32, #tpu.memory_space<hbm>>
    %dma_start3A_17 = arith.constant 0 : i32
    %dma_start3A_18 = tpu.memref_slice %arg6[%dma_start3A_12, %dma_start3A_17] : memref<4x80xi32, #tpu.memory_space<vmem>> -> memref<1x80xi32, #tpu.memory_space<vmem>>
    %dma_start3A_19 = tpu.memref_squeeze %dma_start3A_18 : memref<1x80xi32, #tpu.memory_space<vmem>> -> memref<80xi32, #tpu.memory_space<vmem>>
    %dma_start3A_20 = tpu.memref_slice %arg3[%add3A_11] : memref<640000xi32, #tpu.memory_space<hbm>> -> memref<80xi32, #tpu.memory_space<hbm>>
    tpu.enqueue_dma source(%dma_start3A_20 : memref<80xi32, #tpu.memory_space<hbm>>) target(%dma_start3A_19 : memref<80xi32, #tpu.memory_space<vmem>>) target_semaphore(%arg19 : memref<!tpu.dma_semaphore, #tpu.memory_space<semaphore_mem>>)
    %mul3A_21 = arith.constant 10000 : i32
    %mul3A_22 = arith.muli %add3A, %mul3A_21 : i32
    %add3A_23 = arith.constant 80 : i32
    %add3A_24 = arith.addi %mul3A_22, %add3A_23 : i32
    %multiple_of3A_25 = tpu.assume_multiple %add3A_24, 80 : i32
    %dma_start3A_26 = arith.constant 80 : i32
    %dma_start3A_27 = tpu.memref_slice %arg22[%dma_start3A_26] : memref<320xi32, #tpu.memory_space<vmem>> -> memref<80xi32, #tpu.memory_space<vmem>>
    %dma_start3A_28 = tpu.memref_slice %arg3[%multiple_of3A_25] : memref<640000xi32, #tpu.memory_space<hbm>> -> memref<80xi32, #tpu.memory_space<hbm>>
    %dma_start3A_29 = arith.constant 80 : i32
    %dma_start3A_30 = tpu.memref_slice %arg22[%dma_start3A_29] : memref<320xi32, #tpu.memory_space<vmem>> -> memref<80xi32, #tpu.memory_space<vmem>>
    %dma_start3A_31 = tpu.memref_slice %arg3[%multiple_of3A_25] : memref<640000xi32, #tpu.memory_space<hbm>> -> memref<80xi32, #tpu.memory_space<hbm>>
    tpu.enqueue_dma source(%dma_start3A_31 : memref<80xi32, #tpu.memory_space<hbm>>) target(%dma_start3A_30 : memref<80xi32, #tpu.memory_space<vmem>>) target_semaphore(%arg21 : memref<!tpu.dma_semaphore, #tpu.memory_space<semaphore_mem>>)
    %add3A_32 = arith.constant 320000 : i32
    %add3A_33 = arith.addi %multiple_of3A_25, %add3A_32 : i32
    %dma_start3A_34 = arith.constant 1 : i32
    %dma_start3A_35 = arith.constant 0 : i32
    %dma_start3A_36 = tpu.memref_slice %arg6[%dma_start3A_34, %dma_start3A_35] : memref<4x80xi32, #tpu.memory_space<vmem>> -> memref<1x80xi32, #tpu.memory_space<vmem>>
    %dma_start3A_37 = tpu.memref_squeeze %dma_start3A_36 : memref<1x80xi32, #tpu.memory_space<vmem>> -> memref<80xi32, #tpu.memory_space<vmem>>
    %dma_start3A_38 = tpu.memref_slice %arg3[%add3A_33] : memref<640000xi32, #tpu.memory_space<hbm>> -> memref<80xi32, #tpu.memory_space<hbm>>
    %dma_start3A_39 = arith.constant 0 : i32
    %dma_start3A_40 = tpu.memref_slice %arg6[%dma_start3A_34, %dma_start3A_39] : memref<4x80xi32, #tpu.memory_space<vmem>> -> memref<1x80xi32, #tpu.memory_space<vmem>>
    %dma_start3A_41 = tpu.memref_squeeze %dma_start3A_40 : memref<1x80xi32, #tpu.memory_space<vmem>> -> memref<80xi32, #tpu.memory_space<vmem>>
    %dma_start3A_42 = tpu.memref_slice %arg3[%add3A_33] : memref<640000xi32, #tpu.memory_space<hbm>> -> memref<80xi32, #tpu.memory_space<hbm>>
    tpu.enqueue_dma source(%dma_start3A_42 : memref<80xi32, #tpu.memory_space<hbm>>) target(%dma_start3A_41 : memref<80xi32, #tpu.memory_space<vmem>>) target_semaphore(%arg19 : memref<!tpu.dma_semaphore, #tpu.memory_space<semaphore_mem>>)
    %mul3A_43 = arith.constant 10000 : i32
    %mul3A_44 = arith.muli %add3A, %mul3A_43 : i32
    %add3A_45 = arith.constant 160 : i32
    %add3A_46 = arith.addi %mul3A_44, %add3A_45 : i32
    %multiple_of3A_47 = tpu.assume_multiple %add3A_46, 80 : i32
    %dma_start3A_48 = arith.constant 160 : i32
    %dma_start3A_49 = tpu.memref_slice %arg22[%dma_start3A_48] : memref<320xi32, #tpu.memory_space<vmem>> -> memref<80xi32, #tpu.memory_space<vmem>>
    %dma_start3A_50 = tpu.memref_slice %arg3[%multiple_of3A_47] : memref<640000xi32, #tpu.memory_space<hbm>> -> memref<80xi32, #tpu.memory_space<hbm>>
    %dma_start3A_51 = arith.constant 160 : i32
    %dma_start3A_52 = tpu.memref_slice %arg22[%dma_start3A_51] : memref<320xi32, #tpu.memory_space<vmem>> -> memref<80xi32, #tpu.memory_space<vmem>>
    %dma_start3A_53 = tpu.memref_slice %arg3[%multiple_of3A_47] : memref<640000xi32, #tpu.memory_space<hbm>> -> memref<80xi32, #tpu.memory_space<hbm>>
    tpu.enqueue_dma source(%dma_start3A_53 : memref<80xi32, #tpu.memory_space<hbm>>) target(%dma_start3A_52 : memref<80xi32, #tpu.memory_space<vmem>>) target_semaphore(%arg21 : memref<!tpu.dma_semaphore, #tpu.memory_space<semaphore_mem>>)
    %add3A_54 = arith.constant 320000 : i32
    %add3A_55 = arith.addi %multiple_of3A_47, %add3A_54 : i32
    %dma_start3A_56 = arith.constant 2 : i32
    %dma_start3A_57 = arith.constant 0 : i32
    %dma_start3A_58 = tpu.memref_slice %arg6[%dma_start3A_56, %dma_start3A_57] : memref<4x80xi32, #tpu.memory_space<vmem>> -> memref<1x80xi32, #tpu.memory_space<vmem>>
    %dma_start3A_59 = tpu.memref_squeeze %dma_start3A_58 : memref<1x80xi32, #tpu.memory_space<vmem>> -> memref<80xi32, #tpu.memory_space<vmem>>
    %dma_start3A_60 = tpu.memref_slice %arg3[%add3A_55] : memref<640000xi32, #tpu.memory_space<hbm>> -> memref<80xi32, #tpu.memory_space<hbm>>
    %dma_start3A_61 = arith.constant 0 : i32
    %dma_start3A_62 = tpu.memref_slice %arg6[%dma_start3A_56, %dma_start3A_61] : memref<4x80xi32, #tpu.memory_space<vmem>> -> memref<1x80xi32, #tpu.memory_space<vmem>>
    %dma_start3A_63 = tpu.memref_squeeze %dma_start3A_62 : memref<1x80xi32, #tpu.memory_space<vmem>> -> memref<80xi32, #tpu.memory_space<vmem>>
    %dma_start3A_64 = tpu.memref_slice %arg3[%add3A_55] : memref<640000xi32, #tpu.memory_space<hbm>> -> memref<80xi32, #tpu.memory_space<hbm>>
    tpu.enqueue_dma source(%dma_start3A_64 : memref<80xi32, #tpu.memory_space<hbm>>) target(%dma_start3A_63 : memref<80xi32, #tpu.memory_space<vmem>>) target_semaphore(%arg19 : memref<!tpu.dma_semaphore, #tpu.memory_space<semaphore_mem>>)
    %dma_wait3A = arith.constant 0 : i32
    %dma_wait3A_65 = tpu.memref_slice %arg22[%dma_wait3A] : memref<320xi32, #tpu.memory_space<vmem>> -> memref<80xi32, #tpu.memory_space<vmem>>
    %dma_wait3A_66 = arith.constant 0 : i32
    %dma_wait3A_67 = tpu.memref_slice %arg3[%dma_wait3A_66] : memref<640000xi32, #tpu.memory_space<hbm>> -> memref<80xi32, #tpu.memory_space<hbm>>
    %dma_wait3A_68 = arith.constant 0 : i32
    %dma_wait3A_69 = tpu.memref_slice %arg22[%dma_wait3A_68] : memref<320xi32, #tpu.memory_space<vmem>> -> memref<80xi32, #tpu.memory_space<vmem>>
    %dma_wait3A_70 = arith.constant 0 : i32
    %dma_wait3A_71 = tpu.memref_slice %arg3[%dma_wait3A_70] : memref<640000xi32, #tpu.memory_space<hbm>> -> memref<80xi32, #tpu.memory_space<hbm>>
    tpu.wait_dma2 semaphore(%arg21 : memref<!tpu.dma_semaphore, #tpu.memory_space<semaphore_mem>>) src(%dma_wait3A_71 : memref<80xi32, #tpu.memory_space<hbm>>) dst(%dma_wait3A_69 : memref<80xi32, #tpu.memory_space<vmem>>)
    %dma_start3A_72 = arith.constant 0 : i32
    %dma_start3A_73 = tpu.memref_slice %arg22[%dma_start3A_72] : memref<320xi32, #tpu.memory_space<vmem>> -> memref<80xi32, #tpu.memory_space<vmem>>
    %dma_start3A_74 = arith.constant 0 : i32
    %dma_start3A_75 = arith.constant 0 : i32
    %dma_start3A_76 = tpu.memref_slice %arg2[%dma_start3A_74, %dma_start3A_75] : memref<10000x128xf32, #tpu.memory_space<hbm>> -> memref<10000x128xf32, #tpu.memory_space<hbm>>
    tpu.enqueue_indirect_dma source(%dma_start3A_76 : memref<10000x128xf32, #tpu.memory_space<hbm>>) target(%arg11 : memref<80x128xf32, #tpu.memory_space<vmem>>) offsets(%dma_start3A_73 : memref<80xi32, #tpu.memory_space<vmem>>) semaphore(%arg7 : memref<!tpu.dma_semaphore, #tpu.memory_space<semaphore_mem>>)
    %dma_wait3A_77 = arith.constant 0 : i32
    %dma_wait3A_78 = tpu.memref_slice %arg22[%dma_wait3A_77] : memref<320xi32, #tpu.memory_space<vmem>> -> memref<80xi32, #tpu.memory_space<vmem>>
    %dma_wait3A_79 = arith.constant 0 : i32
    %dma_wait3A_80 = tpu.memref_slice %arg3[%dma_wait3A_79] : memref<640000xi32, #tpu.memory_space<hbm>> -> memref<80xi32, #tpu.memory_space<hbm>>
    %dma_wait3A_81 = arith.constant 0 : i32
    %dma_wait3A_82 = tpu.memref_slice %arg22[%dma_wait3A_81] : memref<320xi32, #tpu.memory_space<vmem>> -> memref<80xi32, #tpu.memory_space<vmem>>
    %dma_wait3A_83 = arith.constant 0 : i32
    %dma_wait3A_84 = tpu.memref_slice %arg3[%dma_wait3A_83] : memref<640000xi32, #tpu.memory_space<hbm>> -> memref<80xi32, #tpu.memory_space<hbm>>
    tpu.wait_dma2 semaphore(%arg21 : memref<!tpu.dma_semaphore, #tpu.memory_space<semaphore_mem>>) src(%dma_wait3A_84 : memref<80xi32, #tpu.memory_space<hbm>>) dst(%dma_wait3A_82 : memref<80xi32, #tpu.memory_space<vmem>>)
    %dma_start3A_85 = arith.constant 80 : i32
    %dma_start3A_86 = tpu.memref_slice %arg22[%dma_start3A_85] : memref<320xi32, #tpu.memory_space<vmem>> -> memref<80xi32, #tpu.memory_space<vmem>>
    %dma_start3A_87 = arith.constant 0 : i32
    %dma_start3A_88 = arith.constant 0 : i32
    %dma_start3A_89 = tpu.memref_slice %arg2[%dma_start3A_87, %dma_start3A_88] : memref<10000x128xf32, #tpu.memory_space<hbm>> -> memref<10000x128xf32, #tpu.memory_space<hbm>>
    tpu.enqueue_indirect_dma source(%dma_start3A_89 : memref<10000x128xf32, #tpu.memory_space<hbm>>) target(%arg12 : memref<80x128xf32, #tpu.memory_space<vmem>>) offsets(%dma_start3A_86 : memref<80xi32, #tpu.memory_space<vmem>>) semaphore(%arg8 : memref<!tpu.dma_semaphore, #tpu.memory_space<semaphore_mem>>)
    %broadcast_in_dim3A = arith.constant 0.000000e+00 : f32
    %broadcast_in_dim3A_90 = vector.broadcast %broadcast_in_dim3A : f32 to vector<16xf32>
    %swap3A = arith.constant 0 : i32
    %swap3A_91 = arith.index_cast %swap3A : i32 to index
    %swap3A_92 = arith.constant 0 : index
    %swap3A_93 = tpu.vector_load %arg23[%swap3A_91, %swap3A_92] {strides = array<i32>} : memref<48x128xf32, #tpu.memory_space<vmem>>, vector<1x16xf32>,
    %swap3A_94 = vector.shape_cast %swap3A_93 : vector<1x16xf32> to vector<16xf32>
    %swap3A_95 = vector.shape_cast %broadcast_in_dim3A_90 : vector<16xf32> to vector<1x16xf32>
    tpu.vector_store %arg23[%swap3A_91, %swap3A_92], %swap3A_95 {strides = array<i32>} : memref<48x128xf32, #tpu.memory_space<vmem>>, vector<1x16xf32>,
    %broadcast_in_dim3A_96 = arith.constant 0.000000e+00 : f32
    %broadcast_in_dim3A_97 = vector.broadcast %broadcast_in_dim3A_96 : f32 to vector<16xf32>
    %swap3A_98 = arith.constant 0 : i32
    %swap3A_99 = arith.index_cast %swap3A_98 : i32 to index
    %swap3A_100 = arith.constant 16 : index
    %swap3A_101 = tpu.vector_load %arg23[%swap3A_99, %swap3A_100] {strides = array<i32>} : memref<48x128xf32, #tpu.memory_space<vmem>>, vector<1x16xf32>,
    %swap3A_102 = vector.shape_cast %swap3A_101 : vector<1x16xf32> to vector<16xf32>
    %swap3A_103 = vector.shape_cast %broadcast_in_dim3A_97 : vector<16xf32> to vector<1x16xf32>
    tpu.vector_store %arg23[%swap3A_99, %swap3A_100], %swap3A_103 {strides = array<i32>} : memref<48x128xf32, #tpu.memory_space<vmem>>, vector<1x16xf32>,
    %broadcast_in_dim3A_104 = arith.constant 0.000000e+00 : f32
    %broadcast_in_dim3A_105 = vector.broadcast %broadcast_in_dim3A_104 : f32 to vector<16xf32>
    %swap3A_106 = arith.constant 0 : i32
    %swap3A_107 = arith.index_cast %swap3A_106 : i32 to index
    %swap3A_108 = arith.constant 32 : index
    %swap3A_109 = tpu.vector_load %arg23[%swap3A_107, %swap3A_108] {strides = array<i32>} : memref<48x128xf32, #tpu.memory_space<vmem>>, vector<1x16xf32>,
    %swap3A_110 = vector.shape_cast %swap3A_109 : vector<1x16xf32> to vector<16xf32>
    %swap3A_111 = vector.shape_cast %broadcast_in_dim3A_105 : vector<16xf32> to vector<1x16xf32>
    tpu.vector_store %arg23[%swap3A_107, %swap3A_108], %swap3A_111 {strides = array<i32>} : memref<48x128xf32, #tpu.memory_space<vmem>>, vector<1x16xf32>,
    %broadcast_in_dim3A_112 = arith.constant 0.000000e+00 : f32
    %broadcast_in_dim3A_113 = vector.broadcast %broadcast_in_dim3A_112 : f32 to vector<16xf32>
    %swap3A_114 = arith.constant 0 : i32
    %swap3A_115 = arith.index_cast %swap3A_114 : i32 to index
    %swap3A_116 = arith.constant 48 : index
    %swap3A_117 = tpu.vector_load %arg23[%swap3A_115, %swap3A_116] {strides = array<i32>} : memref<48x128xf32, #tpu.memory_space<vmem>>, vector<1x16xf32>,
    %swap3A_118 = vector.shape_cast %swap3A_117 : vector<1x16xf32> to vector<16xf32>
    %swap3A_119 = vector.shape_cast %broadcast_in_dim3A_113 : vector<16xf32> to vector<1x16xf32>
    tpu.vector_store %arg23[%swap3A_115, %swap3A_116], %swap3A_119 {strides = array<i32>} : memref<48x128xf32, #tpu.memory_space<vmem>>, vector<1x16xf32>,
    %broadcast_in_dim3A_120 = arith.constant 0.000000e+00 : f32
    %broadcast_in_dim3A_121 = vector.broadcast %broadcast_in_dim3A_120 : f32 to vector<16xf32>
    %swap3A_122 = arith.constant 0 : i32
    %swap3A_123 = arith.index_cast %swap3A_122 : i32 to index
    %swap3A_124 = arith.constant 64 : index
    %swap3A_125 = tpu.vector_load %arg23[%swap3A_123, %swap3A_124] {strides = array<i32>} : memref<48x128xf32, #tpu.memory_space<vmem>>, vector<1x16xf32>,
    %swap3A_126 = vector.shape_cast %swap3A_125 : vector<1x16xf32> to vector<16xf32>
    %swap3A_127 = vector.shape_cast %broadcast_in_dim3A_121 : vector<16xf32> to vector<1x16xf32>
    tpu.vector_store %arg23[%swap3A_123, %swap3A_124], %swap3A_127 {strides = array<i32>} : memref<48x128xf32, #tpu.memory_space<vmem>>, vector<1x16xf32>,
    %broadcast_in_dim3A_128 = arith.constant 0.000000e+00 : f32
    %broadcast_in_dim3A_129 = vector.broadcast %broadcast_in_dim3A_128 : f32 to vector<16xf32>
    %swap3A_130 = arith.constant 0 : i32
    %swap3A_131 = arith.index_cast %swap3A_130 : i32 to index
    %swap3A_132 = arith.constant 80 : index
    %swap3A_133 = tpu.vector_load %arg23[%swap3A_131, %swap3A_132] {strides = array<i32>} : memref<48x128xf32, #tpu.memory_space<vmem>>, vector<1x16xf32>,
    %swap3A_134 = vector.shape_cast %swap3A_133 : vector<1x16xf32> to vector<16xf32>
    %swap3A_135 = vector.shape_cast %broadcast_in_dim3A_129 : vector<16xf32> to vector<1x16xf32>
    tpu.vector_store %arg23[%swap3A_131, %swap3A_132], %swap3A_135 {strides = array<i32>} : memref<48x128xf32, #tpu.memory_space<vmem>>, vector<1x16xf32>,
    %broadcast_in_dim3A_136 = arith.constant 0.000000e+00 : f32
    %broadcast_in_dim3A_137 = vector.broadcast %broadcast_in_dim3A_136 : f32 to vector<16xf32>
    %swap3A_138 = arith.constant 0 : i32
    %swap3A_139 = arith.index_cast %swap3A_138 : i32 to index
    %swap3A_140 = arith.constant 96 : index
    %swap3A_141 = tpu.vector_load %arg23[%swap3A_139, %swap3A_140] {strides = array<i32>} : memref<48x128xf32, #tpu.memory_space<vmem>>, vector<1x16xf32>,
    %swap3A_142 = vector.shape_cast %swap3A_141 : vector<1x16xf32> to vector<16xf32>
    %swap3A_143 = vector.shape_cast %broadcast_in_dim3A_137 : vector<16xf32> to vector<1x16xf32>
    tpu.vector_store %arg23[%swap3A_139, %swap3A_140], %swap3A_143 {strides = array<i32>} : memref<48x128xf32, #tpu.memory_space<vmem>>, vector<1x16xf32>,
    %broadcast_in_dim3A_144 = arith.constant 0.000000e+00 : f32
    %broadcast_in_dim3A_145 = vector.broadcast %broadcast_in_dim3A_144 : f32 to vector<16xf32>
    %swap3A_146 = arith.constant 0 : i32
    %swap3A_147 = arith.index_cast %swap3A_146 : i32 to index
    %swap3A_148 = arith.constant 112 : index
    %swap3A_149 = tpu.vector_load %arg23[%swap3A_147, %swap3A_148] {strides = array<i32>} : memref<48x128xf32, #tpu.memory_space<vmem>>, vector<1x16xf32>,
    %swap3A_150 = vector.shape_cast %swap3A_149 : vector<1x16xf32> to vector<16xf32>
    %swap3A_151 = vector.shape_cast %broadcast_in_dim3A_145 : vector<16xf32> to vector<1x16xf32>
    tpu.vector_store %arg23[%swap3A_147, %swap3A_148], %swap3A_151 {strides = array<i32>} : memref<48x128xf32, #tpu.memory_space<vmem>>, vector<1x16xf32>,
    %broadcast_in_dim3A_152 = arith.constant 0.000000e+00 : f32
    %broadcast_in_dim3A_153 = vector.broadcast %broadcast_in_dim3A_152 : f32 to vector<16xf32>
    %swap3A_154 = arith.constant 1 : i32
    %swap3A_155 = arith.index_cast %swap3A_154 : i32 to index
    %swap3A_156 = arith.constant 0 : index
    %swap3A_157 = tpu.vector_load %arg23[%swap3A_155, %swap3A_156] {strides = array<i32>} : memref<48x128xf32, #tpu.memory_space<vmem>>, vector<1x16xf32>,
    %swap3A_158 = vector.shape_cast %swap3A_157 : vector<1x16xf32> to vector<16xf32>
    %swap3A_159 = vector.shape_cast %broadcast_in_dim3A_153 : vector<16xf32> to vector<1x16xf32>
    tpu.vector_store %arg23[%swap3A_155, %swap3A_156], %swap3A_159 {strides = array<i32>} : memref<48x128xf32, #tpu.memory_space<vmem>>, vector<1x16xf32>,
    %broadcast_in_dim3A_160 = arith.constant 0.000000e+00 : f32
    %broadcast_in_dim3A_161 = vector.broadcast %broadcast_in_dim3A_160 : f32 to vector<16xf32>
    %swap3A_162 = arith.constant 1 : i32
    %swap3A_163 = arith.index_cast %swap3A_162 : i32 to index
    %swap3A_164 = arith.constant 16 : index
    %swap3A_165 = tpu.vector_load %arg23[%swap3A_163, %swap3A_164] {strides = array<i32>} : memref<48x128xf32, #tpu.memory_space<vmem>>, vector<1x16xf32>,
    %swap3A_166 = vector.shape_cast %swap3A_165 : vector<1x16xf32> to vector<16xf32>
    %swap3A_167 = vector.shape_cast %broadcast_in_dim3A_161 : vector<16xf32> to vector<1x16xf32>
    tpu.vector_store %arg23[%swap3A_163, %swap3A_164], %swap3A_167 {strides = array<i32>} : memref<48x128xf32, #tpu.memory_space<vmem>>, vector<1x16xf32>,
    %broadcast_in_dim3A_168 = arith.constant 0.000000e+00 : f32
    %broadcast_in_dim3A_169 = vector.broadcast %broadcast_in_dim3A_168 : f32 to vector<16xf32>
    %swap3A_170 = arith.constant 1 : i32
    %swap3A_171 = arith.index_cast %swap3A_170 : i32 to index
    %swap3A_172 = arith.constant 32 : index
    %swap3A_173 = tpu.vector_load %arg23[%swap3A_171, %swap3A_172] {strides = array<i32>} : memref<48x128xf32, #tpu.memory_space<vmem>>, vector<1x16xf32>,
    %swap3A_174 = vector.shape_cast %swap3A_173 : vector<1x16xf32> to vector<16xf32>
    %swap3A_175 = vector.shape_cast %broadcast_in_dim3A_169 : vector<16xf32> to vector<1x16xf32>
    tpu.vector_store %arg23[%swap3A_171, %swap3A_172], %swap3A_175 {strides = array<i32>} : memref<48x128xf32, #tpu.memory_space<vmem>>, vector<1x16xf32>,
    %broadcast_in_dim3A_176 = arith.constant 0.000000e+00 : f32
    %broadcast_in_dim3A_177 = vector.broadcast %broadcast_in_dim3A_176 : f32 to vector<16xf32>
    %swap3A_178 = arith.constant 1 : i32
    %swap3A_179 = arith.index_cast %swap3A_178 : i32 to index
    %swap3A_180 = arith.constant 48 : index
    %swap3A_181 = tpu.vector_load %arg23[%swap3A_179, %swap3A_180] {strides = array<i32>} : memref<48x128xf32, #tpu.memory_space<vmem>>, vector<1x16xf32>,
    %swap3A_182 = vector.shape_cast %swap3A_181 : vector<1x16xf32> to vector<16xf32>
    %swap3A_183 = vector.shape_cast %broadcast_in_dim3A_177 : vector<16xf32> to vector<1x16xf32>
    tpu.vector_store %arg23[%swap3A_179, %swap3A_180], %swap3A_183 {strides = array<i32>} : memref<48x128xf32, #tpu.memory_space<vmem>>, vector<1x16xf32>,
    %broadcast_in_dim3A_184 = arith.constant 0.000000e+00 : f32
    %broadcast_in_dim3A_185 = vector.broadcast %broadcast_in_dim3A_184 : f32 to vector<16xf32>
    %swap3A_186 = arith.constant 1 : i32
    %swap3A_187 = arith.index_cast %swap3A_186 : i32 to index
    %swap3A_188 = arith.constant 64 : index
    %swap3A_189 = tpu.vector_load %arg23[%swap3A_187, %swap3A_188] {strides = array<i32>} : memref<48x128xf32, #tpu.memory_space<vmem>>, vector<1x16xf32>,
    %swap3A_190 = vector.shape_cast %swap3A_189 : vector<1x16xf32> to vector<16xf32>
    %swap3A_191 = vector.shape_cast %broadcast_in_dim3A_185 : vector<16xf32> to vector<1x16xf32>
    tpu.vector_store %arg23[%swap3A_187, %swap3A_188], %swap3A_191 {strides = array<i32>} : memref<48x128xf32, #tpu.memory_space<vmem>>, vector<1x16xf32>,
    %broadcast_in_dim3A_192 = arith.constant 0.000000e+00 : f32
    %broadcast_in_dim3A_193 = vector.broadcast %broadcast_in_dim3A_192 : f32 to vector<16xf32>
    %swap3A_194 = arith.constant 1 : i32
    %swap3A_195 = arith.index_cast %swap3A_194 : i32 to index
    %swap3A_196 = arith.constant 80 : index
    %swap3A_197 = tpu.vector_load %arg23[%swap3A_195, %swap3A_196] {strides = array<i32>} : memref<48x128xf32, #tpu.memory_space<vmem>>, vector<1x16xf32>,
    %swap3A_198 = vector.shape_cast %swap3A_197 : vector<1x16xf32> to vector<16xf32>
    %swap3A_199 = vector.shape_cast %broadcast_in_dim3A_193 : vector<16xf32> to vector<1x16xf32>
    tpu.vector_store %arg23[%swap3A_195, %swap3A_196], %swap3A_199 {strides = array<i32>} : memref<48x128xf32, #tpu.memory_space<vmem>>, vector<1x16xf32>,
    %broadcast_in_dim3A_200 = arith.constant 0.000000e+00 : f32
    %broadcast_in_dim3A_201 = vector.broadcast %broadcast_in_dim3A_200 : f32 to vector<16xf32>
    %swap3A_202 = arith.constant 1 : i32
    %swap3A_203 = arith.index_cast %swap3A_202 : i32 to index
    %swap3A_204 = arith.constant 96 : index
    %swap3A_205 = tpu.vector_load %arg23[%swap3A_203, %swap3A_204] {strides = array<i32>} : memref<48x128xf32, #tpu.memory_space<vmem>>, vector<1x16xf32>,
    %swap3A_206 = vector.shape_cast %swap3A_205 : vector<1x16xf32> to vector<16xf32>
    %swap3A_207 = vector.shape_cast %broadcast_in_dim3A_201 : vector<16xf32> to vector<1x16xf32>
    tpu.vector_store %arg23[%swap3A_203, %swap3A_204], %swap3A_207 {strides = array<i32>} : memref<48x128xf32, #tpu.memory_space<vmem>>, vector<1x16xf32>,
    %broadcast_in_dim3A_208 = arith.constant 0.000000e+00 : f32
    %broadcast_in_dim3A_209 = vector.broadcast %broadcast_in_dim3A_208 : f32 to vector<16xf32>
    %swap3A_210 = arith.constant 1 : i32
    %swap3A_211 = arith.index_cast %swap3A_210 : i32 to index
    %swap3A_212 = arith.constant 112 : index
    %swap3A_213 = tpu.vector_load %arg23[%swap3A_211, %swap3A_212] {strides = array<i32>} : memref<48x128xf32, #tpu.memory_space<vmem>>, vector<1x16xf32>,
    %swap3A_214 = vector.shape_cast %swap3A_213 : vector<1x16xf32> to vector<16xf32>
    %swap3A_215 = vector.shape_cast %broadcast_in_dim3A_209 : vector<16xf32> to vector<1x16xf32>
    tpu.vector_store %arg23[%swap3A_211, %swap3A_212], %swap3A_215 {strides = array<i32>} : memref<48x128xf32, #tpu.memory_space<vmem>>, vector<1x16xf32>,
    %broadcast_in_dim3A_216 = arith.constant 0.000000e+00 : f32
    %broadcast_in_dim3A_217 = vector.broadcast %broadcast_in_dim3A_216 : f32 to vector<16xf32>
    %swap3A_218 = arith.constant 2 : i32
    %swap3A_219 = arith.index_cast %swap3A_218 : i32 to index
    %swap3A_220 = arith.constant 0 : index
    %swap3A_221 = tpu.vector_load %arg23[%swap3A_219, %swap3A_220] {strides = array<i32>} : memref<48x128xf32, #tpu.memory_space<vmem>>, vector<1x16xf32>,
    %swap3A_222 = vector.shape_cast %swap3A_221 : vector<1x16xf32> to vector<16xf32>
    %swap3A_223 = vector.shape_cast %broadcast_in_dim3A_217 : vector<16xf32> to vector<1x16xf32>
    tpu.vector_store %arg23[%swap3A_219, %swap3A_220], %swap3A_223 {strides = array<i32>} : memref<48x128xf32, #tpu.memory_space<vmem>>, vector<1x16xf32>,
    %broadcast_in_dim3A_224 = arith.constant 0.000000e+00 : f32
    %broadcast_in_dim3A_225 = vector.broadcast %broadcast_in_dim3A_224 : f32 to vector<16xf32>
    %swap3A_226 = arith.constant 2 : i32
    %swap3A_227 = arith.index_cast %swap3A_226 : i32 to index
    %swap3A_228 = arith.constant 16 : index
    %swap3A_229 = tpu.vector_load %arg23[%swap3A_227, %swap3A_228] {strides = array<i32>} : memref<48x128xf32, #tpu.memory_space<vmem>>, vector<1x16xf32>,
    %swap3A_230 = vector.shape_cast %swap3A_229 : vector<1x16xf32> to vector<16xf32>
    %swap3A_231 = vector.shape_cast %broadcast_in_dim3A_225 : vector<16xf32> to vector<1x16xf32>
    tpu.vector_store %arg23[%swap3A_227, %swap3A_228], %swap3A_231 {strides = array<i32>} : memref<48x128xf32, #tpu.memory_space<vmem>>, vector<1x16xf32>,
    %broadcast_in_dim3A_232 = arith.constant 0.000000e+00 : f32
    %broadcast_in_dim3A_233 = vector.broadcast %broadcast_in_dim3A_232 : f32 to vector<16xf32>
    %swap3A_234 = arith.constant 2 : i32
    %swap3A_235 = arith.index_cast %swap3A_234 : i32 to index
    %swap3A_236 = arith.constant 32 : index
    %swap3A_237 = tpu.vector_load %arg23[%swap3A_235, %swap3A_236] {strides = array<i32>} : memref<48x128xf32, #tpu.memory_space<vmem>>, vector<1x16xf32>,
    %swap3A_238 = vector.shape_cast %swap3A_237 : vector<1x16xf32> to vector<16xf32>
    %swap3A_239 = vector.shape_cast %broadcast_in_dim3A_233 : vector<16xf32> to vector<1x16xf32>
    tpu.vector_store %arg23[%swap3A_235, %swap3A_236], %swap3A_239 {strides = array<i32>} : memref<48x128xf32, #tpu.memory_space<vmem>>, vector<1x16xf32>,
    %broadcast_in_dim3A_240 = arith.constant 0.000000e+00 : f32
    %broadcast_in_dim3A_241 = vector.broadcast %broadcast_in_dim3A_240 : f32 to vector<16xf32>
    %swap3A_242 = arith.constant 2 : i32
    %swap3A_243 = arith.index_cast %swap3A_242 : i32 to index
    %swap3A_244 = arith.constant 48 : index
    %swap3A_245 = tpu.vector_load %arg23[%swap3A_243, %swap3A_244] {strides = array<i32>} : memref<48x128xf32, #tpu.memory_space<vmem>>, vector<1x16xf32>,
    %swap3A_246 = vector.shape_cast %swap3A_245 : vector<1x16xf32> to vector<16xf32>
    %swap3A_247 = vector.shape_cast %broadcast_in_dim3A_241 : vector<16xf32> to vector<1x16xf32>
    tpu.vector_store %arg23[%swap3A_243, %swap3A_244], %swap3A_247 {strides = array<i32>} : memref<48x128xf32, #tpu.memory_space<vmem>>, vector<1x16xf32>,
    %broadcast_in_dim3A_248 = arith.constant 0.000000e+00 : f32
    %broadcast_in_dim3A_249 = vector.broadcast %broadcast_in_dim3A_248 : f32 to vector<16xf32>
    %swap3A_250 = arith.constant 2 : i32
    %swap3A_251 = arith.index_cast %swap3A_250 : i32 to index
    %swap3A_252 = arith.constant 64 : index
    %swap3A_253 = tpu.vector_load %arg23[%swap3A_251, %swap3A_252] {strides = array<i32>} : memref<48x128xf32, #tpu.memory_space<vmem>>, vector<1x16xf32>,
    %swap3A_254 = vector.shape_cast %swap3A_253 : vector<1x16xf32> to vector<16xf32>
    %swap3A_255 = vector.shape_cast %broadcast_in_dim3A_249 : vector<16xf32> to vector<1x16xf32>
    tpu.vector_store %arg23[%swap3A_251, %swap3A_252], %swap3A_255 {strides = array<i32>} : memref<48x128xf32, #tpu.memory_space<vmem>>, vector<1x16xf32>,
    %broadcast_in_dim3A_256 = arith.constant 0.000000e+00 : f32
    %broadcast_in_dim3A_257 = vector.broadcast %broadcast_in_dim3A_256 : f32 to vector<16xf32>
    %swap3A_258 = arith.constant 2 : i32
    %swap3A_259 = arith.index_cast %swap3A_258 : i32 to index
    %swap3A_260 = arith.constant 80 : index
    %swap3A_261 = tpu.vector_load %arg23[%swap3A_259, %swap3A_260] {strides = array<i32>} : memref<48x128xf32, #tpu.memory_space<vmem>>, vector<1x16xf32>,
    %swap3A_262 = vector.shape_cast %swap3A_261 : vector<1x16xf32> to vector<16xf32>
    %swap3A_263 = vector.shape_cast %broadcast_in_dim3A_257 : vector<16xf32> to vector<1x16xf32>
    tpu.vector_store %arg23[%swap3A_259, %swap3A_260], %swap3A_263 {strides = array<i32>} : memref<48x128xf32, #tpu.memory_space<vmem>>, vector<1x16xf32>,
    %broadcast_in_dim3A_264 = arith.constant 0.000000e+00 : f32
    %broadcast_in_dim3A_265 = vector.broadcast %broadcast_in_dim3A_264 : f32 to vector<16xf32>
    %swap3A_266 = arith.constant 2 : i32
    %swap3A_267 = arith.index_cast %swap3A_266 : i32 to index
    %swap3A_268 = arith.constant 96 : index
    %swap3A_269 = tpu.vector_load %arg23[%swap3A_267, %swap3A_268] {strides = array<i32>} : memref<48x128xf32, #tpu.memory_space<vmem>>, vector<1x16xf32>,
    %swap3A_270 = vector.shape_cast %swap3A_269 : vector<1x16xf32> to vector<16xf32>
    %swap3A_271 = vector.shape_cast %broadcast_in_dim3A_265 : vector<16xf32> to vector<1x16xf32>
    tpu.vector_store %arg23[%swap3A_267, %swap3A_268], %swap3A_271 {strides = array<i32>} : memref<48x128xf32, #tpu.memory_space<vmem>>, vector<1x16xf32>,
    %broadcast_in_dim3A_272 = arith.constant 0.000000e+00 : f32
    %broadcast_in_dim3A_273 = vector.broadcast %broadcast_in_dim3A_272 : f32 to vector<16xf32>
    %swap3A_274 = arith.constant 2 : i32
    %swap3A_275 = arith.index_cast %swap3A_274 : i32 to index
    %swap3A_276 = arith.constant 112 : index
    %swap3A_277 = tpu.vector_load %arg23[%swap3A_275, %swap3A_276] {strides = array<i32>} : memref<48x128xf32, #tpu.memory_space<vmem>>, vector<1x16xf32>,
    %swap3A_278 = vector.shape_cast %swap3A_277 : vector<1x16xf32> to vector<16xf32>
    %swap3A_279 = vector.shape_cast %broadcast_in_dim3A_273 : vector<16xf32> to vector<1x16xf32>
    tpu.vector_store %arg23[%swap3A_275, %swap3A_276], %swap3A_279 {strides = array<i32>} : memref<48x128xf32, #tpu.memory_space<vmem>>, vector<1x16xf32>,
    %broadcast_in_dim3A_280 = arith.constant 0.000000e+00 : f32
    %broadcast_in_dim3A_281 = vector.broadcast %broadcast_in_dim3A_280 : f32 to vector<16xf32>
    %swap3A_282 = arith.constant 3 : i32
    %swap3A_283 = arith.index_cast %swap3A_282 : i32 to index
    %swap3A_284 = arith.constant 0 : index
    %swap3A_285 = tpu.vector_load %arg23[%swap3A_283, %swap3A_284] {strides = array<i32>} : memref<48x128xf32, #tpu.memory_space<vmem>>, vector<1x16xf32>,
    %swap3A_286 = vector.shape_cast %swap3A_285 : vector<1x16xf32> to vector<16xf32>
    %swap3A_287 = vector.shape_cast %broadcast_in_dim3A_281 : vector<16xf32> to vector<1x16xf32>
    tpu.vector_store %arg23[%swap3A_283, %swap3A_284], %swap3A_287 {strides = array<i32>} : memref<48x128xf32, #tpu.memory_space<vmem>>, vector<1x16xf32>,
    %broadcast_in_dim3A_288 = arith.constant 0.000000e+00 : f32
    %broadcast_in_dim3A_289 = vector.broadcast %broadcast_in_dim3A_288 : f32 to vector<16xf32>
    %swap3A_290 = arith.constant 3 : i32
    %swap3A_291 = arith.index_cast %swap3A_290 : i32 to index
    %swap3A_292 = arith.constant 16 : index
    %swap3A_293 = tpu.vector_load %arg23[%swap3A_291, %swap3A_292] {strides = array<i32>} : memref<48x128xf32, #tpu.memory_space<vmem>>, vector<1x16xf32>,
    %swap3A_294 = vector.shape_cast %swap3A_293 : vector<1x16xf32> to vector<16xf32>
    %swap3A_295 = vector.shape_cast %broadcast_in_dim3A_289 : vector<16xf32> to vector<1x16xf32>
    tpu.vector_store %arg23[%swap3A_291, %swap3A_292], %swap3A_295 {strides = array<i32>} : memref<48x128xf32, #tpu.memory_space<vmem>>, vector<1x16xf32>,
    %broadcast_in_dim3A_296 = arith.constant 0.000000e+00 : f32
    %broadcast_in_dim3A_297 = vector.broadcast %broadcast_in_dim3A_296 : f32 to vector<16xf32>
    %swap3A_298 = arith.constant 3 : i32
    %swap3A_299 = arith.index_cast %swap3A_298 : i32 to index
    %swap3A_300 = arith.constant 32 : index
    %swap3A_301 = tpu.vector_load %arg23[%swap3A_299, %swap3A_300] {strides = array<i32>} : memref<48x128xf32, #tpu.memory_space<vmem>>, vector<1x16xf32>,
    %swap3A_302 = vector.shape_cast %swap3A_301 : vector<1x16xf32> to vector<16xf32>
    %swap3A_303 = vector.shape_cast %broadcast_in_dim3A_297 : vector<16xf32> to vector<1x16xf32>
    tpu.vector_store %arg23[%swap3A_299, %swap3A_300], %swap3A_303 {strides = array<i32>} : memref<48x128xf32, #tpu.memory_space<vmem>>, vector<1x16xf32>,
    %broadcast_in_dim3A_304 = arith.constant 0.000000e+00 : f32
    %broadcast_in_dim3A_305 = vector.broadcast %broadcast_in_dim3A_304 : f32 to vector<16xf32>
    %swap3A_306 = arith.constant 3 : i32
    %swap3A_307 = arith.index_cast %swap3A_306 : i32 to index
    %swap3A_308 = arith.constant 48 : index
    %swap3A_309 = tpu.vector_load %arg23[%swap3A_307, %swap3A_308] {strides = array<i32>} : memref<48x128xf32, #tpu.memory_space<vmem>>, vector<1x16xf32>,
    %swap3A_310 = vector.shape_cast %swap3A_309 : vector<1x16xf32> to vector<16xf32>
    %swap3A_311 = vector.shape_cast %broadcast_in_dim3A_305 : vector<16xf32> to vector<1x16xf32>
    tpu.vector_store %arg23[%swap3A_307, %swap3A_308], %swap3A_311 {strides = array<i32>} : memref<48x128xf32, #tpu.memory_space<vmem>>, vector<1x16xf32>,
    %broadcast_in_dim3A_312 = arith.constant 0.000000e+00 : f32
    %broadcast_in_dim3A_313 = vector.broadcast %broadcast_in_dim3A_312 : f32 to vector<16xf32>
    %swap3A_314 = arith.constant 3 : i32
    %swap3A_315 = arith.index_cast %swap3A_314 : i32 to index
    %swap3A_316 = arith.constant 64 : index
    %swap3A_317 = tpu.vector_load %arg23[%swap3A_315, %swap3A_316] {strides = array<i32>} : memref<48x128xf32, #tpu.memory_space<vmem>>, vector<1x16xf32>,
    %swap3A_318 = vector.shape_cast %swap3A_317 : vector<1x16xf32> to vector<16xf32>
    %swap3A_319 = vector.shape_cast %broadcast_in_dim3A_313 : vector<16xf32> to vector<1x16xf32>
    tpu.vector_store %arg23[%swap3A_315, %swap3A_316], %swap3A_319 {strides = array<i32>} : memref<48x128xf32, #tpu.memory_space<vmem>>, vector<1x16xf32>,
    %broadcast_in_dim3A_320 = arith.constant 0.000000e+00 : f32
    %broadcast_in_dim3A_321 = vector.broadcast %broadcast_in_dim3A_320 : f32 to vector<16xf32>
    %swap3A_322 = arith.constant 3 : i32
    %swap3A_323 = arith.index_cast %swap3A_322 : i32 to index
    %swap3A_324 = arith.constant 80 : index
    %swap3A_325 = tpu.vector_load %arg23[%swap3A_323, %swap3A_324] {strides = array<i32>} : memref<48x128xf32, #tpu.memory_space<vmem>>, vector<1x16xf32>,
    %swap3A_326 = vector.shape_cast %swap3A_325 : vector<1x16xf32> to vector<16xf32>
    %swap3A_327 = vector.shape_cast %broadcast_in_dim3A_321 : vector<16xf32> to vector<1x16xf32>
    tpu.vector_store %arg23[%swap3A_323, %swap3A_324], %swap3A_327 {strides = array<i32>} : memref<48x128xf32, #tpu.memory_space<vmem>>, vector<1x16xf32>,
    %broadcast_in_dim3A_328 = arith.constant 0.000000e+00 : f32
    %broadcast_in_dim3A_329 = vector.broadcast %broadcast_in_dim3A_328 : f32 to vector<16xf32>
    %swap3A_330 = arith.constant 3 : i32
    %swap3A_331 = arith.index_cast %swap3A_330 : i32 to index
    %swap3A_332 = arith.constant 96 : index
    %swap3A_333 = tpu.vector_load %arg23[%swap3A_331, %swap3A_332] {strides = array<i32>} : memref<48x128xf32, #tpu.memory_space<vmem>>, vector<1x16xf32>,
    %swap3A_334 = vector.shape_cast %swap3A_333 : vector<1x16xf32> to vector<16xf32>
    %swap3A_335 = vector.shape_cast %broadcast_in_dim3A_329 : vector<16xf32> to vector<1x16xf32>
    tpu.vector_store %arg23[%swap3A_331, %swap3A_332], %swap3A_335 {strides = array<i32>} : memref<48x128xf32, #tpu.memory_space<vmem>>, vector<1x16xf32>,
    %broadcast_in_dim3A_336 = arith.constant 0.000000e+00 : f32
    %broadcast_in_dim3A_337 = vector.broadcast %broadcast_in_dim3A_336 : f32 to vector<16xf32>
    %swap3A_338 = arith.constant 3 : i32
    %swap3A_339 = arith.index_cast %swap3A_338 : i32 to index
    %swap3A_340 = arith.constant 112 : index
    %swap3A_341 = tpu.vector_load %arg23[%swap3A_339, %swap3A_340] {strides = array<i32>} : memref<48x128xf32, #tpu.memory_space<vmem>>, vector<1x16xf32>,
    %swap3A_342 = vector.shape_cast %swap3A_341 : vector<1x16xf32> to vector<16xf32>
    %swap3A_343 = vector.shape_cast %broadcast_in_dim3A_337 : vector<16xf32> to vector<1x16xf32>
    tpu.vector_store %arg23[%swap3A_339, %swap3A_340], %swap3A_343 {strides = array<i32>} : memref<48x128xf32, #tpu.memory_space<vmem>>, vector<1x16xf32>,
    %broadcast_in_dim3A_344 = arith.constant 0.000000e+00 : f32
    %broadcast_in_dim3A_345 = vector.broadcast %broadcast_in_dim3A_344 : f32 to vector<16xf32>
    %swap3A_346 = arith.constant 4 : i32
    %swap3A_347 = arith.index_cast %swap3A_346 : i32 to index
    %swap3A_348 = arith.constant 0 : index
    %swap3A_349 = tpu.vector_load %arg23[%swap3A_347, %swap3A_348] {strides = array<i32>} : memref<48x128xf32, #tpu.memory_space<vmem>>, vector<1x16xf32>,
    %swap3A_350 = vector.shape_cast %swap3A_349 : vector<1x16xf32> to vector<16xf32>
    %swap3A_351 = vector.shape_cast %broadcast_in_dim3A_345 : vector<16xf32> to vector<1x16xf32>
    tpu.vector_store %arg23[%swap3A_347, %swap3A_348], %swap3A_351 {strides = array<i32>} : memref<48x128xf32, #tpu.memory_space<vmem>>, vector<1x16xf32>,
    %broadcast_in_dim3A_352 = arith.constant 0.000000e+00 : f32
    %broadcast_in_dim3A_353 = vector.broadcast %broadcast_in_dim3A_352 : f32 to vector<16xf32>
    %swap3A_354 = arith.constant 4 : i32
    %swap3A_355 = arith.index_cast %swap3A_354 : i32 to index
    %swap3A_356 = arith.constant 16 : index
    %swap3A_357 = tpu.vector_load %arg23[%swap3A_355, %swap3A_356] {strides = array<i32>} : memref<48x128xf32, #tpu.memory_space<vmem>>, vector<1x16xf32>,
    %swap3A_358 = vector.shape_cast %swap3A_357 : vector<1x16xf32> to vector<16xf32>
    %swap3A_359 = vector.shape_cast %broadcast_in_dim3A_353 : vector<16xf32> to vector<1x16xf32>
    tpu.vector_store %arg23[%swap3A_355, %swap3A_356], %swap3A_359 {strides = array<i32>} : memref<48x128xf32, #tpu.memory_space<vmem>>, vector<1x16xf32>,
    %broadcast_in_dim3A_360 = arith.constant 0.000000e+00 : f32
    %broadcast_in_dim3A_361 = vector.broadcast %broadcast_in_dim3A_360 : f32 to vector<16xf32>
    %swap3A_362 = arith.constant 4 : i32
    %swap3A_363 = arith.index_cast %swap3A_362 : i32 to index
    %swap3A_364 = arith.constant 32 : index
    %swap3A_365 = tpu.vector_load %arg23[%swap3A_363, %swap3A_364] {strides = array<i32>} : memref<48x128xf32, #tpu.memory_space<vmem>>, vector<1x16xf32>,
    %swap3A_366 = vector.shape_cast %swap3A_365 : vector<1x16xf32> to vector<16xf32>
    %swap3A_367 = vector.shape_cast %broadcast_in_dim3A_361 : vector<16xf32> to vector<1x16xf32>
    tpu.vector_store %arg23[%swap3A_363, %swap3A_364], %swap3A_367 {strides = array<i32>} : memref<48x128xf32, #tpu.memory_space<vmem>>, vector<1x16xf32>,
    %broadcast_in_dim3A_368 = arith.constant 0.000000e+00 : f32
    %broadcast_in_dim3A_369 = vector.broadcast %broadcast_in_dim3A_368 : f32 to vector<16xf32>
    %swap3A_370 = arith.constant 4 : i32
    %swap3A_371 = arith.index_cast %swap3A_370 : i32 to index
    %swap3A_372 = arith.constant 48 : index
    %swap3A_373 = tpu.vector_load %arg23[%swap3A_371, %swap3A_372] {strides = array<i32>} : memref<48x128xf32, #tpu.memory_space<vmem>>, vector<1x16xf32>,
    %swap3A_374 = vector.shape_cast %swap3A_373 : vector<1x16xf32> to vector<16xf32>
    %swap3A_375 = vector.shape_cast %broadcast_in_dim3A_369 : vector<16xf32> to vector<1x16xf32>
    tpu.vector_store %arg23[%swap3A_371, %swap3A_372], %swap3A_375 {strides = array<i32>} : memref<48x128xf32, #tpu.memory_space<vmem>>, vector<1x16xf32>,
    %broadcast_in_dim3A_376 = arith.constant 0.000000e+00 : f32
    %broadcast_in_dim3A_377 = vector.broadcast %broadcast_in_dim3A_376 : f32 to vector<16xf32>
    %swap3A_378 = arith.constant 4 : i32
    %swap3A_379 = arith.index_cast %swap3A_378 : i32 to index
    %swap3A_380 = arith.constant 64 : index
    %swap3A_381 = tpu.vector_load %arg23[%swap3A_379, %swap3A_380] {strides = array<i32>} : memref<48x128xf32, #tpu.memory_space<vmem>>, vector<1x16xf32>,
    %swap3A_382 = vector.shape_cast %swap3A_381 : vector<1x16xf32> to vector<16xf32>
    %swap3A_383 = vector.shape_cast %broadcast_in_dim3A_377 : vector<16xf32> to vector<1x16xf32>
    tpu.vector_store %arg23[%swap3A_379, %swap3A_380], %swap3A_383 {strides = array<i32>} : memref<48x128xf32, #tpu.memory_space<vmem>>, vector<1x16xf32>,
    %broadcast_in_dim3A_384 = arith.constant 0.000000e+00 : f32
    %broadcast_in_dim3A_385 = vector.broadcast %broadcast_in_dim3A_384 : f32 to vector<16xf32>
    %swap3A_386 = arith.constant 4 : i32
    %swap3A_387 = arith.index_cast %swap3A_386 : i32 to index
    %swap3A_388 = arith.constant 80 : index
    %swap3A_389 = tpu.vector_load %arg23[%swap3A_387, %swap3A_388] {strides = array<i32>} : memref<48x128xf32, #tpu.memory_space<vmem>>, vector<1x16xf32>,
    %swap3A_390 = vector.shape_cast %swap3A_389 : vector<1x16xf32> to vector<16xf32>
    %swap3A_391 = vector.shape_cast %broadcast_in_dim3A_385 : vector<16xf32> to vector<1x16xf32>
    tpu.vector_store %arg23[%swap3A_387, %swap3A_388], %swap3A_391 {strides = array<i32>} : memref<48x128xf32, #tpu.memory_space<vmem>>, vector<1x16xf32>,
    %broadcast_in_dim3A_392 = arith.constant 0.000000e+00 : f32
    %broadcast_in_dim3A_393 = vector.broadcast %broadcast_in_dim3A_392 : f32 to vector<16xf32>
    %swap3A_394 = arith.constant 4 : i32
    %swap3A_395 = arith.index_cast %swap3A_394 : i32 to index
    %swap3A_396 = arith.constant 96 : index
    %swap3A_397 = tpu.vector_load %arg23[%swap3A_395, %swap3A_396] {strides = array<i32>} : memref<48x128xf32, #tpu.memory_space<vmem>>, vector<1x16xf32>,
    %swap3A_398 = vector.shape_cast %swap3A_397 : vector<1x16xf32> to vector<16xf32>
    %swap3A_399 = vector.shape_cast %broadcast_in_dim3A_393 : vector<16xf32> to vector<1x16xf32>
    tpu.vector_store %arg23[%swap3A_395, %swap3A_396], %swap3A_399 {strides = array<i32>} : memref<48x128xf32, #tpu.memory_space<vmem>>, vector<1x16xf32>,
    %broadcast_in_dim3A_400 = arith.constant 0.000000e+00 : f32
    %broadcast_in_dim3A_401 = vector.broadcast %broadcast_in_dim3A_400 : f32 to vector<16xf32>
    %swap3A_402 = arith.constant 4 : i32
    %swap3A_403 = arith.index_cast %swap3A_402 : i32 to index
    %swap3A_404 = arith.constant 112 : index
    %swap3A_405 = tpu.vector_load %arg23[%swap3A_403, %swap3A_404] {strides = array<i32>} : memref<48x128xf32, #tpu.memory_space<vmem>>, vector<1x16xf32>,
    %swap3A_406 = vector.shape_cast %swap3A_405 : vector<1x16xf32> to vector<16xf32>
    %swap3A_407 = vector.shape_cast %broadcast_in_dim3A_401 : vector<16xf32> to vector<1x16xf32>
    tpu.vector_store %arg23[%swap3A_403, %swap3A_404], %swap3A_407 {strides = array<i32>} : memref<48x128xf32, #tpu.memory_space<vmem>>, vector<1x16xf32>,
    %broadcast_in_dim3A_408 = arith.constant 0.000000e+00 : f32
    %broadcast_in_dim3A_409 = vector.broadcast %broadcast_in_dim3A_408 : f32 to vector<16xf32>
    %swap3A_410 = arith.constant 5 : i32
    %swap3A_411 = arith.index_cast %swap3A_410 : i32 to index
    %swap3A_412 = arith.constant 0 : index
    %swap3A_413 = tpu.vector_load %arg23[%swap3A_411, %swap3A_412] {strides = array<i32>} : memref<48x128xf32, #tpu.memory_space<vmem>>, vector<1x16xf32>,
    %swap3A_414 = vector.shape_cast %swap3A_413 : vector<1x16xf32> to vector<16xf32>
    %swap3A_415 = vector.shape_cast %broadcast_in_dim3A_409 : vector<16xf32> to vector<1x16xf32>
    tpu.vector_store %arg23[%swap3A_411, %swap3A_412], %swap3A_415 {strides = array<i32>} : memref<48x128xf32, #tpu.memory_space<vmem>>, vector<1x16xf32>,
    %broadcast_in_dim3A_416 = arith.constant 0.000000e+00 : f32
    %broadcast_in_dim3A_417 = vector.broadcast %broadcast_in_dim3A_416 : f32 to vector<16xf32>
    %swap3A_418 = arith.constant 5 : i32
    %swap3A_419 = arith.index_cast %swap3A_418 : i32 to index
    %swap3A_420 = arith.constant 16 : index
    %swap3A_421 = tpu.vector_load %arg23[%swap3A_419, %swap3A_420] {strides = array<i32>} : memref<48x128xf32, #tpu.memory_space<vmem>>, vector<1x16xf32>,
    %swap3A_422 = vector.shape_cast %swap3A_421 : vector<1x16xf32> to vector<16xf32>
    %swap3A_423 = vector.shape_cast %broadcast_in_dim3A_417 : vector<16xf32> to vector<1x16xf32>
    tpu.vector_store %arg23[%swap3A_419, %swap3A_420], %swap3A_423 {strides = array<i32>} : memref<48x128xf32, #tpu.memory_space<vmem>>, vector<1x16xf32>,
    %broadcast_in_dim3A_424 = arith.constant 0.000000e+00 : f32
    %broadcast_in_dim3A_425 = vector.broadcast %broadcast_in_dim3A_424 : f32 to vector<16xf32>
    %swap3A_426 = arith.constant 5 : i32
    %swap3A_427 = arith.index_cast %swap3A_426 : i32 to index
    %swap3A_428 = arith.constant 32 : index
    %swap3A_429 = tpu.vector_load %arg23[%swap3A_427, %swap3A_428] {strides = array<i32>} : memref<48x128xf32, #tpu.memory_space<vmem>>, vector<1x16xf32>,
    %swap3A_430 = vector.shape_cast %swap3A_429 : vector<1x16xf32> to vector<16xf32>
    %swap3A_431 = vector.shape_cast %broadcast_in_dim3A_425 : vector<16xf32> to vector<1x16xf32>
    tpu.vector_store %arg23[%swap3A_427, %swap3A_428], %swap3A_431 {strides = array<i32>} : memref<48x128xf32, #tpu.memory_space<vmem>>, vector<1x16xf32>,
    %broadcast_in_dim3A_432 = arith.constant 0.000000e+00 : f32
    %broadcast_in_dim3A_433 = vector.broadcast %broadcast_in_dim3A_432 : f32 to vector<16xf32>
    %swap3A_434 = arith.constant 5 : i32
    %swap3A_435 = arith.index_cast %swap3A_434 : i32 to index
    %swap3A_436 = arith.constant 48 : index
    %swap3A_437 = tpu.vector_load %arg23[%swap3A_435, %swap3A_436] {strides = array<i32>} : memref<48x128xf32, #tpu.memory_space<vmem>>, vector<1x16xf32>,
    %swap3A_438 = vector.shape_cast %swap3A_437 : vector<1x16xf32> to vector<16xf32>
    %swap3A_439 = vector.shape_cast %broadcast_in_dim3A_433 : vector<16xf32> to vector<1x16xf32>
    tpu.vector_store %arg23[%swap3A_435, %swap3A_436], %swap3A_439 {strides = array<i32>} : memref<48x128xf32, #tpu.memory_space<vmem>>, vector<1x16xf32>,
    %broadcast_in_dim3A_440 = arith.constant 0.000000e+00 : f32
    %broadcast_in_dim3A_441 = vector.broadcast %broadcast_in_dim3A_440 : f32 to vector<16xf32>
    %swap3A_442 = arith.constant 5 : i32
    %swap3A_443 = arith.index_cast %swap3A_442 : i32 to index
    %swap3A_444 = arith.constant 64 : index
    %swap3A_445 = tpu.vector_load %arg23[%swap3A_443, %swap3A_444] {strides = array<i32>} : memref<48x128xf32, #tpu.memory_space<vmem>>, vector<1x16xf32>,
    %swap3A_446 = vector.shape_cast %swap3A_445 : vector<1x16xf32> to vector<16xf32>
    %swap3A_447 = vector.shape_cast %broadcast_in_dim3A_441 : vector<16xf32> to vector<1x16xf32>
    tpu.vector_store %arg23[%swap3A_443, %swap3A_444], %swap3A_447 {strides = array<i32>} : memref<48x128xf32, #tpu.memory_space<vmem>>, vector<1x16xf32>,
    %broadcast_in_dim3A_448 = arith.constant 0.000000e+00 : f32
    %broadcast_in_dim3A_449 = vector.broadcast %broadcast_in_dim3A_448 : f32 to vector<16xf32>
    %swap3A_450 = arith.constant 5 : i32
    %swap3A_451 = arith.index_cast %swap3A_450 : i32 to index
    %swap3A_452 = arith.constant 80 : index
    %swap3A_453 = tpu.vector_load %arg23[%swap3A_451, %swap3A_452] {strides = array<i32>} : memref<48x128xf32, #tpu.memory_space<vmem>>, vector<1x16xf32>,
    %swap3A_454 = vector.shape_cast %swap3A_453 : vector<1x16xf32> to vector<16xf32>
    %swap3A_455 = vector.shape_cast %broadcast_in_dim3A_449 : vector<16xf32> to vector<1x16xf32>
    tpu.vector_store %arg23[%swap3A_451, %swap3A_452], %swap3A_455 {strides = array<i32>} : memref<48x128xf32, #tpu.memory_space<vmem>>, vector<1x16xf32>,
    %broadcast_in_dim3A_456 = arith.constant 0.000000e+00 : f32
    %broadcast_in_dim3A_457 = vector.broadcast %broadcast_in_dim3A_456 : f32 to vector<16xf32>
    %swap3A_458 = arith.constant 5 : i32
    %swap3A_459 = arith.index_cast %swap3A_458 : i32 to index
    %swap3A_460 = arith.constant 96 : index
    %swap3A_461 = tpu.vector_load %arg23[%swap3A_459, %swap3A_460] {strides = array<i32>} : memref<48x128xf32, #tpu.memory_space<vmem>>, vector<1x16xf32>,
    %swap3A_462 = vector.shape_cast %swap3A_461 : vector<1x16xf32> to vector<16xf32>
    %swap3A_463 = vector.shape_cast %broadcast_in_dim3A_457 : vector<16xf32> to vector<1x16xf32>
    tpu.vector_store %arg23[%swap3A_459, %swap3A_460], %swap3A_463 {strides = array<i32>} : memref<48x128xf32, #tpu.memory_space<vmem>>, vector<1x16xf32>,
    %broadcast_in_dim3A_464 = arith.constant 0.000000e+00 : f32
    %broadcast_in_dim3A_465 = vector.broadcast %broadcast_in_dim3A_464 : f32 to vector<16xf32>
    %swap3A_466 = arith.constant 5 : i32
    %swap3A_467 = arith.index_cast %swap3A_466 : i32 to index
    %swap3A_468 = arith.constant 112 : index
    %swap3A_469 = tpu.vector_load %arg23[%swap3A_467, %swap3A_468] {strides = array<i32>} : memref<48x128xf32, #tpu.memory_space<vmem>>, vector<1x16xf32>,
    %swap3A_470 = vector.shape_cast %swap3A_469 : vector<1x16xf32> to vector<16xf32>
    %swap3A_471 = vector.shape_cast %broadcast_in_dim3A_465 : vector<16xf32> to vector<1x16xf32>
    tpu.vector_store %arg23[%swap3A_467, %swap3A_468], %swap3A_471 {strides = array<i32>} : memref<48x128xf32, #tpu.memory_space<vmem>>, vector<1x16xf32>,
    %broadcast_in_dim3A_472 = arith.constant 0.000000e+00 : f32
    %broadcast_in_dim3A_473 = vector.broadcast %broadcast_in_dim3A_472 : f32 to vector<16xf32>
    %swap3A_474 = arith.constant 6 : i32
    %swap3A_475 = arith.index_cast %swap3A_474 : i32 to index
    %swap3A_476 = arith.constant 0 : index
    %swap3A_477 = tpu.vector_load %arg23[%swap3A_475, %swap3A_476] {strides = array<i32>} : memref<48x128xf32, #tpu.memory_space<vmem>>, vector<1x16xf32>,
    %swap3A_478 = vector.shape_cast %swap3A_477 : vector<1x16xf32> to vector<16xf32>
    %swap3A_479 = vector.shape_cast %broadcast_in_dim3A_473 : vector<16xf32> to vector<1x16xf32>
    tpu.vector_store %arg23[%swap3A_475, %swap3A_476], %swap3A_479 {strides = array<i32>} : memref<48x128xf32, #tpu.memory_space<vmem>>, vector<1x16xf32>,
    %broadcast_in_dim3A_480 = arith.constant 0.000000e+00 : f32
    %broadcast_in_dim3A_481 = vector.broadcast %broadcast_in_dim3A_480 : f32 to vector<16xf32>
    %swap3A_482 = arith.constant 6 : i32
    %swap3A_483 = arith.index_cast %swap3A_482 : i32 to index
    %swap3A_484 = arith.constant 16 : index
    %swap3A_485 = tpu.vector_load %arg23[%swap3A_483, %swap3A_484] {strides = array<i32>} : memref<48x128xf32, #tpu.memory_space<vmem>>, vector<1x16xf32>,
    %swap3A_486 = vector.shape_cast %swap3A_485 : vector<1x16xf32> to vector<16xf32>
    %swap3A_487 = vector.shape_cast %broadcast_in_dim3A_481 : vector<16xf32> to vector<1x16xf32>
    tpu.vector_store %arg23[%swap3A_483, %swap3A_484], %swap3A_487 {strides = array<i32>} : memref<48x128xf32, #tpu.memory_space<vmem>>, vector<1x16xf32>,
    %broadcast_in_dim3A_488 = arith.constant 0.000000e+00 : f32
    %broadcast_in_dim3A_489 = vector.broadcast %broadcast_in_dim3A_488 : f32 to vector<16xf32>
    %swap3A_490 = arith.constant 6 : i32
    %swap3A_491 = arith.index_cast %swap3A_490 : i32 to index
    %swap3A_492 = arith.constant 32 : index
    %swap3A_493 = tpu.vector_load %arg23[%swap3A_491, %swap3A_492] {strides = array<i32>} : memref<48x128xf32, #tpu.memory_space<vmem>>, vector<1x16xf32>,
    %swap3A_494 = vector.shape_cast %swap3A_493 : vector<1x16xf32> to vector<16xf32>
    %swap3A_495 = vector.shape_cast %broadcast_in_dim3A_489 : vector<16xf32> to vector<1x16xf32>
    tpu.vector_store %arg23[%swap3A_491, %swap3A_492], %swap3A_495 {strides = array<i32>} : memref<48x128xf32, #tpu.memory_space<vmem>>, vector<1x16xf32>,
    %broadcast_in_dim3A_496 = arith.constant 0.000000e+00 : f32
    %broadcast_in_dim3A_497 = vector.broadcast %broadcast_in_dim3A_496 : f32 to vector<16xf32>
    %swap3A_498 = arith.constant 6 : i32
    %swap3A_499 = arith.index_cast %swap3A_498 : i32 to index
    %swap3A_500 = arith.constant 48 : index
    %swap3A_501 = tpu.vector_load %arg23[%swap3A_499, %swap3A_500] {strides = array<i32>} : memref<48x128xf32, #tpu.memory_space<vmem>>, vector<1x16xf32>,
    %swap3A_502 = vector.shape_cast %swap3A_501 : vector<1x16xf32> to vector<16xf32>
    %swap3A_503 = vector.shape_cast %broadcast_in_dim3A_497 : vector<16xf32> to vector<1x16xf32>
    tpu.vector_store %arg23[%swap3A_499, %swap3A_500], %swap3A_503 {strides = array<i32>} : memref<48x128xf32, #tpu.memory_space<vmem>>, vector<1x16xf32>,
    %broadcast_in_dim3A_504 = arith.constant 0.000000e+00 : f32
    %broadcast_in_dim3A_505 = vector.broadcast %broadcast_in_dim3A_504 : f32 to vector<16xf32>
    %swap3A_506 = arith.constant 6 : i32
    %swap3A_507 = arith.index_cast %swap3A_506 : i32 to index
    %swap3A_508 = arith.constant 64 : index
    %swap3A_509 = tpu.vector_load %arg23[%swap3A_507, %swap3A_508] {strides = array<i32>} : memref<48x128xf32, #tpu.memory_space<vmem>>, vector<1x16xf32>,
    %swap3A_510 = vector.shape_cast %swap3A_509 : vector<1x16xf32> to vector<16xf32>
    %swap3A_511 = vector.shape_cast %broadcast_in_dim3A_505 : vector<16xf32> to vector<1x16xf32>
    tpu.vector_store %arg23[%swap3A_507, %swap3A_508], %swap3A_511 {strides = array<i32>} : memref<48x128xf32, #tpu.memory_space<vmem>>, vector<1x16xf32>,
    %broadcast_in_dim3A_512 = arith.constant 0.000000e+00 : f32
    %broadcast_in_dim3A_513 = vector.broadcast %broadcast_in_dim3A_512 : f32 to vector<16xf32>
    %swap3A_514 = arith.constant 6 : i32
    %swap3A_515 = arith.index_cast %swap3A_514 : i32 to index
    %swap3A_516 = arith.constant 80 : index
    %swap3A_517 = tpu.vector_load %arg23[%swap3A_515, %swap3A_516] {strides = array<i32>} : memref<48x128xf32, #tpu.memory_space<vmem>>, vector<1x16xf32>,
    %swap3A_518 = vector.shape_cast %swap3A_517 : vector<1x16xf32> to vector<16xf32>
    %swap3A_519 = vector.shape_cast %broadcast_in_dim3A_513 : vector<16xf32> to vector<1x16xf32>
    tpu.vector_store %arg23[%swap3A_515, %swap3A_516], %swap3A_519 {strides = array<i32>} : memref<48x128xf32, #tpu.memory_space<vmem>>, vector<1x16xf32>,
    %broadcast_in_dim3A_520 = arith.constant 0.000000e+00 : f32
    %broadcast_in_dim3A_521 = vector.broadcast %broadcast_in_dim3A_520 : f32 to vector<16xf32>
    %swap3A_522 = arith.constant 6 : i32
    %swap3A_523 = arith.index_cast %swap3A_522 : i32 to index
    %swap3A_524 = arith.constant 96 : index
    %swap3A_525 = tpu.vector_load %arg23[%swap3A_523, %swap3A_524] {strides = array<i32>} : memref<48x128xf32, #tpu.memory_space<vmem>>, vector<1x16xf32>,
    %swap3A_526 = vector.shape_cast %swap3A_525 : vector<1x16xf32> to vector<16xf32>
    %swap3A_527 = vector.shape_cast %broadcast_in_dim3A_521 : vector<16xf32> to vector<1x16xf32>
    tpu.vector_store %arg23[%swap3A_523, %swap3A_524], %swap3A_527 {strides = array<i32>} : memref<48x128xf32, #tpu.memory_space<vmem>>, vector<1x16xf32>,
    %broadcast_in_dim3A_528 = arith.constant 0.000000e+00 : f32
    %broadcast_in_dim3A_529 = vector.broadcast %broadcast_in_dim3A_528 : f32 to vector<16xf32>
    %swap3A_530 = arith.constant 6 : i32
    %swap3A_531 = arith.index_cast %swap3A_530 : i32 to index
    %swap3A_532 = arith.constant 112 : index
    %swap3A_533 = tpu.vector_load %arg23[%swap3A_531, %swap3A_532] {strides = array<i32>} : memref<48x128xf32, #tpu.memory_space<vmem>>, vector<1x16xf32>,
    %swap3A_534 = vector.shape_cast %swap3A_533 : vector<1x16xf32> to vector<16xf32>
    %swap3A_535 = vector.shape_cast %broadcast_in_dim3A_529 : vector<16xf32> to vector<1x16xf32>
    tpu.vector_store %arg23[%swap3A_531, %swap3A_532], %swap3A_535 {strides = array<i32>} : memref<48x128xf32, #tpu.memory_space<vmem>>, vector<1x16xf32>,
    %broadcast_in_dim3A_536 = arith.constant 0.000000e+00 : f32
    %broadcast_in_dim3A_537 = vector.broadcast %broadcast_in_dim3A_536 : f32 to vector<16xf32>
    %swap3A_538 = arith.constant 7 : i32
    %swap3A_539 = arith.index_cast %swap3A_538 : i32 to index
    %swap3A_540 = arith.constant 0 : index
    %swap3A_541 = tpu.vector_load %arg23[%swap3A_539, %swap3A_540] {strides = array<i32>} : memref<48x128xf32, #tpu.memory_space<vmem>>, vector<1x16xf32>,
    %swap3A_542 = vector.shape_cast %swap3A_541 : vector<1x16xf32> to vector<16xf32>
    %swap3A_543 = vector.shape_cast %broadcast_in_dim3A_537 : vector<16xf32> to vector<1x16xf32>
    tpu.vector_store %arg23[%swap3A_539, %swap3A_540], %swap3A_543 {strides = array<i32>} : memref<48x128xf32, #tpu.memory_space<vmem>>, vector<1x16xf32>,
    %broadcast_in_dim3A_544 = arith.constant 0.000000e+00 : f32
    %broadcast_in_dim3A_545 = vector.broadcast %broadcast_in_dim3A_544 : f32 to vector<16xf32>
    %swap3A_546 = arith.constant 7 : i32
    %swap3A_547 = arith.index_cast %swap3A_546 : i32 to index
    %swap3A_548 = arith.constant 16 : index
    %swap3A_549 = tpu.vector_load %arg23[%swap3A_547, %swap3A_548] {strides = array<i32>} : memref<48x128xf32, #tpu.memory_space<vmem>>, vector<1x16xf32>,
    %swap3A_550 = vector.shape_cast %swap3A_549 : vector<1x16xf32> to vector<16xf32>
    %swap3A_551 = vector.shape_cast %broadcast_in_dim3A_545 : vector<16xf32> to vector<1x16xf32>
    tpu.vector_store %arg23[%swap3A_547, %swap3A_548], %swap3A_551 {strides = array<i32>} : memref<48x128xf32, #tpu.memory_space<vmem>>, vector<1x16xf32>,
    %broadcast_in_dim3A_552 = arith.constant 0.000000e+00 : f32
    %broadcast_in_dim3A_553 = vector.broadcast %broadcast_in_dim3A_552 : f32 to vector<16xf32>
    %swap3A_554 = arith.constant 7 : i32
    %swap3A_555 = arith.index_cast %swap3A_554 : i32 to index
    %swap3A_556 = arith.constant 32 : index
    %swap3A_557 = tpu.vector_load %arg23[%swap3A_555, %swap3A_556] {strides = array<i32>} : memref<48x128xf32, #tpu.memory_space<vmem>>, vector<1x16xf32>,
    %swap3A_558 = vector.shape_cast %swap3A_557 : vector<1x16xf32> to vector<16xf32>
    %swap3A_559 = vector.shape_cast %broadcast_in_dim3A_553 : vector<16xf32> to vector<1x16xf32>
    tpu.vector_store %arg23[%swap3A_555, %swap3A_556], %swap3A_559 {strides = array<i32>} : memref<48x128xf32, #tpu.memory_space<vmem>>, vector<1x16xf32>,
    %broadcast_in_dim3A_560 = arith.constant 0.000000e+00 : f32
    %broadcast_in_dim3A_561 = vector.broadcast %broadcast_in_dim3A_560 : f32 to vector<16xf32>
    %swap3A_562 = arith.constant 7 : i32
    %swap3A_563 = arith.index_cast %swap3A_562 : i32 to index
    %swap3A_564 = arith.constant 48 : index
    %swap3A_565 = tpu.vector_load %arg23[%swap3A_563, %swap3A_564] {strides = array<i32>} : memref<48x128xf32, #tpu.memory_space<vmem>>, vector<1x16xf32>,
    %swap3A_566 = vector.shape_cast %swap3A_565 : vector<1x16xf32> to vector<16xf32>
    %swap3A_567 = vector.shape_cast %broadcast_in_dim3A_561 : vector<16xf32> to vector<1x16xf32>
    tpu.vector_store %arg23[%swap3A_563, %swap3A_564], %swap3A_567 {strides = array<i32>} : memref<48x128xf32, #tpu.memory_space<vmem>>, vector<1x16xf32>,
    %broadcast_in_dim3A_568 = arith.constant 0.000000e+00 : f32
    %broadcast_in_dim3A_569 = vector.broadcast %broadcast_in_dim3A_568 : f32 to vector<16xf32>
    %swap3A_570 = arith.constant 7 : i32
    %swap3A_571 = arith.index_cast %swap3A_570 : i32 to index
    %swap3A_572 = arith.constant 64 : index
    %swap3A_573 = tpu.vector_load %arg23[%swap3A_571, %swap3A_572] {strides = array<i32>} : memref<48x128xf32, #tpu.memory_space<vmem>>, vector<1x16xf32>,
    %swap3A_574 = vector.shape_cast %swap3A_573 : vector<1x16xf32> to vector<16xf32>
    %swap3A_575 = vector.shape_cast %broadcast_in_dim3A_569 : vector<16xf32> to vector<1x16xf32>
    tpu.vector_store %arg23[%swap3A_571, %swap3A_572], %swap3A_575 {strides = array<i32>} : memref<48x128xf32, #tpu.memory_space<vmem>>, vector<1x16xf32>,
    %broadcast_in_dim3A_576 = arith.constant 0.000000e+00 : f32
    %broadcast_in_dim3A_577 = vector.broadcast %broadcast_in_dim3A_576 : f32 to vector<16xf32>
    %swap3A_578 = arith.constant 7 : i32
    %swap3A_579 = arith.index_cast %swap3A_578 : i32 to index
    %swap3A_580 = arith.constant 80 : index
    %swap3A_581 = tpu.vector_load %arg23[%swap3A_579, %swap3A_580] {strides = array<i32>} : memref<48x128xf32, #tpu.memory_space<vmem>>, vector<1x16xf32>,
    %swap3A_582 = vector.shape_cast %swap3A_581 : vector<1x16xf32> to vector<16xf32>
    %swap3A_583 = vector.shape_cast %broadcast_in_dim3A_577 : vector<16xf32> to vector<1x16xf32>
    tpu.vector_store %arg23[%swap3A_579, %swap3A_580], %swap3A_583 {strides = array<i32>} : memref<48x128xf32, #tpu.memory_space<vmem>>, vector<1x16xf32>,
    %broadcast_in_dim3A_584 = arith.constant 0.000000e+00 : f32
    %broadcast_in_dim3A_585 = vector.broadcast %broadcast_in_dim3A_584 : f32 to vector<16xf32>
    %swap3A_586 = arith.constant 7 : i32
    %swap3A_587 = arith.index_cast %swap3A_586 : i32 to index
    %swap3A_588 = arith.constant 96 : index
    %swap3A_589 = tpu.vector_load %arg23[%swap3A_587, %swap3A_588] {strides = array<i32>} : memref<48x128xf32, #tpu.memory_space<vmem>>, vector<1x16xf32>,
    %swap3A_590 = vector.shape_cast %swap3A_589 : vector<1x16xf32> to vector<16xf32>
    %swap3A_591 = vector.shape_cast %broadcast_in_dim3A_585 : vector<16xf32> to vector<1x16xf32>
    tpu.vector_store %arg23[%swap3A_587, %swap3A_588], %swap3A_591 {strides = array<i32>} : memref<48x128xf32, #tpu.memory_space<vmem>>, vector<1x16xf32>,
    %broadcast_in_dim3A_592 = arith.constant 0.000000e+00 : f32
    %broadcast_in_dim3A_593 = vector.broadcast %broadcast_in_dim3A_592 : f32 to vector<16xf32>
    %swap3A_594 = arith.constant 7 : i32
    %swap3A_595 = arith.index_cast %swap3A_594 : i32 to index
    %swap3A_596 = arith.constant 112 : index
    %swap3A_597 = tpu.vector_load %arg23[%swap3A_595, %swap3A_596] {strides = array<i32>} : memref<48x128xf32, #tpu.memory_space<vmem>>, vector<1x16xf32>,
    %swap3A_598 = vector.shape_cast %swap3A_597 : vector<1x16xf32> to vector<16xf32>
    %swap3A_599 = vector.shape_cast %broadcast_in_dim3A_593 : vector<16xf32> to vector<1x16xf32>
    tpu.vector_store %arg23[%swap3A_595, %swap3A_596], %swap3A_599 {strides = array<i32>} : memref<48x128xf32, #tpu.memory_space<vmem>>, vector<1x16xf32>,
    %broadcast_in_dim3A_600 = arith.constant 0.000000e+00 : f32
    %broadcast_in_dim3A_601 = vector.broadcast %broadcast_in_dim3A_600 : f32 to vector<16xf32>
    %swap3A_602 = arith.constant 8 : i32
    %swap3A_603 = arith.index_cast %swap3A_602 : i32 to index
    %swap3A_604 = arith.constant 0 : index
    %swap3A_605 = tpu.vector_load %arg23[%swap3A_603, %swap3A_604] {strides = array<i32>} : memref<48x128xf32, #tpu.memory_space<vmem>>, vector<1x16xf32>,
    %swap3A_606 = vector.shape_cast %swap3A_605 : vector<1x16xf32> to vector<16xf32>
    %swap3A_607 = vector.shape_cast %broadcast_in_dim3A_601 : vector<16xf32> to vector<1x16xf32>
    tpu.vector_store %arg23[%swap3A_603, %swap3A_604], %swap3A_607 {strides = array<i32>} : memref<48x128xf32, #tpu.memory_space<vmem>>, vector<1x16xf32>,
    %broadcast_in_dim3A_608 = arith.constant 0.000000e+00 : f32
    %broadcast_in_dim3A_609 = vector.broadcast %broadcast_in_dim3A_608 : f32 to vector<16xf32>
    %swap3A_610 = arith.constant 8 : i32
    %swap3A_611 = arith.index_cast %swap3A_610 : i32 to index
    %swap3A_612 = arith.constant 16 : index
    %swap3A_613 = tpu.vector_load %arg23[%swap3A_611, %swap3A_612] {strides = array<i32>} : memref<48x128xf32, #tpu.memory_space<vmem>>, vector<1x16xf32>,
    %swap3A_614 = vector.shape_cast %swap3A_613 : vector<1x16xf32> to vector<16xf32>
    %swap3A_615 = vector.shape_cast %broadcast_in_dim3A_609 : vector<16xf32> to vector<1x16xf32>
    tpu.vector_store %arg23[%swap3A_611, %swap3A_612], %swap3A_615 {strides = array<i32>} : memref<48x128xf32, #tpu.memory_space<vmem>>, vector<1x16xf32>,
    %broadcast_in_dim3A_616 = arith.constant 0.000000e+00 : f32
    %broadcast_in_dim3A_617 = vector.broadcast %broadcast_in_dim3A_616 : f32 to vector<16xf32>
    %swap3A_618 = arith.constant 8 : i32
    %swap3A_619 = arith.index_cast %swap3A_618 : i32 to index
    %swap3A_620 = arith.constant 32 : index
    %swap3A_621 = tpu.vector_load %arg23[%swap3A_619, %swap3A_620] {strides = array<i32>} : memref<48x128xf32, #tpu.memory_space<vmem>>, vector<1x16xf32>,
    %swap3A_622 = vector.shape_cast %swap3A_621 : vector<1x16xf32> to vector<16xf32>
    %swap3A_623 = vector.shape_cast %broadcast_in_dim3A_617 : vector<16xf32> to vector<1x16xf32>
    tpu.vector_store %arg23[%swap3A_619, %swap3A_620], %swap3A_623 {strides = array<i32>} : memref<48x128xf32, #tpu.memory_space<vmem>>, vector<1x16xf32>,
    %broadcast_in_dim3A_624 = arith.constant 0.000000e+00 : f32
    %broadcast_in_dim3A_625 = vector.broadcast %broadcast_in_dim3A_624 : f32 to vector<16xf32>
    %swap3A_626 = arith.constant 8 : i32
    %swap3A_627 = arith.index_cast %swap3A_626 : i32 to index
    %swap3A_628 = arith.constant 48 : index
    %swap3A_629 = tpu.vector_load %arg23[%swap3A_627, %swap3A_628] {strides = array<i32>} : memref<48x128xf32, #tpu.memory_space<vmem>>, vector<1x16xf32>,
    %swap3A_630 = vector.shape_cast %swap3A_629 : vector<1x16xf32> to vector<16xf32>
    %swap3A_631 = vector.shape_cast %broadcast_in_dim3A_625 : vector<16xf32> to vector<1x16xf32>
    tpu.vector_store %arg23[%swap3A_627, %swap3A_628], %swap3A_631 {strides = array<i32>} : memref<48x128xf32, #tpu.memory_space<vmem>>, vector<1x16xf32>,
    %broadcast_in_dim3A_632 = arith.constant 0.000000e+00 : f32
    %broadcast_in_dim3A_633 = vector.broadcast %broadcast_in_dim3A_632 : f32 to vector<16xf32>
    %swap3A_634 = arith.constant 8 : i32
    %swap3A_635 = arith.index_cast %swap3A_634 : i32 to index
    %swap3A_636 = arith.constant 64 : index
    %swap3A_637 = tpu.vector_load %arg23[%swap3A_635, %swap3A_636] {strides = array<i32>} : memref<48x128xf32, #tpu.memory_space<vmem>>, vector<1x16xf32>,
    %swap3A_638 = vector.shape_cast %swap3A_637 : vector<1x16xf32> to vector<16xf32>
    %swap3A_639 = vector.shape_cast %broadcast_in_dim3A_633 : vector<16xf32> to vector<1x16xf32>
    tpu.vector_store %arg23[%swap3A_635, %swap3A_636], %swap3A_639 {strides = array<i32>} : memref<48x128xf32, #tpu.memory_space<vmem>>, vector<1x16xf32>,
    %broadcast_in_dim3A_640 = arith.constant 0.000000e+00 : f32
    %broadcast_in_dim3A_641 = vector.broadcast %broadcast_in_dim3A_640 : f32 to vector<16xf32>
    %swap3A_642 = arith.constant 8 : i32
    %swap3A_643 = arith.index_cast %swap3A_642 : i32 to index
    %swap3A_644 = arith.constant 80 : index
    %swap3A_645 = tpu.vector_load %arg23[%swap3A_643, %swap3A_644] {strides = array<i32>} : memref<48x128xf32, #tpu.memory_space<vmem>>, vector<1x16xf32>,
    %swap3A_646 = vector.shape_cast %swap3A_645 : vector<1x16xf32> to vector<16xf32>
    %swap3A_647 = vector.shape_cast %broadcast_in_dim3A_641 : vector<16xf32> to vector<1x16xf32>
    tpu.vector_store %arg23[%swap3A_643, %swap3A_644], %swap3A_647 {strides = array<i32>} : memref<48x128xf32, #tpu.memory_space<vmem>>, vector<1x16xf32>,
    %broadcast_in_dim3A_648 = arith.constant 0.000000e+00 : f32
    %broadcast_in_dim3A_649 = vector.broadcast %broadcast_in_dim3A_648 : f32 to vector<16xf32>
    %swap3A_650 = arith.constant 8 : i32
    %swap3A_651 = arith.index_cast %swap3A_650 : i32 to index
    %swap3A_652 = arith.constant 96 : index
    %swap3A_653 = tpu.vector_load %arg23[%swap3A_651, %swap3A_652] {strides = array<i32>} : memref<48x128xf32, #tpu.memory_space<vmem>>, vector<1x16xf32>,
    %swap3A_654 = vector.shape_cast %swap3A_653 : vector<1x16xf32> to vector<16xf32>
    %swap3A_655 = vector.shape_cast %broadcast_in_dim3A_649 : vector<16xf32> to vector<1x16xf32>
    tpu.vector_store %arg23[%swap3A_651, %swap3A_652], %swap3A_655 {strides = array<i32>} : memref<48x128xf32, #tpu.memory_space<vmem>>, vector<1x16xf32>,
    %broadcast_in_dim3A_656 = arith.constant 0.000000e+00 : f32
    %broadcast_in_dim3A_657 = vector.broadcast %broadcast_in_dim3A_656 : f32 to vector<16xf32>
    %swap3A_658 = arith.constant 8 : i32
    %swap3A_659 = arith.index_cast %swap3A_658 : i32 to index
    %swap3A_660 = arith.constant 112 : index
    %swap3A_661 = tpu.vector_load %arg23[%swap3A_659, %swap3A_660] {strides = array<i32>} : memref<48x128xf32, #tpu.memory_space<vmem>>, vector<1x16xf32>,
    %swap3A_662 = vector.shape_cast %swap3A_661 : vector<1x16xf32> to vector<16xf32>
    %swap3A_663 = vector.shape_cast %broadcast_in_dim3A_657 : vector<16xf32> to vector<1x16xf32>
    tpu.vector_store %arg23[%swap3A_659, %swap3A_660], %swap3A_663 {strides = array<i32>} : memref<48x128xf32, #tpu.memory_space<vmem>>, vector<1x16xf32>,
    %broadcast_in_dim3A_664 = arith.constant 0.000000e+00 : f32
    %broadcast_in_dim3A_665 = vector.broadcast %broadcast_in_dim3A_664 : f32 to vector<16xf32>
    %swap3A_666 = arith.constant 9 : i32
    %swap3A_667 = arith.index_cast %swap3A_666 : i32 to index
    %swap3A_668 = arith.constant 0 : index
    %swap3A_669 = tpu.vector_load %arg23[%swap3A_667, %swap3A_668] {strides = array<i32>} : memref<48x128xf32, #tpu.memory_space<vmem>>, vector<1x16xf32>,
    %swap3A_670 = vector.shape_cast %swap3A_669 : vector<1x16xf32> to vector<16xf32>
    %swap3A_671 = vector.shape_cast %broadcast_in_dim3A_665 : vector<16xf32> to vector<1x16xf32>
    tpu.vector_store %arg23[%swap3A_667, %swap3A_668], %swap3A_671 {strides = array<i32>} : memref<48x128xf32, #tpu.memory_space<vmem>>, vector<1x16xf32>,
    %broadcast_in_dim3A_672 = arith.constant 0.000000e+00 : f32
    %broadcast_in_dim3A_673 = vector.broadcast %broadcast_in_dim3A_672 : f32 to vector<16xf32>
    %swap3A_674 = arith.constant 9 : i32
    %swap3A_675 = arith.index_cast %swap3A_674 : i32 to index
    %swap3A_676 = arith.constant 16 : index
    %swap3A_677 = tpu.vector_load %arg23[%swap3A_675, %swap3A_676] {strides = array<i32>} : memref<48x128xf32, #tpu.memory_space<vmem>>, vector<1x16xf32>,
    %swap3A_678 = vector.shape_cast %swap3A_677 : vector<1x16xf32> to vector<16xf32>
    %swap3A_679 = vector.shape_cast %broadcast_in_dim3A_673 : vector<16xf32> to vector<1x16xf32>
    tpu.vector_store %arg23[%swap3A_675, %swap3A_676], %swap3A_679 {strides = array<i32>} : memref<48x128xf32, #tpu.memory_space<vmem>>, vector<1x16xf32>,
    %broadcast_in_dim3A_680 = arith.constant 0.000000e+00 : f32
    %broadcast_in_dim3A_681 = vector.broadcast %broadcast_in_dim3A_680 : f32 to vector<16xf32>
    %swap3A_682 = arith.constant 9 : i32
    %swap3A_683 = arith.index_cast %swap3A_682 : i32 to index
    %swap3A_684 = arith.constant 32 : index
    %swap3A_685 = tpu.vector_load %arg23[%swap3A_683, %swap3A_684] {strides = array<i32>} : memref<48x128xf32, #tpu.memory_space<vmem>>, vector<1x16xf32>,
    %swap3A_686 = vector.shape_cast %swap3A_685 : vector<1x16xf32> to vector<16xf32>
    %swap3A_687 = vector.shape_cast %broadcast_in_dim3A_681 : vector<16xf32> to vector<1x16xf32>
    tpu.vector_store %arg23[%swap3A_683, %swap3A_684], %swap3A_687 {strides = array<i32>} : memref<48x128xf32, #tpu.memory_space<vmem>>, vector<1x16xf32>,
    %broadcast_in_dim3A_688 = arith.constant 0.000000e+00 : f32
    %broadcast_in_dim3A_689 = vector.broadcast %broadcast_in_dim3A_688 : f32 to vector<16xf32>
    %swap3A_690 = arith.constant 9 : i32
    %swap3A_691 = arith.index_cast %swap3A_690 : i32 to index
    %swap3A_692 = arith.constant 48 : index
    %swap3A_693 = tpu.vector_load %arg23[%swap3A_691, %swap3A_692] {strides = array<i32>} : memref<48x128xf32, #tpu.memory_space<vmem>>, vector<1x16xf32>,
    %swap3A_694 = vector.shape_cast %swap3A_693 : vector<1x16xf32> to vector<16xf32>
    %swap3A_695 = vector.shape_cast %broadcast_in_dim3A_689 : vector<16xf32> to vector<1x16xf32>
    tpu.vector_store %arg23[%swap3A_691, %swap3A_692], %swap3A_695 {strides = array<i32>} : memref<48x128xf32, #tpu.memory_space<vmem>>, vector<1x16xf32>,
    %broadcast_in_dim3A_696 = arith.constant 0.000000e+00 : f32
    %broadcast_in_dim3A_697 = vector.broadcast %broadcast_in_dim3A_696 : f32 to vector<16xf32>
    %swap3A_698 = arith.constant 9 : i32
    %swap3A_699 = arith.index_cast %swap3A_698 : i32 to index
    %swap3A_700 = arith.constant 64 : index
    %swap3A_701 = tpu.vector_load %arg23[%swap3A_699, %swap3A_700] {strides = array<i32>} : memref<48x128xf32, #tpu.memory_space<vmem>>, vector<1x16xf32>,
    %swap3A_702 = vector.shape_cast %swap3A_701 : vector<1x16xf32> to vector<16xf32>
    %swap3A_703 = vector.shape_cast %broadcast_in_dim3A_697 : vector<16xf32> to vector<1x16xf32>
    tpu.vector_store %arg23[%swap3A_699, %swap3A_700], %swap3A_703 {strides = array<i32>} : memref<48x128xf32, #tpu.memory_space<vmem>>, vector<1x16xf32>,
    %broadcast_in_dim3A_704 = arith.constant 0.000000e+00 : f32
    %broadcast_in_dim3A_705 = vector.broadcast %broadcast_in_dim3A_704 : f32 to vector<16xf32>
    %swap3A_706 = arith.constant 9 : i32
    %swap3A_707 = arith.index_cast %swap3A_706 : i32 to index
    %swap3A_708 = arith.constant 80 : index
    %swap3A_709 = tpu.vector_load %arg23[%swap3A_707, %swap3A_708] {strides = array<i32>} : memref<48x128xf32, #tpu.memory_space<vmem>>, vector<1x16xf32>,
    %swap3A_710 = vector.shape_cast %swap3A_709 : vector<1x16xf32> to vector<16xf32>
    %swap3A_711 = vector.shape_cast %broadcast_in_dim3A_705 : vector<16xf32> to vector<1x16xf32>
    tpu.vector_store %arg23[%swap3A_707, %swap3A_708], %swap3A_711 {strides = array<i32>} : memref<48x128xf32, #tpu.memory_space<vmem>>, vector<1x16xf32>,
    %broadcast_in_dim3A_712 = arith.constant 0.000000e+00 : f32
    %broadcast_in_dim3A_713 = vector.broadcast %broadcast_in_dim3A_712 : f32 to vector<16xf32>
    %swap3A_714 = arith.constant 9 : i32
    %swap3A_715 = arith.index_cast %swap3A_714 : i32 to index
    %swap3A_716 = arith.constant 96 : index
    %swap3A_717 = tpu.vector_load %arg23[%swap3A_715, %swap3A_716] {strides = array<i32>} : memref<48x128xf32, #tpu.memory_space<vmem>>, vector<1x16xf32>,
    %swap3A_718 = vector.shape_cast %swap3A_717 : vector<1x16xf32> to vector<16xf32>
    %swap3A_719 = vector.shape_cast %broadcast_in_dim3A_713 : vector<16xf32> to vector<1x16xf32>
    tpu.vector_store %arg23[%swap3A_715, %swap3A_716], %swap3A_719 {strides = array<i32>} : memref<48x128xf32, #tpu.memory_space<vmem>>, vector<1x16xf32>,
    %broadcast_in_dim3A_720 = arith.constant 0.000000e+00 : f32
    %broadcast_in_dim3A_721 = vector.broadcast %broadcast_in_dim3A_720 : f32 to vector<16xf32>
    %swap3A_722 = arith.constant 9 : i32
    %swap3A_723 = arith.index_cast %swap3A_722 : i32 to index
    %swap3A_724 = arith.constant 112 : index
    %swap3A_725 = tpu.vector_load %arg23[%swap3A_723, %swap3A_724] {strides = array<i32>} : memref<48x128xf32, #tpu.memory_space<vmem>>, vector<1x16xf32>,
    %swap3A_726 = vector.shape_cast %swap3A_725 : vector<1x16xf32> to vector<16xf32>
    %swap3A_727 = vector.shape_cast %broadcast_in_dim3A_721 : vector<16xf32> to vector<1x16xf32>
    tpu.vector_store %arg23[%swap3A_723, %swap3A_724], %swap3A_727 {strides = array<i32>} : memref<48x128xf32, #tpu.memory_space<vmem>>, vector<1x16xf32>,
    %broadcast_in_dim3A_728 = arith.constant 0.000000e+00 : f32
    %broadcast_in_dim3A_729 = vector.broadcast %broadcast_in_dim3A_728 : f32 to vector<16xf32>
    %swap3A_730 = arith.constant 10 : i32
    %swap3A_731 = arith.index_cast %swap3A_730 : i32 to index
    %swap3A_732 = arith.constant 0 : index
    %swap3A_733 = tpu.vector_load %arg23[%swap3A_731, %swap3A_732] {strides = array<i32>} : memref<48x128xf32, #tpu.memory_space<vmem>>, vector<1x16xf32>,
    %swap3A_734 = vector.shape_cast %swap3A_733 : vector<1x16xf32> to vector<16xf32>
    %swap3A_735 = vector.shape_cast %broadcast_in_dim3A_729 : vector<16xf32> to vector<1x16xf32>
    tpu.vector_store %arg23[%swap3A_731, %swap3A_732], %swap3A_735 {strides = array<i32>} : memref<48x128xf32, #tpu.memory_space<vmem>>, vector<1x16xf32>,
    %broadcast_in_dim3A_736 = arith.constant 0.000000e+00 : f32
    %broadcast_in_dim3A_737 = vector.broadcast %broadcast_in_dim3A_736 : f32 to vector<16xf32>
    %swap3A_738 = arith.constant 10 : i32
    %swap3A_739 = arith.index_cast %swap3A_738 : i32 to index
    %swap3A_740 = arith.constant 16 : index
    %swap3A_741 = tpu.vector_load %arg23[%swap3A_739, %swap3A_740] {strides = array<i32>} : memref<48x128xf32, #tpu.memory_space<vmem>>, vector<1x16xf32>,
    %swap3A_742 = vector.shape_cast %swap3A_741 : vector<1x16xf32> to vector<16xf32>
    %swap3A_743 = vector.shape_cast %broadcast_in_dim3A_737 : vector<16xf32> to vector<1x16xf32>
    tpu.vector_store %arg23[%swap3A_739, %swap3A_740], %swap3A_743 {strides = array<i32>} : memref<48x128xf32, #tpu.memory_space<vmem>>, vector<1x16xf32>,
    %broadcast_in_dim3A_744 = arith.constant 0.000000e+00 : f32
    %broadcast_in_dim3A_745 = vector.broadcast %broadcast_in_dim3A_744 : f32 to vector<16xf32>
    %swap3A_746 = arith.constant 10 : i32
    %swap3A_747 = arith.index_cast %swap3A_746 : i32 to index
    %swap3A_748 = arith.constant 32 : index
    %swap3A_749 = tpu.vector_load %arg23[%swap3A_747, %swap3A_748] {strides = array<i32>} : memref<48x128xf32, #tpu.memory_space<vmem>>, vector<1x16xf32>,
    %swap3A_750 = vector.shape_cast %swap3A_749 : vector<1x16xf32> to vector<16xf32>
    %swap3A_751 = vector.shape_cast %broadcast_in_dim3A_745 : vector<16xf32> to vector<1x16xf32>
    tpu.vector_store %arg23[%swap3A_747, %swap3A_748], %swap3A_751 {strides = array<i32>} : memref<48x128xf32, #tpu.memory_space<vmem>>, vector<1x16xf32>,
    %broadcast_in_dim3A_752 = arith.constant 0.000000e+00 : f32
    %broadcast_in_dim3A_753 = vector.broadcast %broadcast_in_dim3A_752 : f32 to vector<16xf32>
    %swap3A_754 = arith.constant 10 : i32
    %swap3A_755 = arith.index_cast %swap3A_754 : i32 to index
    %swap3A_756 = arith.constant 48 : index
    %swap3A_757 = tpu.vector_load %arg23[%swap3A_755, %swap3A_756] {strides = array<i32>} : memref<48x128xf32, #tpu.memory_space<vmem>>, vector<1x16xf32>,
    %swap3A_758 = vector.shape_cast %swap3A_757 : vector<1x16xf32> to vector<16xf32>
    %swap3A_759 = vector.shape_cast %broadcast_in_dim3A_753 : vector<16xf32> to vector<1x16xf32>
    tpu.vector_store %arg23[%swap3A_755, %swap3A_756], %swap3A_759 {strides = array<i32>} : memref<48x128xf32, #tpu.memory_space<vmem>>, vector<1x16xf32>,
    %broadcast_in_dim3A_760 = arith.constant 0.000000e+00 : f32
    %broadcast_in_dim3A_761 = vector.broadcast %broadcast_in_dim3A_760 : f32 to vector<16xf32>
    %swap3A_762 = arith.constant 10 : i32
    %swap3A_763 = arith.index_cast %swap3A_762 : i32 to index
    %swap3A_764 = arith.constant 64 : index
    %swap3A_765 = tpu.vector_load %arg23[%swap3A_763, %swap3A_764] {strides = array<i32>} : memref<48x128xf32, #tpu.memory_space<vmem>>, vector<1x16xf32>,
    %swap3A_766 = vector.shape_cast %swap3A_765 : vector<1x16xf32> to vector<16xf32>
    %swap3A_767 = vector.shape_cast %broadcast_in_dim3A_761 : vector<16xf32> to vector<1x16xf32>
    tpu.vector_store %arg23[%swap3A_763, %swap3A_764], %swap3A_767 {strides = array<i32>} : memref<48x128xf32, #tpu.memory_space<vmem>>, vector<1x16xf32>,
    %broadcast_in_dim3A_768 = arith.constant 0.000000e+00 : f32
    %broadcast_in_dim3A_769 = vector.broadcast %broadcast_in_dim3A_768 : f32 to vector<16xf32>
    %swap3A_770 = arith.constant 10 : i32
    %swap3A_771 = arith.index_cast %swap3A_770 : i32 to index
    %swap3A_772 = arith.constant 80 : index
    %swap3A_773 = tpu.vector_load %arg23[%swap3A_771, %swap3A_772] {strides = array<i32>} : memref<48x128xf32, #tpu.memory_space<vmem>>, vector<1x16xf32>,
    %swap3A_774 = vector.shape_cast %swap3A_773 : vector<1x16xf32> to vector<16xf32>
    %swap3A_775 = vector.shape_cast %broadcast_in_dim3A_769 : vector<16xf32> to vector<1x16xf32>
    tpu.vector_store %arg23[%swap3A_771, %swap3A_772], %swap3A_775 {strides = array<i32>} : memref<48x128xf32, #tpu.memory_space<vmem>>, vector<1x16xf32>,
    %broadcast_in_dim3A_776 = arith.constant 0.000000e+00 : f32
    %broadcast_in_dim3A_777 = vector.broadcast %broadcast_in_dim3A_776 : f32 to vector<16xf32>
    %swap3A_778 = arith.constant 10 : i32
    %swap3A_779 = arith.index_cast %swap3A_778 : i32 to index
    %swap3A_780 = arith.constant 96 : index
    %swap3A_781 = tpu.vector_load %arg23[%swap3A_779, %swap3A_780] {strides = array<i32>} : memref<48x128xf32, #tpu.memory_space<vmem>>, vector<1x16xf32>,
    %swap3A_782 = vector.shape_cast %swap3A_781 : vector<1x16xf32> to vector<16xf32>
    %swap3A_783 = vector.shape_cast %broadcast_in_dim3A_777 : vector<16xf32> to vector<1x16xf32>
    tpu.vector_store %arg23[%swap3A_779, %swap3A_780], %swap3A_783 {strides = array<i32>} : memref<48x128xf32, #tpu.memory_space<vmem>>, vector<1x16xf32>,
    %broadcast_in_dim3A_784 = arith.constant 0.000000e+00 : f32
    %broadcast_in_dim3A_785 = vector.broadcast %broadcast_in_dim3A_784 : f32 to vector<16xf32>
    %swap3A_786 = arith.constant 10 : i32
    %swap3A_787 = arith.index_cast %swap3A_786 : i32 to index
    %swap3A_788 = arith.constant 112 : index
    %swap3A_789 = tpu.vector_load %arg23[%swap3A_787, %swap3A_788] {strides = array<i32>} : memref<48x128xf32, #tpu.memory_space<vmem>>, vector<1x16xf32>,
    %swap3A_790 = vector.shape_cast %swap3A_789 : vector<1x16xf32> to vector<16xf32>
    %swap3A_791 = vector.shape_cast %broadcast_in_dim3A_785 : vector<16xf32> to vector<1x16xf32>
    tpu.vector_store %arg23[%swap3A_787, %swap3A_788], %swap3A_791 {strides = array<i32>} : memref<48x128xf32, #tpu.memory_space<vmem>>, vector<1x16xf32>,
    %broadcast_in_dim3A_792 = arith.constant 0.000000e+00 : f32
    %broadcast_in_dim3A_793 = vector.broadcast %broadcast_in_dim3A_792 : f32 to vector<16xf32>
    %swap3A_794 = arith.constant 11 : i32
    %swap3A_795 = arith.index_cast %swap3A_794 : i32 to index
    %swap3A_796 = arith.constant 0 : index
    %swap3A_797 = tpu.vector_load %arg23[%swap3A_795, %swap3A_796] {strides = array<i32>} : memref<48x128xf32, #tpu.memory_space<vmem>>, vector<1x16xf32>,
    %swap3A_798 = vector.shape_cast %swap3A_797 : vector<1x16xf32> to vector<16xf32>
    %swap3A_799 = vector.shape_cast %broadcast_in_dim3A_793 : vector<16xf32> to vector<1x16xf32>
    tpu.vector_store %arg23[%swap3A_795, %swap3A_796], %swap3A_799 {strides = array<i32>} : memref<48x128xf32, #tpu.memory_space<vmem>>, vector<1x16xf32>,
    %broadcast_in_dim3A_800 = arith.constant 0.000000e+00 : f32
    %broadcast_in_dim3A_801 = vector.broadcast %broadcast_in_dim3A_800 : f32 to vector<16xf32>
    %swap3A_802 = arith.constant 11 : i32
    %swap3A_803 = arith.index_cast %swap3A_802 : i32 to index
    %swap3A_804 = arith.constant 16 : index
    %swap3A_805 = tpu.vector_load %arg23[%swap3A_803, %swap3A_804] {strides = array<i32>} : memref<48x128xf32, #tpu.memory_space<vmem>>, vector<1x16xf32>,
    %swap3A_806 = vector.shape_cast %swap3A_805 : vector<1x16xf32> to vector<16xf32>
    %swap3A_807 = vector.shape_cast %broadcast_in_dim3A_801 : vector<16xf32> to vector<1x16xf32>
    tpu.vector_store %arg23[%swap3A_803, %swap3A_804], %swap3A_807 {strides = array<i32>} : memref<48x128xf32, #tpu.memory_space<vmem>>, vector<1x16xf32>,
    %broadcast_in_dim3A_808 = arith.constant 0.000000e+00 : f32
    %broadcast_in_dim3A_809 = vector.broadcast %broadcast_in_dim3A_808 : f32 to vector<16xf32>
    %swap3A_810 = arith.constant 11 : i32
    %swap3A_811 = arith.index_cast %swap3A_810 : i32 to index
    %swap3A_812 = arith.constant 32 : index
    %swap3A_813 = tpu.vector_load %arg23[%swap3A_811, %swap3A_812] {strides = array<i32>} : memref<48x128xf32, #tpu.memory_space<vmem>>, vector<1x16xf32>,
    %swap3A_814 = vector.shape_cast %swap3A_813 : vector<1x16xf32> to vector<16xf32>
    %swap3A_815 = vector.shape_cast %broadcast_in_dim3A_809 : vector<16xf32> to vector<1x16xf32>
    tpu.vector_store %arg23[%swap3A_811, %swap3A_812], %swap3A_815 {strides = array<i32>} : memref<48x128xf32, #tpu.memory_space<vmem>>, vector<1x16xf32>,
    %broadcast_in_dim3A_816 = arith.constant 0.000000e+00 : f32
    %broadcast_in_dim3A_817 = vector.broadcast %broadcast_in_dim3A_816 : f32 to vector<16xf32>
    %swap3A_818 = arith.constant 11 : i32
    %swap3A_819 = arith.index_cast %swap3A_818 : i32 to index
    %swap3A_820 = arith.constant 48 : index
    %swap3A_821 = tpu.vector_load %arg23[%swap3A_819, %swap3A_820] {strides = array<i32>} : memref<48x128xf32, #tpu.memory_space<vmem>>, vector<1x16xf32>,
    %swap3A_822 = vector.shape_cast %swap3A_821 : vector<1x16xf32> to vector<16xf32>
    %swap3A_823 = vector.shape_cast %broadcast_in_dim3A_817 : vector<16xf32> to vector<1x16xf32>
    tpu.vector_store %arg23[%swap3A_819, %swap3A_820], %swap3A_823 {strides = array<i32>} : memref<48x128xf32, #tpu.memory_space<vmem>>, vector<1x16xf32>,
    %broadcast_in_dim3A_824 = arith.constant 0.000000e+00 : f32
    %broadcast_in_dim3A_825 = vector.broadcast %broadcast_in_dim3A_824 : f32 to vector<16xf32>
    %swap3A_826 = arith.constant 11 : i32
    %swap3A_827 = arith.index_cast %swap3A_826 : i32 to index
    %swap3A_828 = arith.constant 64 : index
    %swap3A_829 = tpu.vector_load %arg23[%swap3A_827, %swap3A_828] {strides = array<i32>} : memref<48x128xf32, #tpu.memory_space<vmem>>, vector<1x16xf32>,
    %swap3A_830 = vector.shape_cast %swap3A_829 : vector<1x16xf32> to vector<16xf32>
    %swap3A_831 = vector.shape_cast %broadcast_in_dim3A_825 : vector<16xf32> to vector<1x16xf32>
    tpu.vector_store %arg23[%swap3A_827, %swap3A_828], %swap3A_831 {strides = array<i32>} : memref<48x128xf32, #tpu.memory_space<vmem>>, vector<1x16xf32>,
    %broadcast_in_dim3A_832 = arith.constant 0.000000e+00 : f32
    %broadcast_in_dim3A_833 = vector.broadcast %broadcast_in_dim3A_832 : f32 to vector<16xf32>
    %swap3A_834 = arith.constant 11 : i32
    %swap3A_835 = arith.index_cast %swap3A_834 : i32 to index
    %swap3A_836 = arith.constant 80 : index
    %swap3A_837 = tpu.vector_load %arg23[%swap3A_835, %swap3A_836] {strides = array<i32>} : memref<48x128xf32, #tpu.memory_space<vmem>>, vector<1x16xf32>,
    %swap3A_838 = vector.shape_cast %swap3A_837 : vector<1x16xf32> to vector<16xf32>
    %swap3A_839 = vector.shape_cast %broadcast_in_dim3A_833 : vector<16xf32> to vector<1x16xf32>
    tpu.vector_store %arg23[%swap3A_835, %swap3A_836], %swap3A_839 {strides = array<i32>} : memref<48x128xf32, #tpu.memory_space<vmem>>, vector<1x16xf32>,
    %broadcast_in_dim3A_840 = arith.constant 0.000000e+00 : f32
    %broadcast_in_dim3A_841 = vector.broadcast %broadcast_in_dim3A_840 : f32 to vector<16xf32>
    %swap3A_842 = arith.constant 11 : i32
    %swap3A_843 = arith.index_cast %swap3A_842 : i32 to index
    %swap3A_844 = arith.constant 96 : index
    %swap3A_845 = tpu.vector_load %arg23[%swap3A_843, %swap3A_844] {strides = array<i32>} : memref<48x128xf32, #tpu.memory_space<vmem>>, vector<1x16xf32>,
    %swap3A_846 = vector.shape_cast %swap3A_845 : vector<1x16xf32> to vector<16xf32>
    %swap3A_847 = vector.shape_cast %broadcast_in_dim3A_841 : vector<16xf32> to vector<1x16xf32>
    tpu.vector_store %arg23[%swap3A_843, %swap3A_844], %swap3A_847 {strides = array<i32>} : memref<48x128xf32, #tpu.memory_space<vmem>>, vector<1x16xf32>,
    %broadcast_in_dim3A_848 = arith.constant 0.000000e+00 : f32
    %broadcast_in_dim3A_849 = vector.broadcast %broadcast_in_dim3A_848 : f32 to vector<16xf32>
    %swap3A_850 = arith.constant 11 : i32
    %swap3A_851 = arith.index_cast %swap3A_850 : i32 to index
    %swap3A_852 = arith.constant 112 : index
    %swap3A_853 = tpu.vector_load %arg23[%swap3A_851, %swap3A_852] {strides = array<i32>} : memref<48x128xf32, #tpu.memory_space<vmem>>, vector<1x16xf32>,
    %swap3A_854 = vector.shape_cast %swap3A_853 : vector<1x16xf32> to vector<16xf32>
    %swap3A_855 = vector.shape_cast %broadcast_in_dim3A_849 : vector<16xf32> to vector<1x16xf32>
    tpu.vector_store %arg23[%swap3A_851, %swap3A_852], %swap3A_855 {strides = array<i32>} : memref<48x128xf32, #tpu.memory_space<vmem>>, vector<1x16xf32>,
    %broadcast_in_dim3A_856 = arith.constant 0.000000e+00 : f32
    %broadcast_in_dim3A_857 = vector.broadcast %broadcast_in_dim3A_856 : f32 to vector<16xf32>
    %swap3A_858 = arith.constant 12 : i32
    %swap3A_859 = arith.index_cast %swap3A_858 : i32 to index
    %swap3A_860 = arith.constant 0 : index
    %swap3A_861 = tpu.vector_load %arg23[%swap3A_859, %swap3A_860] {strides = array<i32>} : memref<48x128xf32, #tpu.memory_space<vmem>>, vector<1x16xf32>,
    %swap3A_862 = vector.shape_cast %swap3A_861 : vector<1x16xf32> to vector<16xf32>
    %swap3A_863 = vector.shape_cast %broadcast_in_dim3A_857 : vector<16xf32> to vector<1x16xf32>
    tpu.vector_store %arg23[%swap3A_859, %swap3A_860], %swap3A_863 {strides = array<i32>} : memref<48x128xf32, #tpu.memory_space<vmem>>, vector<1x16xf32>,
    %broadcast_in_dim3A_864 = arith.constant 0.000000e+00 : f32
    %broadcast_in_dim3A_865 = vector.broadcast %broadcast_in_dim3A_864 : f32 to vector<16xf32>
    %swap3A_866 = arith.constant 12 : i32
    %swap3A_867 = arith.index_cast %swap3A_866 : i32 to index
    %swap3A_868 = arith.constant 16 : index
    %swap3A_869 = tpu.vector_load %arg23[%swap3A_867, %swap3A_868] {strides = array<i32>} : memref<48x128xf32, #tpu.memory_space<vmem>>, vector<1x16xf32>,
    %swap3A_870 = vector.shape_cast %swap3A_869 : vector<1x16xf32> to vector<16xf32>
    %swap3A_871 = vector.shape_cast %broadcast_in_dim3A_865 : vector<16xf32> to vector<1x16xf32>
    tpu.vector_store %arg23[%swap3A_867, %swap3A_868], %swap3A_871 {strides = array<i32>} : memref<48x128xf32, #tpu.memory_space<vmem>>, vector<1x16xf32>,
    %broadcast_in_dim3A_872 = arith.constant 0.000000e+00 : f32
    %broadcast_in_dim3A_873 = vector.broadcast %broadcast_in_dim3A_872 : f32 to vector<16xf32>
    %swap3A_874 = arith.constant 12 : i32
    %swap3A_875 = arith.index_cast %swap3A_874 : i32 to index
    %swap3A_876 = arith.constant 32 : index
    %swap3A_877 = tpu.vector_load %arg23[%swap3A_875, %swap3A_876] {strides = array<i32>} : memref<48x128xf32, #tpu.memory_space<vmem>>, vector<1x16xf32>,
    %swap3A_878 = vector.shape_cast %swap3A_877 : vector<1x16xf32> to vector<16xf32>
    %swap3A_879 = vector.shape_cast %broadcast_in_dim3A_873 : vector<16xf32> to vector<1x16xf32>
    tpu.vector_store %arg23[%swap3A_875, %swap3A_876], %swap3A_879 {strides = array<i32>} : memref<48x128xf32, #tpu.memory_space<vmem>>, vector<1x16xf32>,
    %broadcast_in_dim3A_880 = arith.constant 0.000000e+00 : f32
    %broadcast_in_dim3A_881 = vector.broadcast %broadcast_in_dim3A_880 : f32 to vector<16xf32>
    %swap3A_882 = arith.constant 12 : i32
    %swap3A_883 = arith.index_cast %swap3A_882 : i32 to index
    %swap3A_884 = arith.constant 48 : index
    %swap3A_885 = tpu.vector_load %arg23[%swap3A_883, %swap3A_884] {strides = array<i32>} : memref<48x128xf32, #tpu.memory_space<vmem>>, vector<1x16xf32>,
    %swap3A_886 = vector.shape_cast %swap3A_885 : vector<1x16xf32> to vector<16xf32>
    %swap3A_887 = vector.shape_cast %broadcast_in_dim3A_881 : vector<16xf32> to vector<1x16xf32>
    tpu.vector_store %arg23[%swap3A_883, %swap3A_884], %swap3A_887 {strides = array<i32>} : memref<48x128xf32, #tpu.memory_space<vmem>>, vector<1x16xf32>,
    %broadcast_in_dim3A_888 = arith.constant 0.000000e+00 : f32
    %broadcast_in_dim3A_889 = vector.broadcast %broadcast_in_dim3A_888 : f32 to vector<16xf32>
    %swap3A_890 = arith.constant 12 : i32
    %swap3A_891 = arith.index_cast %swap3A_890 : i32 to index
    %swap3A_892 = arith.constant 64 : index
    %swap3A_893 = tpu.vector_load %arg23[%swap3A_891, %swap3A_892] {strides = array<i32>} : memref<48x128xf32, #tpu.memory_space<vmem>>, vector<1x16xf32>,
    %swap3A_894 = vector.shape_cast %swap3A_893 : vector<1x16xf32> to vector<16xf32>
    %swap3A_895 = vector.shape_cast %broadcast_in_dim3A_889 : vector<16xf32> to vector<1x16xf32>
    tpu.vector_store %arg23[%swap3A_891, %swap3A_892], %swap3A_895 {strides = array<i32>} : memref<48x128xf32, #tpu.memory_space<vmem>>, vector<1x16xf32>,
    %broadcast_in_dim3A_896 = arith.constant 0.000000e+00 : f32
    %broadcast_in_dim3A_897 = vector.broadcast %broadcast_in_dim3A_896 : f32 to vector<16xf32>
    %swap3A_898 = arith.constant 12 : i32
    %swap3A_899 = arith.index_cast %swap3A_898 : i32 to index
    %swap3A_900 = arith.constant 80 : index
    %swap3A_901 = tpu.vector_load %arg23[%swap3A_899, %swap3A_900] {strides = array<i32>} : memref<48x128xf32, #tpu.memory_space<vmem>>, vector<1x16xf32>,
    %swap3A_902 = vector.shape_cast %swap3A_901 : vector<1x16xf32> to vector<16xf32>
    %swap3A_903 = vector.shape_cast %broadcast_in_dim3A_897 : vector<16xf32> to vector<1x16xf32>
    tpu.vector_store %arg23[%swap3A_899, %swap3A_900], %swap3A_903 {strides = array<i32>} : memref<48x128xf32, #tpu.memory_space<vmem>>, vector<1x16xf32>,
    %broadcast_in_dim3A_904 = arith.constant 0.000000e+00 : f32
    %broadcast_in_dim3A_905 = vector.broadcast %broadcast_in_dim3A_904 : f32 to vector<16xf32>
    %swap3A_906 = arith.constant 12 : i32
    %swap3A_907 = arith.index_cast %swap3A_906 : i32 to index
    %swap3A_908 = arith.constant 96 : index
    %swap3A_909 = tpu.vector_load %arg23[%swap3A_907, %swap3A_908] {strides = array<i32>} : memref<48x128xf32, #tpu.memory_space<vmem>>, vector<1x16xf32>,
    %swap3A_910 = vector.shape_cast %swap3A_909 : vector<1x16xf32> to vector<16xf32>
    %swap3A_911 = vector.shape_cast %broadcast_in_dim3A_905 : vector<16xf32> to vector<1x16xf32>
    tpu.vector_store %arg23[%swap3A_907, %swap3A_908], %swap3A_911 {strides = array<i32>} : memref<48x128xf32, #tpu.memory_space<vmem>>, vector<1x16xf32>,
    %broadcast_in_dim3A_912 = arith.constant 0.000000e+00 : f32
    %broadcast_in_dim3A_913 = vector.broadcast %broadcast_in_dim3A_912 : f32 to vector<16xf32>
    %swap3A_914 = arith.constant 12 : i32
    %swap3A_915 = arith.index_cast %swap3A_914 : i32 to index
    %swap3A_916 = arith.constant 112 : index
    %swap3A_917 = tpu.vector_load %arg23[%swap3A_915, %swap3A_916] {strides = array<i32>} : memref<48x128xf32, #tpu.memory_space<vmem>>, vector<1x16xf32>,
    %swap3A_918 = vector.shape_cast %swap3A_917 : vector<1x16xf32> to vector<16xf32>
    %swap3A_919 = vector.shape_cast %broadcast_in_dim3A_913 : vector<16xf32> to vector<1x16xf32>
    tpu.vector_store %arg23[%swap3A_915, %swap3A_916], %swap3A_919 {strides = array<i32>} : memref<48x128xf32, #tpu.memory_space<vmem>>, vector<1x16xf32>,
    %broadcast_in_dim3A_920 = arith.constant 0.000000e+00 : f32
    %broadcast_in_dim3A_921 = vector.broadcast %broadcast_in_dim3A_920 : f32 to vector<16xf32>
    %swap3A_922 = arith.constant 13 : i32
    %swap3A_923 = arith.index_cast %swap3A_922 : i32 to index
    %swap3A_924 = arith.constant 0 : index
    %swap3A_925 = tpu.vector_load %arg23[%swap3A_923, %swap3A_924] {strides = array<i32>} : memref<48x128xf32, #tpu.memory_space<vmem>>, vector<1x16xf32>,
    %swap3A_926 = vector.shape_cast %swap3A_925 : vector<1x16xf32> to vector<16xf32>
    %swap3A_927 = vector.shape_cast %broadcast_in_dim3A_921 : vector<16xf32> to vector<1x16xf32>
    tpu.vector_store %arg23[%swap3A_923, %swap3A_924], %swap3A_927 {strides = array<i32>} : memref<48x128xf32, #tpu.memory_space<vmem>>, vector<1x16xf32>,
    %broadcast_in_dim3A_928 = arith.constant 0.000000e+00 : f32
    %broadcast_in_dim3A_929 = vector.broadcast %broadcast_in_dim3A_928 : f32 to vector<16xf32>
    %swap3A_930 = arith.constant 13 : i32
    %swap3A_931 = arith.index_cast %swap3A_930 : i32 to index
    %swap3A_932 = arith.constant 16 : index
    %swap3A_933 = tpu.vector_load %arg23[%swap3A_931, %swap3A_932] {strides = array<i32>} : memref<48x128xf32, #tpu.memory_space<vmem>>, vector<1x16xf32>,
    %swap3A_934 = vector.shape_cast %swap3A_933 : vector<1x16xf32> to vector<16xf32>
    %swap3A_935 = vector.shape_cast %broadcast_in_dim3A_929 : vector<16xf32> to vector<1x16xf32>
    tpu.vector_store %arg23[%swap3A_931, %swap3A_932], %swap3A_935 {strides = array<i32>} : memref<48x128xf32, #tpu.memory_space<vmem>>, vector<1x16xf32>,
    %broadcast_in_dim3A_936 = arith.constant 0.000000e+00 : f32
    %broadcast_in_dim3A_937 = vector.broadcast %broadcast_in_dim3A_936 : f32 to vector<16xf32>
    %swap3A_938 = arith.constant 13 : i32
    %swap3A_939 = arith.index_cast %swap3A_938 : i32 to index
    %swap3A_940 = arith.constant 32 : index
    %swap3A_941 = tpu.vector_load %arg23[%swap3A_939, %swap3A_940] {strides = array<i32>} : memref<48x128xf32, #tpu.memory_space<vmem>>, vector<1x16xf32>,
    %swap3A_942 = vector.shape_cast %swap3A_941 : vector<1x16xf32> to vector<16xf32>
    %swap3A_943 = vector.shape_cast %broadcast_in_dim3A_937 : vector<16xf32> to vector<1x16xf32>
    tpu.vector_store %arg23[%swap3A_939, %swap3A_940], %swap3A_943 {strides = array<i32>} : memref<48x128xf32, #tpu.memory_space<vmem>>, vector<1x16xf32>,
    %broadcast_in_dim3A_944 = arith.constant 0.000000e+00 : f32
    %broadcast_in_dim3A_945 = vector.broadcast %broadcast_in_dim3A_944 : f32 to vector<16xf32>
    %swap3A_946 = arith.constant 13 : i32
    %swap3A_947 = arith.index_cast %swap3A_946 : i32 to index
    %swap3A_948 = arith.constant 48 : index
    %swap3A_949 = tpu.vector_load %arg23[%swap3A_947, %swap3A_948] {strides = array<i32>} : memref<48x128xf32, #tpu.memory_space<vmem>>, vector<1x16xf32>,
    %swap3A_950 = vector.shape_cast %swap3A_949 : vector<1x16xf32> to vector<16xf32>
    %swap3A_951 = vector.shape_cast %broadcast_in_dim3A_945 : vector<16xf32> to vector<1x16xf32>
    tpu.vector_store %arg23[%swap3A_947, %swap3A_948], %swap3A_951 {strides = array<i32>} : memref<48x128xf32, #tpu.memory_space<vmem>>, vector<1x16xf32>,
    %broadcast_in_dim3A_952 = arith.constant 0.000000e+00 : f32
    %broadcast_in_dim3A_953 = vector.broadcast %broadcast_in_dim3A_952 : f32 to vector<16xf32>
    %swap3A_954 = arith.constant 13 : i32
    %swap3A_955 = arith.index_cast %swap3A_954 : i32 to index
    %swap3A_956 = arith.constant 64 : index
    %swap3A_957 = tpu.vector_load %arg23[%swap3A_955, %swap3A_956] {strides = array<i32>} : memref<48x128xf32, #tpu.memory_space<vmem>>, vector<1x16xf32>,
    %swap3A_958 = vector.shape_cast %swap3A_957 : vector<1x16xf32> to vector<16xf32>
    %swap3A_959 = vector.shape_cast %broadcast_in_dim3A_953 : vector<16xf32> to vector<1x16xf32>
    tpu.vector_store %arg23[%swap3A_955, %swap3A_956], %swap3A_959 {strides = array<i32>} : memref<48x128xf32, #tpu.memory_space<vmem>>, vector<1x16xf32>,
    %broadcast_in_dim3A_960 = arith.constant 0.000000e+00 : f32
    %broadcast_in_dim3A_961 = vector.broadcast %broadcast_in_dim3A_960 : f32 to vector<16xf32>
    %swap3A_962 = arith.constant 13 : i32
    %swap3A_963 = arith.index_cast %swap3A_962 : i32 to index
    %swap3A_964 = arith.constant 80 : index
    %swap3A_965 = tpu.vector_load %arg23[%swap3A_963, %swap3A_964] {strides = array<i32>} : memref<48x128xf32, #tpu.memory_space<vmem>>, vector<1x16xf32>,
    %swap3A_966 = vector.shape_cast %swap3A_965 : vector<1x16xf32> to vector<16xf32>
    %swap3A_967 = vector.shape_cast %broadcast_in_dim3A_961 : vector<16xf32> to vector<1x16xf32>
    tpu.vector_store %arg23[%swap3A_963, %swap3A_964], %swap3A_967 {strides = array<i32>} : memref<48x128xf32, #tpu.memory_space<vmem>>, vector<1x16xf32>,
    %broadcast_in_dim3A_968 = arith.constant 0.000000e+00 : f32
    %broadcast_in_dim3A_969 = vector.broadcast %broadcast_in_dim3A_968 : f32 to vector<16xf32>
    %swap3A_970 = arith.constant 13 : i32
    %swap3A_971 = arith.index_cast %swap3A_970 : i32 to index
    %swap3A_972 = arith.constant 96 : index
    %swap3A_973 = tpu.vector_load %arg23[%swap3A_971, %swap3A_972] {strides = array<i32>} : memref<48x128xf32, #tpu.memory_space<vmem>>, vector<1x16xf32>,
    %swap3A_974 = vector.shape_cast %swap3A_973 : vector<1x16xf32> to vector<16xf32>
    %swap3A_975 = vector.shape_cast %broadcast_in_dim3A_969 : vector<16xf32> to vector<1x16xf32>
    tpu.vector_store %arg23[%swap3A_971, %swap3A_972], %swap3A_975 {strides = array<i32>} : memref<48x128xf32, #tpu.memory_space<vmem>>, vector<1x16xf32>,
    %broadcast_in_dim3A_976 = arith.constant 0.000000e+00 : f32
    %broadcast_in_dim3A_977 = vector.broadcast %broadcast_in_dim3A_976 : f32 to vector<16xf32>
    %swap3A_978 = arith.constant 13 : i32
    %swap3A_979 = arith.index_cast %swap3A_978 : i32 to index
    %swap3A_980 = arith.constant 112 : index
    %swap3A_981 = tpu.vector_load %arg23[%swap3A_979, %swap3A_980] {strides = array<i32>} : memref<48x128xf32, #tpu.memory_space<vmem>>, vector<1x16xf32>,
    %swap3A_982 = vector.shape_cast %swap3A_981 : vector<1x16xf32> to vector<16xf32>
    %swap3A_983 = vector.shape_cast %broadcast_in_dim3A_977 : vector<16xf32> to vector<1x16xf32>
    tpu.vector_store %arg23[%swap3A_979, %swap3A_980], %swap3A_983 {strides = array<i32>} : memref<48x128xf32, #tpu.memory_space<vmem>>, vector<1x16xf32>,
    %broadcast_in_dim3A_984 = arith.constant 0.000000e+00 : f32
    %broadcast_in_dim3A_985 = vector.broadcast %broadcast_in_dim3A_984 : f32 to vector<16xf32>
    %swap3A_986 = arith.constant 14 : i32
    %swap3A_987 = arith.index_cast %swap3A_986 : i32 to index
    %swap3A_988 = arith.constant 0 : index
    %swap3A_989 = tpu.vector_load %arg23[%swap3A_987, %swap3A_988] {strides = array<i32>} : memref<48x128xf32, #tpu.memory_space<vmem>>, vector<1x16xf32>,
    %swap3A_990 = vector.shape_cast %swap3A_989 : vector<1x16xf32> to vector<16xf32>
    %swap3A_991 = vector.shape_cast %broadcast_in_dim3A_985 : vector<16xf32> to vector<1x16xf32>
    tpu.vector_store %arg23[%swap3A_987, %swap3A_988], %swap3A_991 {strides = array<i32>} : memref<48x128xf32, #tpu.memory_space<vmem>>, vector<1x16xf32>,
    %broadcast_in_dim3A_992 = arith.constant 0.000000e+00 : f32
    %broadcast_in_dim3A_993 = vector.broadcast %broadcast_in_dim3A_992 : f32 to vector<16xf32>
    %swap3A_994 = arith.constant 14 : i32
    %swap3A_995 = arith.index_cast %swap3A_994 : i32 to index
    %swap3A_996 = arith.constant 16 : index
    %swap3A_997 = tpu.vector_load %arg23[%swap3A_995, %swap3A_996] {strides = array<i32>} : memref<48x128xf32, #tpu.memory_space<vmem>>, vector<1x16xf32>,
    %swap3A_998 = vector.shape_cast %swap3A_997 : vector<1x16xf32> to vector<16xf32>
    %swap3A_999 = vector.shape_cast %broadcast_in_dim3A_993 : vector<16xf32> to vector<1x16xf32>
    tpu.vector_store %arg23[%swap3A_995, %swap3A_996], %swap3A_999 {strides = array<i32>} : memref<48x128xf32, #tpu.memory_space<vmem>>, vector<1x16xf32>,
    %broadcast_in_dim3A_1000 = arith.constant 0.000000e+00 : f32
    %broadcast_in_dim3A_1001 = vector.broadcast %broadcast_in_dim3A_1000 : f32 to vector<16xf32>
    %swap3A_1002 = arith.constant 14 : i32
    %swap3A_1003 = arith.index_cast %swap3A_1002 : i32 to index
    %swap3A_1004 = arith.constant 32 : index
    %swap3A_1005 = tpu.vector_load %arg23[%swap3A_1003, %swap3A_1004] {strides = array<i32>} : memref<48x128xf32, #tpu.memory_space<vmem>>, vector<1x16xf32>,
    %swap3A_1006 = vector.shape_cast %swap3A_1005 : vector<1x16xf32> to vector<16xf32>
    %swap3A_1007 = vector.shape_cast %broadcast_in_dim3A_1001 : vector<16xf32> to vector<1x16xf32>
    tpu.vector_store %arg23[%swap3A_1003, %swap3A_1004], %swap3A_1007 {strides = array<i32>} : memref<48x128xf32, #tpu.memory_space<vmem>>, vector<1x16xf32>,
    %broadcast_in_dim3A_1008 = arith.constant 0.000000e+00 : f32
    %broadcast_in_dim3A_1009 = vector.broadcast %broadcast_in_dim3A_1008 : f32 to vector<16xf32>
    %swap3A_1010 = arith.constant 14 : i32
    %swap3A_1011 = arith.index_cast %swap3A_1010 : i32 to index
    %swap3A_1012 = arith.constant 48 : index
    %swap3A_1013 = tpu.vector_load %arg23[%swap3A_1011, %swap3A_1012] {strides = array<i32>} : memref<48x128xf32, #tpu.memory_space<vmem>>, vector<1x16xf32>,
    %swap3A_1014 = vector.shape_cast %swap3A_1013 : vector<1x16xf32> to vector<16xf32>
    %swap3A_1015 = vector.shape_cast %broadcast_in_dim3A_1009 : vector<16xf32> to vector<1x16xf32>
    tpu.vector_store %arg23[%swap3A_1011, %swap3A_1012], %swap3A_1015 {strides = array<i32>} : memref<48x128xf32, #tpu.memory_space<vmem>>, vector<1x16xf32>,
    %broadcast_in_dim3A_1016 = arith.constant 0.000000e+00 : f32
    %broadcast_in_dim3A_1017 = vector.broadcast %broadcast_in_dim3A_1016 : f32 to vector<16xf32>
    %swap3A_1018 = arith.constant 14 : i32
    %swap3A_1019 = arith.index_cast %swap3A_1018 : i32 to index
    %swap3A_1020 = arith.constant 64 : index
    %swap3A_1021 = tpu.vector_load %arg23[%swap3A_1019, %swap3A_1020] {strides = array<i32>} : memref<48x128xf32, #tpu.memory_space<vmem>>, vector<1x16xf32>,
    %swap3A_1022 = vector.shape_cast %swap3A_1021 : vector<1x16xf32> to vector<16xf32>
    %swap3A_1023 = vector.shape_cast %broadcast_in_dim3A_1017 : vector<16xf32> to vector<1x16xf32>
    tpu.vector_store %arg23[%swap3A_1019, %swap3A_1020], %swap3A_1023 {strides = array<i32>} : memref<48x128xf32, #tpu.memory_space<vmem>>, vector<1x16xf32>,
    %broadcast_in_dim3A_1024 = arith.constant 0.000000e+00 : f32
    %broadcast_in_dim3A_1025 = vector.broadcast %broadcast_in_dim3A_1024 : f32 to vector<16xf32>
    %swap3A_1026 = arith.constant 14 : i32
    %swap3A_1027 = arith.index_cast %swap3A_1026 : i32 to index
    %swap3A_1028 = arith.constant 80 : index
    %swap3A_1029 = tpu.vector_load %arg23[%swap3A_1027, %swap3A_1028] {strides = array<i32>} : memref<48x128xf32, #tpu.memory_space<vmem>>, vector<1x16xf32>,
    %swap3A_1030 = vector.shape_cast %swap3A_1029 : vector<1x16xf32> to vector<16xf32>
    %swap3A_1031 = vector.shape_cast %broadcast_in_dim3A_1025 : vector<16xf32> to vector<1x16xf32>
    tpu.vector_store %arg23[%swap3A_1027, %swap3A_1028], %swap3A_1031 {strides = array<i32>} : memref<48x128xf32, #tpu.memory_space<vmem>>, vector<1x16xf32>,
    %broadcast_in_dim3A_1032 = arith.constant 0.000000e+00 : f32
    %broadcast_in_dim3A_1033 = vector.broadcast %broadcast_in_dim3A_1032 : f32 to vector<16xf32>
    %swap3A_1034 = arith.constant 14 : i32
    %swap3A_1035 = arith.index_cast %swap3A_1034 : i32 to index
    %swap3A_1036 = arith.constant 96 : index
    %swap3A_1037 = tpu.vector_load %arg23[%swap3A_1035, %swap3A_1036] {strides = array<i32>} : memref<48x128xf32, #tpu.memory_space<vmem>>, vector<1x16xf32>,
    %swap3A_1038 = vector.shape_cast %swap3A_1037 : vector<1x16xf32> to vector<16xf32>
    %swap3A_1039 = vector.shape_cast %broadcast_in_dim3A_1033 : vector<16xf32> to vector<1x16xf32>
    tpu.vector_store %arg23[%swap3A_1035, %swap3A_1036], %swap3A_1039 {strides = array<i32>} : memref<48x128xf32, #tpu.memory_space<vmem>>, vector<1x16xf32>,
    %broadcast_in_dim3A_1040 = arith.constant 0.000000e+00 : f32
    %broadcast_in_dim3A_1041 = vector.broadcast %broadcast_in_dim3A_1040 : f32 to vector<16xf32>
    %swap3A_1042 = arith.constant 14 : i32
    %swap3A_1043 = arith.index_cast %swap3A_1042 : i32 to index
    %swap3A_1044 = arith.constant 112 : index
    %swap3A_1045 = tpu.vector_load %arg23[%swap3A_1043, %swap3A_1044] {strides = array<i32>} : memref<48x128xf32, #tpu.memory_space<vmem>>, vector<1x16xf32>,
    %swap3A_1046 = vector.shape_cast %swap3A_1045 : vector<1x16xf32> to vector<16xf32>
    %swap3A_1047 = vector.shape_cast %broadcast_in_dim3A_1041 : vector<16xf32> to vector<1x16xf32>
    tpu.vector_store %arg23[%swap3A_1043, %swap3A_1044], %swap3A_1047 {strides = array<i32>} : memref<48x128xf32, #tpu.memory_space<vmem>>, vector<1x16xf32>,
    %broadcast_in_dim3A_1048 = arith.constant 0.000000e+00 : f32
    %broadcast_in_dim3A_1049 = vector.broadcast %broadcast_in_dim3A_1048 : f32 to vector<16xf32>
    %swap3A_1050 = arith.constant 15 : i32
    %swap3A_1051 = arith.index_cast %swap3A_1050 : i32 to index
    %swap3A_1052 = arith.constant 0 : index
    %swap3A_1053 = tpu.vector_load %arg23[%swap3A_1051, %swap3A_1052] {strides = array<i32>} : memref<48x128xf32, #tpu.memory_space<vmem>>, vector<1x16xf32>,
    %swap3A_1054 = vector.shape_cast %swap3A_1053 : vector<1x16xf32> to vector<16xf32>
    %swap3A_1055 = vector.shape_cast %broadcast_in_dim3A_1049 : vector<16xf32> to vector<1x16xf32>
    tpu.vector_store %arg23[%swap3A_1051, %swap3A_1052], %swap3A_1055 {strides = array<i32>} : memref<48x128xf32, #tpu.memory_space<vmem>>, vector<1x16xf32>,
    %broadcast_in_dim3A_1056 = arith.constant 0.000000e+00 : f32
    %broadcast_in_dim3A_1057 = vector.broadcast %broadcast_in_dim3A_1056 : f32 to vector<16xf32>
    %swap3A_1058 = arith.constant 15 : i32
    %swap3A_1059 = arith.index_cast %swap3A_1058 : i32 to index
    %swap3A_1060 = arith.constant 16 : index
    %swap3A_1061 = tpu.vector_load %arg23[%swap3A_1059, %swap3A_1060] {strides = array<i32>} : memref<48x128xf32, #tpu.memory_space<vmem>>, vector<1x16xf32>,
    %swap3A_1062 = vector.shape_cast %swap3A_1061 : vector<1x16xf32> to vector<16xf32>
    %swap3A_1063 = vector.shape_cast %broadcast_in_dim3A_1057 : vector<16xf32> to vector<1x16xf32>
    tpu.vector_store %arg23[%swap3A_1059, %swap3A_1060], %swap3A_1063 {strides = array<i32>} : memref<48x128xf32, #tpu.memory_space<vmem>>, vector<1x16xf32>,
    %broadcast_in_dim3A_1064 = arith.constant 0.000000e+00 : f32
    %broadcast_in_dim3A_1065 = vector.broadcast %broadcast_in_dim3A_1064 : f32 to vector<16xf32>
    %swap3A_1066 = arith.constant 15 : i32
    %swap3A_1067 = arith.index_cast %swap3A_1066 : i32 to index
    %swap3A_1068 = arith.constant 32 : index
    %swap3A_1069 = tpu.vector_load %arg23[%swap3A_1067, %swap3A_1068] {strides = array<i32>} : memref<48x128xf32, #tpu.memory_space<vmem>>, vector<1x16xf32>,
    %swap3A_1070 = vector.shape_cast %swap3A_1069 : vector<1x16xf32> to vector<16xf32>
    %swap3A_1071 = vector.shape_cast %broadcast_in_dim3A_1065 : vector<16xf32> to vector<1x16xf32>
    tpu.vector_store %arg23[%swap3A_1067, %swap3A_1068], %swap3A_1071 {strides = array<i32>} : memref<48x128xf32, #tpu.memory_space<vmem>>, vector<1x16xf32>,
    %broadcast_in_dim3A_1072 = arith.constant 0.000000e+00 : f32
    %broadcast_in_dim3A_1073 = vector.broadcast %broadcast_in_dim3A_1072 : f32 to vector<16xf32>
    %swap3A_1074 = arith.constant 15 : i32
    %swap3A_1075 = arith.index_cast %swap3A_1074 : i32 to index
    %swap3A_1076 = arith.constant 48 : index
    %swap3A_1077 = tpu.vector_load %arg23[%swap3A_1075, %swap3A_1076] {strides = array<i32>} : memref<48x128xf32, #tpu.memory_space<vmem>>, vector<1x16xf32>,
    %swap3A_1078 = vector.shape_cast %swap3A_1077 : vector<1x16xf32> to vector<16xf32>
    %swap3A_1079 = vector.shape_cast %broadcast_in_dim3A_1073 : vector<16xf32> to vector<1x16xf32>
    tpu.vector_store %arg23[%swap3A_1075, %swap3A_1076], %swap3A_1079 {strides = array<i32>} : memref<48x128xf32, #tpu.memory_space<vmem>>, vector<1x16xf32>,
    %broadcast_in_dim3A_1080 = arith.constant 0.000000e+00 : f32
    %broadcast_in_dim3A_1081 = vector.broadcast %broadcast_in_dim3A_1080 : f32 to vector<16xf32>
    %swap3A_1082 = arith.constant 15 : i32
    %swap3A_1083 = arith.index_cast %swap3A_1082 : i32 to index
    %swap3A_1084 = arith.constant 64 : index
    %swap3A_1085 = tpu.vector_load %arg23[%swap3A_1083, %swap3A_1084] {strides = array<i32>} : memref<48x128xf32, #tpu.memory_space<vmem>>, vector<1x16xf32>,
    %swap3A_1086 = vector.shape_cast %swap3A_1085 : vector<1x16xf32> to vector<16xf32>
    %swap3A_1087 = vector.shape_cast %broadcast_in_dim3A_1081 : vector<16xf32> to vector<1x16xf32>
    tpu.vector_store %arg23[%swap3A_1083, %swap3A_1084], %swap3A_1087 {strides = array<i32>} : memref<48x128xf32, #tpu.memory_space<vmem>>, vector<1x16xf32>,
    %broadcast_in_dim3A_1088 = arith.constant 0.000000e+00 : f32
    %broadcast_in_dim3A_1089 = vector.broadcast %broadcast_in_dim3A_1088 : f32 to vector<16xf32>
    %swap3A_1090 = arith.constant 15 : i32
    %swap3A_1091 = arith.index_cast %swap3A_1090 : i32 to index
    %swap3A_1092 = arith.constant 80 : index
    %swap3A_1093 = tpu.vector_load %arg23[%swap3A_1091, %swap3A_1092] {strides = array<i32>} : memref<48x128xf32, #tpu.memory_space<vmem>>, vector<1x16xf32>,
    %swap3A_1094 = vector.shape_cast %swap3A_1093 : vector<1x16xf32> to vector<16xf32>
    %swap3A_1095 = vector.shape_cast %broadcast_in_dim3A_1089 : vector<16xf32> to vector<1x16xf32>
    tpu.vector_store %arg23[%swap3A_1091, %swap3A_1092], %swap3A_1095 {strides = array<i32>} : memref<48x128xf32, #tpu.memory_space<vmem>>, vector<1x16xf32>,
    %broadcast_in_dim3A_1096 = arith.constant 0.000000e+00 : f32
    %broadcast_in_dim3A_1097 = vector.broadcast %broadcast_in_dim3A_1096 : f32 to vector<16xf32>
    %swap3A_1098 = arith.constant 15 : i32
    %swap3A_1099 = arith.index_cast %swap3A_1098 : i32 to index
    %swap3A_1100 = arith.constant 96 : index
    %swap3A_1101 = tpu.vector_load %arg23[%swap3A_1099, %swap3A_1100] {strides = array<i32>} : memref<48x128xf32, #tpu.memory_space<vmem>>, vector<1x16xf32>,
    %swap3A_1102 = vector.shape_cast %swap3A_1101 : vector<1x16xf32> to vector<16xf32>
    %swap3A_1103 = vector.shape_cast %broadcast_in_dim3A_1097 : vector<16xf32> to vector<1x16xf32>
    tpu.vector_store %arg23[%swap3A_1099, %swap3A_1100], %swap3A_1103 {strides = array<i32>} : memref<48x128xf32, #tpu.memory_space<vmem>>, vector<1x16xf32>,
    %broadcast_in_dim3A_1104 = arith.constant 0.000000e+00 : f32
    %broadcast_in_dim3A_1105 = vector.broadcast %broadcast_in_dim3A_1104 : f32 to vector<16xf32>
    %swap3A_1106 = arith.constant 15 : i32
    %swap3A_1107 = arith.index_cast %swap3A_1106 : i32 to index
    %swap3A_1108 = arith.constant 112 : index
    %swap3A_1109 = tpu.vector_load %arg23[%swap3A_1107, %swap3A_1108] {strides = array<i32>} : memref<48x128xf32, #tpu.memory_space<vmem>>, vector<1x16xf32>,
    %swap3A_1110 = vector.shape_cast %swap3A_1109 : vector<1x16xf32> to vector<16xf32>
    %swap3A_1111 = vector.shape_cast %broadcast_in_dim3A_1105 : vector<16xf32> to vector<1x16xf32>
    tpu.vector_store %arg23[%swap3A_1107, %swap3A_1108], %swap3A_1111 {strides = array<i32>} : memref<48x128xf32, #tpu.memory_space<vmem>>, vector<1x16xf32>,
    %broadcast_in_dim3A_1112 = arith.constant 0.000000e+00 : f32
    %broadcast_in_dim3A_1113 = vector.broadcast %broadcast_in_dim3A_1112 : f32 to vector<16xf32>
    %swap3A_1114 = arith.constant 16 : i32
    %swap3A_1115 = arith.index_cast %swap3A_1114 : i32 to index
    %swap3A_1116 = arith.constant 0 : index
    %swap3A_1117 = tpu.vector_load %arg23[%swap3A_1115, %swap3A_1116] {strides = array<i32>} : memref<48x128xf32, #tpu.memory_space<vmem>>, vector<1x16xf32>,
    %swap3A_1118 = vector.shape_cast %swap3A_1117 : vector<1x16xf32> to vector<16xf32>
    %swap3A_1119 = vector.shape_cast %broadcast_in_dim3A_1113 : vector<16xf32> to vector<1x16xf32>
    tpu.vector_store %arg23[%swap3A_1115, %swap3A_1116], %swap3A_1119 {strides = array<i32>} : memref<48x128xf32, #tpu.memory_space<vmem>>, vector<1x16xf32>,
    %broadcast_in_dim3A_1120 = arith.constant 0.000000e+00 : f32
    %broadcast_in_dim3A_1121 = vector.broadcast %broadcast_in_dim3A_1120 : f32 to vector<16xf32>
    %swap3A_1122 = arith.constant 16 : i32
    %swap3A_1123 = arith.index_cast %swap3A_1122 : i32 to index
    %swap3A_1124 = arith.constant 16 : index
    %swap3A_1125 = tpu.vector_load %arg23[%swap3A_1123, %swap3A_1124] {strides = array<i32>} : memref<48x128xf32, #tpu.memory_space<vmem>>, vector<1x16xf32>,
    %swap3A_1126 = vector.shape_cast %swap3A_1125 : vector<1x16xf32> to vector<16xf32>
    %swap3A_1127 = vector.shape_cast %broadcast_in_dim3A_1121 : vector<16xf32> to vector<1x16xf32>
    tpu.vector_store %arg23[%swap3A_1123, %swap3A_1124], %swap3A_1127 {strides = array<i32>} : memref<48x128xf32, #tpu.memory_space<vmem>>, vector<1x16xf32>,
    %broadcast_in_dim3A_1128 = arith.constant 0.000000e+00 : f32
    %broadcast_in_dim3A_1129 = vector.broadcast %broadcast_in_dim3A_1128 : f32 to vector<16xf32>
    %swap3A_1130 = arith.constant 16 : i32
    %swap3A_1131 = arith.index_cast %swap3A_1130 : i32 to index
    %swap3A_1132 = arith.constant 32 : index
    %swap3A_1133 = tpu.vector_load %arg23[%swap3A_1131, %swap3A_1132] {strides = array<i32>} : memref<48x128xf32, #tpu.memory_space<vmem>>, vector<1x16xf32>,
    %swap3A_1134 = vector.shape_cast %swap3A_1133 : vector<1x16xf32> to vector<16xf32>
    %swap3A_1135 = vector.shape_cast %broadcast_in_dim3A_1129 : vector<16xf32> to vector<1x16xf32>
    tpu.vector_store %arg23[%swap3A_1131, %swap3A_1132], %swap3A_1135 {strides = array<i32>} : memref<48x128xf32, #tpu.memory_space<vmem>>, vector<1x16xf32>,
    %broadcast_in_dim3A_1136 = arith.constant 0.000000e+00 : f32
    %broadcast_in_dim3A_1137 = vector.broadcast %broadcast_in_dim3A_1136 : f32 to vector<16xf32>
    %swap3A_1138 = arith.constant 16 : i32
    %swap3A_1139 = arith.index_cast %swap3A_1138 : i32 to index
    %swap3A_1140 = arith.constant 48 : index
    %swap3A_1141 = tpu.vector_load %arg23[%swap3A_1139, %swap3A_1140] {strides = array<i32>} : memref<48x128xf32, #tpu.memory_space<vmem>>, vector<1x16xf32>,
    %swap3A_1142 = vector.shape_cast %swap3A_1141 : vector<1x16xf32> to vector<16xf32>
    %swap3A_1143 = vector.shape_cast %broadcast_in_dim3A_1137 : vector<16xf32> to vector<1x16xf32>
    tpu.vector_store %arg23[%swap3A_1139, %swap3A_1140], %swap3A_1143 {strides = array<i32>} : memref<48x128xf32, #tpu.memory_space<vmem>>, vector<1x16xf32>,
    %broadcast_in_dim3A_1144 = arith.constant 0.000000e+00 : f32
    %broadcast_in_dim3A_1145 = vector.broadcast %broadcast_in_dim3A_1144 : f32 to vector<16xf32>
    %swap3A_1146 = arith.constant 16 : i32
    %swap3A_1147 = arith.index_cast %swap3A_1146 : i32 to index
    %swap3A_1148 = arith.constant 64 : index
    %swap3A_1149 = tpu.vector_load %arg23[%swap3A_1147, %swap3A_1148] {strides = array<i32>} : memref<48x128xf32, #tpu.memory_space<vmem>>, vector<1x16xf32>,
    %swap3A_1150 = vector.shape_cast %swap3A_1149 : vector<1x16xf32> to vector<16xf32>
    %swap3A_1151 = vector.shape_cast %broadcast_in_dim3A_1145 : vector<16xf32> to vector<1x16xf32>
    tpu.vector_store %arg23[%swap3A_1147, %swap3A_1148], %swap3A_1151 {strides = array<i32>} : memref<48x128xf32, #tpu.memory_space<vmem>>, vector<1x16xf32>,
    %broadcast_in_dim3A_1152 = arith.constant 0.000000e+00 : f32
    %broadcast_in_dim3A_1153 = vector.broadcast %broadcast_in_dim3A_1152 : f32 to vector<16xf32>
    %swap3A_1154 = arith.constant 16 : i32
    %swap3A_1155 = arith.index_cast %swap3A_1154 : i32 to index
    %swap3A_1156 = arith.constant 80 : index
    %swap3A_1157 = tpu.vector_load %arg23[%swap3A_1155, %swap3A_1156] {strides = array<i32>} : memref<48x128xf32, #tpu.memory_space<vmem>>, vector<1x16xf32>,
    %swap3A_1158 = vector.shape_cast %swap3A_1157 : vector<1x16xf32> to vector<16xf32>
    %swap3A_1159 = vector.shape_cast %broadcast_in_dim3A_1153 : vector<16xf32> to vector<1x16xf32>
    tpu.vector_store %arg23[%swap3A_1155, %swap3A_1156], %swap3A_1159 {strides = array<i32>} : memref<48x128xf32, #tpu.memory_space<vmem>>, vector<1x16xf32>,
    %broadcast_in_dim3A_1160 = arith.constant 0.000000e+00 : f32
    %broadcast_in_dim3A_1161 = vector.broadcast %broadcast_in_dim3A_1160 : f32 to vector<16xf32>
    %swap3A_1162 = arith.constant 16 : i32
    %swap3A_1163 = arith.index_cast %swap3A_1162 : i32 to index
    %swap3A_1164 = arith.constant 96 : index
    %swap3A_1165 = tpu.vector_load %arg23[%swap3A_1163, %swap3A_1164] {strides = array<i32>} : memref<48x128xf32, #tpu.memory_space<vmem>>, vector<1x16xf32>,
    %swap3A_1166 = vector.shape_cast %swap3A_1165 : vector<1x16xf32> to vector<16xf32>
    %swap3A_1167 = vector.shape_cast %broadcast_in_dim3A_1161 : vector<16xf32> to vector<1x16xf32>
    tpu.vector_store %arg23[%swap3A_1163, %swap3A_1164], %swap3A_1167 {strides = array<i32>} : memref<48x128xf32, #tpu.memory_space<vmem>>, vector<1x16xf32>,
    %broadcast_in_dim3A_1168 = arith.constant 0.000000e+00 : f32
    %broadcast_in_dim3A_1169 = vector.broadcast %broadcast_in_dim3A_1168 : f32 to vector<16xf32>
    %swap3A_1170 = arith.constant 16 : i32
    %swap3A_1171 = arith.index_cast %swap3A_1170 : i32 to index
    %swap3A_1172 = arith.constant 112 : index
    %swap3A_1173 = tpu.vector_load %arg23[%swap3A_1171, %swap3A_1172] {strides = array<i32>} : memref<48x128xf32, #tpu.memory_space<vmem>>, vector<1x16xf32>,
    %swap3A_1174 = vector.shape_cast %swap3A_1173 : vector<1x16xf32> to vector<16xf32>
    %swap3A_1175 = vector.shape_cast %broadcast_in_dim3A_1169 : vector<16xf32> to vector<1x16xf32>
    tpu.vector_store %arg23[%swap3A_1171, %swap3A_1172], %swap3A_1175 {strides = array<i32>} : memref<48x128xf32, #tpu.memory_space<vmem>>, vector<1x16xf32>,
    %broadcast_in_dim3A_1176 = arith.constant 0.000000e+00 : f32
    %broadcast_in_dim3A_1177 = vector.broadcast %broadcast_in_dim3A_1176 : f32 to vector<16xf32>
    %swap3A_1178 = arith.constant 17 : i32
    %swap3A_1179 = arith.index_cast %swap3A_1178 : i32 to index
    %swap3A_1180 = arith.constant 0 : index
    %swap3A_1181 = tpu.vector_load %arg23[%swap3A_1179, %swap3A_1180] {strides = array<i32>} : memref<48x128xf32, #tpu.memory_space<vmem>>, vector<1x16xf32>,
    %swap3A_1182 = vector.shape_cast %swap3A_1181 : vector<1x16xf32> to vector<16xf32>
    %swap3A_1183 = vector.shape_cast %broadcast_in_dim3A_1177 : vector<16xf32> to vector<1x16xf32>
    tpu.vector_store %arg23[%swap3A_1179, %swap3A_1180], %swap3A_1183 {strides = array<i32>} : memref<48x128xf32, #tpu.memory_space<vmem>>, vector<1x16xf32>,
    %broadcast_in_dim3A_1184 = arith.constant 0.000000e+00 : f32
    %broadcast_in_dim3A_1185 = vector.broadcast %broadcast_in_dim3A_1184 : f32 to vector<16xf32>
    %swap3A_1186 = arith.constant 17 : i32
    %swap3A_1187 = arith.index_cast %swap3A_1186 : i32 to index
    %swap3A_1188 = arith.constant 16 : index
    %swap3A_1189 = tpu.vector_load %arg23[%swap3A_1187, %swap3A_1188] {strides = array<i32>} : memref<48x128xf32, #tpu.memory_space<vmem>>, vector<1x16xf32>,
    %swap3A_1190 = vector.shape_cast %swap3A_1189 : vector<1x16xf32> to vector<16xf32>
    %swap3A_1191 = vector.shape_cast %broadcast_in_dim3A_1185 : vector<16xf32> to vector<1x16xf32>
    tpu.vector_store %arg23[%swap3A_1187, %swap3A_1188], %swap3A_1191 {strides = array<i32>} : memref<48x128xf32, #tpu.memory_space<vmem>>, vector<1x16xf32>,
    %broadcast_in_dim3A_1192 = arith.constant 0.000000e+00 : f32
    %broadcast_in_dim3A_1193 = vector.broadcast %broadcast_in_dim3A_1192 : f32 to vector<16xf32>
    %swap3A_1194 = arith.constant 17 : i32
    %swap3A_1195 = arith.index_cast %swap3A_1194 : i32 to index
    %swap3A_1196 = arith.constant 32 : index
    %swap3A_1197 = tpu.vector_load %arg23[%swap3A_1195, %swap3A_1196] {strides = array<i32>} : memref<48x128xf32, #tpu.memory_space<vmem>>, vector<1x16xf32>,
    %swap3A_1198 = vector.shape_cast %swap3A_1197 : vector<1x16xf32> to vector<16xf32>
    %swap3A_1199 = vector.shape_cast %broadcast_in_dim3A_1193 : vector<16xf32> to vector<1x16xf32>
    tpu.vector_store %arg23[%swap3A_1195, %swap3A_1196], %swap3A_1199 {strides = array<i32>} : memref<48x128xf32, #tpu.memory_space<vmem>>, vector<1x16xf32>,
    %broadcast_in_dim3A_1200 = arith.constant 0.000000e+00 : f32
    %broadcast_in_dim3A_1201 = vector.broadcast %broadcast_in_dim3A_1200 : f32 to vector<16xf32>
    %swap3A_1202 = arith.constant 17 : i32
    %swap3A_1203 = arith.index_cast %swap3A_1202 : i32 to index
    %swap3A_1204 = arith.constant 48 : index
    %swap3A_1205 = tpu.vector_load %arg23[%swap3A_1203, %swap3A_1204] {strides = array<i32>} : memref<48x128xf32, #tpu.memory_space<vmem>>, vector<1x16xf32>,
    %swap3A_1206 = vector.shape_cast %swap3A_1205 : vector<1x16xf32> to vector<16xf32>
    %swap3A_1207 = vector.shape_cast %broadcast_in_dim3A_1201 : vector<16xf32> to vector<1x16xf32>
    tpu.vector_store %arg23[%swap3A_1203, %swap3A_1204], %swap3A_1207 {strides = array<i32>} : memref<48x128xf32, #tpu.memory_space<vmem>>, vector<1x16xf32>,
    %broadcast_in_dim3A_1208 = arith.constant 0.000000e+00 : f32
    %broadcast_in_dim3A_1209 = vector.broadcast %broadcast_in_dim3A_1208 : f32 to vector<16xf32>
    %swap3A_1210 = arith.constant 17 : i32
    %swap3A_1211 = arith.index_cast %swap3A_1210 : i32 to index
    %swap3A_1212 = arith.constant 64 : index
    %swap3A_1213 = tpu.vector_load %arg23[%swap3A_1211, %swap3A_1212] {strides = array<i32>} : memref<48x128xf32, #tpu.memory_space<vmem>>, vector<1x16xf32>,
    %swap3A_1214 = vector.shape_cast %swap3A_1213 : vector<1x16xf32> to vector<16xf32>
    %swap3A_1215 = vector.shape_cast %broadcast_in_dim3A_1209 : vector<16xf32> to vector<1x16xf32>
    tpu.vector_store %arg23[%swap3A_1211, %swap3A_1212], %swap3A_1215 {strides = array<i32>} : memref<48x128xf32, #tpu.memory_space<vmem>>, vector<1x16xf32>,
    %broadcast_in_dim3A_1216 = arith.constant 0.000000e+00 : f32
    %broadcast_in_dim3A_1217 = vector.broadcast %broadcast_in_dim3A_1216 : f32 to vector<16xf32>
    %swap3A_1218 = arith.constant 17 : i32
    %swap3A_1219 = arith.index_cast %swap3A_1218 : i32 to index
    %swap3A_1220 = arith.constant 80 : index
    %swap3A_1221 = tpu.vector_load %arg23[%swap3A_1219, %swap3A_1220] {strides = array<i32>} : memref<48x128xf32, #tpu.memory_space<vmem>>, vector<1x16xf32>,
    %swap3A_1222 = vector.shape_cast %swap3A_1221 : vector<1x16xf32> to vector<16xf32>
    %swap3A_1223 = vector.shape_cast %broadcast_in_dim3A_1217 : vector<16xf32> to vector<1x16xf32>
    tpu.vector_store %arg23[%swap3A_1219, %swap3A_1220], %swap3A_1223 {strides = array<i32>} : memref<48x128xf32, #tpu.memory_space<vmem>>, vector<1x16xf32>,
    %broadcast_in_dim3A_1224 = arith.constant 0.000000e+00 : f32
    %broadcast_in_dim3A_1225 = vector.broadcast %broadcast_in_dim3A_1224 : f32 to vector<16xf32>
    %swap3A_1226 = arith.constant 17 : i32
    %swap3A_1227 = arith.index_cast %swap3A_1226 : i32 to index
    %swap3A_1228 = arith.constant 96 : index
    %swap3A_1229 = tpu.vector_load %arg23[%swap3A_1227, %swap3A_1228] {strides = array<i32>} : memref<48x128xf32, #tpu.memory_space<vmem>>, vector<1x16xf32>,
    %swap3A_1230 = vector.shape_cast %swap3A_1229 : vector<1x16xf32> to vector<16xf32>
    %swap3A_1231 = vector.shape_cast %broadcast_in_dim3A_1225 : vector<16xf32> to vector<1x16xf32>
    tpu.vector_store %arg23[%swap3A_1227, %swap3A_1228], %swap3A_1231 {strides = array<i32>} : memref<48x128xf32, #tpu.memory_space<vmem>>, vector<1x16xf32>,
    %broadcast_in_dim3A_1232 = arith.constant 0.000000e+00 : f32
    %broadcast_in_dim3A_1233 = vector.broadcast %broadcast_in_dim3A_1232 : f32 to vector<16xf32>
    %swap3A_1234 = arith.constant 17 : i32
    %swap3A_1235 = arith.index_cast %swap3A_1234 : i32 to index
    %swap3A_1236 = arith.constant 112 : index
    %swap3A_1237 = tpu.vector_load %arg23[%swap3A_1235, %swap3A_1236] {strides = array<i32>} : memref<48x128xf32, #tpu.memory_space<vmem>>, vector<1x16xf32>,
    %swap3A_1238 = vector.shape_cast %swap3A_1237 : vector<1x16xf32> to vector<16xf32>
    %swap3A_1239 = vector.shape_cast %broadcast_in_dim3A_1233 : vector<16xf32> to vector<1x16xf32>
    tpu.vector_store %arg23[%swap3A_1235, %swap3A_1236], %swap3A_1239 {strides = array<i32>} : memref<48x128xf32, #tpu.memory_space<vmem>>, vector<1x16xf32>,
    %broadcast_in_dim3A_1240 = arith.constant 0.000000e+00 : f32
    %broadcast_in_dim3A_1241 = vector.broadcast %broadcast_in_dim3A_1240 : f32 to vector<16xf32>
    %swap3A_1242 = arith.constant 18 : i32
    %swap3A_1243 = arith.index_cast %swap3A_1242 : i32 to index
    %swap3A_1244 = arith.constant 0 : index
    %swap3A_1245 = tpu.vector_load %arg23[%swap3A_1243, %swap3A_1244] {strides = array<i32>} : memref<48x128xf32, #tpu.memory_space<vmem>>, vector<1x16xf32>,
    %swap3A_1246 = vector.shape_cast %swap3A_1245 : vector<1x16xf32> to vector<16xf32>
    %swap3A_1247 = vector.shape_cast %broadcast_in_dim3A_1241 : vector<16xf32> to vector<1x16xf32>
    tpu.vector_store %arg23[%swap3A_1243, %swap3A_1244], %swap3A_1247 {strides = array<i32>} : memref<48x128xf32, #tpu.memory_space<vmem>>, vector<1x16xf32>,
    %broadcast_in_dim3A_1248 = arith.constant 0.000000e+00 : f32
    %broadcast_in_dim3A_1249 = vector.broadcast %broadcast_in_dim3A_1248 : f32 to vector<16xf32>
    %swap3A_1250 = arith.constant 18 : i32
    %swap3A_1251 = arith.index_cast %swap3A_1250 : i32 to index
    %swap3A_1252 = arith.constant 16 : index
    %swap3A_1253 = tpu.vector_load %arg23[%swap3A_1251, %swap3A_1252] {strides = array<i32>} : memref<48x128xf32, #tpu.memory_space<vmem>>, vector<1x16xf32>,
    %swap3A_1254 = vector.shape_cast %swap3A_1253 : vector<1x16xf32> to vector<16xf32>
    %swap3A_1255 = vector.shape_cast %broadcast_in_dim3A_1249 : vector<16xf32> to vector<1x16xf32>
    tpu.vector_store %arg23[%swap3A_1251, %swap3A_1252], %swap3A_1255 {strides = array<i32>} : memref<48x128xf32, #tpu.memory_space<vmem>>, vector<1x16xf32>,
    %broadcast_in_dim3A_1256 = arith.constant 0.000000e+00 : f32
    %broadcast_in_dim3A_1257 = vector.broadcast %broadcast_in_dim3A_1256 : f32 to vector<16xf32>
    %swap3A_1258 = arith.constant 18 : i32
    %swap3A_1259 = arith.index_cast %swap3A_1258 : i32 to index
    %swap3A_1260 = arith.constant 32 : index
    %swap3A_1261 = tpu.vector_load %arg23[%swap3A_1259, %swap3A_1260] {strides = array<i32>} : memref<48x128xf32, #tpu.memory_space<vmem>>, vector<1x16xf32>,
    %swap3A_1262 = vector.shape_cast %swap3A_1261 : vector<1x16xf32> to vector<16xf32>
    %swap3A_1263 = vector.shape_cast %broadcast_in_dim3A_1257 : vector<16xf32> to vector<1x16xf32>
    tpu.vector_store %arg23[%swap3A_1259, %swap3A_1260], %swap3A_1263 {strides = array<i32>} : memref<48x128xf32, #tpu.memory_space<vmem>>, vector<1x16xf32>,
    %broadcast_in_dim3A_1264 = arith.constant 0.000000e+00 : f32
    %broadcast_in_dim3A_1265 = vector.broadcast %broadcast_in_dim3A_1264 : f32 to vector<16xf32>
    %swap3A_1266 = arith.constant 18 : i32
    %swap3A_1267 = arith.index_cast %swap3A_1266 : i32 to index
    %swap3A_1268 = arith.constant 48 : index
    %swap3A_1269 = tpu.vector_load %arg23[%swap3A_1267, %swap3A_1268] {strides = array<i32>} : memref<48x128xf32, #tpu.memory_space<vmem>>, vector<1x16xf32>,
    %swap3A_1270 = vector.shape_cast %swap3A_1269 : vector<1x16xf32> to vector<16xf32>
    %swap3A_1271 = vector.shape_cast %broadcast_in_dim3A_1265 : vector<16xf32> to vector<1x16xf32>
    tpu.vector_store %arg23[%swap3A_1267, %swap3A_1268], %swap3A_1271 {strides = array<i32>} : memref<48x128xf32, #tpu.memory_space<vmem>>, vector<1x16xf32>,
    %broadcast_in_dim3A_1272 = arith.constant 0.000000e+00 : f32
    %broadcast_in_dim3A_1273 = vector.broadcast %broadcast_in_dim3A_1272 : f32 to vector<16xf32>
    %swap3A_1274 = arith.constant 18 : i32
    %swap3A_1275 = arith.index_cast %swap3A_1274 : i32 to index
    %swap3A_1276 = arith.constant 64 : index
    %swap3A_1277 = tpu.vector_load %arg23[%swap3A_1275, %swap3A_1276] {strides = array<i32>} : memref<48x128xf32, #tpu.memory_space<vmem>>, vector<1x16xf32>,
    %swap3A_1278 = vector.shape_cast %swap3A_1277 : vector<1x16xf32> to vector<16xf32>
    %swap3A_1279 = vector.shape_cast %broadcast_in_dim3A_1273 : vector<16xf32> to vector<1x16xf32>
    tpu.vector_store %arg23[%swap3A_1275, %swap3A_1276], %swap3A_1279 {strides = array<i32>} : memref<48x128xf32, #tpu.memory_space<vmem>>, vector<1x16xf32>,
    %broadcast_in_dim3A_1280 = arith.constant 0.000000e+00 : f32
    %broadcast_in_dim3A_1281 = vector.broadcast %broadcast_in_dim3A_1280 : f32 to vector<16xf32>
    %swap3A_1282 = arith.constant 18 : i32
    %swap3A_1283 = arith.index_cast %swap3A_1282 : i32 to index
    %swap3A_1284 = arith.constant 80 : index
    %swap3A_1285 = tpu.vector_load %arg23[%swap3A_1283, %swap3A_1284] {strides = array<i32>} : memref<48x128xf32, #tpu.memory_space<vmem>>, vector<1x16xf32>,
    %swap3A_1286 = vector.shape_cast %swap3A_1285 : vector<1x16xf32> to vector<16xf32>
    %swap3A_1287 = vector.shape_cast %broadcast_in_dim3A_1281 : vector<16xf32> to vector<1x16xf32>
    tpu.vector_store %arg23[%swap3A_1283, %swap3A_1284], %swap3A_1287 {strides = array<i32>} : memref<48x128xf32, #tpu.memory_space<vmem>>, vector<1x16xf32>,
    %broadcast_in_dim3A_1288 = arith.constant 0.000000e+00 : f32
    %broadcast_in_dim3A_1289 = vector.broadcast %broadcast_in_dim3A_1288 : f32 to vector<16xf32>
    %swap3A_1290 = arith.constant 18 : i32
    %swap3A_1291 = arith.index_cast %swap3A_1290 : i32 to index
    %swap3A_1292 = arith.constant 96 : index
    %swap3A_1293 = tpu.vector_load %arg23[%swap3A_1291, %swap3A_1292] {strides = array<i32>} : memref<48x128xf32, #tpu.memory_space<vmem>>, vector<1x16xf32>,
    %swap3A_1294 = vector.shape_cast %swap3A_1293 : vector<1x16xf32> to vector<16xf32>
    %swap3A_1295 = vector.shape_cast %broadcast_in_dim3A_1289 : vector<16xf32> to vector<1x16xf32>
    tpu.vector_store %arg23[%swap3A_1291, %swap3A_1292], %swap3A_1295 {strides = array<i32>} : memref<48x128xf32, #tpu.memory_space<vmem>>, vector<1x16xf32>,
    %broadcast_in_dim3A_1296 = arith.constant 0.000000e+00 : f32
    %broadcast_in_dim3A_1297 = vector.broadcast %broadcast_in_dim3A_1296 : f32 to vector<16xf32>
    %swap3A_1298 = arith.constant 18 : i32
    %swap3A_1299 = arith.index_cast %swap3A_1298 : i32 to index
    %swap3A_1300 = arith.constant 112 : index
    %swap3A_1301 = tpu.vector_load %arg23[%swap3A_1299, %swap3A_1300] {strides = array<i32>} : memref<48x128xf32, #tpu.memory_space<vmem>>, vector<1x16xf32>,
    %swap3A_1302 = vector.shape_cast %swap3A_1301 : vector<1x16xf32> to vector<16xf32>
    %swap3A_1303 = vector.shape_cast %broadcast_in_dim3A_1297 : vector<16xf32> to vector<1x16xf32>
    tpu.vector_store %arg23[%swap3A_1299, %swap3A_1300], %swap3A_1303 {strides = array<i32>} : memref<48x128xf32, #tpu.memory_space<vmem>>, vector<1x16xf32>,
    %broadcast_in_dim3A_1304 = arith.constant 0.000000e+00 : f32
    %broadcast_in_dim3A_1305 = vector.broadcast %broadcast_in_dim3A_1304 : f32 to vector<16xf32>
    %swap3A_1306 = arith.constant 19 : i32
    %swap3A_1307 = arith.index_cast %swap3A_1306 : i32 to index
    %swap3A_1308 = arith.constant 0 : index
    %swap3A_1309 = tpu.vector_load %arg23[%swap3A_1307, %swap3A_1308] {strides = array<i32>} : memref<48x128xf32, #tpu.memory_space<vmem>>, vector<1x16xf32>,
    %swap3A_1310 = vector.shape_cast %swap3A_1309 : vector<1x16xf32> to vector<16xf32>
    %swap3A_1311 = vector.shape_cast %broadcast_in_dim3A_1305 : vector<16xf32> to vector<1x16xf32>
    tpu.vector_store %arg23[%swap3A_1307, %swap3A_1308], %swap3A_1311 {strides = array<i32>} : memref<48x128xf32, #tpu.memory_space<vmem>>, vector<1x16xf32>,
    %broadcast_in_dim3A_1312 = arith.constant 0.000000e+00 : f32
    %broadcast_in_dim3A_1313 = vector.broadcast %broadcast_in_dim3A_1312 : f32 to vector<16xf32>
    %swap3A_1314 = arith.constant 19 : i32
    %swap3A_1315 = arith.index_cast %swap3A_1314 : i32 to index
    %swap3A_1316 = arith.constant 16 : index
    %swap3A_1317 = tpu.vector_load %arg23[%swap3A_1315, %swap3A_1316] {strides = array<i32>} : memref<48x128xf32, #tpu.memory_space<vmem>>, vector<1x16xf32>,
    %swap3A_1318 = vector.shape_cast %swap3A_1317 : vector<1x16xf32> to vector<16xf32>
    %swap3A_1319 = vector.shape_cast %broadcast_in_dim3A_1313 : vector<16xf32> to vector<1x16xf32>
    tpu.vector_store %arg23[%swap3A_1315, %swap3A_1316], %swap3A_1319 {strides = array<i32>} : memref<48x128xf32, #tpu.memory_space<vmem>>, vector<1x16xf32>,
    %broadcast_in_dim3A_1320 = arith.constant 0.000000e+00 : f32
    %broadcast_in_dim3A_1321 = vector.broadcast %broadcast_in_dim3A_1320 : f32 to vector<16xf32>
    %swap3A_1322 = arith.constant 19 : i32
    %swap3A_1323 = arith.index_cast %swap3A_1322 : i32 to index
    %swap3A_1324 = arith.constant 32 : index
    %swap3A_1325 = tpu.vector_load %arg23[%swap3A_1323, %swap3A_1324] {strides = array<i32>} : memref<48x128xf32, #tpu.memory_space<vmem>>, vector<1x16xf32>,
    %swap3A_1326 = vector.shape_cast %swap3A_1325 : vector<1x16xf32> to vector<16xf32>
    %swap3A_1327 = vector.shape_cast %broadcast_in_dim3A_1321 : vector<16xf32> to vector<1x16xf32>
    tpu.vector_store %arg23[%swap3A_1323, %swap3A_1324], %swap3A_1327 {strides = array<i32>} : memref<48x128xf32, #tpu.memory_space<vmem>>, vector<1x16xf32>,
    %broadcast_in_dim3A_1328 = arith.constant 0.000000e+00 : f32
    %broadcast_in_dim3A_1329 = vector.broadcast %broadcast_in_dim3A_1328 : f32 to vector<16xf32>
    %swap3A_1330 = arith.constant 19 : i32
    %swap3A_1331 = arith.index_cast %swap3A_1330 : i32 to index
    %swap3A_1332 = arith.constant 48 : index
    %swap3A_1333 = tpu.vector_load %arg23[%swap3A_1331, %swap3A_1332] {strides = array<i32>} : memref<48x128xf32, #tpu.memory_space<vmem>>, vector<1x16xf32>,
    %swap3A_1334 = vector.shape_cast %swap3A_1333 : vector<1x16xf32> to vector<16xf32>
    %swap3A_1335 = vector.shape_cast %broadcast_in_dim3A_1329 : vector<16xf32> to vector<1x16xf32>
    tpu.vector_store %arg23[%swap3A_1331, %swap3A_1332], %swap3A_1335 {strides = array<i32>} : memref<48x128xf32, #tpu.memory_space<vmem>>, vector<1x16xf32>,
    %broadcast_in_dim3A_1336 = arith.constant 0.000000e+00 : f32
    %broadcast_in_dim3A_1337 = vector.broadcast %broadcast_in_dim3A_1336 : f32 to vector<16xf32>
    %swap3A_1338 = arith.constant 19 : i32
    %swap3A_1339 = arith.index_cast %swap3A_1338 : i32 to index
    %swap3A_1340 = arith.constant 64 : index
    %swap3A_1341 = tpu.vector_load %arg23[%swap3A_1339, %swap3A_1340] {strides = array<i32>} : memref<48x128xf32, #tpu.memory_space<vmem>>, vector<1x16xf32>,
    %swap3A_1342 = vector.shape_cast %swap3A_1341 : vector<1x16xf32> to vector<16xf32>
    %swap3A_1343 = vector.shape_cast %broadcast_in_dim3A_1337 : vector<16xf32> to vector<1x16xf32>
    tpu.vector_store %arg23[%swap3A_1339, %swap3A_1340], %swap3A_1343 {strides = array<i32>} : memref<48x128xf32, #tpu.memory_space<vmem>>, vector<1x16xf32>,
    %broadcast_in_dim3A_1344 = arith.constant 0.000000e+00 : f32
    %broadcast_in_dim3A_1345 = vector.broadcast %broadcast_in_dim3A_1344 : f32 to vector<16xf32>
    %swap3A_1346 = arith.constant 19 : i32
    %swap3A_1347 = arith.index_cast %swap3A_1346 : i32 to index
    %swap3A_1348 = arith.constant 80 : index
    %swap3A_1349 = tpu.vector_load %arg23[%swap3A_1347, %swap3A_1348] {strides = array<i32>} : memref<48x128xf32, #tpu.memory_space<vmem>>, vector<1x16xf32>,
    %swap3A_1350 = vector.shape_cast %swap3A_1349 : vector<1x16xf32> to vector<16xf32>
    %swap3A_1351 = vector.shape_cast %broadcast_in_dim3A_1345 : vector<16xf32> to vector<1x16xf32>
    tpu.vector_store %arg23[%swap3A_1347, %swap3A_1348], %swap3A_1351 {strides = array<i32>} : memref<48x128xf32, #tpu.memory_space<vmem>>, vector<1x16xf32>,
    %broadcast_in_dim3A_1352 = arith.constant 0.000000e+00 : f32
    %broadcast_in_dim3A_1353 = vector.broadcast %broadcast_in_dim3A_1352 : f32 to vector<16xf32>
    %swap3A_1354 = arith.constant 19 : i32
    %swap3A_1355 = arith.index_cast %swap3A_1354 : i32 to index
    %swap3A_1356 = arith.constant 96 : index
    %swap3A_1357 = tpu.vector_load %arg23[%swap3A_1355, %swap3A_1356] {strides = array<i32>} : memref<48x128xf32, #tpu.memory_space<vmem>>, vector<1x16xf32>,
    %swap3A_1358 = vector.shape_cast %swap3A_1357 : vector<1x16xf32> to vector<16xf32>
    %swap3A_1359 = vector.shape_cast %broadcast_in_dim3A_1353 : vector<16xf32> to vector<1x16xf32>
    tpu.vector_store %arg23[%swap3A_1355, %swap3A_1356], %swap3A_1359 {strides = array<i32>} : memref<48x128xf32, #tpu.memory_space<vmem>>, vector<1x16xf32>,
    %broadcast_in_dim3A_1360 = arith.constant 0.000000e+00 : f32
    %broadcast_in_dim3A_1361 = vector.broadcast %broadcast_in_dim3A_1360 : f32 to vector<16xf32>
    %swap3A_1362 = arith.constant 19 : i32
    %swap3A_1363 = arith.index_cast %swap3A_1362 : i32 to index
    %swap3A_1364 = arith.constant 112 : index
    %swap3A_1365 = tpu.vector_load %arg23[%swap3A_1363, %swap3A_1364] {strides = array<i32>} : memref<48x128xf32, #tpu.memory_space<vmem>>, vector<1x16xf32>,
    %swap3A_1366 = vector.shape_cast %swap3A_1365 : vector<1x16xf32> to vector<16xf32>
    %swap3A_1367 = vector.shape_cast %broadcast_in_dim3A_1361 : vector<16xf32> to vector<1x16xf32>
    tpu.vector_store %arg23[%swap3A_1363, %swap3A_1364], %swap3A_1367 {strides = array<i32>} : memref<48x128xf32, #tpu.memory_space<vmem>>, vector<1x16xf32>,
    %broadcast_in_dim3A_1368 = arith.constant 0.000000e+00 : f32
    %broadcast_in_dim3A_1369 = vector.broadcast %broadcast_in_dim3A_1368 : f32 to vector<16xf32>
    %swap3A_1370 = arith.constant 20 : i32
    %swap3A_1371 = arith.index_cast %swap3A_1370 : i32 to index
    %swap3A_1372 = arith.constant 0 : index
    %swap3A_1373 = tpu.vector_load %arg23[%swap3A_1371, %swap3A_1372] {strides = array<i32>} : memref<48x128xf32, #tpu.memory_space<vmem>>, vector<1x16xf32>,
    %swap3A_1374 = vector.shape_cast %swap3A_1373 : vector<1x16xf32> to vector<16xf32>
    %swap3A_1375 = vector.shape_cast %broadcast_in_dim3A_1369 : vector<16xf32> to vector<1x16xf32>
    tpu.vector_store %arg23[%swap3A_1371, %swap3A_1372], %swap3A_1375 {strides = array<i32>} : memref<48x128xf32, #tpu.memory_space<vmem>>, vector<1x16xf32>,
    %broadcast_in_dim3A_1376 = arith.constant 0.000000e+00 : f32
    %broadcast_in_dim3A_1377 = vector.broadcast %broadcast_in_dim3A_1376 : f32 to vector<16xf32>
    %swap3A_1378 = arith.constant 20 : i32
    %swap3A_1379 = arith.index_cast %swap3A_1378 : i32 to index
    %swap3A_1380 = arith.constant 16 : index
    %swap3A_1381 = tpu.vector_load %arg23[%swap3A_1379, %swap3A_1380] {strides = array<i32>} : memref<48x128xf32, #tpu.memory_space<vmem>>, vector<1x16xf32>,
    %swap3A_1382 = vector.shape_cast %swap3A_1381 : vector<1x16xf32> to vector<16xf32>
    %swap3A_1383 = vector.shape_cast %broadcast_in_dim3A_1377 : vector<16xf32> to vector<1x16xf32>
    tpu.vector_store %arg23[%swap3A_1379, %swap3A_1380], %swap3A_1383 {strides = array<i32>} : memref<48x128xf32, #tpu.memory_space<vmem>>, vector<1x16xf32>,
    %broadcast_in_dim3A_1384 = arith.constant 0.000000e+00 : f32
    %broadcast_in_dim3A_1385 = vector.broadcast %broadcast_in_dim3A_1384 : f32 to vector<16xf32>
    %swap3A_1386 = arith.constant 20 : i32
    %swap3A_1387 = arith.index_cast %swap3A_1386 : i32 to index
    %swap3A_1388 = arith.constant 32 : index
    %swap3A_1389 = tpu.vector_load %arg23[%swap3A_1387, %swap3A_1388] {strides = array<i32>} : memref<48x128xf32, #tpu.memory_space<vmem>>, vector<1x16xf32>,
    %swap3A_1390 = vector.shape_cast %swap3A_1389 : vector<1x16xf32> to vector<16xf32>
    %swap3A_1391 = vector.shape_cast %broadcast_in_dim3A_1385 : vector<16xf32> to vector<1x16xf32>
    tpu.vector_store %arg23[%swap3A_1387, %swap3A_1388], %swap3A_1391 {strides = array<i32>} : memref<48x128xf32, #tpu.memory_space<vmem>>, vector<1x16xf32>,
    %broadcast_in_dim3A_1392 = arith.constant 0.000000e+00 : f32
    %broadcast_in_dim3A_1393 = vector.broadcast %broadcast_in_dim3A_1392 : f32 to vector<16xf32>
    %swap3A_1394 = arith.constant 20 : i32
    %swap3A_1395 = arith.index_cast %swap3A_1394 : i32 to index
    %swap3A_1396 = arith.constant 48 : index
    %swap3A_1397 = tpu.vector_load %arg23[%swap3A_1395, %swap3A_1396] {strides = array<i32>} : memref<48x128xf32, #tpu.memory_space<vmem>>, vector<1x16xf32>,
    %swap3A_1398 = vector.shape_cast %swap3A_1397 : vector<1x16xf32> to vector<16xf32>
    %swap3A_1399 = vector.shape_cast %broadcast_in_dim3A_1393 : vector<16xf32> to vector<1x16xf32>
    tpu.vector_store %arg23[%swap3A_1395, %swap3A_1396], %swap3A_1399 {strides = array<i32>} : memref<48x128xf32, #tpu.memory_space<vmem>>, vector<1x16xf32>,
    %broadcast_in_dim3A_1400 = arith.constant 0.000000e+00 : f32
    %broadcast_in_dim3A_1401 = vector.broadcast %broadcast_in_dim3A_1400 : f32 to vector<16xf32>
    %swap3A_1402 = arith.constant 20 : i32
    %swap3A_1403 = arith.index_cast %swap3A_1402 : i32 to index
    %swap3A_1404 = arith.constant 64 : index
    %swap3A_1405 = tpu.vector_load %arg23[%swap3A_1403, %swap3A_1404] {strides = array<i32>} : memref<48x128xf32, #tpu.memory_space<vmem>>, vector<1x16xf32>,
    %swap3A_1406 = vector.shape_cast %swap3A_1405 : vector<1x16xf32> to vector<16xf32>
    %swap3A_1407 = vector.shape_cast %broadcast_in_dim3A_1401 : vector<16xf32> to vector<1x16xf32>
    tpu.vector_store %arg23[%swap3A_1403, %swap3A_1404], %swap3A_1407 {strides = array<i32>} : memref<48x128xf32, #tpu.memory_space<vmem>>, vector<1x16xf32>,
    %broadcast_in_dim3A_1408 = arith.constant 0.000000e+00 : f32
    %broadcast_in_dim3A_1409 = vector.broadcast %broadcast_in_dim3A_1408 : f32 to vector<16xf32>
    %swap3A_1410 = arith.constant 20 : i32
    %swap3A_1411 = arith.index_cast %swap3A_1410 : i32 to index
    %swap3A_1412 = arith.constant 80 : index
    %swap3A_1413 = tpu.vector_load %arg23[%swap3A_1411, %swap3A_1412] {strides = array<i32>} : memref<48x128xf32, #tpu.memory_space<vmem>>, vector<1x16xf32>,
    %swap3A_1414 = vector.shape_cast %swap3A_1413 : vector<1x16xf32> to vector<16xf32>
    %swap3A_1415 = vector.shape_cast %broadcast_in_dim3A_1409 : vector<16xf32> to vector<1x16xf32>
    tpu.vector_store %arg23[%swap3A_1411, %swap3A_1412], %swap3A_1415 {strides = array<i32>} : memref<48x128xf32, #tpu.memory_space<vmem>>, vector<1x16xf32>,
    %broadcast_in_dim3A_1416 = arith.constant 0.000000e+00 : f32
    %broadcast_in_dim3A_1417 = vector.broadcast %broadcast_in_dim3A_1416 : f32 to vector<16xf32>
    %swap3A_1418 = arith.constant 20 : i32
    %swap3A_1419 = arith.index_cast %swap3A_1418 : i32 to index
    %swap3A_1420 = arith.constant 96 : index
    %swap3A_1421 = tpu.vector_load %arg23[%swap3A_1419, %swap3A_1420] {strides = array<i32>} : memref<48x128xf32, #tpu.memory_space<vmem>>, vector<1x16xf32>,
    %swap3A_1422 = vector.shape_cast %swap3A_1421 : vector<1x16xf32> to vector<16xf32>
    %swap3A_1423 = vector.shape_cast %broadcast_in_dim3A_1417 : vector<16xf32> to vector<1x16xf32>
    tpu.vector_store %arg23[%swap3A_1419, %swap3A_1420], %swap3A_1423 {strides = array<i32>} : memref<48x128xf32, #tpu.memory_space<vmem>>, vector<1x16xf32>,
    %broadcast_in_dim3A_1424 = arith.constant 0.000000e+00 : f32
    %broadcast_in_dim3A_1425 = vector.broadcast %broadcast_in_dim3A_1424 : f32 to vector<16xf32>
    %swap3A_1426 = arith.constant 20 : i32
    %swap3A_1427 = arith.index_cast %swap3A_1426 : i32 to index
    %swap3A_1428 = arith.constant 112 : index
    %swap3A_1429 = tpu.vector_load %arg23[%swap3A_1427, %swap3A_1428] {strides = array<i32>} : memref<48x128xf32, #tpu.memory_space<vmem>>, vector<1x16xf32>,
    %swap3A_1430 = vector.shape_cast %swap3A_1429 : vector<1x16xf32> to vector<16xf32>
    %swap3A_1431 = vector.shape_cast %broadcast_in_dim3A_1425 : vector<16xf32> to vector<1x16xf32>
    tpu.vector_store %arg23[%swap3A_1427, %swap3A_1428], %swap3A_1431 {strides = array<i32>} : memref<48x128xf32, #tpu.memory_space<vmem>>, vector<1x16xf32>,
    %broadcast_in_dim3A_1432 = arith.constant 0.000000e+00 : f32
    %broadcast_in_dim3A_1433 = vector.broadcast %broadcast_in_dim3A_1432 : f32 to vector<16xf32>
    %swap3A_1434 = arith.constant 21 : i32
    %swap3A_1435 = arith.index_cast %swap3A_1434 : i32 to index
    %swap3A_1436 = arith.constant 0 : index
    %swap3A_1437 = tpu.vector_load %arg23[%swap3A_1435, %swap3A_1436] {strides = array<i32>} : memref<48x128xf32, #tpu.memory_space<vmem>>, vector<1x16xf32>,
    %swap3A_1438 = vector.shape_cast %swap3A_1437 : vector<1x16xf32> to vector<16xf32>
    %swap3A_1439 = vector.shape_cast %broadcast_in_dim3A_1433 : vector<16xf32> to vector<1x16xf32>
    tpu.vector_store %arg23[%swap3A_1435, %swap3A_1436], %swap3A_1439 {strides = array<i32>} : memref<48x128xf32, #tpu.memory_space<vmem>>, vector<1x16xf32>,
    %broadcast_in_dim3A_1440 = arith.constant 0.000000e+00 : f32
    %broadcast_in_dim3A_1441 = vector.broadcast %broadcast_in_dim3A_1440 : f32 to vector<16xf32>
    %swap3A_1442 = arith.constant 21 : i32
    %swap3A_1443 = arith.index_cast %swap3A_1442 : i32 to index
    %swap3A_1444 = arith.constant 16 : index
    %swap3A_1445 = tpu.vector_load %arg23[%swap3A_1443, %swap3A_1444] {strides = array<i32>} : memref<48x128xf32, #tpu.memory_space<vmem>>, vector<1x16xf32>,
    %swap3A_1446 = vector.shape_cast %swap3A_1445 : vector<1x16xf32> to vector<16xf32>
    %swap3A_1447 = vector.shape_cast %broadcast_in_dim3A_1441 : vector<16xf32> to vector<1x16xf32>
    tpu.vector_store %arg23[%swap3A_1443, %swap3A_1444], %swap3A_1447 {strides = array<i32>} : memref<48x128xf32, #tpu.memory_space<vmem>>, vector<1x16xf32>,
    %broadcast_in_dim3A_1448 = arith.constant 0.000000e+00 : f32
    %broadcast_in_dim3A_1449 = vector.broadcast %broadcast_in_dim3A_1448 : f32 to vector<16xf32>
    %swap3A_1450 = arith.constant 21 : i32
    %swap3A_1451 = arith.index_cast %swap3A_1450 : i32 to index
    %swap3A_1452 = arith.constant 32 : index
    %swap3A_1453 = tpu.vector_load %arg23[%swap3A_1451, %swap3A_1452] {strides = array<i32>} : memref<48x128xf32, #tpu.memory_space<vmem>>, vector<1x16xf32>,
    %swap3A_1454 = vector.shape_cast %swap3A_1453 : vector<1x16xf32> to vector<16xf32>
    %swap3A_1455 = vector.shape_cast %broadcast_in_dim3A_1449 : vector<16xf32> to vector<1x16xf32>
    tpu.vector_store %arg23[%swap3A_1451, %swap3A_1452], %swap3A_1455 {strides = array<i32>} : memref<48x128xf32, #tpu.memory_space<vmem>>, vector<1x16xf32>,
    %broadcast_in_dim3A_1456 = arith.constant 0.000000e+00 : f32
    %broadcast_in_dim3A_1457 = vector.broadcast %broadcast_in_dim3A_1456 : f32 to vector<16xf32>
    %swap3A_1458 = arith.constant 21 : i32
    %swap3A_1459 = arith.index_cast %swap3A_1458 : i32 to index
    %swap3A_1460 = arith.constant 48 : index
    %swap3A_1461 = tpu.vector_load %arg23[%swap3A_1459, %swap3A_1460] {strides = array<i32>} : memref<48x128xf32, #tpu.memory_space<vmem>>, vector<1x16xf32>,
    %swap3A_1462 = vector.shape_cast %swap3A_1461 : vector<1x16xf32> to vector<16xf32>
    %swap3A_1463 = vector.shape_cast %broadcast_in_dim3A_1457 : vector<16xf32> to vector<1x16xf32>
    tpu.vector_store %arg23[%swap3A_1459, %swap3A_1460], %swap3A_1463 {strides = array<i32>} : memref<48x128xf32, #tpu.memory_space<vmem>>, vector<1x16xf32>,
    %broadcast_in_dim3A_1464 = arith.constant 0.000000e+00 : f32
    %broadcast_in_dim3A_1465 = vector.broadcast %broadcast_in_dim3A_1464 : f32 to vector<16xf32>
    %swap3A_1466 = arith.constant 21 : i32
    %swap3A_1467 = arith.index_cast %swap3A_1466 : i32 to index
    %swap3A_1468 = arith.constant 64 : index
    %swap3A_1469 = tpu.vector_load %arg23[%swap3A_1467, %swap3A_1468] {strides = array<i32>} : memref<48x128xf32, #tpu.memory_space<vmem>>, vector<1x16xf32>,
    %swap3A_1470 = vector.shape_cast %swap3A_1469 : vector<1x16xf32> to vector<16xf32>
    %swap3A_1471 = vector.shape_cast %broadcast_in_dim3A_1465 : vector<16xf32> to vector<1x16xf32>
    tpu.vector_store %arg23[%swap3A_1467, %swap3A_1468], %swap3A_1471 {strides = array<i32>} : memref<48x128xf32, #tpu.memory_space<vmem>>, vector<1x16xf32>,
    %broadcast_in_dim3A_1472 = arith.constant 0.000000e+00 : f32
    %broadcast_in_dim3A_1473 = vector.broadcast %broadcast_in_dim3A_1472 : f32 to vector<16xf32>
    %swap3A_1474 = arith.constant 21 : i32
    %swap3A_1475 = arith.index_cast %swap3A_1474 : i32 to index
    %swap3A_1476 = arith.constant 80 : index
    %swap3A_1477 = tpu.vector_load %arg23[%swap3A_1475, %swap3A_1476] {strides = array<i32>} : memref<48x128xf32, #tpu.memory_space<vmem>>, vector<1x16xf32>,
    %swap3A_1478 = vector.shape_cast %swap3A_1477 : vector<1x16xf32> to vector<16xf32>
    %swap3A_1479 = vector.shape_cast %broadcast_in_dim3A_1473 : vector<16xf32> to vector<1x16xf32>
    tpu.vector_store %arg23[%swap3A_1475, %swap3A_1476], %swap3A_1479 {strides = array<i32>} : memref<48x128xf32, #tpu.memory_space<vmem>>, vector<1x16xf32>,
    %broadcast_in_dim3A_1480 = arith.constant 0.000000e+00 : f32
    %broadcast_in_dim3A_1481 = vector.broadcast %broadcast_in_dim3A_1480 : f32 to vector<16xf32>
    %swap3A_1482 = arith.constant 21 : i32
    %swap3A_1483 = arith.index_cast %swap3A_1482 : i32 to index
    %swap3A_1484 = arith.constant 96 : index
    %swap3A_1485 = tpu.vector_load %arg23[%swap3A_1483, %swap3A_1484] {strides = array<i32>} : memref<48x128xf32, #tpu.memory_space<vmem>>, vector<1x16xf32>,
    %swap3A_1486 = vector.shape_cast %swap3A_1485 : vector<1x16xf32> to vector<16xf32>
    %swap3A_1487 = vector.shape_cast %broadcast_in_dim3A_1481 : vector<16xf32> to vector<1x16xf32>
    tpu.vector_store %arg23[%swap3A_1483, %swap3A_1484], %swap3A_1487 {strides = array<i32>} : memref<48x128xf32, #tpu.memory_space<vmem>>, vector<1x16xf32>,
    %broadcast_in_dim3A_1488 = arith.constant 0.000000e+00 : f32
    %broadcast_in_dim3A_1489 = vector.broadcast %broadcast_in_dim3A_1488 : f32 to vector<16xf32>
    %swap3A_1490 = arith.constant 21 : i32
    %swap3A_1491 = arith.index_cast %swap3A_1490 : i32 to index
    %swap3A_1492 = arith.constant 112 : index
    %swap3A_1493 = tpu.vector_load %arg23[%swap3A_1491, %swap3A_1492] {strides = array<i32>} : memref<48x128xf32, #tpu.memory_space<vmem>>, vector<1x16xf32>,
    %swap3A_1494 = vector.shape_cast %swap3A_1493 : vector<1x16xf32> to vector<16xf32>
    %swap3A_1495 = vector.shape_cast %broadcast_in_dim3A_1489 : vector<16xf32> to vector<1x16xf32>
    tpu.vector_store %arg23[%swap3A_1491, %swap3A_1492], %swap3A_1495 {strides = array<i32>} : memref<48x128xf32, #tpu.memory_space<vmem>>, vector<1x16xf32>,
    %broadcast_in_dim3A_1496 = arith.constant 0.000000e+00 : f32
    %broadcast_in_dim3A_1497 = vector.broadcast %broadcast_in_dim3A_1496 : f32 to vector<16xf32>
    %swap3A_1498 = arith.constant 22 : i32
    %swap3A_1499 = arith.index_cast %swap3A_1498 : i32 to index
    %swap3A_1500 = arith.constant 0 : index
    %swap3A_1501 = tpu.vector_load %arg23[%swap3A_1499, %swap3A_1500] {strides = array<i32>} : memref<48x128xf32, #tpu.memory_space<vmem>>, vector<1x16xf32>,
    %swap3A_1502 = vector.shape_cast %swap3A_1501 : vector<1x16xf32> to vector<16xf32>
    %swap3A_1503 = vector.shape_cast %broadcast_in_dim3A_1497 : vector<16xf32> to vector<1x16xf32>
    tpu.vector_store %arg23[%swap3A_1499, %swap3A_1500], %swap3A_1503 {strides = array<i32>} : memref<48x128xf32, #tpu.memory_space<vmem>>, vector<1x16xf32>,
    %broadcast_in_dim3A_1504 = arith.constant 0.000000e+00 : f32
    %broadcast_in_dim3A_1505 = vector.broadcast %broadcast_in_dim3A_1504 : f32 to vector<16xf32>
    %swap3A_1506 = arith.constant 22 : i32
    %swap3A_1507 = arith.index_cast %swap3A_1506 : i32 to index
    %swap3A_1508 = arith.constant 16 : index
    %swap3A_1509 = tpu.vector_load %arg23[%swap3A_1507, %swap3A_1508] {strides = array<i32>} : memref<48x128xf32, #tpu.memory_space<vmem>>, vector<1x16xf32>,
    %swap3A_1510 = vector.shape_cast %swap3A_1509 : vector<1x16xf32> to vector<16xf32>
    %swap3A_1511 = vector.shape_cast %broadcast_in_dim3A_1505 : vector<16xf32> to vector<1x16xf32>
    tpu.vector_store %arg23[%swap3A_1507, %swap3A_1508], %swap3A_1511 {strides = array<i32>} : memref<48x128xf32, #tpu.memory_space<vmem>>, vector<1x16xf32>,
    %broadcast_in_dim3A_1512 = arith.constant 0.000000e+00 : f32
    %broadcast_in_dim3A_1513 = vector.broadcast %broadcast_in_dim3A_1512 : f32 to vector<16xf32>
    %swap3A_1514 = arith.constant 22 : i32
    %swap3A_1515 = arith.index_cast %swap3A_1514 : i32 to index
    %swap3A_1516 = arith.constant 32 : index
    %swap3A_1517 = tpu.vector_load %arg23[%swap3A_1515, %swap3A_1516] {strides = array<i32>} : memref<48x128xf32, #tpu.memory_space<vmem>>, vector<1x16xf32>,
    %swap3A_1518 = vector.shape_cast %swap3A_1517 : vector<1x16xf32> to vector<16xf32>
    %swap3A_1519 = vector.shape_cast %broadcast_in_dim3A_1513 : vector<16xf32> to vector<1x16xf32>
    tpu.vector_store %arg23[%swap3A_1515, %swap3A_1516], %swap3A_1519 {strides = array<i32>} : memref<48x128xf32, #tpu.memory_space<vmem>>, vector<1x16xf32>,
    %broadcast_in_dim3A_1520 = arith.constant 0.000000e+00 : f32
    %broadcast_in_dim3A_1521 = vector.broadcast %broadcast_in_dim3A_1520 : f32 to vector<16xf32>
    %swap3A_1522 = arith.constant 22 : i32
    %swap3A_1523 = arith.index_cast %swap3A_1522 : i32 to index
    %swap3A_1524 = arith.constant 48 : index
    %swap3A_1525 = tpu.vector_load %arg23[%swap3A_1523, %swap3A_1524] {strides = array<i32>} : memref<48x128xf32, #tpu.memory_space<vmem>>, vector<1x16xf32>,
    %swap3A_1526 = vector.shape_cast %swap3A_1525 : vector<1x16xf32> to vector<16xf32>
    %swap3A_1527 = vector.shape_cast %broadcast_in_dim3A_1521 : vector<16xf32> to vector<1x16xf32>
    tpu.vector_store %arg23[%swap3A_1523, %swap3A_1524], %swap3A_1527 {strides = array<i32>} : memref<48x128xf32, #tpu.memory_space<vmem>>, vector<1x16xf32>,
    %broadcast_in_dim3A_1528 = arith.constant 0.000000e+00 : f32
    %broadcast_in_dim3A_1529 = vector.broadcast %broadcast_in_dim3A_1528 : f32 to vector<16xf32>
    %swap3A_1530 = arith.constant 22 : i32
    %swap3A_1531 = arith.index_cast %swap3A_1530 : i32 to index
    %swap3A_1532 = arith.constant 64 : index
    %swap3A_1533 = tpu.vector_load %arg23[%swap3A_1531, %swap3A_1532] {strides = array<i32>} : memref<48x128xf32, #tpu.memory_space<vmem>>, vector<1x16xf32>,
    %swap3A_1534 = vector.shape_cast %swap3A_1533 : vector<1x16xf32> to vector<16xf32>
    %swap3A_1535 = vector.shape_cast %broadcast_in_dim3A_1529 : vector<16xf32> to vector<1x16xf32>
    tpu.vector_store %arg23[%swap3A_1531, %swap3A_1532], %swap3A_1535 {strides = array<i32>} : memref<48x128xf32, #tpu.memory_space<vmem>>, vector<1x16xf32>,
    %broadcast_in_dim3A_1536 = arith.constant 0.000000e+00 : f32
    %broadcast_in_dim3A_1537 = vector.broadcast %broadcast_in_dim3A_1536 : f32 to vector<16xf32>
    %swap3A_1538 = arith.constant 22 : i32
    %swap3A_1539 = arith.index_cast %swap3A_1538 : i32 to index
    %swap3A_1540 = arith.constant 80 : index
    %swap3A_1541 = tpu.vector_load %arg23[%swap3A_1539, %swap3A_1540] {strides = array<i32>} : memref<48x128xf32, #tpu.memory_space<vmem>>, vector<1x16xf32>,
    %swap3A_1542 = vector.shape_cast %swap3A_1541 : vector<1x16xf32> to vector<16xf32>
    %swap3A_1543 = vector.shape_cast %broadcast_in_dim3A_1537 : vector<16xf32> to vector<1x16xf32>
    tpu.vector_store %arg23[%swap3A_1539, %swap3A_1540], %swap3A_1543 {strides = array<i32>} : memref<48x128xf32, #tpu.memory_space<vmem>>, vector<1x16xf32>,
    %broadcast_in_dim3A_1544 = arith.constant 0.000000e+00 : f32
    %broadcast_in_dim3A_1545 = vector.broadcast %broadcast_in_dim3A_1544 : f32 to vector<16xf32>
    %swap3A_1546 = arith.constant 22 : i32
    %swap3A_1547 = arith.index_cast %swap3A_1546 : i32 to index
    %swap3A_1548 = arith.constant 96 : index
    %swap3A_1549 = tpu.vector_load %arg23[%swap3A_1547, %swap3A_1548] {strides = array<i32>} : memref<48x128xf32, #tpu.memory_space<vmem>>, vector<1x16xf32>,
    %swap3A_1550 = vector.shape_cast %swap3A_1549 : vector<1x16xf32> to vector<16xf32>
    %swap3A_1551 = vector.shape_cast %broadcast_in_dim3A_1545 : vector<16xf32> to vector<1x16xf32>
    tpu.vector_store %arg23[%swap3A_1547, %swap3A_1548], %swap3A_1551 {strides = array<i32>} : memref<48x128xf32, #tpu.memory_space<vmem>>, vector<1x16xf32>,
    %broadcast_in_dim3A_1552 = arith.constant 0.000000e+00 : f32
    %broadcast_in_dim3A_1553 = vector.broadcast %broadcast_in_dim3A_1552 : f32 to vector<16xf32>
    %swap3A_1554 = arith.constant 22 : i32
    %swap3A_1555 = arith.index_cast %swap3A_1554 : i32 to index
    %swap3A_1556 = arith.constant 112 : index
    %swap3A_1557 = tpu.vector_load %arg23[%swap3A_1555, %swap3A_1556] {strides = array<i32>} : memref<48x128xf32, #tpu.memory_space<vmem>>, vector<1x16xf32>,
    %swap3A_1558 = vector.shape_cast %swap3A_1557 : vector<1x16xf32> to vector<16xf32>
    %swap3A_1559 = vector.shape_cast %broadcast_in_dim3A_1553 : vector<16xf32> to vector<1x16xf32>
    tpu.vector_store %arg23[%swap3A_1555, %swap3A_1556], %swap3A_1559 {strides = array<i32>} : memref<48x128xf32, #tpu.memory_space<vmem>>, vector<1x16xf32>,
    %broadcast_in_dim3A_1560 = arith.constant 0.000000e+00 : f32
    %broadcast_in_dim3A_1561 = vector.broadcast %broadcast_in_dim3A_1560 : f32 to vector<16xf32>
    %swap3A_1562 = arith.constant 23 : i32
    %swap3A_1563 = arith.index_cast %swap3A_1562 : i32 to index
    %swap3A_1564 = arith.constant 0 : index
    %swap3A_1565 = tpu.vector_load %arg23[%swap3A_1563, %swap3A_1564] {strides = array<i32>} : memref<48x128xf32, #tpu.memory_space<vmem>>, vector<1x16xf32>,
    %swap3A_1566 = vector.shape_cast %swap3A_1565 : vector<1x16xf32> to vector<16xf32>
    %swap3A_1567 = vector.shape_cast %broadcast_in_dim3A_1561 : vector<16xf32> to vector<1x16xf32>
    tpu.vector_store %arg23[%swap3A_1563, %swap3A_1564], %swap3A_1567 {strides = array<i32>} : memref<48x128xf32, #tpu.memory_space<vmem>>, vector<1x16xf32>,
    %broadcast_in_dim3A_1568 = arith.constant 0.000000e+00 : f32
    %broadcast_in_dim3A_1569 = vector.broadcast %broadcast_in_dim3A_1568 : f32 to vector<16xf32>
    %swap3A_1570 = arith.constant 23 : i32
    %swap3A_1571 = arith.index_cast %swap3A_1570 : i32 to index
    %swap3A_1572 = arith.constant 16 : index
    %swap3A_1573 = tpu.vector_load %arg23[%swap3A_1571, %swap3A_1572] {strides = array<i32>} : memref<48x128xf32, #tpu.memory_space<vmem>>, vector<1x16xf32>,
    %swap3A_1574 = vector.shape_cast %swap3A_1573 : vector<1x16xf32> to vector<16xf32>
    %swap3A_1575 = vector.shape_cast %broadcast_in_dim3A_1569 : vector<16xf32> to vector<1x16xf32>
    tpu.vector_store %arg23[%swap3A_1571, %swap3A_1572], %swap3A_1575 {strides = array<i32>} : memref<48x128xf32, #tpu.memory_space<vmem>>, vector<1x16xf32>,
    %broadcast_in_dim3A_1576 = arith.constant 0.000000e+00 : f32
    %broadcast_in_dim3A_1577 = vector.broadcast %broadcast_in_dim3A_1576 : f32 to vector<16xf32>
    %swap3A_1578 = arith.constant 23 : i32
    %swap3A_1579 = arith.index_cast %swap3A_1578 : i32 to index
    %swap3A_1580 = arith.constant 32 : index
    %swap3A_1581 = tpu.vector_load %arg23[%swap3A_1579, %swap3A_1580] {strides = array<i32>} : memref<48x128xf32, #tpu.memory_space<vmem>>, vector<1x16xf32>,
    %swap3A_1582 = vector.shape_cast %swap3A_1581 : vector<1x16xf32> to vector<16xf32>
    %swap3A_1583 = vector.shape_cast %broadcast_in_dim3A_1577 : vector<16xf32> to vector<1x16xf32>
    tpu.vector_store %arg23[%swap3A_1579, %swap3A_1580], %swap3A_1583 {strides = array<i32>} : memref<48x128xf32, #tpu.memory_space<vmem>>, vector<1x16xf32>,
    %broadcast_in_dim3A_1584 = arith.constant 0.000000e+00 : f32
    %broadcast_in_dim3A_1585 = vector.broadcast %broadcast_in_dim3A_1584 : f32 to vector<16xf32>
    %swap3A_1586 = arith.constant 23 : i32
    %swap3A_1587 = arith.index_cast %swap3A_1586 : i32 to index
    %swap3A_1588 = arith.constant 48 : index
    %swap3A_1589 = tpu.vector_load %arg23[%swap3A_1587, %swap3A_1588] {strides = array<i32>} : memref<48x128xf32, #tpu.memory_space<vmem>>, vector<1x16xf32>,
    %swap3A_1590 = vector.shape_cast %swap3A_1589 : vector<1x16xf32> to vector<16xf32>
    %swap3A_1591 = vector.shape_cast %broadcast_in_dim3A_1585 : vector<16xf32> to vector<1x16xf32>
    tpu.vector_store %arg23[%swap3A_1587, %swap3A_1588], %swap3A_1591 {strides = array<i32>} : memref<48x128xf32, #tpu.memory_space<vmem>>, vector<1x16xf32>,
    %broadcast_in_dim3A_1592 = arith.constant 0.000000e+00 : f32
    %broadcast_in_dim3A_1593 = vector.broadcast %broadcast_in_dim3A_1592 : f32 to vector<16xf32>
    %swap3A_1594 = arith.constant 23 : i32
    %swap3A_1595 = arith.index_cast %swap3A_1594 : i32 to index
    %swap3A_1596 = arith.constant 64 : index
    %swap3A_1597 = tpu.vector_load %arg23[%swap3A_1595, %swap3A_1596] {strides = array<i32>} : memref<48x128xf32, #tpu.memory_space<vmem>>, vector<1x16xf32>,
    %swap3A_1598 = vector.shape_cast %swap3A_1597 : vector<1x16xf32> to vector<16xf32>
    %swap3A_1599 = vector.shape_cast %broadcast_in_dim3A_1593 : vector<16xf32> to vector<1x16xf32>
    tpu.vector_store %arg23[%swap3A_1595, %swap3A_1596], %swap3A_1599 {strides = array<i32>} : memref<48x128xf32, #tpu.memory_space<vmem>>, vector<1x16xf32>,
    %broadcast_in_dim3A_1600 = arith.constant 0.000000e+00 : f32
    %broadcast_in_dim3A_1601 = vector.broadcast %broadcast_in_dim3A_1600 : f32 to vector<16xf32>
    %swap3A_1602 = arith.constant 23 : i32
    %swap3A_1603 = arith.index_cast %swap3A_1602 : i32 to index
    %swap3A_1604 = arith.constant 80 : index
    %swap3A_1605 = tpu.vector_load %arg23[%swap3A_1603, %swap3A_1604] {strides = array<i32>} : memref<48x128xf32, #tpu.memory_space<vmem>>, vector<1x16xf32>,
    %swap3A_1606 = vector.shape_cast %swap3A_1605 : vector<1x16xf32> to vector<16xf32>
    %swap3A_1607 = vector.shape_cast %broadcast_in_dim3A_1601 : vector<16xf32> to vector<1x16xf32>
    tpu.vector_store %arg23[%swap3A_1603, %swap3A_1604], %swap3A_1607 {strides = array<i32>} : memref<48x128xf32, #tpu.memory_space<vmem>>, vector<1x16xf32>,
    %broadcast_in_dim3A_1608 = arith.constant 0.000000e+00 : f32
    %broadcast_in_dim3A_1609 = vector.broadcast %broadcast_in_dim3A_1608 : f32 to vector<16xf32>
    %swap3A_1610 = arith.constant 23 : i32
    %swap3A_1611 = arith.index_cast %swap3A_1610 : i32 to index
    %swap3A_1612 = arith.constant 96 : index
    %swap3A_1613 = tpu.vector_load %arg23[%swap3A_1611, %swap3A_1612] {strides = array<i32>} : memref<48x128xf32, #tpu.memory_space<vmem>>, vector<1x16xf32>,
    %swap3A_1614 = vector.shape_cast %swap3A_1613 : vector<1x16xf32> to vector<16xf32>
    %swap3A_1615 = vector.shape_cast %broadcast_in_dim3A_1609 : vector<16xf32> to vector<1x16xf32>
    tpu.vector_store %arg23[%swap3A_1611, %swap3A_1612], %swap3A_1615 {strides = array<i32>} : memref<48x128xf32, #tpu.memory_space<vmem>>, vector<1x16xf32>,
    %broadcast_in_dim3A_1616 = arith.constant 0.000000e+00 : f32
    %broadcast_in_dim3A_1617 = vector.broadcast %broadcast_in_dim3A_1616 : f32 to vector<16xf32>
    %swap3A_1618 = arith.constant 23 : i32
    %swap3A_1619 = arith.index_cast %swap3A_1618 : i32 to index
    %swap3A_1620 = arith.constant 112 : index
    %swap3A_1621 = tpu.vector_load %arg23[%swap3A_1619, %swap3A_1620] {strides = array<i32>} : memref<48x128xf32, #tpu.memory_space<vmem>>, vector<1x16xf32>,
    %swap3A_1622 = vector.shape_cast %swap3A_1621 : vector<1x16xf32> to vector<16xf32>
    %swap3A_1623 = vector.shape_cast %broadcast_in_dim3A_1617 : vector<16xf32> to vector<1x16xf32>
    tpu.vector_store %arg23[%swap3A_1619, %swap3A_1620], %swap3A_1623 {strides = array<i32>} : memref<48x128xf32, #tpu.memory_space<vmem>>, vector<1x16xf32>,
    %broadcast_in_dim3A_1624 = arith.constant 0.000000e+00 : f32
    %broadcast_in_dim3A_1625 = vector.broadcast %broadcast_in_dim3A_1624 : f32 to vector<16xf32>
    %swap3A_1626 = arith.constant 24 : i32
    %swap3A_1627 = arith.index_cast %swap3A_1626 : i32 to index
    %swap3A_1628 = arith.constant 0 : index
    %swap3A_1629 = tpu.vector_load %arg23[%swap3A_1627, %swap3A_1628] {strides = array<i32>} : memref<48x128xf32, #tpu.memory_space<vmem>>, vector<1x16xf32>,
    %swap3A_1630 = vector.shape_cast %swap3A_1629 : vector<1x16xf32> to vector<16xf32>
    %swap3A_1631 = vector.shape_cast %broadcast_in_dim3A_1625 : vector<16xf32> to vector<1x16xf32>
    tpu.vector_store %arg23[%swap3A_1627, %swap3A_1628], %swap3A_1631 {strides = array<i32>} : memref<48x128xf32, #tpu.memory_space<vmem>>, vector<1x16xf32>,
    %broadcast_in_dim3A_1632 = arith.constant 0.000000e+00 : f32
    %broadcast_in_dim3A_1633 = vector.broadcast %broadcast_in_dim3A_1632 : f32 to vector<16xf32>
    %swap3A_1634 = arith.constant 24 : i32
    %swap3A_1635 = arith.index_cast %swap3A_1634 : i32 to index
    %swap3A_1636 = arith.constant 16 : index
    %swap3A_1637 = tpu.vector_load %arg23[%swap3A_1635, %swap3A_1636] {strides = array<i32>} : memref<48x128xf32, #tpu.memory_space<vmem>>, vector<1x16xf32>,
    %swap3A_1638 = vector.shape_cast %swap3A_1637 : vector<1x16xf32> to vector<16xf32>
    %swap3A_1639 = vector.shape_cast %broadcast_in_dim3A_1633 : vector<16xf32> to vector<1x16xf32>
    tpu.vector_store %arg23[%swap3A_1635, %swap3A_1636], %swap3A_1639 {strides = array<i32>} : memref<48x128xf32, #tpu.memory_space<vmem>>, vector<1x16xf32>,
    %broadcast_in_dim3A_1640 = arith.constant 0.000000e+00 : f32
    %broadcast_in_dim3A_1641 = vector.broadcast %broadcast_in_dim3A_1640 : f32 to vector<16xf32>
    %swap3A_1642 = arith.constant 24 : i32
    %swap3A_1643 = arith.index_cast %swap3A_1642 : i32 to index
    %swap3A_1644 = arith.constant 32 : index
    %swap3A_1645 = tpu.vector_load %arg23[%swap3A_1643, %swap3A_1644] {strides = array<i32>} : memref<48x128xf32, #tpu.memory_space<vmem>>, vector<1x16xf32>,
    %swap3A_1646 = vector.shape_cast %swap3A_1645 : vector<1x16xf32> to vector<16xf32>
    %swap3A_1647 = vector.shape_cast %broadcast_in_dim3A_1641 : vector<16xf32> to vector<1x16xf32>
    tpu.vector_store %arg23[%swap3A_1643, %swap3A_1644], %swap3A_1647 {strides = array<i32>} : memref<48x128xf32, #tpu.memory_space<vmem>>, vector<1x16xf32>,
    %broadcast_in_dim3A_1648 = arith.constant 0.000000e+00 : f32
    %broadcast_in_dim3A_1649 = vector.broadcast %broadcast_in_dim3A_1648 : f32 to vector<16xf32>
    %swap3A_1650 = arith.constant 24 : i32
    %swap3A_1651 = arith.index_cast %swap3A_1650 : i32 to index
    %swap3A_1652 = arith.constant 48 : index
    %swap3A_1653 = tpu.vector_load %arg23[%swap3A_1651, %swap3A_1652] {strides = array<i32>} : memref<48x128xf32, #tpu.memory_space<vmem>>, vector<1x16xf32>,
    %swap3A_1654 = vector.shape_cast %swap3A_1653 : vector<1x16xf32> to vector<16xf32>
    %swap3A_1655 = vector.shape_cast %broadcast_in_dim3A_1649 : vector<16xf32> to vector<1x16xf32>
    tpu.vector_store %arg23[%swap3A_1651, %swap3A_1652], %swap3A_1655 {strides = array<i32>} : memref<48x128xf32, #tpu.memory_space<vmem>>, vector<1x16xf32>,
    %broadcast_in_dim3A_1656 = arith.constant 0.000000e+00 : f32
    %broadcast_in_dim3A_1657 = vector.broadcast %broadcast_in_dim3A_1656 : f32 to vector<16xf32>
    %swap3A_1658 = arith.constant 24 : i32
    %swap3A_1659 = arith.index_cast %swap3A_1658 : i32 to index
    %swap3A_1660 = arith.constant 64 : index
    %swap3A_1661 = tpu.vector_load %arg23[%swap3A_1659, %swap3A_1660] {strides = array<i32>} : memref<48x128xf32, #tpu.memory_space<vmem>>, vector<1x16xf32>,
    %swap3A_1662 = vector.shape_cast %swap3A_1661 : vector<1x16xf32> to vector<16xf32>
    %swap3A_1663 = vector.shape_cast %broadcast_in_dim3A_1657 : vector<16xf32> to vector<1x16xf32>
    tpu.vector_store %arg23[%swap3A_1659, %swap3A_1660], %swap3A_1663 {strides = array<i32>} : memref<48x128xf32, #tpu.memory_space<vmem>>, vector<1x16xf32>,
    %broadcast_in_dim3A_1664 = arith.constant 0.000000e+00 : f32
    %broadcast_in_dim3A_1665 = vector.broadcast %broadcast_in_dim3A_1664 : f32 to vector<16xf32>
    %swap3A_1666 = arith.constant 24 : i32
    %swap3A_1667 = arith.index_cast %swap3A_1666 : i32 to index
    %swap3A_1668 = arith.constant 80 : index
    %swap3A_1669 = tpu.vector_load %arg23[%swap3A_1667, %swap3A_1668] {strides = array<i32>} : memref<48x128xf32, #tpu.memory_space<vmem>>, vector<1x16xf32>,
    %swap3A_1670 = vector.shape_cast %swap3A_1669 : vector<1x16xf32> to vector<16xf32>
    %swap3A_1671 = vector.shape_cast %broadcast_in_dim3A_1665 : vector<16xf32> to vector<1x16xf32>
    tpu.vector_store %arg23[%swap3A_1667, %swap3A_1668], %swap3A_1671 {strides = array<i32>} : memref<48x128xf32, #tpu.memory_space<vmem>>, vector<1x16xf32>,
    %broadcast_in_dim3A_1672 = arith.constant 0.000000e+00 : f32
    %broadcast_in_dim3A_1673 = vector.broadcast %broadcast_in_dim3A_1672 : f32 to vector<16xf32>
    %swap3A_1674 = arith.constant 24 : i32
    %swap3A_1675 = arith.index_cast %swap3A_1674 : i32 to index
    %swap3A_1676 = arith.constant 96 : index
    %swap3A_1677 = tpu.vector_load %arg23[%swap3A_1675, %swap3A_1676] {strides = array<i32>} : memref<48x128xf32, #tpu.memory_space<vmem>>, vector<1x16xf32>,
    %swap3A_1678 = vector.shape_cast %swap3A_1677 : vector<1x16xf32> to vector<16xf32>
    %swap3A_1679 = vector.shape_cast %broadcast_in_dim3A_1673 : vector<16xf32> to vector<1x16xf32>
    tpu.vector_store %arg23[%swap3A_1675, %swap3A_1676], %swap3A_1679 {strides = array<i32>} : memref<48x128xf32, #tpu.memory_space<vmem>>, vector<1x16xf32>,
    %broadcast_in_dim3A_1680 = arith.constant 0.000000e+00 : f32
    %broadcast_in_dim3A_1681 = vector.broadcast %broadcast_in_dim3A_1680 : f32 to vector<16xf32>
    %swap3A_1682 = arith.constant 24 : i32
    %swap3A_1683 = arith.index_cast %swap3A_1682 : i32 to index
    %swap3A_1684 = arith.constant 112 : index
    %swap3A_1685 = tpu.vector_load %arg23[%swap3A_1683, %swap3A_1684] {strides = array<i32>} : memref<48x128xf32, #tpu.memory_space<vmem>>, vector<1x16xf32>,
    %swap3A_1686 = vector.shape_cast %swap3A_1685 : vector<1x16xf32> to vector<16xf32>
    %swap3A_1687 = vector.shape_cast %broadcast_in_dim3A_1681 : vector<16xf32> to vector<1x16xf32>
    tpu.vector_store %arg23[%swap3A_1683, %swap3A_1684], %swap3A_1687 {strides = array<i32>} : memref<48x128xf32, #tpu.memory_space<vmem>>, vector<1x16xf32>,
    %broadcast_in_dim3A_1688 = arith.constant 0.000000e+00 : f32
    %broadcast_in_dim3A_1689 = vector.broadcast %broadcast_in_dim3A_1688 : f32 to vector<16xf32>
    %swap3A_1690 = arith.constant 25 : i32
    %swap3A_1691 = arith.index_cast %swap3A_1690 : i32 to index
    %swap3A_1692 = arith.constant 0 : index
    %swap3A_1693 = tpu.vector_load %arg23[%swap3A_1691, %swap3A_1692] {strides = array<i32>} : memref<48x128xf32, #tpu.memory_space<vmem>>, vector<1x16xf32>,
    %swap3A_1694 = vector.shape_cast %swap3A_1693 : vector<1x16xf32> to vector<16xf32>
    %swap3A_1695 = vector.shape_cast %broadcast_in_dim3A_1689 : vector<16xf32> to vector<1x16xf32>
    tpu.vector_store %arg23[%swap3A_1691, %swap3A_1692], %swap3A_1695 {strides = array<i32>} : memref<48x128xf32, #tpu.memory_space<vmem>>, vector<1x16xf32>,
    %broadcast_in_dim3A_1696 = arith.constant 0.000000e+00 : f32
    %broadcast_in_dim3A_1697 = vector.broadcast %broadcast_in_dim3A_1696 : f32 to vector<16xf32>
    %swap3A_1698 = arith.constant 25 : i32
    %swap3A_1699 = arith.index_cast %swap3A_1698 : i32 to index
    %swap3A_1700 = arith.constant 16 : index
    %swap3A_1701 = tpu.vector_load %arg23[%swap3A_1699, %swap3A_1700] {strides = array<i32>} : memref<48x128xf32, #tpu.memory_space<vmem>>, vector<1x16xf32>,
    %swap3A_1702 = vector.shape_cast %swap3A_1701 : vector<1x16xf32> to vector<16xf32>
    %swap3A_1703 = vector.shape_cast %broadcast_in_dim3A_1697 : vector<16xf32> to vector<1x16xf32>
    tpu.vector_store %arg23[%swap3A_1699, %swap3A_1700], %swap3A_1703 {strides = array<i32>} : memref<48x128xf32, #tpu.memory_space<vmem>>, vector<1x16xf32>,
    %broadcast_in_dim3A_1704 = arith.constant 0.000000e+00 : f32
    %broadcast_in_dim3A_1705 = vector.broadcast %broadcast_in_dim3A_1704 : f32 to vector<16xf32>
    %swap3A_1706 = arith.constant 25 : i32
    %swap3A_1707 = arith.index_cast %swap3A_1706 : i32 to index
    %swap3A_1708 = arith.constant 32 : index
    %swap3A_1709 = tpu.vector_load %arg23[%swap3A_1707, %swap3A_1708] {strides = array<i32>} : memref<48x128xf32, #tpu.memory_space<vmem>>, vector<1x16xf32>,
    %swap3A_1710 = vector.shape_cast %swap3A_1709 : vector<1x16xf32> to vector<16xf32>
    %swap3A_1711 = vector.shape_cast %broadcast_in_dim3A_1705 : vector<16xf32> to vector<1x16xf32>
    tpu.vector_store %arg23[%swap3A_1707, %swap3A_1708], %swap3A_1711 {strides = array<i32>} : memref<48x128xf32, #tpu.memory_space<vmem>>, vector<1x16xf32>,
    %broadcast_in_dim3A_1712 = arith.constant 0.000000e+00 : f32
    %broadcast_in_dim3A_1713 = vector.broadcast %broadcast_in_dim3A_1712 : f32 to vector<16xf32>
    %swap3A_1714 = arith.constant 25 : i32
    %swap3A_1715 = arith.index_cast %swap3A_1714 : i32 to index
    %swap3A_1716 = arith.constant 48 : index
    %swap3A_1717 = tpu.vector_load %arg23[%swap3A_1715, %swap3A_1716] {strides = array<i32>} : memref<48x128xf32, #tpu.memory_space<vmem>>, vector<1x16xf32>,
    %swap3A_1718 = vector.shape_cast %swap3A_1717 : vector<1x16xf32> to vector<16xf32>
    %swap3A_1719 = vector.shape_cast %broadcast_in_dim3A_1713 : vector<16xf32> to vector<1x16xf32>
    tpu.vector_store %arg23[%swap3A_1715, %swap3A_1716], %swap3A_1719 {strides = array<i32>} : memref<48x128xf32, #tpu.memory_space<vmem>>, vector<1x16xf32>,
    %broadcast_in_dim3A_1720 = arith.constant 0.000000e+00 : f32
    %broadcast_in_dim3A_1721 = vector.broadcast %broadcast_in_dim3A_1720 : f32 to vector<16xf32>
    %swap3A_1722 = arith.constant 25 : i32
    %swap3A_1723 = arith.index_cast %swap3A_1722 : i32 to index
    %swap3A_1724 = arith.constant 64 : index
    %swap3A_1725 = tpu.vector_load %arg23[%swap3A_1723, %swap3A_1724] {strides = array<i32>} : memref<48x128xf32, #tpu.memory_space<vmem>>, vector<1x16xf32>,
    %swap3A_1726 = vector.shape_cast %swap3A_1725 : vector<1x16xf32> to vector<16xf32>
    %swap3A_1727 = vector.shape_cast %broadcast_in_dim3A_1721 : vector<16xf32> to vector<1x16xf32>
    tpu.vector_store %arg23[%swap3A_1723, %swap3A_1724], %swap3A_1727 {strides = array<i32>} : memref<48x128xf32, #tpu.memory_space<vmem>>, vector<1x16xf32>,
    %broadcast_in_dim3A_1728 = arith.constant 0.000000e+00 : f32
    %broadcast_in_dim3A_1729 = vector.broadcast %broadcast_in_dim3A_1728 : f32 to vector<16xf32>
    %swap3A_1730 = arith.constant 25 : i32
    %swap3A_1731 = arith.index_cast %swap3A_1730 : i32 to index
    %swap3A_1732 = arith.constant 80 : index
    %swap3A_1733 = tpu.vector_load %arg23[%swap3A_1731, %swap3A_1732] {strides = array<i32>} : memref<48x128xf32, #tpu.memory_space<vmem>>, vector<1x16xf32>,
    %swap3A_1734 = vector.shape_cast %swap3A_1733 : vector<1x16xf32> to vector<16xf32>
    %swap3A_1735 = vector.shape_cast %broadcast_in_dim3A_1729 : vector<16xf32> to vector<1x16xf32>
    tpu.vector_store %arg23[%swap3A_1731, %swap3A_1732], %swap3A_1735 {strides = array<i32>} : memref<48x128xf32, #tpu.memory_space<vmem>>, vector<1x16xf32>,
    %broadcast_in_dim3A_1736 = arith.constant 0.000000e+00 : f32
    %broadcast_in_dim3A_1737 = vector.broadcast %broadcast_in_dim3A_1736 : f32 to vector<16xf32>
    %swap3A_1738 = arith.constant 25 : i32
    %swap3A_1739 = arith.index_cast %swap3A_1738 : i32 to index
    %swap3A_1740 = arith.constant 96 : index
    %swap3A_1741 = tpu.vector_load %arg23[%swap3A_1739, %swap3A_1740] {strides = array<i32>} : memref<48x128xf32, #tpu.memory_space<vmem>>, vector<1x16xf32>,
    %swap3A_1742 = vector.shape_cast %swap3A_1741 : vector<1x16xf32> to vector<16xf32>
    %swap3A_1743 = vector.shape_cast %broadcast_in_dim3A_1737 : vector<16xf32> to vector<1x16xf32>
    tpu.vector_store %arg23[%swap3A_1739, %swap3A_1740], %swap3A_1743 {strides = array<i32>} : memref<48x128xf32, #tpu.memory_space<vmem>>, vector<1x16xf32>,
    %broadcast_in_dim3A_1744 = arith.constant 0.000000e+00 : f32
    %broadcast_in_dim3A_1745 = vector.broadcast %broadcast_in_dim3A_1744 : f32 to vector<16xf32>
    %swap3A_1746 = arith.constant 25 : i32
    %swap3A_1747 = arith.index_cast %swap3A_1746 : i32 to index
    %swap3A_1748 = arith.constant 112 : index
    %swap3A_1749 = tpu.vector_load %arg23[%swap3A_1747, %swap3A_1748] {strides = array<i32>} : memref<48x128xf32, #tpu.memory_space<vmem>>, vector<1x16xf32>,
    %swap3A_1750 = vector.shape_cast %swap3A_1749 : vector<1x16xf32> to vector<16xf32>
    %swap3A_1751 = vector.shape_cast %broadcast_in_dim3A_1745 : vector<16xf32> to vector<1x16xf32>
    tpu.vector_store %arg23[%swap3A_1747, %swap3A_1748], %swap3A_1751 {strides = array<i32>} : memref<48x128xf32, #tpu.memory_space<vmem>>, vector<1x16xf32>,
    %broadcast_in_dim3A_1752 = arith.constant 0.000000e+00 : f32
    %broadcast_in_dim3A_1753 = vector.broadcast %broadcast_in_dim3A_1752 : f32 to vector<16xf32>
    %swap3A_1754 = arith.constant 26 : i32
    %swap3A_1755 = arith.index_cast %swap3A_1754 : i32 to index
    %swap3A_1756 = arith.constant 0 : index
    %swap3A_1757 = tpu.vector_load %arg23[%swap3A_1755, %swap3A_1756] {strides = array<i32>} : memref<48x128xf32, #tpu.memory_space<vmem>>, vector<1x16xf32>,
    %swap3A_1758 = vector.shape_cast %swap3A_1757 : vector<1x16xf32> to vector<16xf32>
    %swap3A_1759 = vector.shape_cast %broadcast_in_dim3A_1753 : vector<16xf32> to vector<1x16xf32>
    tpu.vector_store %arg23[%swap3A_1755, %swap3A_1756], %swap3A_1759 {strides = array<i32>} : memref<48x128xf32, #tpu.memory_space<vmem>>, vector<1x16xf32>,
    %broadcast_in_dim3A_1760 = arith.constant 0.000000e+00 : f32
    %broadcast_in_dim3A_1761 = vector.broadcast %broadcast_in_dim3A_1760 : f32 to vector<16xf32>
    %swap3A_1762 = arith.constant 26 : i32
    %swap3A_1763 = arith.index_cast %swap3A_1762 : i32 to index
    %swap3A_1764 = arith.constant 16 : index
    %swap3A_1765 = tpu.vector_load %arg23[%swap3A_1763, %swap3A_1764] {strides = array<i32>} : memref<48x128xf32, #tpu.memory_space<vmem>>, vector<1x16xf32>,
    %swap3A_1766 = vector.shape_cast %swap3A_1765 : vector<1x16xf32> to vector<16xf32>
    %swap3A_1767 = vector.shape_cast %broadcast_in_dim3A_1761 : vector<16xf32> to vector<1x16xf32>
    tpu.vector_store %arg23[%swap3A_1763, %swap3A_1764], %swap3A_1767 {strides = array<i32>} : memref<48x128xf32, #tpu.memory_space<vmem>>, vector<1x16xf32>,
    %broadcast_in_dim3A_1768 = arith.constant 0.000000e+00 : f32
    %broadcast_in_dim3A_1769 = vector.broadcast %broadcast_in_dim3A_1768 : f32 to vector<16xf32>
    %swap3A_1770 = arith.constant 26 : i32
    %swap3A_1771 = arith.index_cast %swap3A_1770 : i32 to index
    %swap3A_1772 = arith.constant 32 : index
    %swap3A_1773 = tpu.vector_load %arg23[%swap3A_1771, %swap3A_1772] {strides = array<i32>} : memref<48x128xf32, #tpu.memory_space<vmem>>, vector<1x16xf32>,
    %swap3A_1774 = vector.shape_cast %swap3A_1773 : vector<1x16xf32> to vector<16xf32>
    %swap3A_1775 = vector.shape_cast %broadcast_in_dim3A_1769 : vector<16xf32> to vector<1x16xf32>
    tpu.vector_store %arg23[%swap3A_1771, %swap3A_1772], %swap3A_1775 {strides = array<i32>} : memref<48x128xf32, #tpu.memory_space<vmem>>, vector<1x16xf32>,
    %broadcast_in_dim3A_1776 = arith.constant 0.000000e+00 : f32
    %broadcast_in_dim3A_1777 = vector.broadcast %broadcast_in_dim3A_1776 : f32 to vector<16xf32>
    %swap3A_1778 = arith.constant 26 : i32
    %swap3A_1779 = arith.index_cast %swap3A_1778 : i32 to index
    %swap3A_1780 = arith.constant 48 : index
    %swap3A_1781 = tpu.vector_load %arg23[%swap3A_1779, %swap3A_1780] {strides = array<i32>} : memref<48x128xf32, #tpu.memory_space<vmem>>, vector<1x16xf32>,
    %swap3A_1782 = vector.shape_cast %swap3A_1781 : vector<1x16xf32> to vector<16xf32>
    %swap3A_1783 = vector.shape_cast %broadcast_in_dim3A_1777 : vector<16xf32> to vector<1x16xf32>
    tpu.vector_store %arg23[%swap3A_1779, %swap3A_1780], %swap3A_1783 {strides = array<i32>} : memref<48x128xf32, #tpu.memory_space<vmem>>, vector<1x16xf32>,
    %broadcast_in_dim3A_1784 = arith.constant 0.000000e+00 : f32
    %broadcast_in_dim3A_1785 = vector.broadcast %broadcast_in_dim3A_1784 : f32 to vector<16xf32>
    %swap3A_1786 = arith.constant 26 : i32
    %swap3A_1787 = arith.index_cast %swap3A_1786 : i32 to index
    %swap3A_1788 = arith.constant 64 : index
    %swap3A_1789 = tpu.vector_load %arg23[%swap3A_1787, %swap3A_1788] {strides = array<i32>} : memref<48x128xf32, #tpu.memory_space<vmem>>, vector<1x16xf32>,
    %swap3A_1790 = vector.shape_cast %swap3A_1789 : vector<1x16xf32> to vector<16xf32>
    %swap3A_1791 = vector.shape_cast %broadcast_in_dim3A_1785 : vector<16xf32> to vector<1x16xf32>
    tpu.vector_store %arg23[%swap3A_1787, %swap3A_1788], %swap3A_1791 {strides = array<i32>} : memref<48x128xf32, #tpu.memory_space<vmem>>, vector<1x16xf32>,
    %broadcast_in_dim3A_1792 = arith.constant 0.000000e+00 : f32
    %broadcast_in_dim3A_1793 = vector.broadcast %broadcast_in_dim3A_1792 : f32 to vector<16xf32>
    %swap3A_1794 = arith.constant 26 : i32
    %swap3A_1795 = arith.index_cast %swap3A_1794 : i32 to index
    %swap3A_1796 = arith.constant 80 : index
    %swap3A_1797 = tpu.vector_load %arg23[%swap3A_1795, %swap3A_1796] {strides = array<i32>} : memref<48x128xf32, #tpu.memory_space<vmem>>, vector<1x16xf32>,
    %swap3A_1798 = vector.shape_cast %swap3A_1797 : vector<1x16xf32> to vector<16xf32>
    %swap3A_1799 = vector.shape_cast %broadcast_in_dim3A_1793 : vector<16xf32> to vector<1x16xf32>
    tpu.vector_store %arg23[%swap3A_1795, %swap3A_1796], %swap3A_1799 {strides = array<i32>} : memref<48x128xf32, #tpu.memory_space<vmem>>, vector<1x16xf32>,
    %broadcast_in_dim3A_1800 = arith.constant 0.000000e+00 : f32
    %broadcast_in_dim3A_1801 = vector.broadcast %broadcast_in_dim3A_1800 : f32 to vector<16xf32>
    %swap3A_1802 = arith.constant 26 : i32
    %swap3A_1803 = arith.index_cast %swap3A_1802 : i32 to index
    %swap3A_1804 = arith.constant 96 : index
    %swap3A_1805 = tpu.vector_load %arg23[%swap3A_1803, %swap3A_1804] {strides = array<i32>} : memref<48x128xf32, #tpu.memory_space<vmem>>, vector<1x16xf32>,
    %swap3A_1806 = vector.shape_cast %swap3A_1805 : vector<1x16xf32> to vector<16xf32>
    %swap3A_1807 = vector.shape_cast %broadcast_in_dim3A_1801 : vector<16xf32> to vector<1x16xf32>
    tpu.vector_store %arg23[%swap3A_1803, %swap3A_1804], %swap3A_1807 {strides = array<i32>} : memref<48x128xf32, #tpu.memory_space<vmem>>, vector<1x16xf32>,
    %broadcast_in_dim3A_1808 = arith.constant 0.000000e+00 : f32
    %broadcast_in_dim3A_1809 = vector.broadcast %broadcast_in_dim3A_1808 : f32 to vector<16xf32>
    %swap3A_1810 = arith.constant 26 : i32
    %swap3A_1811 = arith.index_cast %swap3A_1810 : i32 to index
    %swap3A_1812 = arith.constant 112 : index
    %swap3A_1813 = tpu.vector_load %arg23[%swap3A_1811, %swap3A_1812] {strides = array<i32>} : memref<48x128xf32, #tpu.memory_space<vmem>>, vector<1x16xf32>,
    %swap3A_1814 = vector.shape_cast %swap3A_1813 : vector<1x16xf32> to vector<16xf32>
    %swap3A_1815 = vector.shape_cast %broadcast_in_dim3A_1809 : vector<16xf32> to vector<1x16xf32>
    tpu.vector_store %arg23[%swap3A_1811, %swap3A_1812], %swap3A_1815 {strides = array<i32>} : memref<48x128xf32, #tpu.memory_space<vmem>>, vector<1x16xf32>,
    %broadcast_in_dim3A_1816 = arith.constant 0.000000e+00 : f32
    %broadcast_in_dim3A_1817 = vector.broadcast %broadcast_in_dim3A_1816 : f32 to vector<16xf32>
    %swap3A_1818 = arith.constant 27 : i32
    %swap3A_1819 = arith.index_cast %swap3A_1818 : i32 to index
    %swap3A_1820 = arith.constant 0 : index
    %swap3A_1821 = tpu.vector_load %arg23[%swap3A_1819, %swap3A_1820] {strides = array<i32>} : memref<48x128xf32, #tpu.memory_space<vmem>>, vector<1x16xf32>,
    %swap3A_1822 = vector.shape_cast %swap3A_1821 : vector<1x16xf32> to vector<16xf32>
    %swap3A_1823 = vector.shape_cast %broadcast_in_dim3A_1817 : vector<16xf32> to vector<1x16xf32>
    tpu.vector_store %arg23[%swap3A_1819, %swap3A_1820], %swap3A_1823 {strides = array<i32>} : memref<48x128xf32, #tpu.memory_space<vmem>>, vector<1x16xf32>,
    %broadcast_in_dim3A_1824 = arith.constant 0.000000e+00 : f32
    %broadcast_in_dim3A_1825 = vector.broadcast %broadcast_in_dim3A_1824 : f32 to vector<16xf32>
    %swap3A_1826 = arith.constant 27 : i32
    %swap3A_1827 = arith.index_cast %swap3A_1826 : i32 to index
    %swap3A_1828 = arith.constant 16 : index
    %swap3A_1829 = tpu.vector_load %arg23[%swap3A_1827, %swap3A_1828] {strides = array<i32>} : memref<48x128xf32, #tpu.memory_space<vmem>>, vector<1x16xf32>,
    %swap3A_1830 = vector.shape_cast %swap3A_1829 : vector<1x16xf32> to vector<16xf32>
    %swap3A_1831 = vector.shape_cast %broadcast_in_dim3A_1825 : vector<16xf32> to vector<1x16xf32>
    tpu.vector_store %arg23[%swap3A_1827, %swap3A_1828], %swap3A_1831 {strides = array<i32>} : memref<48x128xf32, #tpu.memory_space<vmem>>, vector<1x16xf32>,
    %broadcast_in_dim3A_1832 = arith.constant 0.000000e+00 : f32
    %broadcast_in_dim3A_1833 = vector.broadcast %broadcast_in_dim3A_1832 : f32 to vector<16xf32>
    %swap3A_1834 = arith.constant 27 : i32
    %swap3A_1835 = arith.index_cast %swap3A_1834 : i32 to index
    %swap3A_1836 = arith.constant 32 : index
    %swap3A_1837 = tpu.vector_load %arg23[%swap3A_1835, %swap3A_1836] {strides = array<i32>} : memref<48x128xf32, #tpu.memory_space<vmem>>, vector<1x16xf32>,
    %swap3A_1838 = vector.shape_cast %swap3A_1837 : vector<1x16xf32> to vector<16xf32>
    %swap3A_1839 = vector.shape_cast %broadcast_in_dim3A_1833 : vector<16xf32> to vector<1x16xf32>
    tpu.vector_store %arg23[%swap3A_1835, %swap3A_1836], %swap3A_1839 {strides = array<i32>} : memref<48x128xf32, #tpu.memory_space<vmem>>, vector<1x16xf32>,
    %broadcast_in_dim3A_1840 = arith.constant 0.000000e+00 : f32
    %broadcast_in_dim3A_1841 = vector.broadcast %broadcast_in_dim3A_1840 : f32 to vector<16xf32>
    %swap3A_1842 = arith.constant 27 : i32
    %swap3A_1843 = arith.index_cast %swap3A_1842 : i32 to index
    %swap3A_1844 = arith.constant 48 : index
    %swap3A_1845 = tpu.vector_load %arg23[%swap3A_1843, %swap3A_1844] {strides = array<i32>} : memref<48x128xf32, #tpu.memory_space<vmem>>, vector<1x16xf32>,
    %swap3A_1846 = vector.shape_cast %swap3A_1845 : vector<1x16xf32> to vector<16xf32>
    %swap3A_1847 = vector.shape_cast %broadcast_in_dim3A_1841 : vector<16xf32> to vector<1x16xf32>
    tpu.vector_store %arg23[%swap3A_1843, %swap3A_1844], %swap3A_1847 {strides = array<i32>} : memref<48x128xf32, #tpu.memory_space<vmem>>, vector<1x16xf32>,
    %broadcast_in_dim3A_1848 = arith.constant 0.000000e+00 : f32
    %broadcast_in_dim3A_1849 = vector.broadcast %broadcast_in_dim3A_1848 : f32 to vector<16xf32>
    %swap3A_1850 = arith.constant 27 : i32
    %swap3A_1851 = arith.index_cast %swap3A_1850 : i32 to index
    %swap3A_1852 = arith.constant 64 : index
    %swap3A_1853 = tpu.vector_load %arg23[%swap3A_1851, %swap3A_1852] {strides = array<i32>} : memref<48x128xf32, #tpu.memory_space<vmem>>, vector<1x16xf32>,
    %swap3A_1854 = vector.shape_cast %swap3A_1853 : vector<1x16xf32> to vector<16xf32>
    %swap3A_1855 = vector.shape_cast %broadcast_in_dim3A_1849 : vector<16xf32> to vector<1x16xf32>
    tpu.vector_store %arg23[%swap3A_1851, %swap3A_1852], %swap3A_1855 {strides = array<i32>} : memref<48x128xf32, #tpu.memory_space<vmem>>, vector<1x16xf32>,
    %broadcast_in_dim3A_1856 = arith.constant 0.000000e+00 : f32
    %broadcast_in_dim3A_1857 = vector.broadcast %broadcast_in_dim3A_1856 : f32 to vector<16xf32>
    %swap3A_1858 = arith.constant 27 : i32
    %swap3A_1859 = arith.index_cast %swap3A_1858 : i32 to index
    %swap3A_1860 = arith.constant 80 : index
    %swap3A_1861 = tpu.vector_load %arg23[%swap3A_1859, %swap3A_1860] {strides = array<i32>} : memref<48x128xf32, #tpu.memory_space<vmem>>, vector<1x16xf32>,
    %swap3A_1862 = vector.shape_cast %swap3A_1861 : vector<1x16xf32> to vector<16xf32>
    %swap3A_1863 = vector.shape_cast %broadcast_in_dim3A_1857 : vector<16xf32> to vector<1x16xf32>
    tpu.vector_store %arg23[%swap3A_1859, %swap3A_1860], %swap3A_1863 {strides = array<i32>} : memref<48x128xf32, #tpu.memory_space<vmem>>, vector<1x16xf32>,
    %broadcast_in_dim3A_1864 = arith.constant 0.000000e+00 : f32
    %broadcast_in_dim3A_1865 = vector.broadcast %broadcast_in_dim3A_1864 : f32 to vector<16xf32>
    %swap3A_1866 = arith.constant 27 : i32
    %swap3A_1867 = arith.index_cast %swap3A_1866 : i32 to index
    %swap3A_1868 = arith.constant 96 : index
    %swap3A_1869 = tpu.vector_load %arg23[%swap3A_1867, %swap3A_1868] {strides = array<i32>} : memref<48x128xf32, #tpu.memory_space<vmem>>, vector<1x16xf32>,
    %swap3A_1870 = vector.shape_cast %swap3A_1869 : vector<1x16xf32> to vector<16xf32>
    %swap3A_1871 = vector.shape_cast %broadcast_in_dim3A_1865 : vector<16xf32> to vector<1x16xf32>
    tpu.vector_store %arg23[%swap3A_1867, %swap3A_1868], %swap3A_1871 {strides = array<i32>} : memref<48x128xf32, #tpu.memory_space<vmem>>, vector<1x16xf32>,
    %broadcast_in_dim3A_1872 = arith.constant 0.000000e+00 : f32
    %broadcast_in_dim3A_1873 = vector.broadcast %broadcast_in_dim3A_1872 : f32 to vector<16xf32>
    %swap3A_1874 = arith.constant 27 : i32
    %swap3A_1875 = arith.index_cast %swap3A_1874 : i32 to index
    %swap3A_1876 = arith.constant 112 : index
    %swap3A_1877 = tpu.vector_load %arg23[%swap3A_1875, %swap3A_1876] {strides = array<i32>} : memref<48x128xf32, #tpu.memory_space<vmem>>, vector<1x16xf32>,
    %swap3A_1878 = vector.shape_cast %swap3A_1877 : vector<1x16xf32> to vector<16xf32>
    %swap3A_1879 = vector.shape_cast %broadcast_in_dim3A_1873 : vector<16xf32> to vector<1x16xf32>
    tpu.vector_store %arg23[%swap3A_1875, %swap3A_1876], %swap3A_1879 {strides = array<i32>} : memref<48x128xf32, #tpu.memory_space<vmem>>, vector<1x16xf32>,
    %broadcast_in_dim3A_1880 = arith.constant 0.000000e+00 : f32
    %broadcast_in_dim3A_1881 = vector.broadcast %broadcast_in_dim3A_1880 : f32 to vector<16xf32>
    %swap3A_1882 = arith.constant 28 : i32
    %swap3A_1883 = arith.index_cast %swap3A_1882 : i32 to index
    %swap3A_1884 = arith.constant 0 : index
    %swap3A_1885 = tpu.vector_load %arg23[%swap3A_1883, %swap3A_1884] {strides = array<i32>} : memref<48x128xf32, #tpu.memory_space<vmem>>, vector<1x16xf32>,
    %swap3A_1886 = vector.shape_cast %swap3A_1885 : vector<1x16xf32> to vector<16xf32>
    %swap3A_1887 = vector.shape_cast %broadcast_in_dim3A_1881 : vector<16xf32> to vector<1x16xf32>
    tpu.vector_store %arg23[%swap3A_1883, %swap3A_1884], %swap3A_1887 {strides = array<i32>} : memref<48x128xf32, #tpu.memory_space<vmem>>, vector<1x16xf32>,
    %broadcast_in_dim3A_1888 = arith.constant 0.000000e+00 : f32
    %broadcast_in_dim3A_1889 = vector.broadcast %broadcast_in_dim3A_1888 : f32 to vector<16xf32>
    %swap3A_1890 = arith.constant 28 : i32
    %swap3A_1891 = arith.index_cast %swap3A_1890 : i32 to index
    %swap3A_1892 = arith.constant 16 : index
    %swap3A_1893 = tpu.vector_load %arg23[%swap3A_1891, %swap3A_1892] {strides = array<i32>} : memref<48x128xf32, #tpu.memory_space<vmem>>, vector<1x16xf32>,
    %swap3A_1894 = vector.shape_cast %swap3A_1893 : vector<1x16xf32> to vector<16xf32>
    %swap3A_1895 = vector.shape_cast %broadcast_in_dim3A_1889 : vector<16xf32> to vector<1x16xf32>
    tpu.vector_store %arg23[%swap3A_1891, %swap3A_1892], %swap3A_1895 {strides = array<i32>} : memref<48x128xf32, #tpu.memory_space<vmem>>, vector<1x16xf32>,
    %broadcast_in_dim3A_1896 = arith.constant 0.000000e+00 : f32
    %broadcast_in_dim3A_1897 = vector.broadcast %broadcast_in_dim3A_1896 : f32 to vector<16xf32>
    %swap3A_1898 = arith.constant 28 : i32
    %swap3A_1899 = arith.index_cast %swap3A_1898 : i32 to index
    %swap3A_1900 = arith.constant 32 : index
    %swap3A_1901 = tpu.vector_load %arg23[%swap3A_1899, %swap3A_1900] {strides = array<i32>} : memref<48x128xf32, #tpu.memory_space<vmem>>, vector<1x16xf32>,
    %swap3A_1902 = vector.shape_cast %swap3A_1901 : vector<1x16xf32> to vector<16xf32>
    %swap3A_1903 = vector.shape_cast %broadcast_in_dim3A_1897 : vector<16xf32> to vector<1x16xf32>
    tpu.vector_store %arg23[%swap3A_1899, %swap3A_1900], %swap3A_1903 {strides = array<i32>} : memref<48x128xf32, #tpu.memory_space<vmem>>, vector<1x16xf32>,
    %broadcast_in_dim3A_1904 = arith.constant 0.000000e+00 : f32
    %broadcast_in_dim3A_1905 = vector.broadcast %broadcast_in_dim3A_1904 : f32 to vector<16xf32>
    %swap3A_1906 = arith.constant 28 : i32
    %swap3A_1907 = arith.index_cast %swap3A_1906 : i32 to index
    %swap3A_1908 = arith.constant 48 : index
    %swap3A_1909 = tpu.vector_load %arg23[%swap3A_1907, %swap3A_1908] {strides = array<i32>} : memref<48x128xf32, #tpu.memory_space<vmem>>, vector<1x16xf32>,
    %swap3A_1910 = vector.shape_cast %swap3A_1909 : vector<1x16xf32> to vector<16xf32>
    %swap3A_1911 = vector.shape_cast %broadcast_in_dim3A_1905 : vector<16xf32> to vector<1x16xf32>
    tpu.vector_store %arg23[%swap3A_1907, %swap3A_1908], %swap3A_1911 {strides = array<i32>} : memref<48x128xf32, #tpu.memory_space<vmem>>, vector<1x16xf32>,
    %broadcast_in_dim3A_1912 = arith.constant 0.000000e+00 : f32
    %broadcast_in_dim3A_1913 = vector.broadcast %broadcast_in_dim3A_1912 : f32 to vector<16xf32>
    %swap3A_1914 = arith.constant 28 : i32
    %swap3A_1915 = arith.index_cast %swap3A_1914 : i32 to index
    %swap3A_1916 = arith.constant 64 : index
    %swap3A_1917 = tpu.vector_load %arg23[%swap3A_1915, %swap3A_1916] {strides = array<i32>} : memref<48x128xf32, #tpu.memory_space<vmem>>, vector<1x16xf32>,
    %swap3A_1918 = vector.shape_cast %swap3A_1917 : vector<1x16xf32> to vector<16xf32>
    %swap3A_1919 = vector.shape_cast %broadcast_in_dim3A_1913 : vector<16xf32> to vector<1x16xf32>
    tpu.vector_store %arg23[%swap3A_1915, %swap3A_1916], %swap3A_1919 {strides = array<i32>} : memref<48x128xf32, #tpu.memory_space<vmem>>, vector<1x16xf32>,
    %broadcast_in_dim3A_1920 = arith.constant 0.000000e+00 : f32
    %broadcast_in_dim3A_1921 = vector.broadcast %broadcast_in_dim3A_1920 : f32 to vector<16xf32>
    %swap3A_1922 = arith.constant 28 : i32
    %swap3A_1923 = arith.index_cast %swap3A_1922 : i32 to index
    %swap3A_1924 = arith.constant 80 : index
    %swap3A_1925 = tpu.vector_load %arg23[%swap3A_1923, %swap3A_1924] {strides = array<i32>} : memref<48x128xf32, #tpu.memory_space<vmem>>, vector<1x16xf32>,
    %swap3A_1926 = vector.shape_cast %swap3A_1925 : vector<1x16xf32> to vector<16xf32>
    %swap3A_1927 = vector.shape_cast %broadcast_in_dim3A_1921 : vector<16xf32> to vector<1x16xf32>
    tpu.vector_store %arg23[%swap3A_1923, %swap3A_1924], %swap3A_1927 {strides = array<i32>} : memref<48x128xf32, #tpu.memory_space<vmem>>, vector<1x16xf32>,
    %broadcast_in_dim3A_1928 = arith.constant 0.000000e+00 : f32
    %broadcast_in_dim3A_1929 = vector.broadcast %broadcast_in_dim3A_1928 : f32 to vector<16xf32>
    %swap3A_1930 = arith.constant 28 : i32
    %swap3A_1931 = arith.index_cast %swap3A_1930 : i32 to index
    %swap3A_1932 = arith.constant 96 : index
    %swap3A_1933 = tpu.vector_load %arg23[%swap3A_1931, %swap3A_1932] {strides = array<i32>} : memref<48x128xf32, #tpu.memory_space<vmem>>, vector<1x16xf32>,
    %swap3A_1934 = vector.shape_cast %swap3A_1933 : vector<1x16xf32> to vector<16xf32>
    %swap3A_1935 = vector.shape_cast %broadcast_in_dim3A_1929 : vector<16xf32> to vector<1x16xf32>
    tpu.vector_store %arg23[%swap3A_1931, %swap3A_1932], %swap3A_1935 {strides = array<i32>} : memref<48x128xf32, #tpu.memory_space<vmem>>, vector<1x16xf32>,
    %broadcast_in_dim3A_1936 = arith.constant 0.000000e+00 : f32
    %broadcast_in_dim3A_1937 = vector.broadcast %broadcast_in_dim3A_1936 : f32 to vector<16xf32>
    %swap3A_1938 = arith.constant 28 : i32
    %swap3A_1939 = arith.index_cast %swap3A_1938 : i32 to index
    %swap3A_1940 = arith.constant 112 : index
    %swap3A_1941 = tpu.vector_load %arg23[%swap3A_1939, %swap3A_1940] {strides = array<i32>} : memref<48x128xf32, #tpu.memory_space<vmem>>, vector<1x16xf32>,
    %swap3A_1942 = vector.shape_cast %swap3A_1941 : vector<1x16xf32> to vector<16xf32>
    %swap3A_1943 = vector.shape_cast %broadcast_in_dim3A_1937 : vector<16xf32> to vector<1x16xf32>
    tpu.vector_store %arg23[%swap3A_1939, %swap3A_1940], %swap3A_1943 {strides = array<i32>} : memref<48x128xf32, #tpu.memory_space<vmem>>, vector<1x16xf32>,
    %broadcast_in_dim3A_1944 = arith.constant 0.000000e+00 : f32
    %broadcast_in_dim3A_1945 = vector.broadcast %broadcast_in_dim3A_1944 : f32 to vector<16xf32>
    %swap3A_1946 = arith.constant 29 : i32
    %swap3A_1947 = arith.index_cast %swap3A_1946 : i32 to index
    %swap3A_1948 = arith.constant 0 : index
    %swap3A_1949 = tpu.vector_load %arg23[%swap3A_1947, %swap3A_1948] {strides = array<i32>} : memref<48x128xf32, #tpu.memory_space<vmem>>, vector<1x16xf32>,
    %swap3A_1950 = vector.shape_cast %swap3A_1949 : vector<1x16xf32> to vector<16xf32>
    %swap3A_1951 = vector.shape_cast %broadcast_in_dim3A_1945 : vector<16xf32> to vector<1x16xf32>
    tpu.vector_store %arg23[%swap3A_1947, %swap3A_1948], %swap3A_1951 {strides = array<i32>} : memref<48x128xf32, #tpu.memory_space<vmem>>, vector<1x16xf32>,
    %broadcast_in_dim3A_1952 = arith.constant 0.000000e+00 : f32
    %broadcast_in_dim3A_1953 = vector.broadcast %broadcast_in_dim3A_1952 : f32 to vector<16xf32>
    %swap3A_1954 = arith.constant 29 : i32
    %swap3A_1955 = arith.index_cast %swap3A_1954 : i32 to index
    %swap3A_1956 = arith.constant 16 : index
    %swap3A_1957 = tpu.vector_load %arg23[%swap3A_1955, %swap3A_1956] {strides = array<i32>} : memref<48x128xf32, #tpu.memory_space<vmem>>, vector<1x16xf32>,
    %swap3A_1958 = vector.shape_cast %swap3A_1957 : vector<1x16xf32> to vector<16xf32>
    %swap3A_1959 = vector.shape_cast %broadcast_in_dim3A_1953 : vector<16xf32> to vector<1x16xf32>
    tpu.vector_store %arg23[%swap3A_1955, %swap3A_1956], %swap3A_1959 {strides = array<i32>} : memref<48x128xf32, #tpu.memory_space<vmem>>, vector<1x16xf32>,
    %broadcast_in_dim3A_1960 = arith.constant 0.000000e+00 : f32
    %broadcast_in_dim3A_1961 = vector.broadcast %broadcast_in_dim3A_1960 : f32 to vector<16xf32>
    %swap3A_1962 = arith.constant 29 : i32
    %swap3A_1963 = arith.index_cast %swap3A_1962 : i32 to index
    %swap3A_1964 = arith.constant 32 : index
    %swap3A_1965 = tpu.vector_load %arg23[%swap3A_1963, %swap3A_1964] {strides = array<i32>} : memref<48x128xf32, #tpu.memory_space<vmem>>, vector<1x16xf32>,
    %swap3A_1966 = vector.shape_cast %swap3A_1965 : vector<1x16xf32> to vector<16xf32>
    %swap3A_1967 = vector.shape_cast %broadcast_in_dim3A_1961 : vector<16xf32> to vector<1x16xf32>
    tpu.vector_store %arg23[%swap3A_1963, %swap3A_1964], %swap3A_1967 {strides = array<i32>} : memref<48x128xf32, #tpu.memory_space<vmem>>, vector<1x16xf32>,
    %broadcast_in_dim3A_1968 = arith.constant 0.000000e+00 : f32
    %broadcast_in_dim3A_1969 = vector.broadcast %broadcast_in_dim3A_1968 : f32 to vector<16xf32>
    %swap3A_1970 = arith.constant 29 : i32
    %swap3A_1971 = arith.index_cast %swap3A_1970 : i32 to index
    %swap3A_1972 = arith.constant 48 : index
    %swap3A_1973 = tpu.vector_load %arg23[%swap3A_1971, %swap3A_1972] {strides = array<i32>} : memref<48x128xf32, #tpu.memory_space<vmem>>, vector<1x16xf32>,
    %swap3A_1974 = vector.shape_cast %swap3A_1973 : vector<1x16xf32> to vector<16xf32>
    %swap3A_1975 = vector.shape_cast %broadcast_in_dim3A_1969 : vector<16xf32> to vector<1x16xf32>
    tpu.vector_store %arg23[%swap3A_1971, %swap3A_1972], %swap3A_1975 {strides = array<i32>} : memref<48x128xf32, #tpu.memory_space<vmem>>, vector<1x16xf32>,
    %broadcast_in_dim3A_1976 = arith.constant 0.000000e+00 : f32
    %broadcast_in_dim3A_1977 = vector.broadcast %broadcast_in_dim3A_1976 : f32 to vector<16xf32>
    %swap3A_1978 = arith.constant 29 : i32
    %swap3A_1979 = arith.index_cast %swap3A_1978 : i32 to index
    %swap3A_1980 = arith.constant 64 : index
    %swap3A_1981 = tpu.vector_load %arg23[%swap3A_1979, %swap3A_1980] {strides = array<i32>} : memref<48x128xf32, #tpu.memory_space<vmem>>, vector<1x16xf32>,
    %swap3A_1982 = vector.shape_cast %swap3A_1981 : vector<1x16xf32> to vector<16xf32>
    %swap3A_1983 = vector.shape_cast %broadcast_in_dim3A_1977 : vector<16xf32> to vector<1x16xf32>
    tpu.vector_store %arg23[%swap3A_1979, %swap3A_1980], %swap3A_1983 {strides = array<i32>} : memref<48x128xf32, #tpu.memory_space<vmem>>, vector<1x16xf32>,
    %broadcast_in_dim3A_1984 = arith.constant 0.000000e+00 : f32
    %broadcast_in_dim3A_1985 = vector.broadcast %broadcast_in_dim3A_1984 : f32 to vector<16xf32>
    %swap3A_1986 = arith.constant 29 : i32
    %swap3A_1987 = arith.index_cast %swap3A_1986 : i32 to index
    %swap3A_1988 = arith.constant 80 : index
    %swap3A_1989 = tpu.vector_load %arg23[%swap3A_1987, %swap3A_1988] {strides = array<i32>} : memref<48x128xf32, #tpu.memory_space<vmem>>, vector<1x16xf32>,
    %swap3A_1990 = vector.shape_cast %swap3A_1989 : vector<1x16xf32> to vector<16xf32>
    %swap3A_1991 = vector.shape_cast %broadcast_in_dim3A_1985 : vector<16xf32> to vector<1x16xf32>
    tpu.vector_store %arg23[%swap3A_1987, %swap3A_1988], %swap3A_1991 {strides = array<i32>} : memref<48x128xf32, #tpu.memory_space<vmem>>, vector<1x16xf32>,
    %broadcast_in_dim3A_1992 = arith.constant 0.000000e+00 : f32
    %broadcast_in_dim3A_1993 = vector.broadcast %broadcast_in_dim3A_1992 : f32 to vector<16xf32>
    %swap3A_1994 = arith.constant 29 : i32
    %swap3A_1995 = arith.index_cast %swap3A_1994 : i32 to index
    %swap3A_1996 = arith.constant 96 : index
    %swap3A_1997 = tpu.vector_load %arg23[%swap3A_1995, %swap3A_1996] {strides = array<i32>} : memref<48x128xf32, #tpu.memory_space<vmem>>, vector<1x16xf32>,
    %swap3A_1998 = vector.shape_cast %swap3A_1997 : vector<1x16xf32> to vector<16xf32>
    %swap3A_1999 = vector.shape_cast %broadcast_in_dim3A_1993 : vector<16xf32> to vector<1x16xf32>
    tpu.vector_store %arg23[%swap3A_1995, %swap3A_1996], %swap3A_1999 {strides = array<i32>} : memref<48x128xf32, #tpu.memory_space<vmem>>, vector<1x16xf32>,
    %broadcast_in_dim3A_2000 = arith.constant 0.000000e+00 : f32
    %broadcast_in_dim3A_2001 = vector.broadcast %broadcast_in_dim3A_2000 : f32 to vector<16xf32>
    %swap3A_2002 = arith.constant 29 : i32
    %swap3A_2003 = arith.index_cast %swap3A_2002 : i32 to index
    %swap3A_2004 = arith.constant 112 : index
    %swap3A_2005 = tpu.vector_load %arg23[%swap3A_2003, %swap3A_2004] {strides = array<i32>} : memref<48x128xf32, #tpu.memory_space<vmem>>, vector<1x16xf32>,
    %swap3A_2006 = vector.shape_cast %swap3A_2005 : vector<1x16xf32> to vector<16xf32>
    %swap3A_2007 = vector.shape_cast %broadcast_in_dim3A_2001 : vector<16xf32> to vector<1x16xf32>
    tpu.vector_store %arg23[%swap3A_2003, %swap3A_2004], %swap3A_2007 {strides = array<i32>} : memref<48x128xf32, #tpu.memory_space<vmem>>, vector<1x16xf32>,
    %broadcast_in_dim3A_2008 = arith.constant 0.000000e+00 : f32
    %broadcast_in_dim3A_2009 = vector.broadcast %broadcast_in_dim3A_2008 : f32 to vector<16xf32>
    %swap3A_2010 = arith.constant 30 : i32
    %swap3A_2011 = arith.index_cast %swap3A_2010 : i32 to index
    %swap3A_2012 = arith.constant 0 : index
    %swap3A_2013 = tpu.vector_load %arg23[%swap3A_2011, %swap3A_2012] {strides = array<i32>} : memref<48x128xf32, #tpu.memory_space<vmem>>, vector<1x16xf32>,
    %swap3A_2014 = vector.shape_cast %swap3A_2013 : vector<1x16xf32> to vector<16xf32>
    %swap3A_2015 = vector.shape_cast %broadcast_in_dim3A_2009 : vector<16xf32> to vector<1x16xf32>
    tpu.vector_store %arg23[%swap3A_2011, %swap3A_2012], %swap3A_2015 {strides = array<i32>} : memref<48x128xf32, #tpu.memory_space<vmem>>, vector<1x16xf32>,
    %broadcast_in_dim3A_2016 = arith.constant 0.000000e+00 : f32
    %broadcast_in_dim3A_2017 = vector.broadcast %broadcast_in_dim3A_2016 : f32 to vector<16xf32>
    %swap3A_2018 = arith.constant 30 : i32
    %swap3A_2019 = arith.index_cast %swap3A_2018 : i32 to index
    %swap3A_2020 = arith.constant 16 : index
    %swap3A_2021 = tpu.vector_load %arg23[%swap3A_2019, %swap3A_2020] {strides = array<i32>} : memref<48x128xf32, #tpu.memory_space<vmem>>, vector<1x16xf32>,
    %swap3A_2022 = vector.shape_cast %swap3A_2021 : vector<1x16xf32> to vector<16xf32>
    %swap3A_2023 = vector.shape_cast %broadcast_in_dim3A_2017 : vector<16xf32> to vector<1x16xf32>
    tpu.vector_store %arg23[%swap3A_2019, %swap3A_2020], %swap3A_2023 {strides = array<i32>} : memref<48x128xf32, #tpu.memory_space<vmem>>, vector<1x16xf32>,
    %broadcast_in_dim3A_2024 = arith.constant 0.000000e+00 : f32
    %broadcast_in_dim3A_2025 = vector.broadcast %broadcast_in_dim3A_2024 : f32 to vector<16xf32>
    %swap3A_2026 = arith.constant 30 : i32
    %swap3A_2027 = arith.index_cast %swap3A_2026 : i32 to index
    %swap3A_2028 = arith.constant 32 : index
    %swap3A_2029 = tpu.vector_load %arg23[%swap3A_2027, %swap3A_2028] {strides = array<i32>} : memref<48x128xf32, #tpu.memory_space<vmem>>, vector<1x16xf32>,
    %swap3A_2030 = vector.shape_cast %swap3A_2029 : vector<1x16xf32> to vector<16xf32>
    %swap3A_2031 = vector.shape_cast %broadcast_in_dim3A_2025 : vector<16xf32> to vector<1x16xf32>
    tpu.vector_store %arg23[%swap3A_2027, %swap3A_2028], %swap3A_2031 {strides = array<i32>} : memref<48x128xf32, #tpu.memory_space<vmem>>, vector<1x16xf32>,
    %broadcast_in_dim3A_2032 = arith.constant 0.000000e+00 : f32
    %broadcast_in_dim3A_2033 = vector.broadcast %broadcast_in_dim3A_2032 : f32 to vector<16xf32>
    %swap3A_2034 = arith.constant 30 : i32
    %swap3A_2035 = arith.index_cast %swap3A_2034 : i32 to index
    %swap3A_2036 = arith.constant 48 : index
    %swap3A_2037 = tpu.vector_load %arg23[%swap3A_2035, %swap3A_2036] {strides = array<i32>} : memref<48x128xf32, #tpu.memory_space<vmem>>, vector<1x16xf32>,
    %swap3A_2038 = vector.shape_cast %swap3A_2037 : vector<1x16xf32> to vector<16xf32>
    %swap3A_2039 = vector.shape_cast %broadcast_in_dim3A_2033 : vector<16xf32> to vector<1x16xf32>
    tpu.vector_store %arg23[%swap3A_2035, %swap3A_2036], %swap3A_2039 {strides = array<i32>} : memref<48x128xf32, #tpu.memory_space<vmem>>, vector<1x16xf32>,
    %broadcast_in_dim3A_2040 = arith.constant 0.000000e+00 : f32
    %broadcast_in_dim3A_2041 = vector.broadcast %broadcast_in_dim3A_2040 : f32 to vector<16xf32>
    %swap3A_2042 = arith.constant 30 : i32
    %swap3A_2043 = arith.index_cast %swap3A_2042 : i32 to index
    %swap3A_2044 = arith.constant 64 : index
    %swap3A_2045 = tpu.vector_load %arg23[%swap3A_2043, %swap3A_2044] {strides = array<i32>} : memref<48x128xf32, #tpu.memory_space<vmem>>, vector<1x16xf32>,
    %swap3A_2046 = vector.shape_cast %swap3A_2045 : vector<1x16xf32> to vector<16xf32>
    %swap3A_2047 = vector.shape_cast %broadcast_in_dim3A_2041 : vector<16xf32> to vector<1x16xf32>
    tpu.vector_store %arg23[%swap3A_2043, %swap3A_2044], %swap3A_2047 {strides = array<i32>} : memref<48x128xf32, #tpu.memory_space<vmem>>, vector<1x16xf32>,
    %broadcast_in_dim3A_2048 = arith.constant 0.000000e+00 : f32
    %broadcast_in_dim3A_2049 = vector.broadcast %broadcast_in_dim3A_2048 : f32 to vector<16xf32>
    %swap3A_2050 = arith.constant 30 : i32
    %swap3A_2051 = arith.index_cast %swap3A_2050 : i32 to index
    %swap3A_2052 = arith.constant 80 : index
    %swap3A_2053 = tpu.vector_load %arg23[%swap3A_2051, %swap3A_2052] {strides = array<i32>} : memref<48x128xf32, #tpu.memory_space<vmem>>, vector<1x16xf32>,
    %swap3A_2054 = vector.shape_cast %swap3A_2053 : vector<1x16xf32> to vector<16xf32>
    %swap3A_2055 = vector.shape_cast %broadcast_in_dim3A_2049 : vector<16xf32> to vector<1x16xf32>
    tpu.vector_store %arg23[%swap3A_2051, %swap3A_2052], %swap3A_2055 {strides = array<i32>} : memref<48x128xf32, #tpu.memory_space<vmem>>, vector<1x16xf32>,
    %broadcast_in_dim3A_2056 = arith.constant 0.000000e+00 : f32
    %broadcast_in_dim3A_2057 = vector.broadcast %broadcast_in_dim3A_2056 : f32 to vector<16xf32>
    %swap3A_2058 = arith.constant 30 : i32
    %swap3A_2059 = arith.index_cast %swap3A_2058 : i32 to index
    %swap3A_2060 = arith.constant 96 : index
    %swap3A_2061 = tpu.vector_load %arg23[%swap3A_2059, %swap3A_2060] {strides = array<i32>} : memref<48x128xf32, #tpu.memory_space<vmem>>, vector<1x16xf32>,
    %swap3A_2062 = vector.shape_cast %swap3A_2061 : vector<1x16xf32> to vector<16xf32>
    %swap3A_2063 = vector.shape_cast %broadcast_in_dim3A_2057 : vector<16xf32> to vector<1x16xf32>
    tpu.vector_store %arg23[%swap3A_2059, %swap3A_2060], %swap3A_2063 {strides = array<i32>} : memref<48x128xf32, #tpu.memory_space<vmem>>, vector<1x16xf32>,
    %broadcast_in_dim3A_2064 = arith.constant 0.000000e+00 : f32
    %broadcast_in_dim3A_2065 = vector.broadcast %broadcast_in_dim3A_2064 : f32 to vector<16xf32>
    %swap3A_2066 = arith.constant 30 : i32
    %swap3A_2067 = arith.index_cast %swap3A_2066 : i32 to index
    %swap3A_2068 = arith.constant 112 : index
    %swap3A_2069 = tpu.vector_load %arg23[%swap3A_2067, %swap3A_2068] {strides = array<i32>} : memref<48x128xf32, #tpu.memory_space<vmem>>, vector<1x16xf32>,
    %swap3A_2070 = vector.shape_cast %swap3A_2069 : vector<1x16xf32> to vector<16xf32>
    %swap3A_2071 = vector.shape_cast %broadcast_in_dim3A_2065 : vector<16xf32> to vector<1x16xf32>
    tpu.vector_store %arg23[%swap3A_2067, %swap3A_2068], %swap3A_2071 {strides = array<i32>} : memref<48x128xf32, #tpu.memory_space<vmem>>, vector<1x16xf32>,
    %broadcast_in_dim3A_2072 = arith.constant 0.000000e+00 : f32
    %broadcast_in_dim3A_2073 = vector.broadcast %broadcast_in_dim3A_2072 : f32 to vector<16xf32>
    %swap3A_2074 = arith.constant 31 : i32
    %swap3A_2075 = arith.index_cast %swap3A_2074 : i32 to index
    %swap3A_2076 = arith.constant 0 : index
    %swap3A_2077 = tpu.vector_load %arg23[%swap3A_2075, %swap3A_2076] {strides = array<i32>} : memref<48x128xf32, #tpu.memory_space<vmem>>, vector<1x16xf32>,
    %swap3A_2078 = vector.shape_cast %swap3A_2077 : vector<1x16xf32> to vector<16xf32>
    %swap3A_2079 = vector.shape_cast %broadcast_in_dim3A_2073 : vector<16xf32> to vector<1x16xf32>
    tpu.vector_store %arg23[%swap3A_2075, %swap3A_2076], %swap3A_2079 {strides = array<i32>} : memref<48x128xf32, #tpu.memory_space<vmem>>, vector<1x16xf32>,
    %broadcast_in_dim3A_2080 = arith.constant 0.000000e+00 : f32
    %broadcast_in_dim3A_2081 = vector.broadcast %broadcast_in_dim3A_2080 : f32 to vector<16xf32>
    %swap3A_2082 = arith.constant 31 : i32
    %swap3A_2083 = arith.index_cast %swap3A_2082 : i32 to index
    %swap3A_2084 = arith.constant 16 : index
    %swap3A_2085 = tpu.vector_load %arg23[%swap3A_2083, %swap3A_2084] {strides = array<i32>} : memref<48x128xf32, #tpu.memory_space<vmem>>, vector<1x16xf32>,
    %swap3A_2086 = vector.shape_cast %swap3A_2085 : vector<1x16xf32> to vector<16xf32>
    %swap3A_2087 = vector.shape_cast %broadcast_in_dim3A_2081 : vector<16xf32> to vector<1x16xf32>
    tpu.vector_store %arg23[%swap3A_2083, %swap3A_2084], %swap3A_2087 {strides = array<i32>} : memref<48x128xf32, #tpu.memory_space<vmem>>, vector<1x16xf32>,
    %broadcast_in_dim3A_2088 = arith.constant 0.000000e+00 : f32
    %broadcast_in_dim3A_2089 = vector.broadcast %broadcast_in_dim3A_2088 : f32 to vector<16xf32>
    %swap3A_2090 = arith.constant 31 : i32
    %swap3A_2091 = arith.index_cast %swap3A_2090 : i32 to index
    %swap3A_2092 = arith.constant 32 : index
    %swap3A_2093 = tpu.vector_load %arg23[%swap3A_2091, %swap3A_2092] {strides = array<i32>} : memref<48x128xf32, #tpu.memory_space<vmem>>, vector<1x16xf32>,
    %swap3A_2094 = vector.shape_cast %swap3A_2093 : vector<1x16xf32> to vector<16xf32>
    %swap3A_2095 = vector.shape_cast %broadcast_in_dim3A_2089 : vector<16xf32> to vector<1x16xf32>
    tpu.vector_store %arg23[%swap3A_2091, %swap3A_2092], %swap3A_2095 {strides = array<i32>} : memref<48x128xf32, #tpu.memory_space<vmem>>, vector<1x16xf32>,
    %broadcast_in_dim3A_2096 = arith.constant 0.000000e+00 : f32
    %broadcast_in_dim3A_2097 = vector.broadcast %broadcast_in_dim3A_2096 : f32 to vector<16xf32>
    %swap3A_2098 = arith.constant 31 : i32
    %swap3A_2099 = arith.index_cast %swap3A_2098 : i32 to index
    %swap3A_2100 = arith.constant 48 : index
    %swap3A_2101 = tpu.vector_load %arg23[%swap3A_2099, %swap3A_2100] {strides = array<i32>} : memref<48x128xf32, #tpu.memory_space<vmem>>, vector<1x16xf32>,
    %swap3A_2102 = vector.shape_cast %swap3A_2101 : vector<1x16xf32> to vector<16xf32>
    %swap3A_2103 = vector.shape_cast %broadcast_in_dim3A_2097 : vector<16xf32> to vector<1x16xf32>
    tpu.vector_store %arg23[%swap3A_2099, %swap3A_2100], %swap3A_2103 {strides = array<i32>} : memref<48x128xf32, #tpu.memory_space<vmem>>, vector<1x16xf32>,
    %broadcast_in_dim3A_2104 = arith.constant 0.000000e+00 : f32
    %broadcast_in_dim3A_2105 = vector.broadcast %broadcast_in_dim3A_2104 : f32 to vector<16xf32>
    %swap3A_2106 = arith.constant 31 : i32
    %swap3A_2107 = arith.index_cast %swap3A_2106 : i32 to index
    %swap3A_2108 = arith.constant 64 : index
    %swap3A_2109 = tpu.vector_load %arg23[%swap3A_2107, %swap3A_2108] {strides = array<i32>} : memref<48x128xf32, #tpu.memory_space<vmem>>, vector<1x16xf32>,
    %swap3A_2110 = vector.shape_cast %swap3A_2109 : vector<1x16xf32> to vector<16xf32>
    %swap3A_2111 = vector.shape_cast %broadcast_in_dim3A_2105 : vector<16xf32> to vector<1x16xf32>
    tpu.vector_store %arg23[%swap3A_2107, %swap3A_2108], %swap3A_2111 {strides = array<i32>} : memref<48x128xf32, #tpu.memory_space<vmem>>, vector<1x16xf32>,
    %broadcast_in_dim3A_2112 = arith.constant 0.000000e+00 : f32
    %broadcast_in_dim3A_2113 = vector.broadcast %broadcast_in_dim3A_2112 : f32 to vector<16xf32>
    %swap3A_2114 = arith.constant 31 : i32
    %swap3A_2115 = arith.index_cast %swap3A_2114 : i32 to index
    %swap3A_2116 = arith.constant 80 : index
    %swap3A_2117 = tpu.vector_load %arg23[%swap3A_2115, %swap3A_2116] {strides = array<i32>} : memref<48x128xf32, #tpu.memory_space<vmem>>, vector<1x16xf32>,
    %swap3A_2118 = vector.shape_cast %swap3A_2117 : vector<1x16xf32> to vector<16xf32>
    %swap3A_2119 = vector.shape_cast %broadcast_in_dim3A_2113 : vector<16xf32> to vector<1x16xf32>
    tpu.vector_store %arg23[%swap3A_2115, %swap3A_2116], %swap3A_2119 {strides = array<i32>} : memref<48x128xf32, #tpu.memory_space<vmem>>, vector<1x16xf32>,
    %broadcast_in_dim3A_2120 = arith.constant 0.000000e+00 : f32
    %broadcast_in_dim3A_2121 = vector.broadcast %broadcast_in_dim3A_2120 : f32 to vector<16xf32>
    %swap3A_2122 = arith.constant 31 : i32
    %swap3A_2123 = arith.index_cast %swap3A_2122 : i32 to index
    %swap3A_2124 = arith.constant 96 : index
    %swap3A_2125 = tpu.vector_load %arg23[%swap3A_2123, %swap3A_2124] {strides = array<i32>} : memref<48x128xf32, #tpu.memory_space<vmem>>, vector<1x16xf32>,
    %swap3A_2126 = vector.shape_cast %swap3A_2125 : vector<1x16xf32> to vector<16xf32>
    %swap3A_2127 = vector.shape_cast %broadcast_in_dim3A_2121 : vector<16xf32> to vector<1x16xf32>
    tpu.vector_store %arg23[%swap3A_2123, %swap3A_2124], %swap3A_2127 {strides = array<i32>} : memref<48x128xf32, #tpu.memory_space<vmem>>, vector<1x16xf32>,
    %broadcast_in_dim3A_2128 = arith.constant 0.000000e+00 : f32
    %broadcast_in_dim3A_2129 = vector.broadcast %broadcast_in_dim3A_2128 : f32 to vector<16xf32>
    %swap3A_2130 = arith.constant 31 : i32
    %swap3A_2131 = arith.index_cast %swap3A_2130 : i32 to index
    %swap3A_2132 = arith.constant 112 : index
    %swap3A_2133 = tpu.vector_load %arg23[%swap3A_2131, %swap3A_2132] {strides = array<i32>} : memref<48x128xf32, #tpu.memory_space<vmem>>, vector<1x16xf32>,
    %swap3A_2134 = vector.shape_cast %swap3A_2133 : vector<1x16xf32> to vector<16xf32>
    %swap3A_2135 = vector.shape_cast %broadcast_in_dim3A_2129 : vector<16xf32> to vector<1x16xf32>
    tpu.vector_store %arg23[%swap3A_2131, %swap3A_2132], %swap3A_2135 {strides = array<i32>} : memref<48x128xf32, #tpu.memory_space<vmem>>, vector<1x16xf32>,
    %broadcast_in_dim3A_2136 = arith.constant 0.000000e+00 : f32
    %broadcast_in_dim3A_2137 = vector.broadcast %broadcast_in_dim3A_2136 : f32 to vector<16xf32>
    %swap3A_2138 = arith.constant 32 : i32
    %swap3A_2139 = arith.index_cast %swap3A_2138 : i32 to index
    %swap3A_2140 = arith.constant 0 : index
    %swap3A_2141 = tpu.vector_load %arg23[%swap3A_2139, %swap3A_2140] {strides = array<i32>} : memref<48x128xf32, #tpu.memory_space<vmem>>, vector<1x16xf32>,
    %swap3A_2142 = vector.shape_cast %swap3A_2141 : vector<1x16xf32> to vector<16xf32>
    %swap3A_2143 = vector.shape_cast %broadcast_in_dim3A_2137 : vector<16xf32> to vector<1x16xf32>
    tpu.vector_store %arg23[%swap3A_2139, %swap3A_2140], %swap3A_2143 {strides = array<i32>} : memref<48x128xf32, #tpu.memory_space<vmem>>, vector<1x16xf32>,
    %broadcast_in_dim3A_2144 = arith.constant 0.000000e+00 : f32
    %broadcast_in_dim3A_2145 = vector.broadcast %broadcast_in_dim3A_2144 : f32 to vector<16xf32>
    %swap3A_2146 = arith.constant 32 : i32
    %swap3A_2147 = arith.index_cast %swap3A_2146 : i32 to index
    %swap3A_2148 = arith.constant 16 : index
    %swap3A_2149 = tpu.vector_load %arg23[%swap3A_2147, %swap3A_2148] {strides = array<i32>} : memref<48x128xf32, #tpu.memory_space<vmem>>, vector<1x16xf32>,
    %swap3A_2150 = vector.shape_cast %swap3A_2149 : vector<1x16xf32> to vector<16xf32>
    %swap3A_2151 = vector.shape_cast %broadcast_in_dim3A_2145 : vector<16xf32> to vector<1x16xf32>
    tpu.vector_store %arg23[%swap3A_2147, %swap3A_2148], %swap3A_2151 {strides = array<i32>} : memref<48x128xf32, #tpu.memory_space<vmem>>, vector<1x16xf32>,
    %broadcast_in_dim3A_2152 = arith.constant 0.000000e+00 : f32
    %broadcast_in_dim3A_2153 = vector.broadcast %broadcast_in_dim3A_2152 : f32 to vector<16xf32>
    %swap3A_2154 = arith.constant 32 : i32
    %swap3A_2155 = arith.index_cast %swap3A_2154 : i32 to index
    %swap3A_2156 = arith.constant 32 : index
    %swap3A_2157 = tpu.vector_load %arg23[%swap3A_2155, %swap3A_2156] {strides = array<i32>} : memref<48x128xf32, #tpu.memory_space<vmem>>, vector<1x16xf32>,
    %swap3A_2158 = vector.shape_cast %swap3A_2157 : vector<1x16xf32> to vector<16xf32>
    %swap3A_2159 = vector.shape_cast %broadcast_in_dim3A_2153 : vector<16xf32> to vector<1x16xf32>
    tpu.vector_store %arg23[%swap3A_2155, %swap3A_2156], %swap3A_2159 {strides = array<i32>} : memref<48x128xf32, #tpu.memory_space<vmem>>, vector<1x16xf32>,
    %broadcast_in_dim3A_2160 = arith.constant 0.000000e+00 : f32
    %broadcast_in_dim3A_2161 = vector.broadcast %broadcast_in_dim3A_2160 : f32 to vector<16xf32>
    %swap3A_2162 = arith.constant 32 : i32
    %swap3A_2163 = arith.index_cast %swap3A_2162 : i32 to index
    %swap3A_2164 = arith.constant 48 : index
    %swap3A_2165 = tpu.vector_load %arg23[%swap3A_2163, %swap3A_2164] {strides = array<i32>} : memref<48x128xf32, #tpu.memory_space<vmem>>, vector<1x16xf32>,
    %swap3A_2166 = vector.shape_cast %swap3A_2165 : vector<1x16xf32> to vector<16xf32>
    %swap3A_2167 = vector.shape_cast %broadcast_in_dim3A_2161 : vector<16xf32> to vector<1x16xf32>
    tpu.vector_store %arg23[%swap3A_2163, %swap3A_2164], %swap3A_2167 {strides = array<i32>} : memref<48x128xf32, #tpu.memory_space<vmem>>, vector<1x16xf32>,
    %broadcast_in_dim3A_2168 = arith.constant 0.000000e+00 : f32
    %broadcast_in_dim3A_2169 = vector.broadcast %broadcast_in_dim3A_2168 : f32 to vector<16xf32>
    %swap3A_2170 = arith.constant 32 : i32
    %swap3A_2171 = arith.index_cast %swap3A_2170 : i32 to index
    %swap3A_2172 = arith.constant 64 : index
    %swap3A_2173 = tpu.vector_load %arg23[%swap3A_2171, %swap3A_2172] {strides = array<i32>} : memref<48x128xf32, #tpu.memory_space<vmem>>, vector<1x16xf32>,
    %swap3A_2174 = vector.shape_cast %swap3A_2173 : vector<1x16xf32> to vector<16xf32>
    %swap3A_2175 = vector.shape_cast %broadcast_in_dim3A_2169 : vector<16xf32> to vector<1x16xf32>
    tpu.vector_store %arg23[%swap3A_2171, %swap3A_2172], %swap3A_2175 {strides = array<i32>} : memref<48x128xf32, #tpu.memory_space<vmem>>, vector<1x16xf32>,
    %broadcast_in_dim3A_2176 = arith.constant 0.000000e+00 : f32
    %broadcast_in_dim3A_2177 = vector.broadcast %broadcast_in_dim3A_2176 : f32 to vector<16xf32>
    %swap3A_2178 = arith.constant 32 : i32
    %swap3A_2179 = arith.index_cast %swap3A_2178 : i32 to index
    %swap3A_2180 = arith.constant 80 : index
    %swap3A_2181 = tpu.vector_load %arg23[%swap3A_2179, %swap3A_2180] {strides = array<i32>} : memref<48x128xf32, #tpu.memory_space<vmem>>, vector<1x16xf32>,
    %swap3A_2182 = vector.shape_cast %swap3A_2181 : vector<1x16xf32> to vector<16xf32>
    %swap3A_2183 = vector.shape_cast %broadcast_in_dim3A_2177 : vector<16xf32> to vector<1x16xf32>
    tpu.vector_store %arg23[%swap3A_2179, %swap3A_2180], %swap3A_2183 {strides = array<i32>} : memref<48x128xf32, #tpu.memory_space<vmem>>, vector<1x16xf32>,
    %broadcast_in_dim3A_2184 = arith.constant 0.000000e+00 : f32
    %broadcast_in_dim3A_2185 = vector.broadcast %broadcast_in_dim3A_2184 : f32 to vector<16xf32>
    %swap3A_2186 = arith.constant 32 : i32
    %swap3A_2187 = arith.index_cast %swap3A_2186 : i32 to index
    %swap3A_2188 = arith.constant 96 : index
    %swap3A_2189 = tpu.vector_load %arg23[%swap3A_2187, %swap3A_2188] {strides = array<i32>} : memref<48x128xf32, #tpu.memory_space<vmem>>, vector<1x16xf32>,
    %swap3A_2190 = vector.shape_cast %swap3A_2189 : vector<1x16xf32> to vector<16xf32>
    %swap3A_2191 = vector.shape_cast %broadcast_in_dim3A_2185 : vector<16xf32> to vector<1x16xf32>
    tpu.vector_store %arg23[%swap3A_2187, %swap3A_2188], %swap3A_2191 {strides = array<i32>} : memref<48x128xf32, #tpu.memory_space<vmem>>, vector<1x16xf32>,
    %broadcast_in_dim3A_2192 = arith.constant 0.000000e+00 : f32
    %broadcast_in_dim3A_2193 = vector.broadcast %broadcast_in_dim3A_2192 : f32 to vector<16xf32>
    %swap3A_2194 = arith.constant 32 : i32
    %swap3A_2195 = arith.index_cast %swap3A_2194 : i32 to index
    %swap3A_2196 = arith.constant 112 : index
    %swap3A_2197 = tpu.vector_load %arg23[%swap3A_2195, %swap3A_2196] {strides = array<i32>} : memref<48x128xf32, #tpu.memory_space<vmem>>, vector<1x16xf32>,
    %swap3A_2198 = vector.shape_cast %swap3A_2197 : vector<1x16xf32> to vector<16xf32>
    %swap3A_2199 = vector.shape_cast %broadcast_in_dim3A_2193 : vector<16xf32> to vector<1x16xf32>
    tpu.vector_store %arg23[%swap3A_2195, %swap3A_2196], %swap3A_2199 {strides = array<i32>} : memref<48x128xf32, #tpu.memory_space<vmem>>, vector<1x16xf32>,
    %broadcast_in_dim3A_2200 = arith.constant 0.000000e+00 : f32
    %broadcast_in_dim3A_2201 = vector.broadcast %broadcast_in_dim3A_2200 : f32 to vector<16xf32>
    %swap3A_2202 = arith.constant 33 : i32
    %swap3A_2203 = arith.index_cast %swap3A_2202 : i32 to index
    %swap3A_2204 = arith.constant 0 : index
    %swap3A_2205 = tpu.vector_load %arg23[%swap3A_2203, %swap3A_2204] {strides = array<i32>} : memref<48x128xf32, #tpu.memory_space<vmem>>, vector<1x16xf32>,
    %swap3A_2206 = vector.shape_cast %swap3A_2205 : vector<1x16xf32> to vector<16xf32>
    %swap3A_2207 = vector.shape_cast %broadcast_in_dim3A_2201 : vector<16xf32> to vector<1x16xf32>
    tpu.vector_store %arg23[%swap3A_2203, %swap3A_2204], %swap3A_2207 {strides = array<i32>} : memref<48x128xf32, #tpu.memory_space<vmem>>, vector<1x16xf32>,
    %broadcast_in_dim3A_2208 = arith.constant 0.000000e+00 : f32
    %broadcast_in_dim3A_2209 = vector.broadcast %broadcast_in_dim3A_2208 : f32 to vector<16xf32>
    %swap3A_2210 = arith.constant 33 : i32
    %swap3A_2211 = arith.index_cast %swap3A_2210 : i32 to index
    %swap3A_2212 = arith.constant 16 : index
    %swap3A_2213 = tpu.vector_load %arg23[%swap3A_2211, %swap3A_2212] {strides = array<i32>} : memref<48x128xf32, #tpu.memory_space<vmem>>, vector<1x16xf32>,
    %swap3A_2214 = vector.shape_cast %swap3A_2213 : vector<1x16xf32> to vector<16xf32>
    %swap3A_2215 = vector.shape_cast %broadcast_in_dim3A_2209 : vector<16xf32> to vector<1x16xf32>
    tpu.vector_store %arg23[%swap3A_2211, %swap3A_2212], %swap3A_2215 {strides = array<i32>} : memref<48x128xf32, #tpu.memory_space<vmem>>, vector<1x16xf32>,
    %broadcast_in_dim3A_2216 = arith.constant 0.000000e+00 : f32
    %broadcast_in_dim3A_2217 = vector.broadcast %broadcast_in_dim3A_2216 : f32 to vector<16xf32>
    %swap3A_2218 = arith.constant 33 : i32
    %swap3A_2219 = arith.index_cast %swap3A_2218 : i32 to index
    %swap3A_2220 = arith.constant 32 : index
    %swap3A_2221 = tpu.vector_load %arg23[%swap3A_2219, %swap3A_2220] {strides = array<i32>} : memref<48x128xf32, #tpu.memory_space<vmem>>, vector<1x16xf32>,
    %swap3A_2222 = vector.shape_cast %swap3A_2221 : vector<1x16xf32> to vector<16xf32>
    %swap3A_2223 = vector.shape_cast %broadcast_in_dim3A_2217 : vector<16xf32> to vector<1x16xf32>
    tpu.vector_store %arg23[%swap3A_2219, %swap3A_2220], %swap3A_2223 {strides = array<i32>} : memref<48x128xf32, #tpu.memory_space<vmem>>, vector<1x16xf32>,
    %broadcast_in_dim3A_2224 = arith.constant 0.000000e+00 : f32
    %broadcast_in_dim3A_2225 = vector.broadcast %broadcast_in_dim3A_2224 : f32 to vector<16xf32>
    %swap3A_2226 = arith.constant 33 : i32
    %swap3A_2227 = arith.index_cast %swap3A_2226 : i32 to index
    %swap3A_2228 = arith.constant 48 : index
    %swap3A_2229 = tpu.vector_load %arg23[%swap3A_2227, %swap3A_2228] {strides = array<i32>} : memref<48x128xf32, #tpu.memory_space<vmem>>, vector<1x16xf32>,
    %swap3A_2230 = vector.shape_cast %swap3A_2229 : vector<1x16xf32> to vector<16xf32>
    %swap3A_2231 = vector.shape_cast %broadcast_in_dim3A_2225 : vector<16xf32> to vector<1x16xf32>
    tpu.vector_store %arg23[%swap3A_2227, %swap3A_2228], %swap3A_2231 {strides = array<i32>} : memref<48x128xf32, #tpu.memory_space<vmem>>, vector<1x16xf32>,
    %broadcast_in_dim3A_2232 = arith.constant 0.000000e+00 : f32
    %broadcast_in_dim3A_2233 = vector.broadcast %broadcast_in_dim3A_2232 : f32 to vector<16xf32>
    %swap3A_2234 = arith.constant 33 : i32
    %swap3A_2235 = arith.index_cast %swap3A_2234 : i32 to index
    %swap3A_2236 = arith.constant 64 : index
    %swap3A_2237 = tpu.vector_load %arg23[%swap3A_2235, %swap3A_2236] {strides = array<i32>} : memref<48x128xf32, #tpu.memory_space<vmem>>, vector<1x16xf32>,
    %swap3A_2238 = vector.shape_cast %swap3A_2237 : vector<1x16xf32> to vector<16xf32>
    %swap3A_2239 = vector.shape_cast %broadcast_in_dim3A_2233 : vector<16xf32> to vector<1x16xf32>
    tpu.vector_store %arg23[%swap3A_2235, %swap3A_2236], %swap3A_2239 {strides = array<i32>} : memref<48x128xf32, #tpu.memory_space<vmem>>, vector<1x16xf32>,
    %broadcast_in_dim3A_2240 = arith.constant 0.000000e+00 : f32
    %broadcast_in_dim3A_2241 = vector.broadcast %broadcast_in_dim3A_2240 : f32 to vector<16xf32>
    %swap3A_2242 = arith.constant 33 : i32
    %swap3A_2243 = arith.index_cast %swap3A_2242 : i32 to index
    %swap3A_2244 = arith.constant 80 : index
    %swap3A_2245 = tpu.vector_load %arg23[%swap3A_2243, %swap3A_2244] {strides = array<i32>} : memref<48x128xf32, #tpu.memory_space<vmem>>, vector<1x16xf32>,
    %swap3A_2246 = vector.shape_cast %swap3A_2245 : vector<1x16xf32> to vector<16xf32>
    %swap3A_2247 = vector.shape_cast %broadcast_in_dim3A_2241 : vector<16xf32> to vector<1x16xf32>
    tpu.vector_store %arg23[%swap3A_2243, %swap3A_2244], %swap3A_2247 {strides = array<i32>} : memref<48x128xf32, #tpu.memory_space<vmem>>, vector<1x16xf32>,
    %broadcast_in_dim3A_2248 = arith.constant 0.000000e+00 : f32
    %broadcast_in_dim3A_2249 = vector.broadcast %broadcast_in_dim3A_2248 : f32 to vector<16xf32>
    %swap3A_2250 = arith.constant 33 : i32
    %swap3A_2251 = arith.index_cast %swap3A_2250 : i32 to index
    %swap3A_2252 = arith.constant 96 : index
    %swap3A_2253 = tpu.vector_load %arg23[%swap3A_2251, %swap3A_2252] {strides = array<i32>} : memref<48x128xf32, #tpu.memory_space<vmem>>, vector<1x16xf32>,
    %swap3A_2254 = vector.shape_cast %swap3A_2253 : vector<1x16xf32> to vector<16xf32>
    %swap3A_2255 = vector.shape_cast %broadcast_in_dim3A_2249 : vector<16xf32> to vector<1x16xf32>
    tpu.vector_store %arg23[%swap3A_2251, %swap3A_2252], %swap3A_2255 {strides = array<i32>} : memref<48x128xf32, #tpu.memory_space<vmem>>, vector<1x16xf32>,
    %broadcast_in_dim3A_2256 = arith.constant 0.000000e+00 : f32
    %broadcast_in_dim3A_2257 = vector.broadcast %broadcast_in_dim3A_2256 : f32 to vector<16xf32>
    %swap3A_2258 = arith.constant 33 : i32
    %swap3A_2259 = arith.index_cast %swap3A_2258 : i32 to index
    %swap3A_2260 = arith.constant 112 : index
    %swap3A_2261 = tpu.vector_load %arg23[%swap3A_2259, %swap3A_2260] {strides = array<i32>} : memref<48x128xf32, #tpu.memory_space<vmem>>, vector<1x16xf32>,
    %swap3A_2262 = vector.shape_cast %swap3A_2261 : vector<1x16xf32> to vector<16xf32>
    %swap3A_2263 = vector.shape_cast %broadcast_in_dim3A_2257 : vector<16xf32> to vector<1x16xf32>
    tpu.vector_store %arg23[%swap3A_2259, %swap3A_2260], %swap3A_2263 {strides = array<i32>} : memref<48x128xf32, #tpu.memory_space<vmem>>, vector<1x16xf32>,
    %broadcast_in_dim3A_2264 = arith.constant 0.000000e+00 : f32
    %broadcast_in_dim3A_2265 = vector.broadcast %broadcast_in_dim3A_2264 : f32 to vector<16xf32>
    %swap3A_2266 = arith.constant 34 : i32
    %swap3A_2267 = arith.index_cast %swap3A_2266 : i32 to index
    %swap3A_2268 = arith.constant 0 : index
    %swap3A_2269 = tpu.vector_load %arg23[%swap3A_2267, %swap3A_2268] {strides = array<i32>} : memref<48x128xf32, #tpu.memory_space<vmem>>, vector<1x16xf32>,
    %swap3A_2270 = vector.shape_cast %swap3A_2269 : vector<1x16xf32> to vector<16xf32>
    %swap3A_2271 = vector.shape_cast %broadcast_in_dim3A_2265 : vector<16xf32> to vector<1x16xf32>
    tpu.vector_store %arg23[%swap3A_2267, %swap3A_2268], %swap3A_2271 {strides = array<i32>} : memref<48x128xf32, #tpu.memory_space<vmem>>, vector<1x16xf32>,
    %broadcast_in_dim3A_2272 = arith.constant 0.000000e+00 : f32
    %broadcast_in_dim3A_2273 = vector.broadcast %broadcast_in_dim3A_2272 : f32 to vector<16xf32>
    %swap3A_2274 = arith.constant 34 : i32
    %swap3A_2275 = arith.index_cast %swap3A_2274 : i32 to index
    %swap3A_2276 = arith.constant 16 : index
    %swap3A_2277 = tpu.vector_load %arg23[%swap3A_2275, %swap3A_2276] {strides = array<i32>} : memref<48x128xf32, #tpu.memory_space<vmem>>, vector<1x16xf32>,
    %swap3A_2278 = vector.shape_cast %swap3A_2277 : vector<1x16xf32> to vector<16xf32>
    %swap3A_2279 = vector.shape_cast %broadcast_in_dim3A_2273 : vector<16xf32> to vector<1x16xf32>
    tpu.vector_store %arg23[%swap3A_2275, %swap3A_2276], %swap3A_2279 {strides = array<i32>} : memref<48x128xf32, #tpu.memory_space<vmem>>, vector<1x16xf32>,
    %broadcast_in_dim3A_2280 = arith.constant 0.000000e+00 : f32
    %broadcast_in_dim3A_2281 = vector.broadcast %broadcast_in_dim3A_2280 : f32 to vector<16xf32>
    %swap3A_2282 = arith.constant 34 : i32
    %swap3A_2283 = arith.index_cast %swap3A_2282 : i32 to index
    %swap3A_2284 = arith.constant 32 : index
    %swap3A_2285 = tpu.vector_load %arg23[%swap3A_2283, %swap3A_2284] {strides = array<i32>} : memref<48x128xf32, #tpu.memory_space<vmem>>, vector<1x16xf32>,
    %swap3A_2286 = vector.shape_cast %swap3A_2285 : vector<1x16xf32> to vector<16xf32>
    %swap3A_2287 = vector.shape_cast %broadcast_in_dim3A_2281 : vector<16xf32> to vector<1x16xf32>
    tpu.vector_store %arg23[%swap3A_2283, %swap3A_2284], %swap3A_2287 {strides = array<i32>} : memref<48x128xf32, #tpu.memory_space<vmem>>, vector<1x16xf32>,
    %broadcast_in_dim3A_2288 = arith.constant 0.000000e+00 : f32
    %broadcast_in_dim3A_2289 = vector.broadcast %broadcast_in_dim3A_2288 : f32 to vector<16xf32>
    %swap3A_2290 = arith.constant 34 : i32
    %swap3A_2291 = arith.index_cast %swap3A_2290 : i32 to index
    %swap3A_2292 = arith.constant 48 : index
    %swap3A_2293 = tpu.vector_load %arg23[%swap3A_2291, %swap3A_2292] {strides = array<i32>} : memref<48x128xf32, #tpu.memory_space<vmem>>, vector<1x16xf32>,
    %swap3A_2294 = vector.shape_cast %swap3A_2293 : vector<1x16xf32> to vector<16xf32>
    %swap3A_2295 = vector.shape_cast %broadcast_in_dim3A_2289 : vector<16xf32> to vector<1x16xf32>
    tpu.vector_store %arg23[%swap3A_2291, %swap3A_2292], %swap3A_2295 {strides = array<i32>} : memref<48x128xf32, #tpu.memory_space<vmem>>, vector<1x16xf32>,
    %broadcast_in_dim3A_2296 = arith.constant 0.000000e+00 : f32
    %broadcast_in_dim3A_2297 = vector.broadcast %broadcast_in_dim3A_2296 : f32 to vector<16xf32>
    %swap3A_2298 = arith.constant 34 : i32
    %swap3A_2299 = arith.index_cast %swap3A_2298 : i32 to index
    %swap3A_2300 = arith.constant 64 : index
    %swap3A_2301 = tpu.vector_load %arg23[%swap3A_2299, %swap3A_2300] {strides = array<i32>} : memref<48x128xf32, #tpu.memory_space<vmem>>, vector<1x16xf32>,
    %swap3A_2302 = vector.shape_cast %swap3A_2301 : vector<1x16xf32> to vector<16xf32>
    %swap3A_2303 = vector.shape_cast %broadcast_in_dim3A_2297 : vector<16xf32> to vector<1x16xf32>
    tpu.vector_store %arg23[%swap3A_2299, %swap3A_2300], %swap3A_2303 {strides = array<i32>} : memref<48x128xf32, #tpu.memory_space<vmem>>, vector<1x16xf32>,
    %broadcast_in_dim3A_2304 = arith.constant 0.000000e+00 : f32
    %broadcast_in_dim3A_2305 = vector.broadcast %broadcast_in_dim3A_2304 : f32 to vector<16xf32>
    %swap3A_2306 = arith.constant 34 : i32
    %swap3A_2307 = arith.index_cast %swap3A_2306 : i32 to index
    %swap3A_2308 = arith.constant 80 : index
    %swap3A_2309 = tpu.vector_load %arg23[%swap3A_2307, %swap3A_2308] {strides = array<i32>} : memref<48x128xf32, #tpu.memory_space<vmem>>, vector<1x16xf32>,
    %swap3A_2310 = vector.shape_cast %swap3A_2309 : vector<1x16xf32> to vector<16xf32>
    %swap3A_2311 = vector.shape_cast %broadcast_in_dim3A_2305 : vector<16xf32> to vector<1x16xf32>
    tpu.vector_store %arg23[%swap3A_2307, %swap3A_2308], %swap3A_2311 {strides = array<i32>} : memref<48x128xf32, #tpu.memory_space<vmem>>, vector<1x16xf32>,
    %broadcast_in_dim3A_2312 = arith.constant 0.000000e+00 : f32
    %broadcast_in_dim3A_2313 = vector.broadcast %broadcast_in_dim3A_2312 : f32 to vector<16xf32>
    %swap3A_2314 = arith.constant 34 : i32
    %swap3A_2315 = arith.index_cast %swap3A_2314 : i32 to index
    %swap3A_2316 = arith.constant 96 : index
    %swap3A_2317 = tpu.vector_load %arg23[%swap3A_2315, %swap3A_2316] {strides = array<i32>} : memref<48x128xf32, #tpu.memory_space<vmem>>, vector<1x16xf32>,
    %swap3A_2318 = vector.shape_cast %swap3A_2317 : vector<1x16xf32> to vector<16xf32>
    %swap3A_2319 = vector.shape_cast %broadcast_in_dim3A_2313 : vector<16xf32> to vector<1x16xf32>
    tpu.vector_store %arg23[%swap3A_2315, %swap3A_2316], %swap3A_2319 {strides = array<i32>} : memref<48x128xf32, #tpu.memory_space<vmem>>, vector<1x16xf32>,
    %broadcast_in_dim3A_2320 = arith.constant 0.000000e+00 : f32
    %broadcast_in_dim3A_2321 = vector.broadcast %broadcast_in_dim3A_2320 : f32 to vector<16xf32>
    %swap3A_2322 = arith.constant 34 : i32
    %swap3A_2323 = arith.index_cast %swap3A_2322 : i32 to index
    %swap3A_2324 = arith.constant 112 : index
    %swap3A_2325 = tpu.vector_load %arg23[%swap3A_2323, %swap3A_2324] {strides = array<i32>} : memref<48x128xf32, #tpu.memory_space<vmem>>, vector<1x16xf32>,
    %swap3A_2326 = vector.shape_cast %swap3A_2325 : vector<1x16xf32> to vector<16xf32>
    %swap3A_2327 = vector.shape_cast %broadcast_in_dim3A_2321 : vector<16xf32> to vector<1x16xf32>
    tpu.vector_store %arg23[%swap3A_2323, %swap3A_2324], %swap3A_2327 {strides = array<i32>} : memref<48x128xf32, #tpu.memory_space<vmem>>, vector<1x16xf32>,
    %broadcast_in_dim3A_2328 = arith.constant 0.000000e+00 : f32
    %broadcast_in_dim3A_2329 = vector.broadcast %broadcast_in_dim3A_2328 : f32 to vector<16xf32>
    %swap3A_2330 = arith.constant 35 : i32
    %swap3A_2331 = arith.index_cast %swap3A_2330 : i32 to index
    %swap3A_2332 = arith.constant 0 : index
    %swap3A_2333 = tpu.vector_load %arg23[%swap3A_2331, %swap3A_2332] {strides = array<i32>} : memref<48x128xf32, #tpu.memory_space<vmem>>, vector<1x16xf32>,
    %swap3A_2334 = vector.shape_cast %swap3A_2333 : vector<1x16xf32> to vector<16xf32>
    %swap3A_2335 = vector.shape_cast %broadcast_in_dim3A_2329 : vector<16xf32> to vector<1x16xf32>
    tpu.vector_store %arg23[%swap3A_2331, %swap3A_2332], %swap3A_2335 {strides = array<i32>} : memref<48x128xf32, #tpu.memory_space<vmem>>, vector<1x16xf32>,
    %broadcast_in_dim3A_2336 = arith.constant 0.000000e+00 : f32
    %broadcast_in_dim3A_2337 = vector.broadcast %broadcast_in_dim3A_2336 : f32 to vector<16xf32>
    %swap3A_2338 = arith.constant 35 : i32
    %swap3A_2339 = arith.index_cast %swap3A_2338 : i32 to index
    %swap3A_2340 = arith.constant 16 : index
    %swap3A_2341 = tpu.vector_load %arg23[%swap3A_2339, %swap3A_2340] {strides = array<i32>} : memref<48x128xf32, #tpu.memory_space<vmem>>, vector<1x16xf32>,
    %swap3A_2342 = vector.shape_cast %swap3A_2341 : vector<1x16xf32> to vector<16xf32>
    %swap3A_2343 = vector.shape_cast %broadcast_in_dim3A_2337 : vector<16xf32> to vector<1x16xf32>
    tpu.vector_store %arg23[%swap3A_2339, %swap3A_2340], %swap3A_2343 {strides = array<i32>} : memref<48x128xf32, #tpu.memory_space<vmem>>, vector<1x16xf32>,
    %broadcast_in_dim3A_2344 = arith.constant 0.000000e+00 : f32
    %broadcast_in_dim3A_2345 = vector.broadcast %broadcast_in_dim3A_2344 : f32 to vector<16xf32>
    %swap3A_2346 = arith.constant 35 : i32
    %swap3A_2347 = arith.index_cast %swap3A_2346 : i32 to index
    %swap3A_2348 = arith.constant 32 : index
    %swap3A_2349 = tpu.vector_load %arg23[%swap3A_2347, %swap3A_2348] {strides = array<i32>} : memref<48x128xf32, #tpu.memory_space<vmem>>, vector<1x16xf32>,
    %swap3A_2350 = vector.shape_cast %swap3A_2349 : vector<1x16xf32> to vector<16xf32>
    %swap3A_2351 = vector.shape_cast %broadcast_in_dim3A_2345 : vector<16xf32> to vector<1x16xf32>
    tpu.vector_store %arg23[%swap3A_2347, %swap3A_2348], %swap3A_2351 {strides = array<i32>} : memref<48x128xf32, #tpu.memory_space<vmem>>, vector<1x16xf32>,
    %broadcast_in_dim3A_2352 = arith.constant 0.000000e+00 : f32
    %broadcast_in_dim3A_2353 = vector.broadcast %broadcast_in_dim3A_2352 : f32 to vector<16xf32>
    %swap3A_2354 = arith.constant 35 : i32
    %swap3A_2355 = arith.index_cast %swap3A_2354 : i32 to index
    %swap3A_2356 = arith.constant 48 : index
    %swap3A_2357 = tpu.vector_load %arg23[%swap3A_2355, %swap3A_2356] {strides = array<i32>} : memref<48x128xf32, #tpu.memory_space<vmem>>, vector<1x16xf32>,
    %swap3A_2358 = vector.shape_cast %swap3A_2357 : vector<1x16xf32> to vector<16xf32>
    %swap3A_2359 = vector.shape_cast %broadcast_in_dim3A_2353 : vector<16xf32> to vector<1x16xf32>
    tpu.vector_store %arg23[%swap3A_2355, %swap3A_2356], %swap3A_2359 {strides = array<i32>} : memref<48x128xf32, #tpu.memory_space<vmem>>, vector<1x16xf32>,
    %broadcast_in_dim3A_2360 = arith.constant 0.000000e+00 : f32
    %broadcast_in_dim3A_2361 = vector.broadcast %broadcast_in_dim3A_2360 : f32 to vector<16xf32>
    %swap3A_2362 = arith.constant 35 : i32
    %swap3A_2363 = arith.index_cast %swap3A_2362 : i32 to index
    %swap3A_2364 = arith.constant 64 : index
    %swap3A_2365 = tpu.vector_load %arg23[%swap3A_2363, %swap3A_2364] {strides = array<i32>} : memref<48x128xf32, #tpu.memory_space<vmem>>, vector<1x16xf32>,
    %swap3A_2366 = vector.shape_cast %swap3A_2365 : vector<1x16xf32> to vector<16xf32>
    %swap3A_2367 = vector.shape_cast %broadcast_in_dim3A_2361 : vector<16xf32> to vector<1x16xf32>
    tpu.vector_store %arg23[%swap3A_2363, %swap3A_2364], %swap3A_2367 {strides = array<i32>} : memref<48x128xf32, #tpu.memory_space<vmem>>, vector<1x16xf32>,
    %broadcast_in_dim3A_2368 = arith.constant 0.000000e+00 : f32
    %broadcast_in_dim3A_2369 = vector.broadcast %broadcast_in_dim3A_2368 : f32 to vector<16xf32>
    %swap3A_2370 = arith.constant 35 : i32
    %swap3A_2371 = arith.index_cast %swap3A_2370 : i32 to index
    %swap3A_2372 = arith.constant 80 : index
    %swap3A_2373 = tpu.vector_load %arg23[%swap3A_2371, %swap3A_2372] {strides = array<i32>} : memref<48x128xf32, #tpu.memory_space<vmem>>, vector<1x16xf32>,
    %swap3A_2374 = vector.shape_cast %swap3A_2373 : vector<1x16xf32> to vector<16xf32>
    %swap3A_2375 = vector.shape_cast %broadcast_in_dim3A_2369 : vector<16xf32> to vector<1x16xf32>
    tpu.vector_store %arg23[%swap3A_2371, %swap3A_2372], %swap3A_2375 {strides = array<i32>} : memref<48x128xf32, #tpu.memory_space<vmem>>, vector<1x16xf32>,
    %broadcast_in_dim3A_2376 = arith.constant 0.000000e+00 : f32
    %broadcast_in_dim3A_2377 = vector.broadcast %broadcast_in_dim3A_2376 : f32 to vector<16xf32>
    %swap3A_2378 = arith.constant 35 : i32
    %swap3A_2379 = arith.index_cast %swap3A_2378 : i32 to index
    %swap3A_2380 = arith.constant 96 : index
    %swap3A_2381 = tpu.vector_load %arg23[%swap3A_2379, %swap3A_2380] {strides = array<i32>} : memref<48x128xf32, #tpu.memory_space<vmem>>, vector<1x16xf32>,
    %swap3A_2382 = vector.shape_cast %swap3A_2381 : vector<1x16xf32> to vector<16xf32>
    %swap3A_2383 = vector.shape_cast %broadcast_in_dim3A_2377 : vector<16xf32> to vector<1x16xf32>
    tpu.vector_store %arg23[%swap3A_2379, %swap3A_2380], %swap3A_2383 {strides = array<i32>} : memref<48x128xf32, #tpu.memory_space<vmem>>, vector<1x16xf32>,
    %broadcast_in_dim3A_2384 = arith.constant 0.000000e+00 : f32
    %broadcast_in_dim3A_2385 = vector.broadcast %broadcast_in_dim3A_2384 : f32 to vector<16xf32>
    %swap3A_2386 = arith.constant 35 : i32
    %swap3A_2387 = arith.index_cast %swap3A_2386 : i32 to index
    %swap3A_2388 = arith.constant 112 : index
    %swap3A_2389 = tpu.vector_load %arg23[%swap3A_2387, %swap3A_2388] {strides = array<i32>} : memref<48x128xf32, #tpu.memory_space<vmem>>, vector<1x16xf32>,
    %swap3A_2390 = vector.shape_cast %swap3A_2389 : vector<1x16xf32> to vector<16xf32>
    %swap3A_2391 = vector.shape_cast %broadcast_in_dim3A_2385 : vector<16xf32> to vector<1x16xf32>
    tpu.vector_store %arg23[%swap3A_2387, %swap3A_2388], %swap3A_2391 {strides = array<i32>} : memref<48x128xf32, #tpu.memory_space<vmem>>, vector<1x16xf32>,
    %broadcast_in_dim3A_2392 = arith.constant 0.000000e+00 : f32
    %broadcast_in_dim3A_2393 = vector.broadcast %broadcast_in_dim3A_2392 : f32 to vector<16xf32>
    %swap3A_2394 = arith.constant 36 : i32
    %swap3A_2395 = arith.index_cast %swap3A_2394 : i32 to index
    %swap3A_2396 = arith.constant 0 : index
    %swap3A_2397 = tpu.vector_load %arg23[%swap3A_2395, %swap3A_2396] {strides = array<i32>} : memref<48x128xf32, #tpu.memory_space<vmem>>, vector<1x16xf32>,
    %swap3A_2398 = vector.shape_cast %swap3A_2397 : vector<1x16xf32> to vector<16xf32>
    %swap3A_2399 = vector.shape_cast %broadcast_in_dim3A_2393 : vector<16xf32> to vector<1x16xf32>
    tpu.vector_store %arg23[%swap3A_2395, %swap3A_2396], %swap3A_2399 {strides = array<i32>} : memref<48x128xf32, #tpu.memory_space<vmem>>, vector<1x16xf32>,
    %broadcast_in_dim3A_2400 = arith.constant 0.000000e+00 : f32
    %broadcast_in_dim3A_2401 = vector.broadcast %broadcast_in_dim3A_2400 : f32 to vector<16xf32>
    %swap3A_2402 = arith.constant 36 : i32
    %swap3A_2403 = arith.index_cast %swap3A_2402 : i32 to index
    %swap3A_2404 = arith.constant 16 : index
    %swap3A_2405 = tpu.vector_load %arg23[%swap3A_2403, %swap3A_2404] {strides = array<i32>} : memref<48x128xf32, #tpu.memory_space<vmem>>, vector<1x16xf32>,
    %swap3A_2406 = vector.shape_cast %swap3A_2405 : vector<1x16xf32> to vector<16xf32>
    %swap3A_2407 = vector.shape_cast %broadcast_in_dim3A_2401 : vector<16xf32> to vector<1x16xf32>
    tpu.vector_store %arg23[%swap3A_2403, %swap3A_2404], %swap3A_2407 {strides = array<i32>} : memref<48x128xf32, #tpu.memory_space<vmem>>, vector<1x16xf32>,
    %broadcast_in_dim3A_2408 = arith.constant 0.000000e+00 : f32
    %broadcast_in_dim3A_2409 = vector.broadcast %broadcast_in_dim3A_2408 : f32 to vector<16xf32>
    %swap3A_2410 = arith.constant 36 : i32
    %swap3A_2411 = arith.index_cast %swap3A_2410 : i32 to index
    %swap3A_2412 = arith.constant 32 : index
    %swap3A_2413 = tpu.vector_load %arg23[%swap3A_2411, %swap3A_2412] {strides = array<i32>} : memref<48x128xf32, #tpu.memory_space<vmem>>, vector<1x16xf32>,
    %swap3A_2414 = vector.shape_cast %swap3A_2413 : vector<1x16xf32> to vector<16xf32>
    %swap3A_2415 = vector.shape_cast %broadcast_in_dim3A_2409 : vector<16xf32> to vector<1x16xf32>
    tpu.vector_store %arg23[%swap3A_2411, %swap3A_2412], %swap3A_2415 {strides = array<i32>} : memref<48x128xf32, #tpu.memory_space<vmem>>, vector<1x16xf32>,
    %broadcast_in_dim3A_2416 = arith.constant 0.000000e+00 : f32
    %broadcast_in_dim3A_2417 = vector.broadcast %broadcast_in_dim3A_2416 : f32 to vector<16xf32>
    %swap3A_2418 = arith.constant 36 : i32
    %swap3A_2419 = arith.index_cast %swap3A_2418 : i32 to index
    %swap3A_2420 = arith.constant 48 : index
    %swap3A_2421 = tpu.vector_load %arg23[%swap3A_2419, %swap3A_2420] {strides = array<i32>} : memref<48x128xf32, #tpu.memory_space<vmem>>, vector<1x16xf32>,
    %swap3A_2422 = vector.shape_cast %swap3A_2421 : vector<1x16xf32> to vector<16xf32>
    %swap3A_2423 = vector.shape_cast %broadcast_in_dim3A_2417 : vector<16xf32> to vector<1x16xf32>
    tpu.vector_store %arg23[%swap3A_2419, %swap3A_2420], %swap3A_2423 {strides = array<i32>} : memref<48x128xf32, #tpu.memory_space<vmem>>, vector<1x16xf32>,
    %broadcast_in_dim3A_2424 = arith.constant 0.000000e+00 : f32
    %broadcast_in_dim3A_2425 = vector.broadcast %broadcast_in_dim3A_2424 : f32 to vector<16xf32>
    %swap3A_2426 = arith.constant 36 : i32
    %swap3A_2427 = arith.index_cast %swap3A_2426 : i32 to index
    %swap3A_2428 = arith.constant 64 : index
    %swap3A_2429 = tpu.vector_load %arg23[%swap3A_2427, %swap3A_2428] {strides = array<i32>} : memref<48x128xf32, #tpu.memory_space<vmem>>, vector<1x16xf32>,
    %swap3A_2430 = vector.shape_cast %swap3A_2429 : vector<1x16xf32> to vector<16xf32>
    %swap3A_2431 = vector.shape_cast %broadcast_in_dim3A_2425 : vector<16xf32> to vector<1x16xf32>
    tpu.vector_store %arg23[%swap3A_2427, %swap3A_2428], %swap3A_2431 {strides = array<i32>} : memref<48x128xf32, #tpu.memory_space<vmem>>, vector<1x16xf32>,
    %broadcast_in_dim3A_2432 = arith.constant 0.000000e+00 : f32
    %broadcast_in_dim3A_2433 = vector.broadcast %broadcast_in_dim3A_2432 : f32 to vector<16xf32>
    %swap3A_2434 = arith.constant 36 : i32
    %swap3A_2435 = arith.index_cast %swap3A_2434 : i32 to index
    %swap3A_2436 = arith.constant 80 : index
    %swap3A_2437 = tpu.vector_load %arg23[%swap3A_2435, %swap3A_2436] {strides = array<i32>} : memref<48x128xf32, #tpu.memory_space<vmem>>, vector<1x16xf32>,
    %swap3A_2438 = vector.shape_cast %swap3A_2437 : vector<1x16xf32> to vector<16xf32>
    %swap3A_2439 = vector.shape_cast %broadcast_in_dim3A_2433 : vector<16xf32> to vector<1x16xf32>
    tpu.vector_store %arg23[%swap3A_2435, %swap3A_2436], %swap3A_2439 {strides = array<i32>} : memref<48x128xf32, #tpu.memory_space<vmem>>, vector<1x16xf32>,
    %broadcast_in_dim3A_2440 = arith.constant 0.000000e+00 : f32
    %broadcast_in_dim3A_2441 = vector.broadcast %broadcast_in_dim3A_2440 : f32 to vector<16xf32>
    %swap3A_2442 = arith.constant 36 : i32
    %swap3A_2443 = arith.index_cast %swap3A_2442 : i32 to index
    %swap3A_2444 = arith.constant 96 : index
    %swap3A_2445 = tpu.vector_load %arg23[%swap3A_2443, %swap3A_2444] {strides = array<i32>} : memref<48x128xf32, #tpu.memory_space<vmem>>, vector<1x16xf32>,
    %swap3A_2446 = vector.shape_cast %swap3A_2445 : vector<1x16xf32> to vector<16xf32>
    %swap3A_2447 = vector.shape_cast %broadcast_in_dim3A_2441 : vector<16xf32> to vector<1x16xf32>
    tpu.vector_store %arg23[%swap3A_2443, %swap3A_2444], %swap3A_2447 {strides = array<i32>} : memref<48x128xf32, #tpu.memory_space<vmem>>, vector<1x16xf32>,
    %broadcast_in_dim3A_2448 = arith.constant 0.000000e+00 : f32
    %broadcast_in_dim3A_2449 = vector.broadcast %broadcast_in_dim3A_2448 : f32 to vector<16xf32>
    %swap3A_2450 = arith.constant 36 : i32
    %swap3A_2451 = arith.index_cast %swap3A_2450 : i32 to index
    %swap3A_2452 = arith.constant 112 : index
    %swap3A_2453 = tpu.vector_load %arg23[%swap3A_2451, %swap3A_2452] {strides = array<i32>} : memref<48x128xf32, #tpu.memory_space<vmem>>, vector<1x16xf32>,
    %swap3A_2454 = vector.shape_cast %swap3A_2453 : vector<1x16xf32> to vector<16xf32>
    %swap3A_2455 = vector.shape_cast %broadcast_in_dim3A_2449 : vector<16xf32> to vector<1x16xf32>
    tpu.vector_store %arg23[%swap3A_2451, %swap3A_2452], %swap3A_2455 {strides = array<i32>} : memref<48x128xf32, #tpu.memory_space<vmem>>, vector<1x16xf32>,
    %broadcast_in_dim3A_2456 = arith.constant 0.000000e+00 : f32
    %broadcast_in_dim3A_2457 = vector.broadcast %broadcast_in_dim3A_2456 : f32 to vector<16xf32>
    %swap3A_2458 = arith.constant 37 : i32
    %swap3A_2459 = arith.index_cast %swap3A_2458 : i32 to index
    %swap3A_2460 = arith.constant 0 : index
    %swap3A_2461 = tpu.vector_load %arg23[%swap3A_2459, %swap3A_2460] {strides = array<i32>} : memref<48x128xf32, #tpu.memory_space<vmem>>, vector<1x16xf32>,
    %swap3A_2462 = vector.shape_cast %swap3A_2461 : vector<1x16xf32> to vector<16xf32>
    %swap3A_2463 = vector.shape_cast %broadcast_in_dim3A_2457 : vector<16xf32> to vector<1x16xf32>
    tpu.vector_store %arg23[%swap3A_2459, %swap3A_2460], %swap3A_2463 {strides = array<i32>} : memref<48x128xf32, #tpu.memory_space<vmem>>, vector<1x16xf32>,
    %broadcast_in_dim3A_2464 = arith.constant 0.000000e+00 : f32
    %broadcast_in_dim3A_2465 = vector.broadcast %broadcast_in_dim3A_2464 : f32 to vector<16xf32>
    %swap3A_2466 = arith.constant 37 : i32
    %swap3A_2467 = arith.index_cast %swap3A_2466 : i32 to index
    %swap3A_2468 = arith.constant 16 : index
    %swap3A_2469 = tpu.vector_load %arg23[%swap3A_2467, %swap3A_2468] {strides = array<i32>} : memref<48x128xf32, #tpu.memory_space<vmem>>, vector<1x16xf32>,
    %swap3A_2470 = vector.shape_cast %swap3A_2469 : vector<1x16xf32> to vector<16xf32>
    %swap3A_2471 = vector.shape_cast %broadcast_in_dim3A_2465 : vector<16xf32> to vector<1x16xf32>
    tpu.vector_store %arg23[%swap3A_2467, %swap3A_2468], %swap3A_2471 {strides = array<i32>} : memref<48x128xf32, #tpu.memory_space<vmem>>, vector<1x16xf32>,
    %broadcast_in_dim3A_2472 = arith.constant 0.000000e+00 : f32
    %broadcast_in_dim3A_2473 = vector.broadcast %broadcast_in_dim3A_2472 : f32 to vector<16xf32>
    %swap3A_2474 = arith.constant 37 : i32
    %swap3A_2475 = arith.index_cast %swap3A_2474 : i32 to index
    %swap3A_2476 = arith.constant 32 : index
    %swap3A_2477 = tpu.vector_load %arg23[%swap3A_2475, %swap3A_2476] {strides = array<i32>} : memref<48x128xf32, #tpu.memory_space<vmem>>, vector<1x16xf32>,
    %swap3A_2478 = vector.shape_cast %swap3A_2477 : vector<1x16xf32> to vector<16xf32>
    %swap3A_2479 = vector.shape_cast %broadcast_in_dim3A_2473 : vector<16xf32> to vector<1x16xf32>
    tpu.vector_store %arg23[%swap3A_2475, %swap3A_2476], %swap3A_2479 {strides = array<i32>} : memref<48x128xf32, #tpu.memory_space<vmem>>, vector<1x16xf32>,
    %broadcast_in_dim3A_2480 = arith.constant 0.000000e+00 : f32
    %broadcast_in_dim3A_2481 = vector.broadcast %broadcast_in_dim3A_2480 : f32 to vector<16xf32>
    %swap3A_2482 = arith.constant 37 : i32
    %swap3A_2483 = arith.index_cast %swap3A_2482 : i32 to index
    %swap3A_2484 = arith.constant 48 : index
    %swap3A_2485 = tpu.vector_load %arg23[%swap3A_2483, %swap3A_2484] {strides = array<i32>} : memref<48x128xf32, #tpu.memory_space<vmem>>, vector<1x16xf32>,
    %swap3A_2486 = vector.shape_cast %swap3A_2485 : vector<1x16xf32> to vector<16xf32>
    %swap3A_2487 = vector.shape_cast %broadcast_in_dim3A_2481 : vector<16xf32> to vector<1x16xf32>
    tpu.vector_store %arg23[%swap3A_2483, %swap3A_2484], %swap3A_2487 {strides = array<i32>} : memref<48x128xf32, #tpu.memory_space<vmem>>, vector<1x16xf32>,
    %broadcast_in_dim3A_2488 = arith.constant 0.000000e+00 : f32
    %broadcast_in_dim3A_2489 = vector.broadcast %broadcast_in_dim3A_2488 : f32 to vector<16xf32>
    %swap3A_2490 = arith.constant 37 : i32
    %swap3A_2491 = arith.index_cast %swap3A_2490 : i32 to index
    %swap3A_2492 = arith.constant 64 : index
    %swap3A_2493 = tpu.vector_load %arg23[%swap3A_2491, %swap3A_2492] {strides = array<i32>} : memref<48x128xf32, #tpu.memory_space<vmem>>, vector<1x16xf32>,
    %swap3A_2494 = vector.shape_cast %swap3A_2493 : vector<1x16xf32> to vector<16xf32>
    %swap3A_2495 = vector.shape_cast %broadcast_in_dim3A_2489 : vector<16xf32> to vector<1x16xf32>
    tpu.vector_store %arg23[%swap3A_2491, %swap3A_2492], %swap3A_2495 {strides = array<i32>} : memref<48x128xf32, #tpu.memory_space<vmem>>, vector<1x16xf32>,
    %broadcast_in_dim3A_2496 = arith.constant 0.000000e+00 : f32
    %broadcast_in_dim3A_2497 = vector.broadcast %broadcast_in_dim3A_2496 : f32 to vector<16xf32>
    %swap3A_2498 = arith.constant 37 : i32
    %swap3A_2499 = arith.index_cast %swap3A_2498 : i32 to index
    %swap3A_2500 = arith.constant 80 : index
    %swap3A_2501 = tpu.vector_load %arg23[%swap3A_2499, %swap3A_2500] {strides = array<i32>} : memref<48x128xf32, #tpu.memory_space<vmem>>, vector<1x16xf32>,
    %swap3A_2502 = vector.shape_cast %swap3A_2501 : vector<1x16xf32> to vector<16xf32>
    %swap3A_2503 = vector.shape_cast %broadcast_in_dim3A_2497 : vector<16xf32> to vector<1x16xf32>
    tpu.vector_store %arg23[%swap3A_2499, %swap3A_2500], %swap3A_2503 {strides = array<i32>} : memref<48x128xf32, #tpu.memory_space<vmem>>, vector<1x16xf32>,
    %broadcast_in_dim3A_2504 = arith.constant 0.000000e+00 : f32
    %broadcast_in_dim3A_2505 = vector.broadcast %broadcast_in_dim3A_2504 : f32 to vector<16xf32>
    %swap3A_2506 = arith.constant 37 : i32
    %swap3A_2507 = arith.index_cast %swap3A_2506 : i32 to index
    %swap3A_2508 = arith.constant 96 : index
    %swap3A_2509 = tpu.vector_load %arg23[%swap3A_2507, %swap3A_2508] {strides = array<i32>} : memref<48x128xf32, #tpu.memory_space<vmem>>, vector<1x16xf32>,
    %swap3A_2510 = vector.shape_cast %swap3A_2509 : vector<1x16xf32> to vector<16xf32>
    %swap3A_2511 = vector.shape_cast %broadcast_in_dim3A_2505 : vector<16xf32> to vector<1x16xf32>
    tpu.vector_store %arg23[%swap3A_2507, %swap3A_2508], %swap3A_2511 {strides = array<i32>} : memref<48x128xf32, #tpu.memory_space<vmem>>, vector<1x16xf32>,
    %broadcast_in_dim3A_2512 = arith.constant 0.000000e+00 : f32
    %broadcast_in_dim3A_2513 = vector.broadcast %broadcast_in_dim3A_2512 : f32 to vector<16xf32>
    %swap3A_2514 = arith.constant 37 : i32
    %swap3A_2515 = arith.index_cast %swap3A_2514 : i32 to index
    %swap3A_2516 = arith.constant 112 : index
    %swap3A_2517 = tpu.vector_load %arg23[%swap3A_2515, %swap3A_2516] {strides = array<i32>} : memref<48x128xf32, #tpu.memory_space<vmem>>, vector<1x16xf32>,
    %swap3A_2518 = vector.shape_cast %swap3A_2517 : vector<1x16xf32> to vector<16xf32>
    %swap3A_2519 = vector.shape_cast %broadcast_in_dim3A_2513 : vector<16xf32> to vector<1x16xf32>
    tpu.vector_store %arg23[%swap3A_2515, %swap3A_2516], %swap3A_2519 {strides = array<i32>} : memref<48x128xf32, #tpu.memory_space<vmem>>, vector<1x16xf32>,
    %broadcast_in_dim3A_2520 = arith.constant 0.000000e+00 : f32
    %broadcast_in_dim3A_2521 = vector.broadcast %broadcast_in_dim3A_2520 : f32 to vector<16xf32>
    %swap3A_2522 = arith.constant 38 : i32
    %swap3A_2523 = arith.index_cast %swap3A_2522 : i32 to index
    %swap3A_2524 = arith.constant 0 : index
    %swap3A_2525 = tpu.vector_load %arg23[%swap3A_2523, %swap3A_2524] {strides = array<i32>} : memref<48x128xf32, #tpu.memory_space<vmem>>, vector<1x16xf32>,
    %swap3A_2526 = vector.shape_cast %swap3A_2525 : vector<1x16xf32> to vector<16xf32>
    %swap3A_2527 = vector.shape_cast %broadcast_in_dim3A_2521 : vector<16xf32> to vector<1x16xf32>
    tpu.vector_store %arg23[%swap3A_2523, %swap3A_2524], %swap3A_2527 {strides = array<i32>} : memref<48x128xf32, #tpu.memory_space<vmem>>, vector<1x16xf32>,
    %broadcast_in_dim3A_2528 = arith.constant 0.000000e+00 : f32
    %broadcast_in_dim3A_2529 = vector.broadcast %broadcast_in_dim3A_2528 : f32 to vector<16xf32>
    %swap3A_2530 = arith.constant 38 : i32
    %swap3A_2531 = arith.index_cast %swap3A_2530 : i32 to index
    %swap3A_2532 = arith.constant 16 : index
    %swap3A_2533 = tpu.vector_load %arg23[%swap3A_2531, %swap3A_2532] {strides = array<i32>} : memref<48x128xf32, #tpu.memory_space<vmem>>, vector<1x16xf32>,
    %swap3A_2534 = vector.shape_cast %swap3A_2533 : vector<1x16xf32> to vector<16xf32>
    %swap3A_2535 = vector.shape_cast %broadcast_in_dim3A_2529 : vector<16xf32> to vector<1x16xf32>
    tpu.vector_store %arg23[%swap3A_2531, %swap3A_2532], %swap3A_2535 {strides = array<i32>} : memref<48x128xf32, #tpu.memory_space<vmem>>, vector<1x16xf32>,
    %broadcast_in_dim3A_2536 = arith.constant 0.000000e+00 : f32
    %broadcast_in_dim3A_2537 = vector.broadcast %broadcast_in_dim3A_2536 : f32 to vector<16xf32>
    %swap3A_2538 = arith.constant 38 : i32
    %swap3A_2539 = arith.index_cast %swap3A_2538 : i32 to index
    %swap3A_2540 = arith.constant 32 : index
    %swap3A_2541 = tpu.vector_load %arg23[%swap3A_2539, %swap3A_2540] {strides = array<i32>} : memref<48x128xf32, #tpu.memory_space<vmem>>, vector<1x16xf32>,
    %swap3A_2542 = vector.shape_cast %swap3A_2541 : vector<1x16xf32> to vector<16xf32>
    %swap3A_2543 = vector.shape_cast %broadcast_in_dim3A_2537 : vector<16xf32> to vector<1x16xf32>
    tpu.vector_store %arg23[%swap3A_2539, %swap3A_2540], %swap3A_2543 {strides = array<i32>} : memref<48x128xf32, #tpu.memory_space<vmem>>, vector<1x16xf32>,
    %broadcast_in_dim3A_2544 = arith.constant 0.000000e+00 : f32
    %broadcast_in_dim3A_2545 = vector.broadcast %broadcast_in_dim3A_2544 : f32 to vector<16xf32>
    %swap3A_2546 = arith.constant 38 : i32
    %swap3A_2547 = arith.index_cast %swap3A_2546 : i32 to index
    %swap3A_2548 = arith.constant 48 : index
    %swap3A_2549 = tpu.vector_load %arg23[%swap3A_2547, %swap3A_2548] {strides = array<i32>} : memref<48x128xf32, #tpu.memory_space<vmem>>, vector<1x16xf32>,
    %swap3A_2550 = vector.shape_cast %swap3A_2549 : vector<1x16xf32> to vector<16xf32>
    %swap3A_2551 = vector.shape_cast %broadcast_in_dim3A_2545 : vector<16xf32> to vector<1x16xf32>
    tpu.vector_store %arg23[%swap3A_2547, %swap3A_2548], %swap3A_2551 {strides = array<i32>} : memref<48x128xf32, #tpu.memory_space<vmem>>, vector<1x16xf32>,
    %broadcast_in_dim3A_2552 = arith.constant 0.000000e+00 : f32
    %broadcast_in_dim3A_2553 = vector.broadcast %broadcast_in_dim3A_2552 : f32 to vector<16xf32>
    %swap3A_2554 = arith.constant 38 : i32
    %swap3A_2555 = arith.index_cast %swap3A_2554 : i32 to index
    %swap3A_2556 = arith.constant 64 : index
    %swap3A_2557 = tpu.vector_load %arg23[%swap3A_2555, %swap3A_2556] {strides = array<i32>} : memref<48x128xf32, #tpu.memory_space<vmem>>, vector<1x16xf32>,
    %swap3A_2558 = vector.shape_cast %swap3A_2557 : vector<1x16xf32> to vector<16xf32>
    %swap3A_2559 = vector.shape_cast %broadcast_in_dim3A_2553 : vector<16xf32> to vector<1x16xf32>
    tpu.vector_store %arg23[%swap3A_2555, %swap3A_2556], %swap3A_2559 {strides = array<i32>} : memref<48x128xf32, #tpu.memory_space<vmem>>, vector<1x16xf32>,
    %broadcast_in_dim3A_2560 = arith.constant 0.000000e+00 : f32
    %broadcast_in_dim3A_2561 = vector.broadcast %broadcast_in_dim3A_2560 : f32 to vector<16xf32>
    %swap3A_2562 = arith.constant 38 : i32
    %swap3A_2563 = arith.index_cast %swap3A_2562 : i32 to index
    %swap3A_2564 = arith.constant 80 : index
    %swap3A_2565 = tpu.vector_load %arg23[%swap3A_2563, %swap3A_2564] {strides = array<i32>} : memref<48x128xf32, #tpu.memory_space<vmem>>, vector<1x16xf32>,
    %swap3A_2566 = vector.shape_cast %swap3A_2565 : vector<1x16xf32> to vector<16xf32>
    %swap3A_2567 = vector.shape_cast %broadcast_in_dim3A_2561 : vector<16xf32> to vector<1x16xf32>
    tpu.vector_store %arg23[%swap3A_2563, %swap3A_2564], %swap3A_2567 {strides = array<i32>} : memref<48x128xf32, #tpu.memory_space<vmem>>, vector<1x16xf32>,
    %broadcast_in_dim3A_2568 = arith.constant 0.000000e+00 : f32
    %broadcast_in_dim3A_2569 = vector.broadcast %broadcast_in_dim3A_2568 : f32 to vector<16xf32>
    %swap3A_2570 = arith.constant 38 : i32
    %swap3A_2571 = arith.index_cast %swap3A_2570 : i32 to index
    %swap3A_2572 = arith.constant 96 : index
    %swap3A_2573 = tpu.vector_load %arg23[%swap3A_2571, %swap3A_2572] {strides = array<i32>} : memref<48x128xf32, #tpu.memory_space<vmem>>, vector<1x16xf32>,
    %swap3A_2574 = vector.shape_cast %swap3A_2573 : vector<1x16xf32> to vector<16xf32>
    %swap3A_2575 = vector.shape_cast %broadcast_in_dim3A_2569 : vector<16xf32> to vector<1x16xf32>
    tpu.vector_store %arg23[%swap3A_2571, %swap3A_2572], %swap3A_2575 {strides = array<i32>} : memref<48x128xf32, #tpu.memory_space<vmem>>, vector<1x16xf32>,
    %broadcast_in_dim3A_2576 = arith.constant 0.000000e+00 : f32
    %broadcast_in_dim3A_2577 = vector.broadcast %broadcast_in_dim3A_2576 : f32 to vector<16xf32>
    %swap3A_2578 = arith.constant 38 : i32
    %swap3A_2579 = arith.index_cast %swap3A_2578 : i32 to index
    %swap3A_2580 = arith.constant 112 : index
    %swap3A_2581 = tpu.vector_load %arg23[%swap3A_2579, %swap3A_2580] {strides = array<i32>} : memref<48x128xf32, #tpu.memory_space<vmem>>, vector<1x16xf32>,
    %swap3A_2582 = vector.shape_cast %swap3A_2581 : vector<1x16xf32> to vector<16xf32>
    %swap3A_2583 = vector.shape_cast %broadcast_in_dim3A_2577 : vector<16xf32> to vector<1x16xf32>
    tpu.vector_store %arg23[%swap3A_2579, %swap3A_2580], %swap3A_2583 {strides = array<i32>} : memref<48x128xf32, #tpu.memory_space<vmem>>, vector<1x16xf32>,
    %broadcast_in_dim3A_2584 = arith.constant 0.000000e+00 : f32
    %broadcast_in_dim3A_2585 = vector.broadcast %broadcast_in_dim3A_2584 : f32 to vector<16xf32>
    %swap3A_2586 = arith.constant 39 : i32
    %swap3A_2587 = arith.index_cast %swap3A_2586 : i32 to index
    %swap3A_2588 = arith.constant 0 : index
    %swap3A_2589 = tpu.vector_load %arg23[%swap3A_2587, %swap3A_2588] {strides = array<i32>} : memref<48x128xf32, #tpu.memory_space<vmem>>, vector<1x16xf32>,
    %swap3A_2590 = vector.shape_cast %swap3A_2589 : vector<1x16xf32> to vector<16xf32>
    %swap3A_2591 = vector.shape_cast %broadcast_in_dim3A_2585 : vector<16xf32> to vector<1x16xf32>
    tpu.vector_store %arg23[%swap3A_2587, %swap3A_2588], %swap3A_2591 {strides = array<i32>} : memref<48x128xf32, #tpu.memory_space<vmem>>, vector<1x16xf32>,
    %broadcast_in_dim3A_2592 = arith.constant 0.000000e+00 : f32
    %broadcast_in_dim3A_2593 = vector.broadcast %broadcast_in_dim3A_2592 : f32 to vector<16xf32>
    %swap3A_2594 = arith.constant 39 : i32
    %swap3A_2595 = arith.index_cast %swap3A_2594 : i32 to index
    %swap3A_2596 = arith.constant 16 : index
    %swap3A_2597 = tpu.vector_load %arg23[%swap3A_2595, %swap3A_2596] {strides = array<i32>} : memref<48x128xf32, #tpu.memory_space<vmem>>, vector<1x16xf32>,
    %swap3A_2598 = vector.shape_cast %swap3A_2597 : vector<1x16xf32> to vector<16xf32>
    %swap3A_2599 = vector.shape_cast %broadcast_in_dim3A_2593 : vector<16xf32> to vector<1x16xf32>
    tpu.vector_store %arg23[%swap3A_2595, %swap3A_2596], %swap3A_2599 {strides = array<i32>} : memref<48x128xf32, #tpu.memory_space<vmem>>, vector<1x16xf32>,
    %broadcast_in_dim3A_2600 = arith.constant 0.000000e+00 : f32
    %broadcast_in_dim3A_2601 = vector.broadcast %broadcast_in_dim3A_2600 : f32 to vector<16xf32>
    %swap3A_2602 = arith.constant 39 : i32
    %swap3A_2603 = arith.index_cast %swap3A_2602 : i32 to index
    %swap3A_2604 = arith.constant 32 : index
    %swap3A_2605 = tpu.vector_load %arg23[%swap3A_2603, %swap3A_2604] {strides = array<i32>} : memref<48x128xf32, #tpu.memory_space<vmem>>, vector<1x16xf32>,
    %swap3A_2606 = vector.shape_cast %swap3A_2605 : vector<1x16xf32> to vector<16xf32>
    %swap3A_2607 = vector.shape_cast %broadcast_in_dim3A_2601 : vector<16xf32> to vector<1x16xf32>
    tpu.vector_store %arg23[%swap3A_2603, %swap3A_2604], %swap3A_2607 {strides = array<i32>} : memref<48x128xf32, #tpu.memory_space<vmem>>, vector<1x16xf32>,
    %broadcast_in_dim3A_2608 = arith.constant 0.000000e+00 : f32
    %broadcast_in_dim3A_2609 = vector.broadcast %broadcast_in_dim3A_2608 : f32 to vector<16xf32>
    %swap3A_2610 = arith.constant 39 : i32
    %swap3A_2611 = arith.index_cast %swap3A_2610 : i32 to index
    %swap3A_2612 = arith.constant 48 : index
    %swap3A_2613 = tpu.vector_load %arg23[%swap3A_2611, %swap3A_2612] {strides = array<i32>} : memref<48x128xf32, #tpu.memory_space<vmem>>, vector<1x16xf32>,
    %swap3A_2614 = vector.shape_cast %swap3A_2613 : vector<1x16xf32> to vector<16xf32>
    %swap3A_2615 = vector.shape_cast %broadcast_in_dim3A_2609 : vector<16xf32> to vector<1x16xf32>
    tpu.vector_store %arg23[%swap3A_2611, %swap3A_2612], %swap3A_2615 {strides = array<i32>} : memref<48x128xf32, #tpu.memory_space<vmem>>, vector<1x16xf32>,
    %broadcast_in_dim3A_2616 = arith.constant 0.000000e+00 : f32
    %broadcast_in_dim3A_2617 = vector.broadcast %broadcast_in_dim3A_2616 : f32 to vector<16xf32>
    %swap3A_2618 = arith.constant 39 : i32
    %swap3A_2619 = arith.index_cast %swap3A_2618 : i32 to index
    %swap3A_2620 = arith.constant 64 : index
    %swap3A_2621 = tpu.vector_load %arg23[%swap3A_2619, %swap3A_2620] {strides = array<i32>} : memref<48x128xf32, #tpu.memory_space<vmem>>, vector<1x16xf32>,
    %swap3A_2622 = vector.shape_cast %swap3A_2621 : vector<1x16xf32> to vector<16xf32>
    %swap3A_2623 = vector.shape_cast %broadcast_in_dim3A_2617 : vector<16xf32> to vector<1x16xf32>
    tpu.vector_store %arg23[%swap3A_2619, %swap3A_2620], %swap3A_2623 {strides = array<i32>} : memref<48x128xf32, #tpu.memory_space<vmem>>, vector<1x16xf32>,
    %broadcast_in_dim3A_2624 = arith.constant 0.000000e+00 : f32
    %broadcast_in_dim3A_2625 = vector.broadcast %broadcast_in_dim3A_2624 : f32 to vector<16xf32>
    %swap3A_2626 = arith.constant 39 : i32
    %swap3A_2627 = arith.index_cast %swap3A_2626 : i32 to index
    %swap3A_2628 = arith.constant 80 : index
    %swap3A_2629 = tpu.vector_load %arg23[%swap3A_2627, %swap3A_2628] {strides = array<i32>} : memref<48x128xf32, #tpu.memory_space<vmem>>, vector<1x16xf32>,
    %swap3A_2630 = vector.shape_cast %swap3A_2629 : vector<1x16xf32> to vector<16xf32>
    %swap3A_2631 = vector.shape_cast %broadcast_in_dim3A_2625 : vector<16xf32> to vector<1x16xf32>
    tpu.vector_store %arg23[%swap3A_2627, %swap3A_2628], %swap3A_2631 {strides = array<i32>} : memref<48x128xf32, #tpu.memory_space<vmem>>, vector<1x16xf32>,
    %broadcast_in_dim3A_2632 = arith.constant 0.000000e+00 : f32
    %broadcast_in_dim3A_2633 = vector.broadcast %broadcast_in_dim3A_2632 : f32 to vector<16xf32>
    %swap3A_2634 = arith.constant 39 : i32
    %swap3A_2635 = arith.index_cast %swap3A_2634 : i32 to index
    %swap3A_2636 = arith.constant 96 : index
    %swap3A_2637 = tpu.vector_load %arg23[%swap3A_2635, %swap3A_2636] {strides = array<i32>} : memref<48x128xf32, #tpu.memory_space<vmem>>, vector<1x16xf32>,
    %swap3A_2638 = vector.shape_cast %swap3A_2637 : vector<1x16xf32> to vector<16xf32>
    %swap3A_2639 = vector.shape_cast %broadcast_in_dim3A_2633 : vector<16xf32> to vector<1x16xf32>
    tpu.vector_store %arg23[%swap3A_2635, %swap3A_2636], %swap3A_2639 {strides = array<i32>} : memref<48x128xf32, #tpu.memory_space<vmem>>, vector<1x16xf32>,
    %broadcast_in_dim3A_2640 = arith.constant 0.000000e+00 : f32
    %broadcast_in_dim3A_2641 = vector.broadcast %broadcast_in_dim3A_2640 : f32 to vector<16xf32>
    %swap3A_2642 = arith.constant 39 : i32
    %swap3A_2643 = arith.index_cast %swap3A_2642 : i32 to index
    %swap3A_2644 = arith.constant 112 : index
    %swap3A_2645 = tpu.vector_load %arg23[%swap3A_2643, %swap3A_2644] {strides = array<i32>} : memref<48x128xf32, #tpu.memory_space<vmem>>, vector<1x16xf32>,
    %swap3A_2646 = vector.shape_cast %swap3A_2645 : vector<1x16xf32> to vector<16xf32>
    %swap3A_2647 = vector.shape_cast %broadcast_in_dim3A_2641 : vector<16xf32> to vector<1x16xf32>
    tpu.vector_store %arg23[%swap3A_2643, %swap3A_2644], %swap3A_2647 {strides = array<i32>} : memref<48x128xf32, #tpu.memory_space<vmem>>, vector<1x16xf32>,
    %broadcast_in_dim3A_2648 = arith.constant 0.000000e+00 : f32
    %broadcast_in_dim3A_2649 = vector.broadcast %broadcast_in_dim3A_2648 : f32 to vector<16xf32>
    %swap3A_2650 = arith.constant 40 : i32
    %swap3A_2651 = arith.index_cast %swap3A_2650 : i32 to index
    %swap3A_2652 = arith.constant 0 : index
    %swap3A_2653 = tpu.vector_load %arg23[%swap3A_2651, %swap3A_2652] {strides = array<i32>} : memref<48x128xf32, #tpu.memory_space<vmem>>, vector<1x16xf32>,
    %swap3A_2654 = vector.shape_cast %swap3A_2653 : vector<1x16xf32> to vector<16xf32>
    %swap3A_2655 = vector.shape_cast %broadcast_in_dim3A_2649 : vector<16xf32> to vector<1x16xf32>
    tpu.vector_store %arg23[%swap3A_2651, %swap3A_2652], %swap3A_2655 {strides = array<i32>} : memref<48x128xf32, #tpu.memory_space<vmem>>, vector<1x16xf32>,
    %broadcast_in_dim3A_2656 = arith.constant 0.000000e+00 : f32
    %broadcast_in_dim3A_2657 = vector.broadcast %broadcast_in_dim3A_2656 : f32 to vector<16xf32>
    %swap3A_2658 = arith.constant 40 : i32
    %swap3A_2659 = arith.index_cast %swap3A_2658 : i32 to index
    %swap3A_2660 = arith.constant 16 : index
    %swap3A_2661 = tpu.vector_load %arg23[%swap3A_2659, %swap3A_2660] {strides = array<i32>} : memref<48x128xf32, #tpu.memory_space<vmem>>, vector<1x16xf32>,
    %swap3A_2662 = vector.shape_cast %swap3A_2661 : vector<1x16xf32> to vector<16xf32>
    %swap3A_2663 = vector.shape_cast %broadcast_in_dim3A_2657 : vector<16xf32> to vector<1x16xf32>
    tpu.vector_store %arg23[%swap3A_2659, %swap3A_2660], %swap3A_2663 {strides = array<i32>} : memref<48x128xf32, #tpu.memory_space<vmem>>, vector<1x16xf32>,
    %broadcast_in_dim3A_2664 = arith.constant 0.000000e+00 : f32
    %broadcast_in_dim3A_2665 = vector.broadcast %broadcast_in_dim3A_2664 : f32 to vector<16xf32>
    %swap3A_2666 = arith.constant 40 : i32
    %swap3A_2667 = arith.index_cast %swap3A_2666 : i32 to index
    %swap3A_2668 = arith.constant 32 : index
    %swap3A_2669 = tpu.vector_load %arg23[%swap3A_2667, %swap3A_2668] {strides = array<i32>} : memref<48x128xf32, #tpu.memory_space<vmem>>, vector<1x16xf32>,
    %swap3A_2670 = vector.shape_cast %swap3A_2669 : vector<1x16xf32> to vector<16xf32>
    %swap3A_2671 = vector.shape_cast %broadcast_in_dim3A_2665 : vector<16xf32> to vector<1x16xf32>
    tpu.vector_store %arg23[%swap3A_2667, %swap3A_2668], %swap3A_2671 {strides = array<i32>} : memref<48x128xf32, #tpu.memory_space<vmem>>, vector<1x16xf32>,
    %broadcast_in_dim3A_2672 = arith.constant 0.000000e+00 : f32
    %broadcast_in_dim3A_2673 = vector.broadcast %broadcast_in_dim3A_2672 : f32 to vector<16xf32>
    %swap3A_2674 = arith.constant 40 : i32
    %swap3A_2675 = arith.index_cast %swap3A_2674 : i32 to index
    %swap3A_2676 = arith.constant 48 : index
    %swap3A_2677 = tpu.vector_load %arg23[%swap3A_2675, %swap3A_2676] {strides = array<i32>} : memref<48x128xf32, #tpu.memory_space<vmem>>, vector<1x16xf32>,
    %swap3A_2678 = vector.shape_cast %swap3A_2677 : vector<1x16xf32> to vector<16xf32>
    %swap3A_2679 = vector.shape_cast %broadcast_in_dim3A_2673 : vector<16xf32> to vector<1x16xf32>
    tpu.vector_store %arg23[%swap3A_2675, %swap3A_2676], %swap3A_2679 {strides = array<i32>} : memref<48x128xf32, #tpu.memory_space<vmem>>, vector<1x16xf32>,
    %broadcast_in_dim3A_2680 = arith.constant 0.000000e+00 : f32
    %broadcast_in_dim3A_2681 = vector.broadcast %broadcast_in_dim3A_2680 : f32 to vector<16xf32>
    %swap3A_2682 = arith.constant 40 : i32
    %swap3A_2683 = arith.index_cast %swap3A_2682 : i32 to index
    %swap3A_2684 = arith.constant 64 : index
    %swap3A_2685 = tpu.vector_load %arg23[%swap3A_2683, %swap3A_2684] {strides = array<i32>} : memref<48x128xf32, #tpu.memory_space<vmem>>, vector<1x16xf32>,
    %swap3A_2686 = vector.shape_cast %swap3A_2685 : vector<1x16xf32> to vector<16xf32>
    %swap3A_2687 = vector.shape_cast %broadcast_in_dim3A_2681 : vector<16xf32> to vector<1x16xf32>
    tpu.vector_store %arg23[%swap3A_2683, %swap3A_2684], %swap3A_2687 {strides = array<i32>} : memref<48x128xf32, #tpu.memory_space<vmem>>, vector<1x16xf32>,
    %broadcast_in_dim3A_2688 = arith.constant 0.000000e+00 : f32
    %broadcast_in_dim3A_2689 = vector.broadcast %broadcast_in_dim3A_2688 : f32 to vector<16xf32>
    %swap3A_2690 = arith.constant 40 : i32
    %swap3A_2691 = arith.index_cast %swap3A_2690 : i32 to index
    %swap3A_2692 = arith.constant 80 : index
    %swap3A_2693 = tpu.vector_load %arg23[%swap3A_2691, %swap3A_2692] {strides = array<i32>} : memref<48x128xf32, #tpu.memory_space<vmem>>, vector<1x16xf32>,
    %swap3A_2694 = vector.shape_cast %swap3A_2693 : vector<1x16xf32> to vector<16xf32>
    %swap3A_2695 = vector.shape_cast %broadcast_in_dim3A_2689 : vector<16xf32> to vector<1x16xf32>
    tpu.vector_store %arg23[%swap3A_2691, %swap3A_2692], %swap3A_2695 {strides = array<i32>} : memref<48x128xf32, #tpu.memory_space<vmem>>, vector<1x16xf32>,
    %broadcast_in_dim3A_2696 = arith.constant 0.000000e+00 : f32
    %broadcast_in_dim3A_2697 = vector.broadcast %broadcast_in_dim3A_2696 : f32 to vector<16xf32>
    %swap3A_2698 = arith.constant 40 : i32
    %swap3A_2699 = arith.index_cast %swap3A_2698 : i32 to index
    %swap3A_2700 = arith.constant 96 : index
    %swap3A_2701 = tpu.vector_load %arg23[%swap3A_2699, %swap3A_2700] {strides = array<i32>} : memref<48x128xf32, #tpu.memory_space<vmem>>, vector<1x16xf32>,
    %swap3A_2702 = vector.shape_cast %swap3A_2701 : vector<1x16xf32> to vector<16xf32>
    %swap3A_2703 = vector.shape_cast %broadcast_in_dim3A_2697 : vector<16xf32> to vector<1x16xf32>
    tpu.vector_store %arg23[%swap3A_2699, %swap3A_2700], %swap3A_2703 {strides = array<i32>} : memref<48x128xf32, #tpu.memory_space<vmem>>, vector<1x16xf32>,
    %broadcast_in_dim3A_2704 = arith.constant 0.000000e+00 : f32
    %broadcast_in_dim3A_2705 = vector.broadcast %broadcast_in_dim3A_2704 : f32 to vector<16xf32>
    %swap3A_2706 = arith.constant 40 : i32
    %swap3A_2707 = arith.index_cast %swap3A_2706 : i32 to index
    %swap3A_2708 = arith.constant 112 : index
    %swap3A_2709 = tpu.vector_load %arg23[%swap3A_2707, %swap3A_2708] {strides = array<i32>} : memref<48x128xf32, #tpu.memory_space<vmem>>, vector<1x16xf32>,
    %swap3A_2710 = vector.shape_cast %swap3A_2709 : vector<1x16xf32> to vector<16xf32>
    %swap3A_2711 = vector.shape_cast %broadcast_in_dim3A_2705 : vector<16xf32> to vector<1x16xf32>
    tpu.vector_store %arg23[%swap3A_2707, %swap3A_2708], %swap3A_2711 {strides = array<i32>} : memref<48x128xf32, #tpu.memory_space<vmem>>, vector<1x16xf32>,
    %broadcast_in_dim3A_2712 = arith.constant 0.000000e+00 : f32
    %broadcast_in_dim3A_2713 = vector.broadcast %broadcast_in_dim3A_2712 : f32 to vector<16xf32>
    %swap3A_2714 = arith.constant 41 : i32
    %swap3A_2715 = arith.index_cast %swap3A_2714 : i32 to index
    %swap3A_2716 = arith.constant 0 : index
    %swap3A_2717 = tpu.vector_load %arg23[%swap3A_2715, %swap3A_2716] {strides = array<i32>} : memref<48x128xf32, #tpu.memory_space<vmem>>, vector<1x16xf32>,
    %swap3A_2718 = vector.shape_cast %swap3A_2717 : vector<1x16xf32> to vector<16xf32>
    %swap3A_2719 = vector.shape_cast %broadcast_in_dim3A_2713 : vector<16xf32> to vector<1x16xf32>
    tpu.vector_store %arg23[%swap3A_2715, %swap3A_2716], %swap3A_2719 {strides = array<i32>} : memref<48x128xf32, #tpu.memory_space<vmem>>, vector<1x16xf32>,
    %broadcast_in_dim3A_2720 = arith.constant 0.000000e+00 : f32
    %broadcast_in_dim3A_2721 = vector.broadcast %broadcast_in_dim3A_2720 : f32 to vector<16xf32>
    %swap3A_2722 = arith.constant 41 : i32
    %swap3A_2723 = arith.index_cast %swap3A_2722 : i32 to index
    %swap3A_2724 = arith.constant 16 : index
    %swap3A_2725 = tpu.vector_load %arg23[%swap3A_2723, %swap3A_2724] {strides = array<i32>} : memref<48x128xf32, #tpu.memory_space<vmem>>, vector<1x16xf32>,
    %swap3A_2726 = vector.shape_cast %swap3A_2725 : vector<1x16xf32> to vector<16xf32>
    %swap3A_2727 = vector.shape_cast %broadcast_in_dim3A_2721 : vector<16xf32> to vector<1x16xf32>
    tpu.vector_store %arg23[%swap3A_2723, %swap3A_2724], %swap3A_2727 {strides = array<i32>} : memref<48x128xf32, #tpu.memory_space<vmem>>, vector<1x16xf32>,
    %broadcast_in_dim3A_2728 = arith.constant 0.000000e+00 : f32
    %broadcast_in_dim3A_2729 = vector.broadcast %broadcast_in_dim3A_2728 : f32 to vector<16xf32>
    %swap3A_2730 = arith.constant 41 : i32
    %swap3A_2731 = arith.index_cast %swap3A_2730 : i32 to index
    %swap3A_2732 = arith.constant 32 : index
    %swap3A_2733 = tpu.vector_load %arg23[%swap3A_2731, %swap3A_2732] {strides = array<i32>} : memref<48x128xf32, #tpu.memory_space<vmem>>, vector<1x16xf32>,
    %swap3A_2734 = vector.shape_cast %swap3A_2733 : vector<1x16xf32> to vector<16xf32>
    %swap3A_2735 = vector.shape_cast %broadcast_in_dim3A_2729 : vector<16xf32> to vector<1x16xf32>
    tpu.vector_store %arg23[%swap3A_2731, %swap3A_2732], %swap3A_2735 {strides = array<i32>} : memref<48x128xf32, #tpu.memory_space<vmem>>, vector<1x16xf32>,
    %broadcast_in_dim3A_2736 = arith.constant 0.000000e+00 : f32
    %broadcast_in_dim3A_2737 = vector.broadcast %broadcast_in_dim3A_2736 : f32 to vector<16xf32>
    %swap3A_2738 = arith.constant 41 : i32
    %swap3A_2739 = arith.index_cast %swap3A_2738 : i32 to index
    %swap3A_2740 = arith.constant 48 : index
    %swap3A_2741 = tpu.vector_load %arg23[%swap3A_2739, %swap3A_2740] {strides = array<i32>} : memref<48x128xf32, #tpu.memory_space<vmem>>, vector<1x16xf32>,
    %swap3A_2742 = vector.shape_cast %swap3A_2741 : vector<1x16xf32> to vector<16xf32>
    %swap3A_2743 = vector.shape_cast %broadcast_in_dim3A_2737 : vector<16xf32> to vector<1x16xf32>
    tpu.vector_store %arg23[%swap3A_2739, %swap3A_2740], %swap3A_2743 {strides = array<i32>} : memref<48x128xf32, #tpu.memory_space<vmem>>, vector<1x16xf32>,
    %broadcast_in_dim3A_2744 = arith.constant 0.000000e+00 : f32
    %broadcast_in_dim3A_2745 = vector.broadcast %broadcast_in_dim3A_2744 : f32 to vector<16xf32>
    %swap3A_2746 = arith.constant 41 : i32
    %swap3A_2747 = arith.index_cast %swap3A_2746 : i32 to index
    %swap3A_2748 = arith.constant 64 : index
    %swap3A_2749 = tpu.vector_load %arg23[%swap3A_2747, %swap3A_2748] {strides = array<i32>} : memref<48x128xf32, #tpu.memory_space<vmem>>, vector<1x16xf32>,
    %swap3A_2750 = vector.shape_cast %swap3A_2749 : vector<1x16xf32> to vector<16xf32>
    %swap3A_2751 = vector.shape_cast %broadcast_in_dim3A_2745 : vector<16xf32> to vector<1x16xf32>
    tpu.vector_store %arg23[%swap3A_2747, %swap3A_2748], %swap3A_2751 {strides = array<i32>} : memref<48x128xf32, #tpu.memory_space<vmem>>, vector<1x16xf32>,
    %broadcast_in_dim3A_2752 = arith.constant 0.000000e+00 : f32
    %broadcast_in_dim3A_2753 = vector.broadcast %broadcast_in_dim3A_2752 : f32 to vector<16xf32>
    %swap3A_2754 = arith.constant 41 : i32
    %swap3A_2755 = arith.index_cast %swap3A_2754 : i32 to index
    %swap3A_2756 = arith.constant 80 : index
    %swap3A_2757 = tpu.vector_load %arg23[%swap3A_2755, %swap3A_2756] {strides = array<i32>} : memref<48x128xf32, #tpu.memory_space<vmem>>, vector<1x16xf32>,
    %swap3A_2758 = vector.shape_cast %swap3A_2757 : vector<1x16xf32> to vector<16xf32>
    %swap3A_2759 = vector.shape_cast %broadcast_in_dim3A_2753 : vector<16xf32> to vector<1x16xf32>
    tpu.vector_store %arg23[%swap3A_2755, %swap3A_2756], %swap3A_2759 {strides = array<i32>} : memref<48x128xf32, #tpu.memory_space<vmem>>, vector<1x16xf32>,
    %broadcast_in_dim3A_2760 = arith.constant 0.000000e+00 : f32
    %broadcast_in_dim3A_2761 = vector.broadcast %broadcast_in_dim3A_2760 : f32 to vector<16xf32>
    %swap3A_2762 = arith.constant 41 : i32
    %swap3A_2763 = arith.index_cast %swap3A_2762 : i32 to index
    %swap3A_2764 = arith.constant 96 : index
    %swap3A_2765 = tpu.vector_load %arg23[%swap3A_2763, %swap3A_2764] {strides = array<i32>} : memref<48x128xf32, #tpu.memory_space<vmem>>, vector<1x16xf32>,
    %swap3A_2766 = vector.shape_cast %swap3A_2765 : vector<1x16xf32> to vector<16xf32>
    %swap3A_2767 = vector.shape_cast %broadcast_in_dim3A_2761 : vector<16xf32> to vector<1x16xf32>
    tpu.vector_store %arg23[%swap3A_2763, %swap3A_2764], %swap3A_2767 {strides = array<i32>} : memref<48x128xf32, #tpu.memory_space<vmem>>, vector<1x16xf32>,
    %broadcast_in_dim3A_2768 = arith.constant 0.000000e+00 : f32
    %broadcast_in_dim3A_2769 = vector.broadcast %broadcast_in_dim3A_2768 : f32 to vector<16xf32>
    %swap3A_2770 = arith.constant 41 : i32
    %swap3A_2771 = arith.index_cast %swap3A_2770 : i32 to index
    %swap3A_2772 = arith.constant 112 : index
    %swap3A_2773 = tpu.vector_load %arg23[%swap3A_2771, %swap3A_2772] {strides = array<i32>} : memref<48x128xf32, #tpu.memory_space<vmem>>, vector<1x16xf32>,
    %swap3A_2774 = vector.shape_cast %swap3A_2773 : vector<1x16xf32> to vector<16xf32>
    %swap3A_2775 = vector.shape_cast %broadcast_in_dim3A_2769 : vector<16xf32> to vector<1x16xf32>
    tpu.vector_store %arg23[%swap3A_2771, %swap3A_2772], %swap3A_2775 {strides = array<i32>} : memref<48x128xf32, #tpu.memory_space<vmem>>, vector<1x16xf32>,
    %broadcast_in_dim3A_2776 = arith.constant 0.000000e+00 : f32
    %broadcast_in_dim3A_2777 = vector.broadcast %broadcast_in_dim3A_2776 : f32 to vector<16xf32>
    %swap3A_2778 = arith.constant 42 : i32
    %swap3A_2779 = arith.index_cast %swap3A_2778 : i32 to index
    %swap3A_2780 = arith.constant 0 : index
    %swap3A_2781 = tpu.vector_load %arg23[%swap3A_2779, %swap3A_2780] {strides = array<i32>} : memref<48x128xf32, #tpu.memory_space<vmem>>, vector<1x16xf32>,
    %swap3A_2782 = vector.shape_cast %swap3A_2781 : vector<1x16xf32> to vector<16xf32>
    %swap3A_2783 = vector.shape_cast %broadcast_in_dim3A_2777 : vector<16xf32> to vector<1x16xf32>
    tpu.vector_store %arg23[%swap3A_2779, %swap3A_2780], %swap3A_2783 {strides = array<i32>} : memref<48x128xf32, #tpu.memory_space<vmem>>, vector<1x16xf32>,
    %broadcast_in_dim3A_2784 = arith.constant 0.000000e+00 : f32
    %broadcast_in_dim3A_2785 = vector.broadcast %broadcast_in_dim3A_2784 : f32 to vector<16xf32>
    %swap3A_2786 = arith.constant 42 : i32
    %swap3A_2787 = arith.index_cast %swap3A_2786 : i32 to index
    %swap3A_2788 = arith.constant 16 : index
    %swap3A_2789 = tpu.vector_load %arg23[%swap3A_2787, %swap3A_2788] {strides = array<i32>} : memref<48x128xf32, #tpu.memory_space<vmem>>, vector<1x16xf32>,
    %swap3A_2790 = vector.shape_cast %swap3A_2789 : vector<1x16xf32> to vector<16xf32>
    %swap3A_2791 = vector.shape_cast %broadcast_in_dim3A_2785 : vector<16xf32> to vector<1x16xf32>
    tpu.vector_store %arg23[%swap3A_2787, %swap3A_2788], %swap3A_2791 {strides = array<i32>} : memref<48x128xf32, #tpu.memory_space<vmem>>, vector<1x16xf32>,
    %broadcast_in_dim3A_2792 = arith.constant 0.000000e+00 : f32
    %broadcast_in_dim3A_2793 = vector.broadcast %broadcast_in_dim3A_2792 : f32 to vector<16xf32>
    %swap3A_2794 = arith.constant 42 : i32
    %swap3A_2795 = arith.index_cast %swap3A_2794 : i32 to index
    %swap3A_2796 = arith.constant 32 : index
    %swap3A_2797 = tpu.vector_load %arg23[%swap3A_2795, %swap3A_2796] {strides = array<i32>} : memref<48x128xf32, #tpu.memory_space<vmem>>, vector<1x16xf32>,
    %swap3A_2798 = vector.shape_cast %swap3A_2797 : vector<1x16xf32> to vector<16xf32>
    %swap3A_2799 = vector.shape_cast %broadcast_in_dim3A_2793 : vector<16xf32> to vector<1x16xf32>
    tpu.vector_store %arg23[%swap3A_2795, %swap3A_2796], %swap3A_2799 {strides = array<i32>} : memref<48x128xf32, #tpu.memory_space<vmem>>, vector<1x16xf32>,
    %broadcast_in_dim3A_2800 = arith.constant 0.000000e+00 : f32
    %broadcast_in_dim3A_2801 = vector.broadcast %broadcast_in_dim3A_2800 : f32 to vector<16xf32>
    %swap3A_2802 = arith.constant 42 : i32
    %swap3A_2803 = arith.index_cast %swap3A_2802 : i32 to index
    %swap3A_2804 = arith.constant 48 : index
    %swap3A_2805 = tpu.vector_load %arg23[%swap3A_2803, %swap3A_2804] {strides = array<i32>} : memref<48x128xf32, #tpu.memory_space<vmem>>, vector<1x16xf32>,
    %swap3A_2806 = vector.shape_cast %swap3A_2805 : vector<1x16xf32> to vector<16xf32>
    %swap3A_2807 = vector.shape_cast %broadcast_in_dim3A_2801 : vector<16xf32> to vector<1x16xf32>
    tpu.vector_store %arg23[%swap3A_2803, %swap3A_2804], %swap3A_2807 {strides = array<i32>} : memref<48x128xf32, #tpu.memory_space<vmem>>, vector<1x16xf32>,
    %broadcast_in_dim3A_2808 = arith.constant 0.000000e+00 : f32
    %broadcast_in_dim3A_2809 = vector.broadcast %broadcast_in_dim3A_2808 : f32 to vector<16xf32>
    %swap3A_2810 = arith.constant 42 : i32
    %swap3A_2811 = arith.index_cast %swap3A_2810 : i32 to index
    %swap3A_2812 = arith.constant 64 : index
    %swap3A_2813 = tpu.vector_load %arg23[%swap3A_2811, %swap3A_2812] {strides = array<i32>} : memref<48x128xf32, #tpu.memory_space<vmem>>, vector<1x16xf32>,
    %swap3A_2814 = vector.shape_cast %swap3A_2813 : vector<1x16xf32> to vector<16xf32>
    %swap3A_2815 = vector.shape_cast %broadcast_in_dim3A_2809 : vector<16xf32> to vector<1x16xf32>
    tpu.vector_store %arg23[%swap3A_2811, %swap3A_2812], %swap3A_2815 {strides = array<i32>} : memref<48x128xf32, #tpu.memory_space<vmem>>, vector<1x16xf32>,
    %broadcast_in_dim3A_2816 = arith.constant 0.000000e+00 : f32
    %broadcast_in_dim3A_2817 = vector.broadcast %broadcast_in_dim3A_2816 : f32 to vector<16xf32>
    %swap3A_2818 = arith.constant 42 : i32
    %swap3A_2819 = arith.index_cast %swap3A_2818 : i32 to index
    %swap3A_2820 = arith.constant 80 : index
    %swap3A_2821 = tpu.vector_load %arg23[%swap3A_2819, %swap3A_2820] {strides = array<i32>} : memref<48x128xf32, #tpu.memory_space<vmem>>, vector<1x16xf32>,
    %swap3A_2822 = vector.shape_cast %swap3A_2821 : vector<1x16xf32> to vector<16xf32>
    %swap3A_2823 = vector.shape_cast %broadcast_in_dim3A_2817 : vector<16xf32> to vector<1x16xf32>
    tpu.vector_store %arg23[%swap3A_2819, %swap3A_2820], %swap3A_2823 {strides = array<i32>} : memref<48x128xf32, #tpu.memory_space<vmem>>, vector<1x16xf32>,
    %broadcast_in_dim3A_2824 = arith.constant 0.000000e+00 : f32
    %broadcast_in_dim3A_2825 = vector.broadcast %broadcast_in_dim3A_2824 : f32 to vector<16xf32>
    %swap3A_2826 = arith.constant 42 : i32
    %swap3A_2827 = arith.index_cast %swap3A_2826 : i32 to index
    %swap3A_2828 = arith.constant 96 : index
    %swap3A_2829 = tpu.vector_load %arg23[%swap3A_2827, %swap3A_2828] {strides = array<i32>} : memref<48x128xf32, #tpu.memory_space<vmem>>, vector<1x16xf32>,
    %swap3A_2830 = vector.shape_cast %swap3A_2829 : vector<1x16xf32> to vector<16xf32>
    %swap3A_2831 = vector.shape_cast %broadcast_in_dim3A_2825 : vector<16xf32> to vector<1x16xf32>
    tpu.vector_store %arg23[%swap3A_2827, %swap3A_2828], %swap3A_2831 {strides = array<i32>} : memref<48x128xf32, #tpu.memory_space<vmem>>, vector<1x16xf32>,
    %broadcast_in_dim3A_2832 = arith.constant 0.000000e+00 : f32
    %broadcast_in_dim3A_2833 = vector.broadcast %broadcast_in_dim3A_2832 : f32 to vector<16xf32>
    %swap3A_2834 = arith.constant 42 : i32
    %swap3A_2835 = arith.index_cast %swap3A_2834 : i32 to index
    %swap3A_2836 = arith.constant 112 : index
    %swap3A_2837 = tpu.vector_load %arg23[%swap3A_2835, %swap3A_2836] {strides = array<i32>} : memref<48x128xf32, #tpu.memory_space<vmem>>, vector<1x16xf32>,
    %swap3A_2838 = vector.shape_cast %swap3A_2837 : vector<1x16xf32> to vector<16xf32>
    %swap3A_2839 = vector.shape_cast %broadcast_in_dim3A_2833 : vector<16xf32> to vector<1x16xf32>
    tpu.vector_store %arg23[%swap3A_2835, %swap3A_2836], %swap3A_2839 {strides = array<i32>} : memref<48x128xf32, #tpu.memory_space<vmem>>, vector<1x16xf32>,
    %broadcast_in_dim3A_2840 = arith.constant 0.000000e+00 : f32
    %broadcast_in_dim3A_2841 = vector.broadcast %broadcast_in_dim3A_2840 : f32 to vector<16xf32>
    %swap3A_2842 = arith.constant 43 : i32
    %swap3A_2843 = arith.index_cast %swap3A_2842 : i32 to index
    %swap3A_2844 = arith.constant 0 : index
    %swap3A_2845 = tpu.vector_load %arg23[%swap3A_2843, %swap3A_2844] {strides = array<i32>} : memref<48x128xf32, #tpu.memory_space<vmem>>, vector<1x16xf32>,
    %swap3A_2846 = vector.shape_cast %swap3A_2845 : vector<1x16xf32> to vector<16xf32>
    %swap3A_2847 = vector.shape_cast %broadcast_in_dim3A_2841 : vector<16xf32> to vector<1x16xf32>
    tpu.vector_store %arg23[%swap3A_2843, %swap3A_2844], %swap3A_2847 {strides = array<i32>} : memref<48x128xf32, #tpu.memory_space<vmem>>, vector<1x16xf32>,
    %broadcast_in_dim3A_2848 = arith.constant 0.000000e+00 : f32
    %broadcast_in_dim3A_2849 = vector.broadcast %broadcast_in_dim3A_2848 : f32 to vector<16xf32>
    %swap3A_2850 = arith.constant 43 : i32
    %swap3A_2851 = arith.index_cast %swap3A_2850 : i32 to index
    %swap3A_2852 = arith.constant 16 : index
    %swap3A_2853 = tpu.vector_load %arg23[%swap3A_2851, %swap3A_2852] {strides = array<i32>} : memref<48x128xf32, #tpu.memory_space<vmem>>, vector<1x16xf32>,
    %swap3A_2854 = vector.shape_cast %swap3A_2853 : vector<1x16xf32> to vector<16xf32>
    %swap3A_2855 = vector.shape_cast %broadcast_in_dim3A_2849 : vector<16xf32> to vector<1x16xf32>
    tpu.vector_store %arg23[%swap3A_2851, %swap3A_2852], %swap3A_2855 {strides = array<i32>} : memref<48x128xf32, #tpu.memory_space<vmem>>, vector<1x16xf32>,
    %broadcast_in_dim3A_2856 = arith.constant 0.000000e+00 : f32
    %broadcast_in_dim3A_2857 = vector.broadcast %broadcast_in_dim3A_2856 : f32 to vector<16xf32>
    %swap3A_2858 = arith.constant 43 : i32
    %swap3A_2859 = arith.index_cast %swap3A_2858 : i32 to index
    %swap3A_2860 = arith.constant 32 : index
    %swap3A_2861 = tpu.vector_load %arg23[%swap3A_2859, %swap3A_2860] {strides = array<i32>} : memref<48x128xf32, #tpu.memory_space<vmem>>, vector<1x16xf32>,
    %swap3A_2862 = vector.shape_cast %swap3A_2861 : vector<1x16xf32> to vector<16xf32>
    %swap3A_2863 = vector.shape_cast %broadcast_in_dim3A_2857 : vector<16xf32> to vector<1x16xf32>
    tpu.vector_store %arg23[%swap3A_2859, %swap3A_2860], %swap3A_2863 {strides = array<i32>} : memref<48x128xf32, #tpu.memory_space<vmem>>, vector<1x16xf32>,
    %broadcast_in_dim3A_2864 = arith.constant 0.000000e+00 : f32
    %broadcast_in_dim3A_2865 = vector.broadcast %broadcast_in_dim3A_2864 : f32 to vector<16xf32>
    %swap3A_2866 = arith.constant 43 : i32
    %swap3A_2867 = arith.index_cast %swap3A_2866 : i32 to index
    %swap3A_2868 = arith.constant 48 : index
    %swap3A_2869 = tpu.vector_load %arg23[%swap3A_2867, %swap3A_2868] {strides = array<i32>} : memref<48x128xf32, #tpu.memory_space<vmem>>, vector<1x16xf32>,
    %swap3A_2870 = vector.shape_cast %swap3A_2869 : vector<1x16xf32> to vector<16xf32>
    %swap3A_2871 = vector.shape_cast %broadcast_in_dim3A_2865 : vector<16xf32> to vector<1x16xf32>
    tpu.vector_store %arg23[%swap3A_2867, %swap3A_2868], %swap3A_2871 {strides = array<i32>} : memref<48x128xf32, #tpu.memory_space<vmem>>, vector<1x16xf32>,
    %broadcast_in_dim3A_2872 = arith.constant 0.000000e+00 : f32
    %broadcast_in_dim3A_2873 = vector.broadcast %broadcast_in_dim3A_2872 : f32 to vector<16xf32>
    %swap3A_2874 = arith.constant 43 : i32
    %swap3A_2875 = arith.index_cast %swap3A_2874 : i32 to index
    %swap3A_2876 = arith.constant 64 : index
    %swap3A_2877 = tpu.vector_load %arg23[%swap3A_2875, %swap3A_2876] {strides = array<i32>} : memref<48x128xf32, #tpu.memory_space<vmem>>, vector<1x16xf32>,
    %swap3A_2878 = vector.shape_cast %swap3A_2877 : vector<1x16xf32> to vector<16xf32>
    %swap3A_2879 = vector.shape_cast %broadcast_in_dim3A_2873 : vector<16xf32> to vector<1x16xf32>
    tpu.vector_store %arg23[%swap3A_2875, %swap3A_2876], %swap3A_2879 {strides = array<i32>} : memref<48x128xf32, #tpu.memory_space<vmem>>, vector<1x16xf32>,
    %broadcast_in_dim3A_2880 = arith.constant 0.000000e+00 : f32
    %broadcast_in_dim3A_2881 = vector.broadcast %broadcast_in_dim3A_2880 : f32 to vector<16xf32>
    %swap3A_2882 = arith.constant 43 : i32
    %swap3A_2883 = arith.index_cast %swap3A_2882 : i32 to index
    %swap3A_2884 = arith.constant 80 : index
    %swap3A_2885 = tpu.vector_load %arg23[%swap3A_2883, %swap3A_2884] {strides = array<i32>} : memref<48x128xf32, #tpu.memory_space<vmem>>, vector<1x16xf32>,
    %swap3A_2886 = vector.shape_cast %swap3A_2885 : vector<1x16xf32> to vector<16xf32>
    %swap3A_2887 = vector.shape_cast %broadcast_in_dim3A_2881 : vector<16xf32> to vector<1x16xf32>
    tpu.vector_store %arg23[%swap3A_2883, %swap3A_2884], %swap3A_2887 {strides = array<i32>} : memref<48x128xf32, #tpu.memory_space<vmem>>, vector<1x16xf32>,
    %broadcast_in_dim3A_2888 = arith.constant 0.000000e+00 : f32
    %broadcast_in_dim3A_2889 = vector.broadcast %broadcast_in_dim3A_2888 : f32 to vector<16xf32>
    %swap3A_2890 = arith.constant 43 : i32
    %swap3A_2891 = arith.index_cast %swap3A_2890 : i32 to index
    %swap3A_2892 = arith.constant 96 : index
    %swap3A_2893 = tpu.vector_load %arg23[%swap3A_2891, %swap3A_2892] {strides = array<i32>} : memref<48x128xf32, #tpu.memory_space<vmem>>, vector<1x16xf32>,
    %swap3A_2894 = vector.shape_cast %swap3A_2893 : vector<1x16xf32> to vector<16xf32>
    %swap3A_2895 = vector.shape_cast %broadcast_in_dim3A_2889 : vector<16xf32> to vector<1x16xf32>
    tpu.vector_store %arg23[%swap3A_2891, %swap3A_2892], %swap3A_2895 {strides = array<i32>} : memref<48x128xf32, #tpu.memory_space<vmem>>, vector<1x16xf32>,
    %broadcast_in_dim3A_2896 = arith.constant 0.000000e+00 : f32
    %broadcast_in_dim3A_2897 = vector.broadcast %broadcast_in_dim3A_2896 : f32 to vector<16xf32>
    %swap3A_2898 = arith.constant 43 : i32
    %swap3A_2899 = arith.index_cast %swap3A_2898 : i32 to index
    %swap3A_2900 = arith.constant 112 : index
    %swap3A_2901 = tpu.vector_load %arg23[%swap3A_2899, %swap3A_2900] {strides = array<i32>} : memref<48x128xf32, #tpu.memory_space<vmem>>, vector<1x16xf32>,
    %swap3A_2902 = vector.shape_cast %swap3A_2901 : vector<1x16xf32> to vector<16xf32>
    %swap3A_2903 = vector.shape_cast %broadcast_in_dim3A_2897 : vector<16xf32> to vector<1x16xf32>
    tpu.vector_store %arg23[%swap3A_2899, %swap3A_2900], %swap3A_2903 {strides = array<i32>} : memref<48x128xf32, #tpu.memory_space<vmem>>, vector<1x16xf32>,
    %broadcast_in_dim3A_2904 = arith.constant 0.000000e+00 : f32
    %broadcast_in_dim3A_2905 = vector.broadcast %broadcast_in_dim3A_2904 : f32 to vector<16xf32>
    %swap3A_2906 = arith.constant 44 : i32
    %swap3A_2907 = arith.index_cast %swap3A_2906 : i32 to index
    %swap3A_2908 = arith.constant 0 : index
    %swap3A_2909 = tpu.vector_load %arg23[%swap3A_2907, %swap3A_2908] {strides = array<i32>} : memref<48x128xf32, #tpu.memory_space<vmem>>, vector<1x16xf32>,
    %swap3A_2910 = vector.shape_cast %swap3A_2909 : vector<1x16xf32> to vector<16xf32>
    %swap3A_2911 = vector.shape_cast %broadcast_in_dim3A_2905 : vector<16xf32> to vector<1x16xf32>
    tpu.vector_store %arg23[%swap3A_2907, %swap3A_2908], %swap3A_2911 {strides = array<i32>} : memref<48x128xf32, #tpu.memory_space<vmem>>, vector<1x16xf32>,
    %broadcast_in_dim3A_2912 = arith.constant 0.000000e+00 : f32
    %broadcast_in_dim3A_2913 = vector.broadcast %broadcast_in_dim3A_2912 : f32 to vector<16xf32>
    %swap3A_2914 = arith.constant 44 : i32
    %swap3A_2915 = arith.index_cast %swap3A_2914 : i32 to index
    %swap3A_2916 = arith.constant 16 : index
    %swap3A_2917 = tpu.vector_load %arg23[%swap3A_2915, %swap3A_2916] {strides = array<i32>} : memref<48x128xf32, #tpu.memory_space<vmem>>, vector<1x16xf32>,
    %swap3A_2918 = vector.shape_cast %swap3A_2917 : vector<1x16xf32> to vector<16xf32>
    %swap3A_2919 = vector.shape_cast %broadcast_in_dim3A_2913 : vector<16xf32> to vector<1x16xf32>
    tpu.vector_store %arg23[%swap3A_2915, %swap3A_2916], %swap3A_2919 {strides = array<i32>} : memref<48x128xf32, #tpu.memory_space<vmem>>, vector<1x16xf32>,
    %broadcast_in_dim3A_2920 = arith.constant 0.000000e+00 : f32
    %broadcast_in_dim3A_2921 = vector.broadcast %broadcast_in_dim3A_2920 : f32 to vector<16xf32>
    %swap3A_2922 = arith.constant 44 : i32
    %swap3A_2923 = arith.index_cast %swap3A_2922 : i32 to index
    %swap3A_2924 = arith.constant 32 : index
    %swap3A_2925 = tpu.vector_load %arg23[%swap3A_2923, %swap3A_2924] {strides = array<i32>} : memref<48x128xf32, #tpu.memory_space<vmem>>, vector<1x16xf32>,
    %swap3A_2926 = vector.shape_cast %swap3A_2925 : vector<1x16xf32> to vector<16xf32>
    %swap3A_2927 = vector.shape_cast %broadcast_in_dim3A_2921 : vector<16xf32> to vector<1x16xf32>
    tpu.vector_store %arg23[%swap3A_2923, %swap3A_2924], %swap3A_2927 {strides = array<i32>} : memref<48x128xf32, #tpu.memory_space<vmem>>, vector<1x16xf32>,
    %broadcast_in_dim3A_2928 = arith.constant 0.000000e+00 : f32
    %broadcast_in_dim3A_2929 = vector.broadcast %broadcast_in_dim3A_2928 : f32 to vector<16xf32>
    %swap3A_2930 = arith.constant 44 : i32
    %swap3A_2931 = arith.index_cast %swap3A_2930 : i32 to index
    %swap3A_2932 = arith.constant 48 : index
    %swap3A_2933 = tpu.vector_load %arg23[%swap3A_2931, %swap3A_2932] {strides = array<i32>} : memref<48x128xf32, #tpu.memory_space<vmem>>, vector<1x16xf32>,
    %swap3A_2934 = vector.shape_cast %swap3A_2933 : vector<1x16xf32> to vector<16xf32>
    %swap3A_2935 = vector.shape_cast %broadcast_in_dim3A_2929 : vector<16xf32> to vector<1x16xf32>
    tpu.vector_store %arg23[%swap3A_2931, %swap3A_2932], %swap3A_2935 {strides = array<i32>} : memref<48x128xf32, #tpu.memory_space<vmem>>, vector<1x16xf32>,
    %broadcast_in_dim3A_2936 = arith.constant 0.000000e+00 : f32
    %broadcast_in_dim3A_2937 = vector.broadcast %broadcast_in_dim3A_2936 : f32 to vector<16xf32>
    %swap3A_2938 = arith.constant 44 : i32
    %swap3A_2939 = arith.index_cast %swap3A_2938 : i32 to index
    %swap3A_2940 = arith.constant 64 : index
    %swap3A_2941 = tpu.vector_load %arg23[%swap3A_2939, %swap3A_2940] {strides = array<i32>} : memref<48x128xf32, #tpu.memory_space<vmem>>, vector<1x16xf32>,
    %swap3A_2942 = vector.shape_cast %swap3A_2941 : vector<1x16xf32> to vector<16xf32>
    %swap3A_2943 = vector.shape_cast %broadcast_in_dim3A_2937 : vector<16xf32> to vector<1x16xf32>
    tpu.vector_store %arg23[%swap3A_2939, %swap3A_2940], %swap3A_2943 {strides = array<i32>} : memref<48x128xf32, #tpu.memory_space<vmem>>, vector<1x16xf32>,
    %broadcast_in_dim3A_2944 = arith.constant 0.000000e+00 : f32
    %broadcast_in_dim3A_2945 = vector.broadcast %broadcast_in_dim3A_2944 : f32 to vector<16xf32>
    %swap3A_2946 = arith.constant 44 : i32
    %swap3A_2947 = arith.index_cast %swap3A_2946 : i32 to index
    %swap3A_2948 = arith.constant 80 : index
    %swap3A_2949 = tpu.vector_load %arg23[%swap3A_2947, %swap3A_2948] {strides = array<i32>} : memref<48x128xf32, #tpu.memory_space<vmem>>, vector<1x16xf32>,
    %swap3A_2950 = vector.shape_cast %swap3A_2949 : vector<1x16xf32> to vector<16xf32>
    %swap3A_2951 = vector.shape_cast %broadcast_in_dim3A_2945 : vector<16xf32> to vector<1x16xf32>
    tpu.vector_store %arg23[%swap3A_2947, %swap3A_2948], %swap3A_2951 {strides = array<i32>} : memref<48x128xf32, #tpu.memory_space<vmem>>, vector<1x16xf32>,
    %broadcast_in_dim3A_2952 = arith.constant 0.000000e+00 : f32
    %broadcast_in_dim3A_2953 = vector.broadcast %broadcast_in_dim3A_2952 : f32 to vector<16xf32>
    %swap3A_2954 = arith.constant 44 : i32
    %swap3A_2955 = arith.index_cast %swap3A_2954 : i32 to index
    %swap3A_2956 = arith.constant 96 : index
    %swap3A_2957 = tpu.vector_load %arg23[%swap3A_2955, %swap3A_2956] {strides = array<i32>} : memref<48x128xf32, #tpu.memory_space<vmem>>, vector<1x16xf32>,
    %swap3A_2958 = vector.shape_cast %swap3A_2957 : vector<1x16xf32> to vector<16xf32>
    %swap3A_2959 = vector.shape_cast %broadcast_in_dim3A_2953 : vector<16xf32> to vector<1x16xf32>
    tpu.vector_store %arg23[%swap3A_2955, %swap3A_2956], %swap3A_2959 {strides = array<i32>} : memref<48x128xf32, #tpu.memory_space<vmem>>, vector<1x16xf32>,
    %broadcast_in_dim3A_2960 = arith.constant 0.000000e+00 : f32
    %broadcast_in_dim3A_2961 = vector.broadcast %broadcast_in_dim3A_2960 : f32 to vector<16xf32>
    %swap3A_2962 = arith.constant 44 : i32
    %swap3A_2963 = arith.index_cast %swap3A_2962 : i32 to index
    %swap3A_2964 = arith.constant 112 : index
    %swap3A_2965 = tpu.vector_load %arg23[%swap3A_2963, %swap3A_2964] {strides = array<i32>} : memref<48x128xf32, #tpu.memory_space<vmem>>, vector<1x16xf32>,
    %swap3A_2966 = vector.shape_cast %swap3A_2965 : vector<1x16xf32> to vector<16xf32>
    %swap3A_2967 = vector.shape_cast %broadcast_in_dim3A_2961 : vector<16xf32> to vector<1x16xf32>
    tpu.vector_store %arg23[%swap3A_2963, %swap3A_2964], %swap3A_2967 {strides = array<i32>} : memref<48x128xf32, #tpu.memory_space<vmem>>, vector<1x16xf32>,
    %broadcast_in_dim3A_2968 = arith.constant 0.000000e+00 : f32
    %broadcast_in_dim3A_2969 = vector.broadcast %broadcast_in_dim3A_2968 : f32 to vector<16xf32>
    %swap3A_2970 = arith.constant 45 : i32
    %swap3A_2971 = arith.index_cast %swap3A_2970 : i32 to index
    %swap3A_2972 = arith.constant 0 : index
    %swap3A_2973 = tpu.vector_load %arg23[%swap3A_2971, %swap3A_2972] {strides = array<i32>} : memref<48x128xf32, #tpu.memory_space<vmem>>, vector<1x16xf32>,
    %swap3A_2974 = vector.shape_cast %swap3A_2973 : vector<1x16xf32> to vector<16xf32>
    %swap3A_2975 = vector.shape_cast %broadcast_in_dim3A_2969 : vector<16xf32> to vector<1x16xf32>
    tpu.vector_store %arg23[%swap3A_2971, %swap3A_2972], %swap3A_2975 {strides = array<i32>} : memref<48x128xf32, #tpu.memory_space<vmem>>, vector<1x16xf32>,
    %broadcast_in_dim3A_2976 = arith.constant 0.000000e+00 : f32
    %broadcast_in_dim3A_2977 = vector.broadcast %broadcast_in_dim3A_2976 : f32 to vector<16xf32>
    %swap3A_2978 = arith.constant 45 : i32
    %swap3A_2979 = arith.index_cast %swap3A_2978 : i32 to index
    %swap3A_2980 = arith.constant 16 : index
    %swap3A_2981 = tpu.vector_load %arg23[%swap3A_2979, %swap3A_2980] {strides = array<i32>} : memref<48x128xf32, #tpu.memory_space<vmem>>, vector<1x16xf32>,
    %swap3A_2982 = vector.shape_cast %swap3A_2981 : vector<1x16xf32> to vector<16xf32>
    %swap3A_2983 = vector.shape_cast %broadcast_in_dim3A_2977 : vector<16xf32> to vector<1x16xf32>
    tpu.vector_store %arg23[%swap3A_2979, %swap3A_2980], %swap3A_2983 {strides = array<i32>} : memref<48x128xf32, #tpu.memory_space<vmem>>, vector<1x16xf32>,
    %broadcast_in_dim3A_2984 = arith.constant 0.000000e+00 : f32
    %broadcast_in_dim3A_2985 = vector.broadcast %broadcast_in_dim3A_2984 : f32 to vector<16xf32>
    %swap3A_2986 = arith.constant 45 : i32
    %swap3A_2987 = arith.index_cast %swap3A_2986 : i32 to index
    %swap3A_2988 = arith.constant 32 : index
    %swap3A_2989 = tpu.vector_load %arg23[%swap3A_2987, %swap3A_2988] {strides = array<i32>} : memref<48x128xf32, #tpu.memory_space<vmem>>, vector<1x16xf32>,
    %swap3A_2990 = vector.shape_cast %swap3A_2989 : vector<1x16xf32> to vector<16xf32>
    %swap3A_2991 = vector.shape_cast %broadcast_in_dim3A_2985 : vector<16xf32> to vector<1x16xf32>
    tpu.vector_store %arg23[%swap3A_2987, %swap3A_2988], %swap3A_2991 {strides = array<i32>} : memref<48x128xf32, #tpu.memory_space<vmem>>, vector<1x16xf32>,
    %broadcast_in_dim3A_2992 = arith.constant 0.000000e+00 : f32
    %broadcast_in_dim3A_2993 = vector.broadcast %broadcast_in_dim3A_2992 : f32 to vector<16xf32>
    %swap3A_2994 = arith.constant 45 : i32
    %swap3A_2995 = arith.index_cast %swap3A_2994 : i32 to index
    %swap3A_2996 = arith.constant 48 : index
    %swap3A_2997 = tpu.vector_load %arg23[%swap3A_2995, %swap3A_2996] {strides = array<i32>} : memref<48x128xf32, #tpu.memory_space<vmem>>, vector<1x16xf32>,
    %swap3A_2998 = vector.shape_cast %swap3A_2997 : vector<1x16xf32> to vector<16xf32>
    %swap3A_2999 = vector.shape_cast %broadcast_in_dim3A_2993 : vector<16xf32> to vector<1x16xf32>
    tpu.vector_store %arg23[%swap3A_2995, %swap3A_2996], %swap3A_2999 {strides = array<i32>} : memref<48x128xf32, #tpu.memory_space<vmem>>, vector<1x16xf32>,
    %broadcast_in_dim3A_3000 = arith.constant 0.000000e+00 : f32
    %broadcast_in_dim3A_3001 = vector.broadcast %broadcast_in_dim3A_3000 : f32 to vector<16xf32>
    %swap3A_3002 = arith.constant 45 : i32
    %swap3A_3003 = arith.index_cast %swap3A_3002 : i32 to index
    %swap3A_3004 = arith.constant 64 : index
    %swap3A_3005 = tpu.vector_load %arg23[%swap3A_3003, %swap3A_3004] {strides = array<i32>} : memref<48x128xf32, #tpu.memory_space<vmem>>, vector<1x16xf32>,
    %swap3A_3006 = vector.shape_cast %swap3A_3005 : vector<1x16xf32> to vector<16xf32>
    %swap3A_3007 = vector.shape_cast %broadcast_in_dim3A_3001 : vector<16xf32> to vector<1x16xf32>
    tpu.vector_store %arg23[%swap3A_3003, %swap3A_3004], %swap3A_3007 {strides = array<i32>} : memref<48x128xf32, #tpu.memory_space<vmem>>, vector<1x16xf32>,
    %broadcast_in_dim3A_3008 = arith.constant 0.000000e+00 : f32
    %broadcast_in_dim3A_3009 = vector.broadcast %broadcast_in_dim3A_3008 : f32 to vector<16xf32>
    %swap3A_3010 = arith.constant 45 : i32
    %swap3A_3011 = arith.index_cast %swap3A_3010 : i32 to index
    %swap3A_3012 = arith.constant 80 : index
    %swap3A_3013 = tpu.vector_load %arg23[%swap3A_3011, %swap3A_3012] {strides = array<i32>} : memref<48x128xf32, #tpu.memory_space<vmem>>, vector<1x16xf32>,
    %swap3A_3014 = vector.shape_cast %swap3A_3013 : vector<1x16xf32> to vector<16xf32>
    %swap3A_3015 = vector.shape_cast %broadcast_in_dim3A_3009 : vector<16xf32> to vector<1x16xf32>
    tpu.vector_store %arg23[%swap3A_3011, %swap3A_3012], %swap3A_3015 {strides = array<i32>} : memref<48x128xf32, #tpu.memory_space<vmem>>, vector<1x16xf32>,
    %broadcast_in_dim3A_3016 = arith.constant 0.000000e+00 : f32
    %broadcast_in_dim3A_3017 = vector.broadcast %broadcast_in_dim3A_3016 : f32 to vector<16xf32>
    %swap3A_3018 = arith.constant 45 : i32
    %swap3A_3019 = arith.index_cast %swap3A_3018 : i32 to index
    %swap3A_3020 = arith.constant 96 : index
    %swap3A_3021 = tpu.vector_load %arg23[%swap3A_3019, %swap3A_3020] {strides = array<i32>} : memref<48x128xf32, #tpu.memory_space<vmem>>, vector<1x16xf32>,
    %swap3A_3022 = vector.shape_cast %swap3A_3021 : vector<1x16xf32> to vector<16xf32>
    %swap3A_3023 = vector.shape_cast %broadcast_in_dim3A_3017 : vector<16xf32> to vector<1x16xf32>
    tpu.vector_store %arg23[%swap3A_3019, %swap3A_3020], %swap3A_3023 {strides = array<i32>} : memref<48x128xf32, #tpu.memory_space<vmem>>, vector<1x16xf32>,
    %broadcast_in_dim3A_3024 = arith.constant 0.000000e+00 : f32
    %broadcast_in_dim3A_3025 = vector.broadcast %broadcast_in_dim3A_3024 : f32 to vector<16xf32>
    %swap3A_3026 = arith.constant 45 : i32
    %swap3A_3027 = arith.index_cast %swap3A_3026 : i32 to index
    %swap3A_3028 = arith.constant 112 : index
    %swap3A_3029 = tpu.vector_load %arg23[%swap3A_3027, %swap3A_3028] {strides = array<i32>} : memref<48x128xf32, #tpu.memory_space<vmem>>, vector<1x16xf32>,
    %swap3A_3030 = vector.shape_cast %swap3A_3029 : vector<1x16xf32> to vector<16xf32>
    %swap3A_3031 = vector.shape_cast %broadcast_in_dim3A_3025 : vector<16xf32> to vector<1x16xf32>
    tpu.vector_store %arg23[%swap3A_3027, %swap3A_3028], %swap3A_3031 {strides = array<i32>} : memref<48x128xf32, #tpu.memory_space<vmem>>, vector<1x16xf32>,
    %broadcast_in_dim3A_3032 = arith.constant 0.000000e+00 : f32
    %broadcast_in_dim3A_3033 = vector.broadcast %broadcast_in_dim3A_3032 : f32 to vector<16xf32>
    %swap3A_3034 = arith.constant 46 : i32
    %swap3A_3035 = arith.index_cast %swap3A_3034 : i32 to index
    %swap3A_3036 = arith.constant 0 : index
    %swap3A_3037 = tpu.vector_load %arg23[%swap3A_3035, %swap3A_3036] {strides = array<i32>} : memref<48x128xf32, #tpu.memory_space<vmem>>, vector<1x16xf32>,
    %swap3A_3038 = vector.shape_cast %swap3A_3037 : vector<1x16xf32> to vector<16xf32>
    %swap3A_3039 = vector.shape_cast %broadcast_in_dim3A_3033 : vector<16xf32> to vector<1x16xf32>
    tpu.vector_store %arg23[%swap3A_3035, %swap3A_3036], %swap3A_3039 {strides = array<i32>} : memref<48x128xf32, #tpu.memory_space<vmem>>, vector<1x16xf32>,
    %broadcast_in_dim3A_3040 = arith.constant 0.000000e+00 : f32
    %broadcast_in_dim3A_3041 = vector.broadcast %broadcast_in_dim3A_3040 : f32 to vector<16xf32>
    %swap3A_3042 = arith.constant 46 : i32
    %swap3A_3043 = arith.index_cast %swap3A_3042 : i32 to index
    %swap3A_3044 = arith.constant 16 : index
    %swap3A_3045 = tpu.vector_load %arg23[%swap3A_3043, %swap3A_3044] {strides = array<i32>} : memref<48x128xf32, #tpu.memory_space<vmem>>, vector<1x16xf32>,
    %swap3A_3046 = vector.shape_cast %swap3A_3045 : vector<1x16xf32> to vector<16xf32>
    %swap3A_3047 = vector.shape_cast %broadcast_in_dim3A_3041 : vector<16xf32> to vector<1x16xf32>
    tpu.vector_store %arg23[%swap3A_3043, %swap3A_3044], %swap3A_3047 {strides = array<i32>} : memref<48x128xf32, #tpu.memory_space<vmem>>, vector<1x16xf32>,
    %broadcast_in_dim3A_3048 = arith.constant 0.000000e+00 : f32
    %broadcast_in_dim3A_3049 = vector.broadcast %broadcast_in_dim3A_3048 : f32 to vector<16xf32>
    %swap3A_3050 = arith.constant 46 : i32
    %swap3A_3051 = arith.index_cast %swap3A_3050 : i32 to index
    %swap3A_3052 = arith.constant 32 : index
    %swap3A_3053 = tpu.vector_load %arg23[%swap3A_3051, %swap3A_3052] {strides = array<i32>} : memref<48x128xf32, #tpu.memory_space<vmem>>, vector<1x16xf32>,
    %swap3A_3054 = vector.shape_cast %swap3A_3053 : vector<1x16xf32> to vector<16xf32>
    %swap3A_3055 = vector.shape_cast %broadcast_in_dim3A_3049 : vector<16xf32> to vector<1x16xf32>
    tpu.vector_store %arg23[%swap3A_3051, %swap3A_3052], %swap3A_3055 {strides = array<i32>} : memref<48x128xf32, #tpu.memory_space<vmem>>, vector<1x16xf32>,
    %broadcast_in_dim3A_3056 = arith.constant 0.000000e+00 : f32
    %broadcast_in_dim3A_3057 = vector.broadcast %broadcast_in_dim3A_3056 : f32 to vector<16xf32>
    %swap3A_3058 = arith.constant 46 : i32
    %swap3A_3059 = arith.index_cast %swap3A_3058 : i32 to index
    %swap3A_3060 = arith.constant 48 : index
    %swap3A_3061 = tpu.vector_load %arg23[%swap3A_3059, %swap3A_3060] {strides = array<i32>} : memref<48x128xf32, #tpu.memory_space<vmem>>, vector<1x16xf32>,
    %swap3A_3062 = vector.shape_cast %swap3A_3061 : vector<1x16xf32> to vector<16xf32>
    %swap3A_3063 = vector.shape_cast %broadcast_in_dim3A_3057 : vector<16xf32> to vector<1x16xf32>
    tpu.vector_store %arg23[%swap3A_3059, %swap3A_3060], %swap3A_3063 {strides = array<i32>} : memref<48x128xf32, #tpu.memory_space<vmem>>, vector<1x16xf32>,
    %broadcast_in_dim3A_3064 = arith.constant 0.000000e+00 : f32
    %broadcast_in_dim3A_3065 = vector.broadcast %broadcast_in_dim3A_3064 : f32 to vector<16xf32>
    %swap3A_3066 = arith.constant 46 : i32
    %swap3A_3067 = arith.index_cast %swap3A_3066 : i32 to index
    %swap3A_3068 = arith.constant 64 : index
    %swap3A_3069 = tpu.vector_load %arg23[%swap3A_3067, %swap3A_3068] {strides = array<i32>} : memref<48x128xf32, #tpu.memory_space<vmem>>, vector<1x16xf32>,
    %swap3A_3070 = vector.shape_cast %swap3A_3069 : vector<1x16xf32> to vector<16xf32>
    %swap3A_3071 = vector.shape_cast %broadcast_in_dim3A_3065 : vector<16xf32> to vector<1x16xf32>
    tpu.vector_store %arg23[%swap3A_3067, %swap3A_3068], %swap3A_3071 {strides = array<i32>} : memref<48x128xf32, #tpu.memory_space<vmem>>, vector<1x16xf32>,
    %broadcast_in_dim3A_3072 = arith.constant 0.000000e+00 : f32
    %broadcast_in_dim3A_3073 = vector.broadcast %broadcast_in_dim3A_3072 : f32 to vector<16xf32>
    %swap3A_3074 = arith.constant 46 : i32
    %swap3A_3075 = arith.index_cast %swap3A_3074 : i32 to index
    %swap3A_3076 = arith.constant 80 : index
    %swap3A_3077 = tpu.vector_load %arg23[%swap3A_3075, %swap3A_3076] {strides = array<i32>} : memref<48x128xf32, #tpu.memory_space<vmem>>, vector<1x16xf32>,
    %swap3A_3078 = vector.shape_cast %swap3A_3077 : vector<1x16xf32> to vector<16xf32>
    %swap3A_3079 = vector.shape_cast %broadcast_in_dim3A_3073 : vector<16xf32> to vector<1x16xf32>
    tpu.vector_store %arg23[%swap3A_3075, %swap3A_3076], %swap3A_3079 {strides = array<i32>} : memref<48x128xf32, #tpu.memory_space<vmem>>, vector<1x16xf32>,
    %broadcast_in_dim3A_3080 = arith.constant 0.000000e+00 : f32
    %broadcast_in_dim3A_3081 = vector.broadcast %broadcast_in_dim3A_3080 : f32 to vector<16xf32>
    %swap3A_3082 = arith.constant 46 : i32
    %swap3A_3083 = arith.index_cast %swap3A_3082 : i32 to index
    %swap3A_3084 = arith.constant 96 : index
    %swap3A_3085 = tpu.vector_load %arg23[%swap3A_3083, %swap3A_3084] {strides = array<i32>} : memref<48x128xf32, #tpu.memory_space<vmem>>, vector<1x16xf32>,
    %swap3A_3086 = vector.shape_cast %swap3A_3085 : vector<1x16xf32> to vector<16xf32>
    %swap3A_3087 = vector.shape_cast %broadcast_in_dim3A_3081 : vector<16xf32> to vector<1x16xf32>
    tpu.vector_store %arg23[%swap3A_3083, %swap3A_3084], %swap3A_3087 {strides = array<i32>} : memref<48x128xf32, #tpu.memory_space<vmem>>, vector<1x16xf32>,
    %broadcast_in_dim3A_3088 = arith.constant 0.000000e+00 : f32
    %broadcast_in_dim3A_3089 = vector.broadcast %broadcast_in_dim3A_3088 : f32 to vector<16xf32>
    %swap3A_3090 = arith.constant 46 : i32
    %swap3A_3091 = arith.index_cast %swap3A_3090 : i32 to index
    %swap3A_3092 = arith.constant 112 : index
    %swap3A_3093 = tpu.vector_load %arg23[%swap3A_3091, %swap3A_3092] {strides = array<i32>} : memref<48x128xf32, #tpu.memory_space<vmem>>, vector<1x16xf32>,
    %swap3A_3094 = vector.shape_cast %swap3A_3093 : vector<1x16xf32> to vector<16xf32>
    %swap3A_3095 = vector.shape_cast %broadcast_in_dim3A_3089 : vector<16xf32> to vector<1x16xf32>
    tpu.vector_store %arg23[%swap3A_3091, %swap3A_3092], %swap3A_3095 {strides = array<i32>} : memref<48x128xf32, #tpu.memory_space<vmem>>, vector<1x16xf32>,
    %broadcast_in_dim3A_3096 = arith.constant 0.000000e+00 : f32
    %broadcast_in_dim3A_3097 = vector.broadcast %broadcast_in_dim3A_3096 : f32 to vector<16xf32>
    %swap3A_3098 = arith.constant 47 : i32
    %swap3A_3099 = arith.index_cast %swap3A_3098 : i32 to index
    %swap3A_3100 = arith.constant 0 : index
    %swap3A_3101 = tpu.vector_load %arg23[%swap3A_3099, %swap3A_3100] {strides = array<i32>} : memref<48x128xf32, #tpu.memory_space<vmem>>, vector<1x16xf32>,
    %swap3A_3102 = vector.shape_cast %swap3A_3101 : vector<1x16xf32> to vector<16xf32>
    %swap3A_3103 = vector.shape_cast %broadcast_in_dim3A_3097 : vector<16xf32> to vector<1x16xf32>
    tpu.vector_store %arg23[%swap3A_3099, %swap3A_3100], %swap3A_3103 {strides = array<i32>} : memref<48x128xf32, #tpu.memory_space<vmem>>, vector<1x16xf32>,
    %broadcast_in_dim3A_3104 = arith.constant 0.000000e+00 : f32
    %broadcast_in_dim3A_3105 = vector.broadcast %broadcast_in_dim3A_3104 : f32 to vector<16xf32>
    %swap3A_3106 = arith.constant 47 : i32
    %swap3A_3107 = arith.index_cast %swap3A_3106 : i32 to index
    %swap3A_3108 = arith.constant 16 : index
    %swap3A_3109 = tpu.vector_load %arg23[%swap3A_3107, %swap3A_3108] {strides = array<i32>} : memref<48x128xf32, #tpu.memory_space<vmem>>, vector<1x16xf32>,
    %swap3A_3110 = vector.shape_cast %swap3A_3109 : vector<1x16xf32> to vector<16xf32>
    %swap3A_3111 = vector.shape_cast %broadcast_in_dim3A_3105 : vector<16xf32> to vector<1x16xf32>
    tpu.vector_store %arg23[%swap3A_3107, %swap3A_3108], %swap3A_3111 {strides = array<i32>} : memref<48x128xf32, #tpu.memory_space<vmem>>, vector<1x16xf32>,
    %broadcast_in_dim3A_3112 = arith.constant 0.000000e+00 : f32
    %broadcast_in_dim3A_3113 = vector.broadcast %broadcast_in_dim3A_3112 : f32 to vector<16xf32>
    %swap3A_3114 = arith.constant 47 : i32
    %swap3A_3115 = arith.index_cast %swap3A_3114 : i32 to index
    %swap3A_3116 = arith.constant 32 : index
    %swap3A_3117 = tpu.vector_load %arg23[%swap3A_3115, %swap3A_3116] {strides = array<i32>} : memref<48x128xf32, #tpu.memory_space<vmem>>, vector<1x16xf32>,
    %swap3A_3118 = vector.shape_cast %swap3A_3117 : vector<1x16xf32> to vector<16xf32>
    %swap3A_3119 = vector.shape_cast %broadcast_in_dim3A_3113 : vector<16xf32> to vector<1x16xf32>
    tpu.vector_store %arg23[%swap3A_3115, %swap3A_3116], %swap3A_3119 {strides = array<i32>} : memref<48x128xf32, #tpu.memory_space<vmem>>, vector<1x16xf32>,
    %broadcast_in_dim3A_3120 = arith.constant 0.000000e+00 : f32
    %broadcast_in_dim3A_3121 = vector.broadcast %broadcast_in_dim3A_3120 : f32 to vector<16xf32>
    %swap3A_3122 = arith.constant 47 : i32
    %swap3A_3123 = arith.index_cast %swap3A_3122 : i32 to index
    %swap3A_3124 = arith.constant 48 : index
    %swap3A_3125 = tpu.vector_load %arg23[%swap3A_3123, %swap3A_3124] {strides = array<i32>} : memref<48x128xf32, #tpu.memory_space<vmem>>, vector<1x16xf32>,
    %swap3A_3126 = vector.shape_cast %swap3A_3125 : vector<1x16xf32> to vector<16xf32>
    %swap3A_3127 = vector.shape_cast %broadcast_in_dim3A_3121 : vector<16xf32> to vector<1x16xf32>
    tpu.vector_store %arg23[%swap3A_3123, %swap3A_3124], %swap3A_3127 {strides = array<i32>} : memref<48x128xf32, #tpu.memory_space<vmem>>, vector<1x16xf32>,
    %broadcast_in_dim3A_3128 = arith.constant 0.000000e+00 : f32
    %broadcast_in_dim3A_3129 = vector.broadcast %broadcast_in_dim3A_3128 : f32 to vector<16xf32>
    %swap3A_3130 = arith.constant 47 : i32
    %swap3A_3131 = arith.index_cast %swap3A_3130 : i32 to index
    %swap3A_3132 = arith.constant 64 : index
    %swap3A_3133 = tpu.vector_load %arg23[%swap3A_3131, %swap3A_3132] {strides = array<i32>} : memref<48x128xf32, #tpu.memory_space<vmem>>, vector<1x16xf32>,
    %swap3A_3134 = vector.shape_cast %swap3A_3133 : vector<1x16xf32> to vector<16xf32>
    %swap3A_3135 = vector.shape_cast %broadcast_in_dim3A_3129 : vector<16xf32> to vector<1x16xf32>
    tpu.vector_store %arg23[%swap3A_3131, %swap3A_3132], %swap3A_3135 {strides = array<i32>} : memref<48x128xf32, #tpu.memory_space<vmem>>, vector<1x16xf32>,
    %broadcast_in_dim3A_3136 = arith.constant 0.000000e+00 : f32
    %broadcast_in_dim3A_3137 = vector.broadcast %broadcast_in_dim3A_3136 : f32 to vector<16xf32>
    %swap3A_3138 = arith.constant 47 : i32
    %swap3A_3139 = arith.index_cast %swap3A_3138 : i32 to index
    %swap3A_3140 = arith.constant 80 : index
    %swap3A_3141 = tpu.vector_load %arg23[%swap3A_3139, %swap3A_3140] {strides = array<i32>} : memref<48x128xf32, #tpu.memory_space<vmem>>, vector<1x16xf32>,
    %swap3A_3142 = vector.shape_cast %swap3A_3141 : vector<1x16xf32> to vector<16xf32>
    %swap3A_3143 = vector.shape_cast %broadcast_in_dim3A_3137 : vector<16xf32> to vector<1x16xf32>
    tpu.vector_store %arg23[%swap3A_3139, %swap3A_3140], %swap3A_3143 {strides = array<i32>} : memref<48x128xf32, #tpu.memory_space<vmem>>, vector<1x16xf32>,
    %broadcast_in_dim3A_3144 = arith.constant 0.000000e+00 : f32
    %broadcast_in_dim3A_3145 = vector.broadcast %broadcast_in_dim3A_3144 : f32 to vector<16xf32>
    %swap3A_3146 = arith.constant 47 : i32
    %swap3A_3147 = arith.index_cast %swap3A_3146 : i32 to index
    %swap3A_3148 = arith.constant 96 : index
    %swap3A_3149 = tpu.vector_load %arg23[%swap3A_3147, %swap3A_3148] {strides = array<i32>} : memref<48x128xf32, #tpu.memory_space<vmem>>, vector<1x16xf32>,
    %swap3A_3150 = vector.shape_cast %swap3A_3149 : vector<1x16xf32> to vector<16xf32>
    %swap3A_3151 = vector.shape_cast %broadcast_in_dim3A_3145 : vector<16xf32> to vector<1x16xf32>
    tpu.vector_store %arg23[%swap3A_3147, %swap3A_3148], %swap3A_3151 {strides = array<i32>} : memref<48x128xf32, #tpu.memory_space<vmem>>, vector<1x16xf32>,
    %broadcast_in_dim3A_3152 = arith.constant 0.000000e+00 : f32
    %broadcast_in_dim3A_3153 = vector.broadcast %broadcast_in_dim3A_3152 : f32 to vector<16xf32>
    %swap3A_3154 = arith.constant 47 : i32
    %swap3A_3155 = arith.index_cast %swap3A_3154 : i32 to index
    %swap3A_3156 = arith.constant 112 : index
    %swap3A_3157 = tpu.vector_load %arg23[%swap3A_3155, %swap3A_3156] {strides = array<i32>} : memref<48x128xf32, #tpu.memory_space<vmem>>, vector<1x16xf32>,
    %swap3A_3158 = vector.shape_cast %swap3A_3157 : vector<1x16xf32> to vector<16xf32>
    %swap3A_3159 = vector.shape_cast %broadcast_in_dim3A_3153 : vector<16xf32> to vector<1x16xf32>
    tpu.vector_store %arg23[%swap3A_3155, %swap3A_3156], %swap3A_3159 {strides = array<i32>} : memref<48x128xf32, #tpu.memory_space<vmem>>, vector<1x16xf32>,
    %mul3A_3160 = arith.constant 624 : i32
    %mul3A_3161 = arith.muli %arg1, %mul3A_3160 : i32
    %add3A_3162 = arith.constant 0 : i32
    %add3A_3163 = arith.addi %mul3A_3161, %add3A_3162 : i32
    %dma_start3A_3164 = arith.constant 0 : i32
    %dma_start3A_3165 = tpu.memref_slice %arg5[%add3A_3163, %dma_start3A_3164] : memref<10000x128xf32, #tpu.memory_space<vmem_shared>> -> memref<48x128xf32, #tpu.memory_space<vmem_shared>>
    %dma_start3A_3166 = arith.constant 0 : i32
    %dma_start3A_3167 = tpu.memref_slice %arg5[%add3A_3163, %dma_start3A_3166] : memref<10000x128xf32, #tpu.memory_space<vmem_shared>> -> memref<48x128xf32, #tpu.memory_space<vmem_shared>>
    tpu.enqueue_dma source(%arg23 : memref<48x128xf32, #tpu.memory_space<vmem>>) target(%dma_start3A_3167 : memref<48x128xf32, #tpu.memory_space<vmem_shared>>) target_semaphore(%arg20 : memref<!tpu.dma_semaphore, #tpu.memory_space<semaphore_mem>>)
    %add3A_3168 = arith.constant 48 : i32
    %add3A_3169 = arith.addi %mul3A_3161, %add3A_3168 : i32
    %dma_start3A_3170 = arith.constant 0 : i32
    %dma_start3A_3171 = tpu.memref_slice %arg5[%add3A_3169, %dma_start3A_3170] : memref<10000x128xf32, #tpu.memory_space<vmem_shared>> -> memref<48x128xf32, #tpu.memory_space<vmem_shared>>
    %dma_start3A_3172 = arith.constant 0 : i32
    %dma_start3A_3173 = tpu.memref_slice %arg5[%add3A_3169, %dma_start3A_3172] : memref<10000x128xf32, #tpu.memory_space<vmem_shared>> -> memref<48x128xf32, #tpu.memory_space<vmem_shared>>
    tpu.enqueue_dma source(%arg23 : memref<48x128xf32, #tpu.memory_space<vmem>>) target(%dma_start3A_3173 : memref<48x128xf32, #tpu.memory_space<vmem_shared>>) target_semaphore(%arg20 : memref<!tpu.dma_semaphore, #tpu.memory_space<semaphore_mem>>)
    %add3A_3174 = arith.constant 96 : i32
    %add3A_3175 = arith.addi %mul3A_3161, %add3A_3174 : i32
    %dma_start3A_3176 = arith.constant 0 : i32
    %dma_start3A_3177 = tpu.memref_slice %arg5[%add3A_3175, %dma_start3A_3176] : memref<10000x128xf32, #tpu.memory_space<vmem_shared>> -> memref<48x128xf32, #tpu.memory_space<vmem_shared>>
    %dma_start3A_3178 = arith.constant 0 : i32
    %dma_start3A_3179 = tpu.memref_slice %arg5[%add3A_3175, %dma_start3A_3178] : memref<10000x128xf32, #tpu.memory_space<vmem_shared>> -> memref<48x128xf32, #tpu.memory_space<vmem_shared>>
    tpu.enqueue_dma source(%arg23 : memref<48x128xf32, #tpu.memory_space<vmem>>) target(%dma_start3A_3179 : memref<48x128xf32, #tpu.memory_space<vmem_shared>>) target_semaphore(%arg20 : memref<!tpu.dma_semaphore, #tpu.memory_space<semaphore_mem>>)
    %add3A_3180 = arith.constant 144 : i32
    %add3A_3181 = arith.addi %mul3A_3161, %add3A_3180 : i32
    %dma_start3A_3182 = arith.constant 0 : i32
    %dma_start3A_3183 = tpu.memref_slice %arg5[%add3A_3181, %dma_start3A_3182] : memref<10000x128xf32, #tpu.memory_space<vmem_shared>> -> memref<48x128xf32, #tpu.memory_space<vmem_shared>>
    %dma_start3A_3184 = arith.constant 0 : i32
    %dma_start3A_3185 = tpu.memref_slice %arg5[%add3A_3181, %dma_start3A_3184] : memref<10000x128xf32, #tpu.memory_space<vmem_shared>> -> memref<48x128xf32, #tpu.memory_space<vmem_shared>>
    tpu.enqueue_dma source(%arg23 : memref<48x128xf32, #tpu.memory_space<vmem>>) target(%dma_start3A_3185 : memref<48x128xf32, #tpu.memory_space<vmem_shared>>) target_semaphore(%arg20 : memref<!tpu.dma_semaphore, #tpu.memory_space<semaphore_mem>>)
    %add3A_3186 = arith.constant 192 : i32
    %add3A_3187 = arith.addi %mul3A_3161, %add3A_3186 : i32
    %dma_start3A_3188 = arith.constant 0 : i32
    %dma_start3A_3189 = tpu.memref_slice %arg5[%add3A_3187, %dma_start3A_3188] : memref<10000x128xf32, #tpu.memory_space<vmem_shared>> -> memref<48x128xf32, #tpu.memory_space<vmem_shared>>
    %dma_start3A_3190 = arith.constant 0 : i32
    %dma_start3A_3191 = tpu.memref_slice %arg5[%add3A_3187, %dma_start3A_3190] : memref<10000x128xf32, #tpu.memory_space<vmem_shared>> -> memref<48x128xf32, #tpu.memory_space<vmem_shared>>
    tpu.enqueue_dma source(%arg23 : memref<48x128xf32, #tpu.memory_space<vmem>>) target(%dma_start3A_3191 : memref<48x128xf32, #tpu.memory_space<vmem_shared>>) target_semaphore(%arg20 : memref<!tpu.dma_semaphore, #tpu.memory_space<semaphore_mem>>)
    %add3A_3192 = arith.constant 240 : i32
    %add3A_3193 = arith.addi %mul3A_3161, %add3A_3192 : i32
    %dma_start3A_3194 = arith.constant 0 : i32
    %dma_start3A_3195 = tpu.memref_slice %arg5[%add3A_3193, %dma_start3A_3194] : memref<10000x128xf32, #tpu.memory_space<vmem_shared>> -> memref<48x128xf32, #tpu.memory_space<vmem_shared>>
    %dma_start3A_3196 = arith.constant 0 : i32
    %dma_start3A_3197 = tpu.memref_slice %arg5[%add3A_3193, %dma_start3A_3196] : memref<10000x128xf32, #tpu.memory_space<vmem_shared>> -> memref<48x128xf32, #tpu.memory_space<vmem_shared>>
    tpu.enqueue_dma source(%arg23 : memref<48x128xf32, #tpu.memory_space<vmem>>) target(%dma_start3A_3197 : memref<48x128xf32, #tpu.memory_space<vmem_shared>>) target_semaphore(%arg20 : memref<!tpu.dma_semaphore, #tpu.memory_space<semaphore_mem>>)
    %add3A_3198 = arith.constant 288 : i32
    %add3A_3199 = arith.addi %mul3A_3161, %add3A_3198 : i32
    %dma_start3A_3200 = arith.constant 0 : i32
    %dma_start3A_3201 = tpu.memref_slice %arg5[%add3A_3199, %dma_start3A_3200] : memref<10000x128xf32, #tpu.memory_space<vmem_shared>> -> memref<48x128xf32, #tpu.memory_space<vmem_shared>>
    %dma_start3A_3202 = arith.constant 0 : i32
    %dma_start3A_3203 = tpu.memref_slice %arg5[%add3A_3199, %dma_start3A_3202] : memref<10000x128xf32, #tpu.memory_space<vmem_shared>> -> memref<48x128xf32, #tpu.memory_space<vmem_shared>>
    tpu.enqueue_dma source(%arg23 : memref<48x128xf32, #tpu.memory_space<vmem>>) target(%dma_start3A_3203 : memref<48x128xf32, #tpu.memory_space<vmem_shared>>) target_semaphore(%arg20 : memref<!tpu.dma_semaphore, #tpu.memory_space<semaphore_mem>>)
    %add3A_3204 = arith.constant 336 : i32
    %add3A_3205 = arith.addi %mul3A_3161, %add3A_3204 : i32
    %dma_start3A_3206 = arith.constant 0 : i32
    %dma_start3A_3207 = tpu.memref_slice %arg5[%add3A_3205, %dma_start3A_3206] : memref<10000x128xf32, #tpu.memory_space<vmem_shared>> -> memref<48x128xf32, #tpu.memory_space<vmem_shared>>
    %dma_start3A_3208 = arith.constant 0 : i32
    %dma_start3A_3209 = tpu.memref_slice %arg5[%add3A_3205, %dma_start3A_3208] : memref<10000x128xf32, #tpu.memory_space<vmem_shared>> -> memref<48x128xf32, #tpu.memory_space<vmem_shared>>
    tpu.enqueue_dma source(%arg23 : memref<48x128xf32, #tpu.memory_space<vmem>>) target(%dma_start3A_3209 : memref<48x128xf32, #tpu.memory_space<vmem_shared>>) target_semaphore(%arg20 : memref<!tpu.dma_semaphore, #tpu.memory_space<semaphore_mem>>)
    %add3A_3210 = arith.constant 384 : i32
    %add3A_3211 = arith.addi %mul3A_3161, %add3A_3210 : i32
    %dma_start3A_3212 = arith.constant 0 : i32
    %dma_start3A_3213 = tpu.memref_slice %arg5[%add3A_3211, %dma_start3A_3212] : memref<10000x128xf32, #tpu.memory_space<vmem_shared>> -> memref<48x128xf32, #tpu.memory_space<vmem_shared>>
    %dma_start3A_3214 = arith.constant 0 : i32
    %dma_start3A_3215 = tpu.memref_slice %arg5[%add3A_3211, %dma_start3A_3214] : memref<10000x128xf32, #tpu.memory_space<vmem_shared>> -> memref<48x128xf32, #tpu.memory_space<vmem_shared>>
    tpu.enqueue_dma source(%arg23 : memref<48x128xf32, #tpu.memory_space<vmem>>) target(%dma_start3A_3215 : memref<48x128xf32, #tpu.memory_space<vmem_shared>>) target_semaphore(%arg20 : memref<!tpu.dma_semaphore, #tpu.memory_space<semaphore_mem>>)
    %add3A_3216 = arith.constant 432 : i32
    %add3A_3217 = arith.addi %mul3A_3161, %add3A_3216 : i32
    %dma_start3A_3218 = arith.constant 0 : i32
    %dma_start3A_3219 = tpu.memref_slice %arg5[%add3A_3217, %dma_start3A_3218] : memref<10000x128xf32, #tpu.memory_space<vmem_shared>> -> memref<48x128xf32, #tpu.memory_space<vmem_shared>>
    %dma_start3A_3220 = arith.constant 0 : i32
    %dma_start3A_3221 = tpu.memref_slice %arg5[%add3A_3217, %dma_start3A_3220] : memref<10000x128xf32, #tpu.memory_space<vmem_shared>> -> memref<48x128xf32, #tpu.memory_space<vmem_shared>>
    tpu.enqueue_dma source(%arg23 : memref<48x128xf32, #tpu.memory_space<vmem>>) target(%dma_start3A_3221 : memref<48x128xf32, #tpu.memory_space<vmem_shared>>) target_semaphore(%arg20 : memref<!tpu.dma_semaphore, #tpu.memory_space<semaphore_mem>>)
    %add3A_3222 = arith.constant 480 : i32
    %add3A_3223 = arith.addi %mul3A_3161, %add3A_3222 : i32
    %dma_start3A_3224 = arith.constant 0 : i32
    %dma_start3A_3225 = tpu.memref_slice %arg5[%add3A_3223, %dma_start3A_3224] : memref<10000x128xf32, #tpu.memory_space<vmem_shared>> -> memref<48x128xf32, #tpu.memory_space<vmem_shared>>
    %dma_start3A_3226 = arith.constant 0 : i32
    %dma_start3A_3227 = tpu.memref_slice %arg5[%add3A_3223, %dma_start3A_3226] : memref<10000x128xf32, #tpu.memory_space<vmem_shared>> -> memref<48x128xf32, #tpu.memory_space<vmem_shared>>
    tpu.enqueue_dma source(%arg23 : memref<48x128xf32, #tpu.memory_space<vmem>>) target(%dma_start3A_3227 : memref<48x128xf32, #tpu.memory_space<vmem_shared>>) target_semaphore(%arg20 : memref<!tpu.dma_semaphore, #tpu.memory_space<semaphore_mem>>)
    %add3A_3228 = arith.constant 528 : i32
    %add3A_3229 = arith.addi %mul3A_3161, %add3A_3228 : i32
    %dma_start3A_3230 = arith.constant 0 : i32
    %dma_start3A_3231 = tpu.memref_slice %arg5[%add3A_3229, %dma_start3A_3230] : memref<10000x128xf32, #tpu.memory_space<vmem_shared>> -> memref<48x128xf32, #tpu.memory_space<vmem_shared>>
    %dma_start3A_3232 = arith.constant 0 : i32
    %dma_start3A_3233 = tpu.memref_slice %arg5[%add3A_3229, %dma_start3A_3232] : memref<10000x128xf32, #tpu.memory_space<vmem_shared>> -> memref<48x128xf32, #tpu.memory_space<vmem_shared>>
    tpu.enqueue_dma source(%arg23 : memref<48x128xf32, #tpu.memory_space<vmem>>) target(%dma_start3A_3233 : memref<48x128xf32, #tpu.memory_space<vmem_shared>>) target_semaphore(%arg20 : memref<!tpu.dma_semaphore, #tpu.memory_space<semaphore_mem>>)
    %add3A_3234 = arith.constant 576 : i32
    %add3A_3235 = arith.addi %mul3A_3161, %add3A_3234 : i32
    %dma_start3A_3236 = arith.constant 0 : i32
    %dma_start3A_3237 = tpu.memref_slice %arg5[%add3A_3235, %dma_start3A_3236] : memref<10000x128xf32, #tpu.memory_space<vmem_shared>> -> memref<48x128xf32, #tpu.memory_space<vmem_shared>>
    %dma_start3A_3238 = arith.constant 0 : i32
    %dma_start3A_3239 = tpu.memref_slice %arg5[%add3A_3235, %dma_start3A_3238] : memref<10000x128xf32, #tpu.memory_space<vmem_shared>> -> memref<48x128xf32, #tpu.memory_space<vmem_shared>>
    tpu.enqueue_dma source(%arg23 : memref<48x128xf32, #tpu.memory_space<vmem>>) target(%dma_start3A_3239 : memref<48x128xf32, #tpu.memory_space<vmem_shared>>) target_semaphore(%arg20 : memref<!tpu.dma_semaphore, #tpu.memory_space<semaphore_mem>>)
    %eq3A = arith.constant 15 : i32
    %eq3A_3240 = arith.cmpi eq, %arg1, %eq3A : i32
    %convert_element_type3A = arith.extui %eq3A_3240 : i1 to i32
    %cond3A = arith.constant 0 : i32
    %cond3A_3241 = arith.cmpi ne, %convert_element_type3A, %cond3A : i32
    scf.if %cond3A_3241 {
      %dma_start3A_3539 = arith.constant 0 : i32
      %dma_start3A_3540 = arith.constant 0 : i32
      %dma_start3A_3541 = tpu.memref_slice %arg23[%dma_start3A_3539, %dma_start3A_3540] : memref<48x128xf32, #tpu.memory_space<vmem>> -> memref<16x128xf32, #tpu.memory_space<vmem>>
      %dma_start3A_3542 = arith.constant 9984 : i32
      %dma_start3A_3543 = arith.constant 0 : i32
      %dma_start3A_3544 = tpu.memref_slice %arg5[%dma_start3A_3542, %dma_start3A_3543] : memref<10000x128xf32, #tpu.memory_space<vmem_shared>> -> memref<16x128xf32, #tpu.memory_space<vmem_shared>>
      %dma_start3A_3545 = arith.constant 9984 : i32
      %dma_start3A_3546 = arith.constant 0 : i32
      %dma_start3A_3547 = tpu.memref_slice %arg5[%dma_start3A_3545, %dma_start3A_3546] : memref<10000x128xf32, #tpu.memory_space<vmem_shared>> -> memref<16x128xf32, #tpu.memory_space<vmem_shared>>
      %dma_start3A_3548 = arith.constant 0 : i32
      %dma_start3A_3549 = arith.constant 0 : i32
      %dma_start3A_3550 = tpu.memref_slice %arg23[%dma_start3A_3548, %dma_start3A_3549] : memref<48x128xf32, #tpu.memory_space<vmem>> -> memref<16x128xf32, #tpu.memory_space<vmem>>
      tpu.enqueue_dma source(%dma_start3A_3550 : memref<16x128xf32, #tpu.memory_space<vmem>>) target(%dma_start3A_3547 : memref<16x128xf32, #tpu.memory_space<vmem_shared>>) target_semaphore(%arg20 : memref<!tpu.dma_semaphore, #tpu.memory_space<semaphore_mem>>)
      %dma_wait3A_3551 = arith.constant 0 : i32
      %dma_wait3A_3552 = arith.constant 0 : i32
      %dma_wait3A_3553 = tpu.memref_slice %arg23[%dma_wait3A_3551, %dma_wait3A_3552] : memref<48x128xf32, #tpu.memory_space<vmem>> -> memref<16x128xf32, #tpu.memory_space<vmem>>
      %dma_wait3A_3554 = arith.constant 9984 : i32
      %dma_wait3A_3555 = arith.constant 0 : i32
      %dma_wait3A_3556 = tpu.memref_slice %arg5[%dma_wait3A_3554, %dma_wait3A_3555] : memref<10000x128xf32, #tpu.memory_space<vmem_shared>> -> memref<16x128xf32, #tpu.memory_space<vmem_shared>>
      %dma_wait3A_3557 = arith.constant 9984 : i32
      %dma_wait3A_3558 = arith.constant 0 : i32
      %dma_wait3A_3559 = tpu.memref_slice %arg5[%dma_wait3A_3557, %dma_wait3A_3558] : memref<10000x128xf32, #tpu.memory_space<vmem_shared>> -> memref<16x128xf32, #tpu.memory_space<vmem_shared>>
      %dma_wait3A_3560 = arith.constant 0 : i32
      %dma_wait3A_3561 = arith.constant 0 : i32
      %dma_wait3A_3562 = tpu.memref_slice %arg23[%dma_wait3A_3560, %dma_wait3A_3561] : memref<48x128xf32, #tpu.memory_space<vmem>> -> memref<16x128xf32, #tpu.memory_space<vmem>>
      tpu.wait_dma2 semaphore(%arg20 : memref<!tpu.dma_semaphore, #tpu.memory_space<semaphore_mem>>) src(%dma_wait3A_3562 : memref<16x128xf32, #tpu.memory_space<vmem>>) dst(%dma_wait3A_3559 : memref<16x128xf32, #tpu.memory_space<vmem_shared>>)
    } else {
    }
    %dma_wait3A_3242 = arith.constant 0 : i32
    %dma_wait3A_3243 = tpu.memref_slice %arg5[%add3A_3163, %dma_wait3A_3242] : memref<10000x128xf32, #tpu.memory_space<vmem_shared>> -> memref<48x128xf32, #tpu.memory_space<vmem_shared>>
    %dma_wait3A_3244 = arith.constant 0 : i32
    %dma_wait3A_3245 = tpu.memref_slice %arg5[%add3A_3163, %dma_wait3A_3244] : memref<10000x128xf32, #tpu.memory_space<vmem_shared>> -> memref<48x128xf32, #tpu.memory_space<vmem_shared>>
    tpu.wait_dma2 semaphore(%arg20 : memref<!tpu.dma_semaphore, #tpu.memory_space<semaphore_mem>>) src(%arg23 : memref<48x128xf32, #tpu.memory_space<vmem>>) dst(%dma_wait3A_3245 : memref<48x128xf32, #tpu.memory_space<vmem_shared>>)
    %dma_wait3A_3246 = arith.constant 0 : i32
    %dma_wait3A_3247 = tpu.memref_slice %arg5[%add3A_3169, %dma_wait3A_3246] : memref<10000x128xf32, #tpu.memory_space<vmem_shared>> -> memref<48x128xf32, #tpu.memory_space<vmem_shared>>
    %dma_wait3A_3248 = arith.constant 0 : i32
    %dma_wait3A_3249 = tpu.memref_slice %arg5[%add3A_3169, %dma_wait3A_3248] : memref<10000x128xf32, #tpu.memory_space<vmem_shared>> -> memref<48x128xf32, #tpu.memory_space<vmem_shared>>
    tpu.wait_dma2 semaphore(%arg20 : memref<!tpu.dma_semaphore, #tpu.memory_space<semaphore_mem>>) src(%arg23 : memref<48x128xf32, #tpu.memory_space<vmem>>) dst(%dma_wait3A_3249 : memref<48x128xf32, #tpu.memory_space<vmem_shared>>)
    %dma_wait3A_3250 = arith.constant 0 : i32
    %dma_wait3A_3251 = tpu.memref_slice %arg5[%add3A_3175, %dma_wait3A_3250] : memref<10000x128xf32, #tpu.memory_space<vmem_shared>> -> memref<48x128xf32, #tpu.memory_space<vmem_shared>>
    %dma_wait3A_3252 = arith.constant 0 : i32
    %dma_wait3A_3253 = tpu.memref_slice %arg5[%add3A_3175, %dma_wait3A_3252] : memref<10000x128xf32, #tpu.memory_space<vmem_shared>> -> memref<48x128xf32, #tpu.memory_space<vmem_shared>>
    tpu.wait_dma2 semaphore(%arg20 : memref<!tpu.dma_semaphore, #tpu.memory_space<semaphore_mem>>) src(%arg23 : memref<48x128xf32, #tpu.memory_space<vmem>>) dst(%dma_wait3A_3253 : memref<48x128xf32, #tpu.memory_space<vmem_shared>>)
    %dma_wait3A_3254 = arith.constant 0 : i32
    %dma_wait3A_3255 = tpu.memref_slice %arg5[%add3A_3181, %dma_wait3A_3254] : memref<10000x128xf32, #tpu.memory_space<vmem_shared>> -> memref<48x128xf32, #tpu.memory_space<vmem_shared>>
    %dma_wait3A_3256 = arith.constant 0 : i32
    %dma_wait3A_3257 = tpu.memref_slice %arg5[%add3A_3181, %dma_wait3A_3256] : memref<10000x128xf32, #tpu.memory_space<vmem_shared>> -> memref<48x128xf32, #tpu.memory_space<vmem_shared>>
    tpu.wait_dma2 semaphore(%arg20 : memref<!tpu.dma_semaphore, #tpu.memory_space<semaphore_mem>>) src(%arg23 : memref<48x128xf32, #tpu.memory_space<vmem>>) dst(%dma_wait3A_3257 : memref<48x128xf32, #tpu.memory_space<vmem_shared>>)
    %dma_wait3A_3258 = arith.constant 0 : i32
    %dma_wait3A_3259 = tpu.memref_slice %arg5[%add3A_3187, %dma_wait3A_3258] : memref<10000x128xf32, #tpu.memory_space<vmem_shared>> -> memref<48x128xf32, #tpu.memory_space<vmem_shared>>
    %dma_wait3A_3260 = arith.constant 0 : i32
    %dma_wait3A_3261 = tpu.memref_slice %arg5[%add3A_3187, %dma_wait3A_3260] : memref<10000x128xf32, #tpu.memory_space<vmem_shared>> -> memref<48x128xf32, #tpu.memory_space<vmem_shared>>
    tpu.wait_dma2 semaphore(%arg20 : memref<!tpu.dma_semaphore, #tpu.memory_space<semaphore_mem>>) src(%arg23 : memref<48x128xf32, #tpu.memory_space<vmem>>) dst(%dma_wait3A_3261 : memref<48x128xf32, #tpu.memory_space<vmem_shared>>)
    %dma_wait3A_3262 = arith.constant 0 : i32
    %dma_wait3A_3263 = tpu.memref_slice %arg5[%add3A_3193, %dma_wait3A_3262] : memref<10000x128xf32, #tpu.memory_space<vmem_shared>> -> memref<48x128xf32, #tpu.memory_space<vmem_shared>>
    %dma_wait3A_3264 = arith.constant 0 : i32
    %dma_wait3A_3265 = tpu.memref_slice %arg5[%add3A_3193, %dma_wait3A_3264] : memref<10000x128xf32, #tpu.memory_space<vmem_shared>> -> memref<48x128xf32, #tpu.memory_space<vmem_shared>>
    tpu.wait_dma2 semaphore(%arg20 : memref<!tpu.dma_semaphore, #tpu.memory_space<semaphore_mem>>) src(%arg23 : memref<48x128xf32, #tpu.memory_space<vmem>>) dst(%dma_wait3A_3265 : memref<48x128xf32, #tpu.memory_space<vmem_shared>>)
    %dma_wait3A_3266 = arith.constant 0 : i32
    %dma_wait3A_3267 = tpu.memref_slice %arg5[%add3A_3199, %dma_wait3A_3266] : memref<10000x128xf32, #tpu.memory_space<vmem_shared>> -> memref<48x128xf32, #tpu.memory_space<vmem_shared>>
    %dma_wait3A_3268 = arith.constant 0 : i32
    %dma_wait3A_3269 = tpu.memref_slice %arg5[%add3A_3199, %dma_wait3A_3268] : memref<10000x128xf32, #tpu.memory_space<vmem_shared>> -> memref<48x128xf32, #tpu.memory_space<vmem_shared>>
    tpu.wait_dma2 semaphore(%arg20 : memref<!tpu.dma_semaphore, #tpu.memory_space<semaphore_mem>>) src(%arg23 : memref<48x128xf32, #tpu.memory_space<vmem>>) dst(%dma_wait3A_3269 : memref<48x128xf32, #tpu.memory_space<vmem_shared>>)
    %dma_wait3A_3270 = arith.constant 0 : i32
    %dma_wait3A_3271 = tpu.memref_slice %arg5[%add3A_3205, %dma_wait3A_3270] : memref<10000x128xf32, #tpu.memory_space<vmem_shared>> -> memref<48x128xf32, #tpu.memory_space<vmem_shared>>
    %dma_wait3A_3272 = arith.constant 0 : i32
    %dma_wait3A_3273 = tpu.memref_slice %arg5[%add3A_3205, %dma_wait3A_3272] : memref<10000x128xf32, #tpu.memory_space<vmem_shared>> -> memref<48x128xf32, #tpu.memory_space<vmem_shared>>
    tpu.wait_dma2 semaphore(%arg20 : memref<!tpu.dma_semaphore, #tpu.memory_space<semaphore_mem>>) src(%arg23 : memref<48x128xf32, #tpu.memory_space<vmem>>) dst(%dma_wait3A_3273 : memref<48x128xf32, #tpu.memory_space<vmem_shared>>)
    %dma_wait3A_3274 = arith.constant 0 : i32
    %dma_wait3A_3275 = tpu.memref_slice %arg5[%add3A_3211, %dma_wait3A_3274] : memref<10000x128xf32, #tpu.memory_space<vmem_shared>> -> memref<48x128xf32, #tpu.memory_space<vmem_shared>>
    %dma_wait3A_3276 = arith.constant 0 : i32
    %dma_wait3A_3277 = tpu.memref_slice %arg5[%add3A_3211, %dma_wait3A_3276] : memref<10000x128xf32, #tpu.memory_space<vmem_shared>> -> memref<48x128xf32, #tpu.memory_space<vmem_shared>>
    tpu.wait_dma2 semaphore(%arg20 : memref<!tpu.dma_semaphore, #tpu.memory_space<semaphore_mem>>) src(%arg23 : memref<48x128xf32, #tpu.memory_space<vmem>>) dst(%dma_wait3A_3277 : memref<48x128xf32, #tpu.memory_space<vmem_shared>>)
    %dma_wait3A_3278 = arith.constant 0 : i32
    %dma_wait3A_3279 = tpu.memref_slice %arg5[%add3A_3217, %dma_wait3A_3278] : memref<10000x128xf32, #tpu.memory_space<vmem_shared>> -> memref<48x128xf32, #tpu.memory_space<vmem_shared>>
    %dma_wait3A_3280 = arith.constant 0 : i32
    %dma_wait3A_3281 = tpu.memref_slice %arg5[%add3A_3217, %dma_wait3A_3280] : memref<10000x128xf32, #tpu.memory_space<vmem_shared>> -> memref<48x128xf32, #tpu.memory_space<vmem_shared>>
    tpu.wait_dma2 semaphore(%arg20 : memref<!tpu.dma_semaphore, #tpu.memory_space<semaphore_mem>>) src(%arg23 : memref<48x128xf32, #tpu.memory_space<vmem>>) dst(%dma_wait3A_3281 : memref<48x128xf32, #tpu.memory_space<vmem_shared>>)
    %dma_wait3A_3282 = arith.constant 0 : i32
    %dma_wait3A_3283 = tpu.memref_slice %arg5[%add3A_3223, %dma_wait3A_3282] : memref<10000x128xf32, #tpu.memory_space<vmem_shared>> -> memref<48x128xf32, #tpu.memory_space<vmem_shared>>
    %dma_wait3A_3284 = arith.constant 0 : i32
    %dma_wait3A_3285 = tpu.memref_slice %arg5[%add3A_3223, %dma_wait3A_3284] : memref<10000x128xf32, #tpu.memory_space<vmem_shared>> -> memref<48x128xf32, #tpu.memory_space<vmem_shared>>
    tpu.wait_dma2 semaphore(%arg20 : memref<!tpu.dma_semaphore, #tpu.memory_space<semaphore_mem>>) src(%arg23 : memref<48x128xf32, #tpu.memory_space<vmem>>) dst(%dma_wait3A_3285 : memref<48x128xf32, #tpu.memory_space<vmem_shared>>)
    %dma_wait3A_3286 = arith.constant 0 : i32
    %dma_wait3A_3287 = tpu.memref_slice %arg5[%add3A_3229, %dma_wait3A_3286] : memref<10000x128xf32, #tpu.memory_space<vmem_shared>> -> memref<48x128xf32, #tpu.memory_space<vmem_shared>>
    %dma_wait3A_3288 = arith.constant 0 : i32
    %dma_wait3A_3289 = tpu.memref_slice %arg5[%add3A_3229, %dma_wait3A_3288] : memref<10000x128xf32, #tpu.memory_space<vmem_shared>> -> memref<48x128xf32, #tpu.memory_space<vmem_shared>>
    tpu.wait_dma2 semaphore(%arg20 : memref<!tpu.dma_semaphore, #tpu.memory_space<semaphore_mem>>) src(%arg23 : memref<48x128xf32, #tpu.memory_space<vmem>>) dst(%dma_wait3A_3289 : memref<48x128xf32, #tpu.memory_space<vmem_shared>>)
    %dma_wait3A_3290 = arith.constant 0 : i32
    %dma_wait3A_3291 = tpu.memref_slice %arg5[%add3A_3235, %dma_wait3A_3290] : memref<10000x128xf32, #tpu.memory_space<vmem_shared>> -> memref<48x128xf32, #tpu.memory_space<vmem_shared>>
    %dma_wait3A_3292 = arith.constant 0 : i32
    %dma_wait3A_3293 = tpu.memref_slice %arg5[%add3A_3235, %dma_wait3A_3292] : memref<10000x128xf32, #tpu.memory_space<vmem_shared>> -> memref<48x128xf32, #tpu.memory_space<vmem_shared>>
    tpu.wait_dma2 semaphore(%arg20 : memref<!tpu.dma_semaphore, #tpu.memory_space<semaphore_mem>>) src(%arg23 : memref<48x128xf32, #tpu.memory_space<vmem>>) dst(%dma_wait3A_3293 : memref<48x128xf32, #tpu.memory_space<vmem_shared>>)
    %barrier3A = arith.constant 0 : index
    tpu.barrier barrier_id(%barrier3A)
    %dma_wait3A_3294 = arith.constant 0 : i32
    %dma_wait3A_3295 = tpu.memref_slice %arg22[%dma_wait3A_3294] : memref<320xi32, #tpu.memory_space<vmem>> -> memref<80xi32, #tpu.memory_space<vmem>>
    %dma_wait3A_3296 = arith.constant 0 : i32
    %dma_wait3A_3297 = arith.constant 0 : i32
    %dma_wait3A_3298 = tpu.memref_slice %arg2[%dma_wait3A_3296, %dma_wait3A_3297] : memref<10000x128xf32, #tpu.memory_space<hbm>> -> memref<10000x128xf32, #tpu.memory_space<hbm>>
    tpu.wait_indirect_dma semaphore(%arg7 : memref<!tpu.dma_semaphore, #tpu.memory_space<semaphore_mem>>) src(%dma_wait3A_3298 : memref<10000x128xf32, #tpu.memory_space<hbm>>) dst(%arg11 : memref<80x128xf32, #tpu.memory_space<vmem>>)
    %dma_wait3A_3299 = arith.constant 0 : i32
    %dma_wait3A_3300 = arith.constant 0 : i32
    %dma_wait3A_3301 = tpu.memref_slice %arg6[%dma_wait3A_3299, %dma_wait3A_3300] : memref<4x80xi32, #tpu.memory_space<vmem>> -> memref<1x80xi32, #tpu.memory_space<vmem>>
    %dma_wait3A_3302 = tpu.memref_squeeze %dma_wait3A_3301 : memref<1x80xi32, #tpu.memory_space<vmem>> -> memref<80xi32, #tpu.memory_space<vmem>>
    %dma_wait3A_3303 = arith.constant 0 : i32
    %dma_wait3A_3304 = tpu.memref_slice %arg3[%dma_wait3A_3303] : memref<640000xi32, #tpu.memory_space<hbm>> -> memref<80xi32, #tpu.memory_space<hbm>>
    %dma_wait3A_3305 = arith.constant 0 : i32
    %dma_wait3A_3306 = tpu.memref_slice %arg6[%dma_wait3A_3299, %dma_wait3A_3305] : memref<4x80xi32, #tpu.memory_space<vmem>> -> memref<1x80xi32, #tpu.memory_space<vmem>>
    %dma_wait3A_3307 = tpu.memref_squeeze %dma_wait3A_3306 : memref<1x80xi32, #tpu.memory_space<vmem>> -> memref<80xi32, #tpu.memory_space<vmem>>
    %dma_wait3A_3308 = arith.constant 0 : i32
    %dma_wait3A_3309 = tpu.memref_slice %arg3[%dma_wait3A_3308] : memref<640000xi32, #tpu.memory_space<hbm>> -> memref<80xi32, #tpu.memory_space<hbm>>
    tpu.wait_dma2 semaphore(%arg19 : memref<!tpu.dma_semaphore, #tpu.memory_space<semaphore_mem>>) src(%dma_wait3A_3309 : memref<80xi32, #tpu.memory_space<hbm>>) dst(%dma_wait3A_3307 : memref<80xi32, #tpu.memory_space<vmem>>)
    %dma_start3A_3310 = arith.constant 0 : i32
    %dma_start3A_3311 = arith.constant 0 : i32
    %dma_start3A_3312 = tpu.memref_slice %arg6[%dma_start3A_3310, %dma_start3A_3311] : memref<4x80xi32, #tpu.memory_space<vmem>> -> memref<1x80xi32, #tpu.memory_space<vmem>>
    %dma_start3A_3313 = tpu.memref_squeeze %dma_start3A_3312 : memref<1x80xi32, #tpu.memory_space<vmem>> -> memref<80xi32, #tpu.memory_space<vmem>>
    %dma_start3A_3314 = arith.constant 0 : i32
    %dma_start3A_3315 = arith.constant 0 : i32
    %dma_start3A_3316 = tpu.memref_slice %arg5[%dma_start3A_3314, %dma_start3A_3315] : memref<10000x128xf32, #tpu.memory_space<vmem_shared>> -> memref<10000x128xf32, #tpu.memory_space<vmem_shared>>
    tpu.enqueue_indirect_dma source(%arg11 : memref<80x128xf32, #tpu.memory_space<vmem>>) target(%dma_start3A_3316 : memref<10000x128xf32, #tpu.memory_space<vmem_shared>>) offsets(%dma_start3A_3313 : memref<80xi32, #tpu.memory_space<vmem>>) semaphore(%arg15 : memref<!tpu.dma_semaphore, #tpu.memory_space<semaphore_mem>>) {add = true}
    %mul3A_3317 = arith.constant 10000 : i32
    %mul3A_3318 = arith.muli %add3A, %mul3A_3317 : i32
    %add3A_3319 = arith.constant 240 : i32
    %add3A_3320 = arith.addi %mul3A_3318, %add3A_3319 : i32
    %multiple_of3A_3321 = tpu.assume_multiple %add3A_3320, 80 : i32
    %dma_start3A_3322 = arith.constant 240 : i32
    %dma_start3A_3323 = tpu.memref_slice %arg22[%dma_start3A_3322] : memref<320xi32, #tpu.memory_space<vmem>> -> memref<80xi32, #tpu.memory_space<vmem>>
    %dma_start3A_3324 = tpu.memref_slice %arg3[%multiple_of3A_3321] : memref<640000xi32, #tpu.memory_space<hbm>> -> memref<80xi32, #tpu.memory_space<hbm>>
    %dma_start3A_3325 = arith.constant 240 : i32
    %dma_start3A_3326 = tpu.memref_slice %arg22[%dma_start3A_3325] : memref<320xi32, #tpu.memory_space<vmem>> -> memref<80xi32, #tpu.memory_space<vmem>>
    %dma_start3A_3327 = tpu.memref_slice %arg3[%multiple_of3A_3321] : memref<640000xi32, #tpu.memory_space<hbm>> -> memref<80xi32, #tpu.memory_space<hbm>>
    tpu.enqueue_dma source(%dma_start3A_3327 : memref<80xi32, #tpu.memory_space<hbm>>) target(%dma_start3A_3326 : memref<80xi32, #tpu.memory_space<vmem>>) target_semaphore(%arg21 : memref<!tpu.dma_semaphore, #tpu.memory_space<semaphore_mem>>)
    %add3A_3328 = arith.constant 320000 : i32
    %add3A_3329 = arith.addi %multiple_of3A_3321, %add3A_3328 : i32
    %dma_start3A_3330 = arith.constant 3 : i32
    %dma_start3A_3331 = arith.constant 0 : i32
    %dma_start3A_3332 = tpu.memref_slice %arg6[%dma_start3A_3330, %dma_start3A_3331] : memref<4x80xi32, #tpu.memory_space<vmem>> -> memref<1x80xi32, #tpu.memory_space<vmem>>
    %dma_start3A_3333 = tpu.memref_squeeze %dma_start3A_3332 : memref<1x80xi32, #tpu.memory_space<vmem>> -> memref<80xi32, #tpu.memory_space<vmem>>
    %dma_start3A_3334 = tpu.memref_slice %arg3[%add3A_3329] : memref<640000xi32, #tpu.memory_space<hbm>> -> memref<80xi32, #tpu.memory_space<hbm>>
    %dma_start3A_3335 = arith.constant 0 : i32
    %dma_start3A_3336 = tpu.memref_slice %arg6[%dma_start3A_3330, %dma_start3A_3335] : memref<4x80xi32, #tpu.memory_space<vmem>> -> memref<1x80xi32, #tpu.memory_space<vmem>>
    %dma_start3A_3337 = tpu.memref_squeeze %dma_start3A_3336 : memref<1x80xi32, #tpu.memory_space<vmem>> -> memref<80xi32, #tpu.memory_space<vmem>>
    %dma_start3A_3338 = tpu.memref_slice %arg3[%add3A_3329] : memref<640000xi32, #tpu.memory_space<hbm>> -> memref<80xi32, #tpu.memory_space<hbm>>
    tpu.enqueue_dma source(%dma_start3A_3338 : memref<80xi32, #tpu.memory_space<hbm>>) target(%dma_start3A_3337 : memref<80xi32, #tpu.memory_space<vmem>>) target_semaphore(%arg19 : memref<!tpu.dma_semaphore, #tpu.memory_space<semaphore_mem>>)
    %dma_wait3A_3339 = arith.constant 0 : i32
    %dma_wait3A_3340 = tpu.memref_slice %arg22[%dma_wait3A_3339] : memref<320xi32, #tpu.memory_space<vmem>> -> memref<80xi32, #tpu.memory_space<vmem>>
    %dma_wait3A_3341 = arith.constant 0 : i32
    %dma_wait3A_3342 = tpu.memref_slice %arg3[%dma_wait3A_3341] : memref<640000xi32, #tpu.memory_space<hbm>> -> memref<80xi32, #tpu.memory_space<hbm>>
    %dma_wait3A_3343 = arith.constant 0 : i32
    %dma_wait3A_3344 = tpu.memref_slice %arg22[%dma_wait3A_3343] : memref<320xi32, #tpu.memory_space<vmem>> -> memref<80xi32, #tpu.memory_space<vmem>>
    %dma_wait3A_3345 = arith.constant 0 : i32
    %dma_wait3A_3346 = tpu.memref_slice %arg3[%dma_wait3A_3345] : memref<640000xi32, #tpu.memory_space<hbm>> -> memref<80xi32, #tpu.memory_space<hbm>>
    tpu.wait_dma2 semaphore(%arg21 : memref<!tpu.dma_semaphore, #tpu.memory_space<semaphore_mem>>) src(%dma_wait3A_3346 : memref<80xi32, #tpu.memory_space<hbm>>) dst(%dma_wait3A_3344 : memref<80xi32, #tpu.memory_space<vmem>>)
    %dma_start3A_3347 = arith.constant 160 : i32
    %dma_start3A_3348 = tpu.memref_slice %arg22[%dma_start3A_3347] : memref<320xi32, #tpu.memory_space<vmem>> -> memref<80xi32, #tpu.memory_space<vmem>>
    %dma_start3A_3349 = arith.constant 0 : i32
    %dma_start3A_3350 = arith.constant 0 : i32
    %dma_start3A_3351 = tpu.memref_slice %arg2[%dma_start3A_3349, %dma_start3A_3350] : memref<10000x128xf32, #tpu.memory_space<hbm>> -> memref<10000x128xf32, #tpu.memory_space<hbm>>
    tpu.enqueue_indirect_dma source(%dma_start3A_3351 : memref<10000x128xf32, #tpu.memory_space<hbm>>) target(%arg13 : memref<80x128xf32, #tpu.memory_space<vmem>>) offsets(%dma_start3A_3348 : memref<80xi32, #tpu.memory_space<vmem>>) semaphore(%arg9 : memref<!tpu.dma_semaphore, #tpu.memory_space<semaphore_mem>>)
    %scan3A = arith.constant 0 : i32
    %scan3A_3352 = arith.constant 0 : i32
    %scan3A_3353 = arith.constant 30 : i32
    %scan3A_3354 = arith.addi %scan3A_3352, %scan3A_3353 : i32
    %scan3A_3355 = arith.constant 1 : i32
    %scan3A_3356 = scf.for %scan3A_3539 = %scan3A_3352 to %scan3A_3354 step %scan3A_3355 iter_args(%scan3A_3540 = %scan3A) -> (i32)  : i32 {
      %mul3A_3541 = arith.constant 4 : i32
      %mul3A_3542 = arith.muli %mul3A_3541, %scan3A_3539 : i32
      %add3A_3543 = arith.constant 1 : i32
      %add3A_3544 = arith.addi %mul3A_3542, %add3A_3543 : i32
      %add3A_3545 = arith.constant 0 : i32
      %add3A_3546 = arith.addi %add3A_3544, %add3A_3545 : i32
      %dma_wait3A_3547 = arith.constant 80 : i32
      %dma_wait3A_3548 = tpu.memref_slice %arg22[%dma_wait3A_3547] : memref<320xi32, #tpu.memory_space<vmem>> -> memref<80xi32, #tpu.memory_space<vmem>>
      %dma_wait3A_3549 = arith.constant 0 : i32
      %dma_wait3A_3550 = arith.constant 0 : i32
      %dma_wait3A_3551 = tpu.memref_slice %arg2[%dma_wait3A_3549, %dma_wait3A_3550] : memref<10000x128xf32, #tpu.memory_space<hbm>> -> memref<10000x128xf32, #tpu.memory_space<hbm>>
      tpu.wait_indirect_dma semaphore(%arg8 : memref<!tpu.dma_semaphore, #tpu.memory_space<semaphore_mem>>) src(%dma_wait3A_3551 : memref<10000x128xf32, #tpu.memory_space<hbm>>) dst(%arg12 : memref<80x128xf32, #tpu.memory_space<vmem>>)
      %dma_wait3A_3552 = arith.constant 0 : i32
      %dma_wait3A_3553 = arith.constant 0 : i32
      %dma_wait3A_3554 = tpu.memref_slice %arg6[%dma_wait3A_3552, %dma_wait3A_3553] : memref<4x80xi32, #tpu.memory_space<vmem>> -> memref<1x80xi32, #tpu.memory_space<vmem>>
      %dma_wait3A_3555 = tpu.memref_squeeze %dma_wait3A_3554 : memref<1x80xi32, #tpu.memory_space<vmem>> -> memref<80xi32, #tpu.memory_space<vmem>>
      %dma_wait3A_3556 = arith.constant 0 : i32
      %dma_wait3A_3557 = tpu.memref_slice %arg3[%dma_wait3A_3556] : memref<640000xi32, #tpu.memory_space<hbm>> -> memref<80xi32, #tpu.memory_space<hbm>>
      %dma_wait3A_3558 = arith.constant 0 : i32
      %dma_wait3A_3559 = tpu.memref_slice %arg6[%dma_wait3A_3552, %dma_wait3A_3558] : memref<4x80xi32, #tpu.memory_space<vmem>> -> memref<1x80xi32, #tpu.memory_space<vmem>>
      %dma_wait3A_3560 = tpu.memref_squeeze %dma_wait3A_3559 : memref<1x80xi32, #tpu.memory_space<vmem>> -> memref<80xi32, #tpu.memory_space<vmem>>
      %dma_wait3A_3561 = arith.constant 0 : i32
      %dma_wait3A_3562 = tpu.memref_slice %arg3[%dma_wait3A_3561] : memref<640000xi32, #tpu.memory_space<hbm>> -> memref<80xi32, #tpu.memory_space<hbm>>
      tpu.wait_dma2 semaphore(%arg19 : memref<!tpu.dma_semaphore, #tpu.memory_space<semaphore_mem>>) src(%dma_wait3A_3562 : memref<80xi32, #tpu.memory_space<hbm>>) dst(%dma_wait3A_3560 : memref<80xi32, #tpu.memory_space<vmem>>)
      %dma_start3A_3563 = arith.constant 1 : i32
      %dma_start3A_3564 = arith.constant 0 : i32
      %dma_start3A_3565 = tpu.memref_slice %arg6[%dma_start3A_3563, %dma_start3A_3564] : memref<4x80xi32, #tpu.memory_space<vmem>> -> memref<1x80xi32, #tpu.memory_space<vmem>>
      %dma_start3A_3566 = tpu.memref_squeeze %dma_start3A_3565 : memref<1x80xi32, #tpu.memory_space<vmem>> -> memref<80xi32, #tpu.memory_space<vmem>>
      %dma_start3A_3567 = arith.constant 0 : i32
      %dma_start3A_3568 = arith.constant 0 : i32
      %dma_start3A_3569 = tpu.memref_slice %arg5[%dma_start3A_3567, %dma_start3A_3568] : memref<10000x128xf32, #tpu.memory_space<vmem_shared>> -> memref<10000x128xf32, #tpu.memory_space<vmem_shared>>
      tpu.enqueue_indirect_dma source(%arg12 : memref<80x128xf32, #tpu.memory_space<vmem>>) target(%dma_start3A_3569 : memref<10000x128xf32, #tpu.memory_space<vmem_shared>>) offsets(%dma_start3A_3566 : memref<80xi32, #tpu.memory_space<vmem>>) semaphore(%arg16 : memref<!tpu.dma_semaphore, #tpu.memory_space<semaphore_mem>>) {add = true}
      %dma_wait3A_3570 = arith.constant 0 : i32
      %dma_wait3A_3571 = arith.constant 0 : i32
      %dma_wait3A_3572 = tpu.memref_slice %arg6[%dma_wait3A_3570, %dma_wait3A_3571] : memref<4x80xi32, #tpu.memory_space<vmem>> -> memref<1x80xi32, #tpu.memory_space<vmem>>
      %dma_wait3A_3573 = tpu.memref_squeeze %dma_wait3A_3572 : memref<1x80xi32, #tpu.memory_space<vmem>> -> memref<80xi32, #tpu.memory_space<vmem>>
      %dma_wait3A_3574 = arith.constant 0 : i32
      %dma_wait3A_3575 = arith.constant 0 : i32
      %dma_wait3A_3576 = tpu.memref_slice %arg5[%dma_wait3A_3574, %dma_wait3A_3575] : memref<10000x128xf32, #tpu.memory_space<vmem_shared>> -> memref<10000x128xf32, #tpu.memory_space<vmem_shared>>
      tpu.wait_indirect_dma semaphore(%arg15 : memref<!tpu.dma_semaphore, #tpu.memory_space<semaphore_mem>>) src(%arg11 : memref<80x128xf32, #tpu.memory_space<vmem>>) dst(%dma_wait3A_3576 : memref<10000x128xf32, #tpu.memory_space<vmem_shared>>)
      %add3A_3577 = arith.constant 3 : i32
      %add3A_3578 = arith.addi %add3A_3546, %add3A_3577 : i32
      %mul3A_3579 = arith.constant 10000 : i32
      %mul3A_3580 = arith.muli %add3A, %mul3A_3579 : i32
      %mul3A_3581 = arith.constant 80 : i32
      %mul3A_3582 = arith.muli %add3A_3578, %mul3A_3581 : i32
      %add3A_3583 = arith.addi %mul3A_3580, %mul3A_3582 : i32
      %multiple_of3A_3584 = tpu.assume_multiple %add3A_3583, 80 : i32
      %dma_start3A_3585 = arith.constant 0 : i32
      %dma_start3A_3586 = tpu.memref_slice %arg22[%dma_start3A_3585] : memref<320xi32, #tpu.memory_space<vmem>> -> memref<80xi32, #tpu.memory_space<vmem>>
      %dma_start3A_3587 = tpu.memref_slice %arg3[%multiple_of3A_3584] : memref<640000xi32, #tpu.memory_space<hbm>> -> memref<80xi32, #tpu.memory_space<hbm>>
      %dma_start3A_3588 = arith.constant 0 : i32
      %dma_start3A_3589 = tpu.memref_slice %arg22[%dma_start3A_3588] : memref<320xi32, #tpu.memory_space<vmem>> -> memref<80xi32, #tpu.memory_space<vmem>>
      %dma_start3A_3590 = tpu.memref_slice %arg3[%multiple_of3A_3584] : memref<640000xi32, #tpu.memory_space<hbm>> -> memref<80xi32, #tpu.memory_space<hbm>>
      tpu.enqueue_dma source(%dma_start3A_3590 : memref<80xi32, #tpu.memory_space<hbm>>) target(%dma_start3A_3589 : memref<80xi32, #tpu.memory_space<vmem>>) target_semaphore(%arg21 : memref<!tpu.dma_semaphore, #tpu.memory_space<semaphore_mem>>)
      %add3A_3591 = arith.constant 320000 : i32
      %add3A_3592 = arith.addi %multiple_of3A_3584, %add3A_3591 : i32
      %dma_start3A_3593 = arith.constant 0 : i32
      %dma_start3A_3594 = arith.constant 0 : i32
      %dma_start3A_3595 = tpu.memref_slice %arg6[%dma_start3A_3593, %dma_start3A_3594] : memref<4x80xi32, #tpu.memory_space<vmem>> -> memref<1x80xi32, #tpu.memory_space<vmem>>
      %dma_start3A_3596 = tpu.memref_squeeze %dma_start3A_3595 : memref<1x80xi32, #tpu.memory_space<vmem>> -> memref<80xi32, #tpu.memory_space<vmem>>
      %dma_start3A_3597 = tpu.memref_slice %arg3[%add3A_3592] : memref<640000xi32, #tpu.memory_space<hbm>> -> memref<80xi32, #tpu.memory_space<hbm>>
      %dma_start3A_3598 = arith.constant 0 : i32
      %dma_start3A_3599 = tpu.memref_slice %arg6[%dma_start3A_3593, %dma_start3A_3598] : memref<4x80xi32, #tpu.memory_space<vmem>> -> memref<1x80xi32, #tpu.memory_space<vmem>>
      %dma_start3A_3600 = tpu.memref_squeeze %dma_start3A_3599 : memref<1x80xi32, #tpu.memory_space<vmem>> -> memref<80xi32, #tpu.memory_space<vmem>>
      %dma_start3A_3601 = tpu.memref_slice %arg3[%add3A_3592] : memref<640000xi32, #tpu.memory_space<hbm>> -> memref<80xi32, #tpu.memory_space<hbm>>
      tpu.enqueue_dma source(%dma_start3A_3601 : memref<80xi32, #tpu.memory_space<hbm>>) target(%dma_start3A_3600 : memref<80xi32, #tpu.memory_space<vmem>>) target_semaphore(%arg19 : memref<!tpu.dma_semaphore, #tpu.memory_space<semaphore_mem>>)
      %dma_wait3A_3602 = arith.constant 0 : i32
      %dma_wait3A_3603 = tpu.memref_slice %arg22[%dma_wait3A_3602] : memref<320xi32, #tpu.memory_space<vmem>> -> memref<80xi32, #tpu.memory_space<vmem>>
      %dma_wait3A_3604 = arith.constant 0 : i32
      %dma_wait3A_3605 = tpu.memref_slice %arg3[%dma_wait3A_3604] : memref<640000xi32, #tpu.memory_space<hbm>> -> memref<80xi32, #tpu.memory_space<hbm>>
      %dma_wait3A_3606 = arith.constant 0 : i32
      %dma_wait3A_3607 = tpu.memref_slice %arg22[%dma_wait3A_3606] : memref<320xi32, #tpu.memory_space<vmem>> -> memref<80xi32, #tpu.memory_space<vmem>>
      %dma_wait3A_3608 = arith.constant 0 : i32
      %dma_wait3A_3609 = tpu.memref_slice %arg3[%dma_wait3A_3608] : memref<640000xi32, #tpu.memory_space<hbm>> -> memref<80xi32, #tpu.memory_space<hbm>>
      tpu.wait_dma2 semaphore(%arg21 : memref<!tpu.dma_semaphore, #tpu.memory_space<semaphore_mem>>) src(%dma_wait3A_3609 : memref<80xi32, #tpu.memory_space<hbm>>) dst(%dma_wait3A_3607 : memref<80xi32, #tpu.memory_space<vmem>>)
      %dma_start3A_3610 = arith.constant 240 : i32
      %dma_start3A_3611 = tpu.memref_slice %arg22[%dma_start3A_3610] : memref<320xi32, #tpu.memory_space<vmem>> -> memref<80xi32, #tpu.memory_space<vmem>>
      %dma_start3A_3612 = arith.constant 0 : i32
      %dma_start3A_3613 = arith.constant 0 : i32
      %dma_start3A_3614 = tpu.memref_slice %arg2[%dma_start3A_3612, %dma_start3A_3613] : memref<10000x128xf32, #tpu.memory_space<hbm>> -> memref<10000x128xf32, #tpu.memory_space<hbm>>
      tpu.enqueue_indirect_dma source(%dma_start3A_3614 : memref<10000x128xf32, #tpu.memory_space<hbm>>) target(%arg14 : memref<80x128xf32, #tpu.memory_space<vmem>>) offsets(%dma_start3A_3611 : memref<80xi32, #tpu.memory_space<vmem>>) semaphore(%arg10 : memref<!tpu.dma_semaphore, #tpu.memory_space<semaphore_mem>>)
      %add3A_3615 = arith.constant 1 : i32
      %add3A_3616 = arith.addi %add3A_3544, %add3A_3615 : i32
      %dma_wait3A_3617 = arith.constant 160 : i32
      %dma_wait3A_3618 = tpu.memref_slice %arg22[%dma_wait3A_3617] : memref<320xi32, #tpu.memory_space<vmem>> -> memref<80xi32, #tpu.memory_space<vmem>>
      %dma_wait3A_3619 = arith.constant 0 : i32
      %dma_wait3A_3620 = arith.constant 0 : i32
      %dma_wait3A_3621 = tpu.memref_slice %arg2[%dma_wait3A_3619, %dma_wait3A_3620] : memref<10000x128xf32, #tpu.memory_space<hbm>> -> memref<10000x128xf32, #tpu.memory_space<hbm>>
      tpu.wait_indirect_dma semaphore(%arg9 : memref<!tpu.dma_semaphore, #tpu.memory_space<semaphore_mem>>) src(%dma_wait3A_3621 : memref<10000x128xf32, #tpu.memory_space<hbm>>) dst(%arg13 : memref<80x128xf32, #tpu.memory_space<vmem>>)
      %dma_wait3A_3622 = arith.constant 0 : i32
      %dma_wait3A_3623 = arith.constant 0 : i32
      %dma_wait3A_3624 = tpu.memref_slice %arg6[%dma_wait3A_3622, %dma_wait3A_3623] : memref<4x80xi32, #tpu.memory_space<vmem>> -> memref<1x80xi32, #tpu.memory_space<vmem>>
      %dma_wait3A_3625 = tpu.memref_squeeze %dma_wait3A_3624 : memref<1x80xi32, #tpu.memory_space<vmem>> -> memref<80xi32, #tpu.memory_space<vmem>>
      %dma_wait3A_3626 = arith.constant 0 : i32
      %dma_wait3A_3627 = tpu.memref_slice %arg3[%dma_wait3A_3626] : memref<640000xi32, #tpu.memory_space<hbm>> -> memref<80xi32, #tpu.memory_space<hbm>>
      %dma_wait3A_3628 = arith.constant 0 : i32
      %dma_wait3A_3629 = tpu.memref_slice %arg6[%dma_wait3A_3622, %dma_wait3A_3628] : memref<4x80xi32, #tpu.memory_space<vmem>> -> memref<1x80xi32, #tpu.memory_space<vmem>>
      %dma_wait3A_3630 = tpu.memref_squeeze %dma_wait3A_3629 : memref<1x80xi32, #tpu.memory_space<vmem>> -> memref<80xi32, #tpu.memory_space<vmem>>
      %dma_wait3A_3631 = arith.constant 0 : i32
      %dma_wait3A_3632 = tpu.memref_slice %arg3[%dma_wait3A_3631] : memref<640000xi32, #tpu.memory_space<hbm>> -> memref<80xi32, #tpu.memory_space<hbm>>
      tpu.wait_dma2 semaphore(%arg19 : memref<!tpu.dma_semaphore, #tpu.memory_space<semaphore_mem>>) src(%dma_wait3A_3632 : memref<80xi32, #tpu.memory_space<hbm>>) dst(%dma_wait3A_3630 : memref<80xi32, #tpu.memory_space<vmem>>)
      %dma_start3A_3633 = arith.constant 2 : i32
      %dma_start3A_3634 = arith.constant 0 : i32
      %dma_start3A_3635 = tpu.memref_slice %arg6[%dma_start3A_3633, %dma_start3A_3634] : memref<4x80xi32, #tpu.memory_space<vmem>> -> memref<1x80xi32, #tpu.memory_space<vmem>>
      %dma_start3A_3636 = tpu.memref_squeeze %dma_start3A_3635 : memref<1x80xi32, #tpu.memory_space<vmem>> -> memref<80xi32, #tpu.memory_space<vmem>>
      %dma_start3A_3637 = arith.constant 0 : i32
      %dma_start3A_3638 = arith.constant 0 : i32
      %dma_start3A_3639 = tpu.memref_slice %arg5[%dma_start3A_3637, %dma_start3A_3638] : memref<10000x128xf32, #tpu.memory_space<vmem_shared>> -> memref<10000x128xf32, #tpu.memory_space<vmem_shared>>
      tpu.enqueue_indirect_dma source(%arg13 : memref<80x128xf32, #tpu.memory_space<vmem>>) target(%dma_start3A_3639 : memref<10000x128xf32, #tpu.memory_space<vmem_shared>>) offsets(%dma_start3A_3636 : memref<80xi32, #tpu.memory_space<vmem>>) semaphore(%arg17 : memref<!tpu.dma_semaphore, #tpu.memory_space<semaphore_mem>>) {add = true}
      %dma_wait3A_3640 = arith.constant 1 : i32
      %dma_wait3A_3641 = arith.constant 0 : i32
      %dma_wait3A_3642 = tpu.memref_slice %arg6[%dma_wait3A_3640, %dma_wait3A_3641] : memref<4x80xi32, #tpu.memory_space<vmem>> -> memref<1x80xi32, #tpu.memory_space<vmem>>
      %dma_wait3A_3643 = tpu.memref_squeeze %dma_wait3A_3642 : memref<1x80xi32, #tpu.memory_space<vmem>> -> memref<80xi32, #tpu.memory_space<vmem>>
      %dma_wait3A_3644 = arith.constant 0 : i32
      %dma_wait3A_3645 = arith.constant 0 : i32
      %dma_wait3A_3646 = tpu.memref_slice %arg5[%dma_wait3A_3644, %dma_wait3A_3645] : memref<10000x128xf32, #tpu.memory_space<vmem_shared>> -> memref<10000x128xf32, #tpu.memory_space<vmem_shared>>
      tpu.wait_indirect_dma semaphore(%arg16 : memref<!tpu.dma_semaphore, #tpu.memory_space<semaphore_mem>>) src(%arg12 : memref<80x128xf32, #tpu.memory_space<vmem>>) dst(%dma_wait3A_3646 : memref<10000x128xf32, #tpu.memory_space<vmem_shared>>)
      %add3A_3647 = arith.constant 3 : i32
      %add3A_3648 = arith.addi %add3A_3616, %add3A_3647 : i32
      %mul3A_3649 = arith.constant 10000 : i32
      %mul3A_3650 = arith.muli %add3A, %mul3A_3649 : i32
      %mul3A_3651 = arith.constant 80 : i32
      %mul3A_3652 = arith.muli %add3A_3648, %mul3A_3651 : i32
      %add3A_3653 = arith.addi %mul3A_3650, %mul3A_3652 : i32
      %multiple_of3A_3654 = tpu.assume_multiple %add3A_3653, 80 : i32
      %dma_start3A_3655 = arith.constant 80 : i32
      %dma_start3A_3656 = tpu.memref_slice %arg22[%dma_start3A_3655] : memref<320xi32, #tpu.memory_space<vmem>> -> memref<80xi32, #tpu.memory_space<vmem>>
      %dma_start3A_3657 = tpu.memref_slice %arg3[%multiple_of3A_3654] : memref<640000xi32, #tpu.memory_space<hbm>> -> memref<80xi32, #tpu.memory_space<hbm>>
      %dma_start3A_3658 = arith.constant 80 : i32
      %dma_start3A_3659 = tpu.memref_slice %arg22[%dma_start3A_3658] : memref<320xi32, #tpu.memory_space<vmem>> -> memref<80xi32, #tpu.memory_space<vmem>>
      %dma_start3A_3660 = tpu.memref_slice %arg3[%multiple_of3A_3654] : memref<640000xi32, #tpu.memory_space<hbm>> -> memref<80xi32, #tpu.memory_space<hbm>>
      tpu.enqueue_dma source(%dma_start3A_3660 : memref<80xi32, #tpu.memory_space<hbm>>) target(%dma_start3A_3659 : memref<80xi32, #tpu.memory_space<vmem>>) target_semaphore(%arg21 : memref<!tpu.dma_semaphore, #tpu.memory_space<semaphore_mem>>)
      %add3A_3661 = arith.constant 320000 : i32
      %add3A_3662 = arith.addi %multiple_of3A_3654, %add3A_3661 : i32
      %dma_start3A_3663 = arith.constant 1 : i32
      %dma_start3A_3664 = arith.constant 0 : i32
      %dma_start3A_3665 = tpu.memref_slice %arg6[%dma_start3A_3663, %dma_start3A_3664] : memref<4x80xi32, #tpu.memory_space<vmem>> -> memref<1x80xi32, #tpu.memory_space<vmem>>
      %dma_start3A_3666 = tpu.memref_squeeze %dma_start3A_3665 : memref<1x80xi32, #tpu.memory_space<vmem>> -> memref<80xi32, #tpu.memory_space<vmem>>
      %dma_start3A_3667 = tpu.memref_slice %arg3[%add3A_3662] : memref<640000xi32, #tpu.memory_space<hbm>> -> memref<80xi32, #tpu.memory_space<hbm>>
      %dma_start3A_3668 = arith.constant 0 : i32
      %dma_start3A_3669 = tpu.memref_slice %arg6[%dma_start3A_3663, %dma_start3A_3668] : memref<4x80xi32, #tpu.memory_space<vmem>> -> memref<1x80xi32, #tpu.memory_space<vmem>>
      %dma_start3A_3670 = tpu.memref_squeeze %dma_start3A_3669 : memref<1x80xi32, #tpu.memory_space<vmem>> -> memref<80xi32, #tpu.memory_space<vmem>>
      %dma_start3A_3671 = tpu.memref_slice %arg3[%add3A_3662] : memref<640000xi32, #tpu.memory_space<hbm>> -> memref<80xi32, #tpu.memory_space<hbm>>
      tpu.enqueue_dma source(%dma_start3A_3671 : memref<80xi32, #tpu.memory_space<hbm>>) target(%dma_start3A_3670 : memref<80xi32, #tpu.memory_space<vmem>>) target_semaphore(%arg19 : memref<!tpu.dma_semaphore, #tpu.memory_space<semaphore_mem>>)
      %dma_wait3A_3672 = arith.constant 0 : i32
      %dma_wait3A_3673 = tpu.memref_slice %arg22[%dma_wait3A_3672] : memref<320xi32, #tpu.memory_space<vmem>> -> memref<80xi32, #tpu.memory_space<vmem>>
      %dma_wait3A_3674 = arith.constant 0 : i32
      %dma_wait3A_3675 = tpu.memref_slice %arg3[%dma_wait3A_3674] : memref<640000xi32, #tpu.memory_space<hbm>> -> memref<80xi32, #tpu.memory_space<hbm>>
      %dma_wait3A_3676 = arith.constant 0 : i32
      %dma_wait3A_3677 = tpu.memref_slice %arg22[%dma_wait3A_3676] : memref<320xi32, #tpu.memory_space<vmem>> -> memref<80xi32, #tpu.memory_space<vmem>>
      %dma_wait3A_3678 = arith.constant 0 : i32
      %dma_wait3A_3679 = tpu.memref_slice %arg3[%dma_wait3A_3678] : memref<640000xi32, #tpu.memory_space<hbm>> -> memref<80xi32, #tpu.memory_space<hbm>>
      tpu.wait_dma2 semaphore(%arg21 : memref<!tpu.dma_semaphore, #tpu.memory_space<semaphore_mem>>) src(%dma_wait3A_3679 : memref<80xi32, #tpu.memory_space<hbm>>) dst(%dma_wait3A_3677 : memref<80xi32, #tpu.memory_space<vmem>>)
      %dma_start3A_3680 = arith.constant 0 : i32
      %dma_start3A_3681 = tpu.memref_slice %arg22[%dma_start3A_3680] : memref<320xi32, #tpu.memory_space<vmem>> -> memref<80xi32, #tpu.memory_space<vmem>>
      %dma_start3A_3682 = arith.constant 0 : i32
      %dma_start3A_3683 = arith.constant 0 : i32
      %dma_start3A_3684 = tpu.memref_slice %arg2[%dma_start3A_3682, %dma_start3A_3683] : memref<10000x128xf32, #tpu.memory_space<hbm>> -> memref<10000x128xf32, #tpu.memory_space<hbm>>
      tpu.enqueue_indirect_dma source(%dma_start3A_3684 : memref<10000x128xf32, #tpu.memory_space<hbm>>) target(%arg11 : memref<80x128xf32, #tpu.memory_space<vmem>>) offsets(%dma_start3A_3681 : memref<80xi32, #tpu.memory_space<vmem>>) semaphore(%arg7 : memref<!tpu.dma_semaphore, #tpu.memory_space<semaphore_mem>>)
      %add3A_3685 = arith.constant 2 : i32
      %add3A_3686 = arith.addi %add3A_3544, %add3A_3685 : i32
      %dma_wait3A_3687 = arith.constant 240 : i32
      %dma_wait3A_3688 = tpu.memref_slice %arg22[%dma_wait3A_3687] : memref<320xi32, #tpu.memory_space<vmem>> -> memref<80xi32, #tpu.memory_space<vmem>>
      %dma_wait3A_3689 = arith.constant 0 : i32
      %dma_wait3A_3690 = arith.constant 0 : i32
      %dma_wait3A_3691 = tpu.memref_slice %arg2[%dma_wait3A_3689, %dma_wait3A_3690] : memref<10000x128xf32, #tpu.memory_space<hbm>> -> memref<10000x128xf32, #tpu.memory_space<hbm>>
      tpu.wait_indirect_dma semaphore(%arg10 : memref<!tpu.dma_semaphore, #tpu.memory_space<semaphore_mem>>) src(%dma_wait3A_3691 : memref<10000x128xf32, #tpu.memory_space<hbm>>) dst(%arg14 : memref<80x128xf32, #tpu.memory_space<vmem>>)
      %dma_wait3A_3692 = arith.constant 0 : i32
      %dma_wait3A_3693 = arith.constant 0 : i32
      %dma_wait3A_3694 = tpu.memref_slice %arg6[%dma_wait3A_3692, %dma_wait3A_3693] : memref<4x80xi32, #tpu.memory_space<vmem>> -> memref<1x80xi32, #tpu.memory_space<vmem>>
      %dma_wait3A_3695 = tpu.memref_squeeze %dma_wait3A_3694 : memref<1x80xi32, #tpu.memory_space<vmem>> -> memref<80xi32, #tpu.memory_space<vmem>>
      %dma_wait3A_3696 = arith.constant 0 : i32
      %dma_wait3A_3697 = tpu.memref_slice %arg3[%dma_wait3A_3696] : memref<640000xi32, #tpu.memory_space<hbm>> -> memref<80xi32, #tpu.memory_space<hbm>>
      %dma_wait3A_3698 = arith.constant 0 : i32
      %dma_wait3A_3699 = tpu.memref_slice %arg6[%dma_wait3A_3692, %dma_wait3A_3698] : memref<4x80xi32, #tpu.memory_space<vmem>> -> memref<1x80xi32, #tpu.memory_space<vmem>>
      %dma_wait3A_3700 = tpu.memref_squeeze %dma_wait3A_3699 : memref<1x80xi32, #tpu.memory_space<vmem>> -> memref<80xi32, #tpu.memory_space<vmem>>
      %dma_wait3A_3701 = arith.constant 0 : i32
      %dma_wait3A_3702 = tpu.memref_slice %arg3[%dma_wait3A_3701] : memref<640000xi32, #tpu.memory_space<hbm>> -> memref<80xi32, #tpu.memory_space<hbm>>
      tpu.wait_dma2 semaphore(%arg19 : memref<!tpu.dma_semaphore, #tpu.memory_space<semaphore_mem>>) src(%dma_wait3A_3702 : memref<80xi32, #tpu.memory_space<hbm>>) dst(%dma_wait3A_3700 : memref<80xi32, #tpu.memory_space<vmem>>)
      %dma_start3A_3703 = arith.constant 3 : i32
      %dma_start3A_3704 = arith.constant 0 : i32
      %dma_start3A_3705 = tpu.memref_slice %arg6[%dma_start3A_3703, %dma_start3A_3704] : memref<4x80xi32, #tpu.memory_space<vmem>> -> memref<1x80xi32, #tpu.memory_space<vmem>>
      %dma_start3A_3706 = tpu.memref_squeeze %dma_start3A_3705 : memref<1x80xi32, #tpu.memory_space<vmem>> -> memref<80xi32, #tpu.memory_space<vmem>>
      %dma_start3A_3707 = arith.constant 0 : i32
      %dma_start3A_3708 = arith.constant 0 : i32
      %dma_start3A_3709 = tpu.memref_slice %arg5[%dma_start3A_3707, %dma_start3A_3708] : memref<10000x128xf32, #tpu.memory_space<vmem_shared>> -> memref<10000x128xf32, #tpu.memory_space<vmem_shared>>
      tpu.enqueue_indirect_dma source(%arg14 : memref<80x128xf32, #tpu.memory_space<vmem>>) target(%dma_start3A_3709 : memref<10000x128xf32, #tpu.memory_space<vmem_shared>>) offsets(%dma_start3A_3706 : memref<80xi32, #tpu.memory_space<vmem>>) semaphore(%arg18 : memref<!tpu.dma_semaphore, #tpu.memory_space<semaphore_mem>>) {add = true}
      %dma_wait3A_3710 = arith.constant 2 : i32
      %dma_wait3A_3711 = arith.constant 0 : i32
      %dma_wait3A_3712 = tpu.memref_slice %arg6[%dma_wait3A_3710, %dma_wait3A_3711] : memref<4x80xi32, #tpu.memory_space<vmem>> -> memref<1x80xi32, #tpu.memory_space<vmem>>
      %dma_wait3A_3713 = tpu.memref_squeeze %dma_wait3A_3712 : memref<1x80xi32, #tpu.memory_space<vmem>> -> memref<80xi32, #tpu.memory_space<vmem>>
      %dma_wait3A_3714 = arith.constant 0 : i32
      %dma_wait3A_3715 = arith.constant 0 : i32
      %dma_wait3A_3716 = tpu.memref_slice %arg5[%dma_wait3A_3714, %dma_wait3A_3715] : memref<10000x128xf32, #tpu.memory_space<vmem_shared>> -> memref<10000x128xf32, #tpu.memory_space<vmem_shared>>
      tpu.wait_indirect_dma semaphore(%arg17 : memref<!tpu.dma_semaphore, #tpu.memory_space<semaphore_mem>>) src(%arg13 : memref<80x128xf32, #tpu.memory_space<vmem>>) dst(%dma_wait3A_3716 : memref<10000x128xf32, #tpu.memory_space<vmem_shared>>)
      %add3A_3717 = arith.constant 3 : i32
      %add3A_3718 = arith.addi %add3A_3686, %add3A_3717 : i32
      %mul3A_3719 = arith.constant 10000 : i32
      %mul3A_3720 = arith.muli %add3A, %mul3A_3719 : i32
      %mul3A_3721 = arith.constant 80 : i32
      %mul3A_3722 = arith.muli %add3A_3718, %mul3A_3721 : i32
      %add3A_3723 = arith.addi %mul3A_3720, %mul3A_3722 : i32
      %multiple_of3A_3724 = tpu.assume_multiple %add3A_3723, 80 : i32
      %dma_start3A_3725 = arith.constant 160 : i32
      %dma_start3A_3726 = tpu.memref_slice %arg22[%dma_start3A_3725] : memref<320xi32, #tpu.memory_space<vmem>> -> memref<80xi32, #tpu.memory_space<vmem>>
      %dma_start3A_3727 = tpu.memref_slice %arg3[%multiple_of3A_3724] : memref<640000xi32, #tpu.memory_space<hbm>> -> memref<80xi32, #tpu.memory_space<hbm>>
      %dma_start3A_3728 = arith.constant 160 : i32
      %dma_start3A_3729 = tpu.memref_slice %arg22[%dma_start3A_3728] : memref<320xi32, #tpu.memory_space<vmem>> -> memref<80xi32, #tpu.memory_space<vmem>>
      %dma_start3A_3730 = tpu.memref_slice %arg3[%multiple_of3A_3724] : memref<640000xi32, #tpu.memory_space<hbm>> -> memref<80xi32, #tpu.memory_space<hbm>>
      tpu.enqueue_dma source(%dma_start3A_3730 : memref<80xi32, #tpu.memory_space<hbm>>) target(%dma_start3A_3729 : memref<80xi32, #tpu.memory_space<vmem>>) target_semaphore(%arg21 : memref<!tpu.dma_semaphore, #tpu.memory_space<semaphore_mem>>)
      %add3A_3731 = arith.constant 320000 : i32
      %add3A_3732 = arith.addi %multiple_of3A_3724, %add3A_3731 : i32
      %dma_start3A_3733 = arith.constant 2 : i32
      %dma_start3A_3734 = arith.constant 0 : i32
      %dma_start3A_3735 = tpu.memref_slice %arg6[%dma_start3A_3733, %dma_start3A_3734] : memref<4x80xi32, #tpu.memory_space<vmem>> -> memref<1x80xi32, #tpu.memory_space<vmem>>
      %dma_start3A_3736 = tpu.memref_squeeze %dma_start3A_3735 : memref<1x80xi32, #tpu.memory_space<vmem>> -> memref<80xi32, #tpu.memory_space<vmem>>
      %dma_start3A_3737 = tpu.memref_slice %arg3[%add3A_3732] : memref<640000xi32, #tpu.memory_space<hbm>> -> memref<80xi32, #tpu.memory_space<hbm>>
      %dma_start3A_3738 = arith.constant 0 : i32
      %dma_start3A_3739 = tpu.memref_slice %arg6[%dma_start3A_3733, %dma_start3A_3738] : memref<4x80xi32, #tpu.memory_space<vmem>> -> memref<1x80xi32, #tpu.memory_space<vmem>>
      %dma_start3A_3740 = tpu.memref_squeeze %dma_start3A_3739 : memref<1x80xi32, #tpu.memory_space<vmem>> -> memref<80xi32, #tpu.memory_space<vmem>>
      %dma_start3A_3741 = tpu.memref_slice %arg3[%add3A_3732] : memref<640000xi32, #tpu.memory_space<hbm>> -> memref<80xi32, #tpu.memory_space<hbm>>
      tpu.enqueue_dma source(%dma_start3A_3741 : memref<80xi32, #tpu.memory_space<hbm>>) target(%dma_start3A_3740 : memref<80xi32, #tpu.memory_space<vmem>>) target_semaphore(%arg19 : memref<!tpu.dma_semaphore, #tpu.memory_space<semaphore_mem>>)
      %dma_wait3A_3742 = arith.constant 0 : i32
      %dma_wait3A_3743 = tpu.memref_slice %arg22[%dma_wait3A_3742] : memref<320xi32, #tpu.memory_space<vmem>> -> memref<80xi32, #tpu.memory_space<vmem>>
      %dma_wait3A_3744 = arith.constant 0 : i32
      %dma_wait3A_3745 = tpu.memref_slice %arg3[%dma_wait3A_3744] : memref<640000xi32, #tpu.memory_space<hbm>> -> memref<80xi32, #tpu.memory_space<hbm>>
      %dma_wait3A_3746 = arith.constant 0 : i32
      %dma_wait3A_3747 = tpu.memref_slice %arg22[%dma_wait3A_3746] : memref<320xi32, #tpu.memory_space<vmem>> -> memref<80xi32, #tpu.memory_space<vmem>>
      %dma_wait3A_3748 = arith.constant 0 : i32
      %dma_wait3A_3749 = tpu.memref_slice %arg3[%dma_wait3A_3748] : memref<640000xi32, #tpu.memory_space<hbm>> -> memref<80xi32, #tpu.memory_space<hbm>>
      tpu.wait_dma2 semaphore(%arg21 : memref<!tpu.dma_semaphore, #tpu.memory_space<semaphore_mem>>) src(%dma_wait3A_3749 : memref<80xi32, #tpu.memory_space<hbm>>) dst(%dma_wait3A_3747 : memref<80xi32, #tpu.memory_space<vmem>>)
      %dma_start3A_3750 = arith.constant 80 : i32
      %dma_start3A_3751 = tpu.memref_slice %arg22[%dma_start3A_3750] : memref<320xi32, #tpu.memory_space<vmem>> -> memref<80xi32, #tpu.memory_space<vmem>>
      %dma_start3A_3752 = arith.constant 0 : i32
      %dma_start3A_3753 = arith.constant 0 : i32
      %dma_start3A_3754 = tpu.memref_slice %arg2[%dma_start3A_3752, %dma_start3A_3753] : memref<10000x128xf32, #tpu.memory_space<hbm>> -> memref<10000x128xf32, #tpu.memory_space<hbm>>
      tpu.enqueue_indirect_dma source(%dma_start3A_3754 : memref<10000x128xf32, #tpu.memory_space<hbm>>) target(%arg12 : memref<80x128xf32, #tpu.memory_space<vmem>>) offsets(%dma_start3A_3751 : memref<80xi32, #tpu.memory_space<vmem>>) semaphore(%arg8 : memref<!tpu.dma_semaphore, #tpu.memory_space<semaphore_mem>>)
      %add3A_3755 = arith.constant 3 : i32
      %add3A_3756 = arith.addi %add3A_3544, %add3A_3755 : i32
      %dma_wait3A_3757 = arith.constant 0 : i32
      %dma_wait3A_3758 = tpu.memref_slice %arg22[%dma_wait3A_3757] : memref<320xi32, #tpu.memory_space<vmem>> -> memref<80xi32, #tpu.memory_space<vmem>>
      %dma_wait3A_3759 = arith.constant 0 : i32
      %dma_wait3A_3760 = arith.constant 0 : i32
      %dma_wait3A_3761 = tpu.memref_slice %arg2[%dma_wait3A_3759, %dma_wait3A_3760] : memref<10000x128xf32, #tpu.memory_space<hbm>> -> memref<10000x128xf32, #tpu.memory_space<hbm>>
      tpu.wait_indirect_dma semaphore(%arg7 : memref<!tpu.dma_semaphore, #tpu.memory_space<semaphore_mem>>) src(%dma_wait3A_3761 : memref<10000x128xf32, #tpu.memory_space<hbm>>) dst(%arg11 : memref<80x128xf32, #tpu.memory_space<vmem>>)
      %dma_wait3A_3762 = arith.constant 0 : i32
      %dma_wait3A_3763 = arith.constant 0 : i32
      %dma_wait3A_3764 = tpu.memref_slice %arg6[%dma_wait3A_3762, %dma_wait3A_3763] : memref<4x80xi32, #tpu.memory_space<vmem>> -> memref<1x80xi32, #tpu.memory_space<vmem>>
      %dma_wait3A_3765 = tpu.memref_squeeze %dma_wait3A_3764 : memref<1x80xi32, #tpu.memory_space<vmem>> -> memref<80xi32, #tpu.memory_space<vmem>>
      %dma_wait3A_3766 = arith.constant 0 : i32
      %dma_wait3A_3767 = tpu.memref_slice %arg3[%dma_wait3A_3766] : memref<640000xi32, #tpu.memory_space<hbm>> -> memref<80xi32, #tpu.memory_space<hbm>>
      %dma_wait3A_3768 = arith.constant 0 : i32
      %dma_wait3A_3769 = tpu.memref_slice %arg6[%dma_wait3A_3762, %dma_wait3A_3768] : memref<4x80xi32, #tpu.memory_space<vmem>> -> memref<1x80xi32, #tpu.memory_space<vmem>>
      %dma_wait3A_3770 = tpu.memref_squeeze %dma_wait3A_3769 : memref<1x80xi32, #tpu.memory_space<vmem>> -> memref<80xi32, #tpu.memory_space<vmem>>
      %dma_wait3A_3771 = arith.constant 0 : i32
      %dma_wait3A_3772 = tpu.memref_slice %arg3[%dma_wait3A_3771] : memref<640000xi32, #tpu.memory_space<hbm>> -> memref<80xi32, #tpu.memory_space<hbm>>
      tpu.wait_dma2 semaphore(%arg19 : memref<!tpu.dma_semaphore, #tpu.memory_space<semaphore_mem>>) src(%dma_wait3A_3772 : memref<80xi32, #tpu.memory_space<hbm>>) dst(%dma_wait3A_3770 : memref<80xi32, #tpu.memory_space<vmem>>)
      %dma_start3A_3773 = arith.constant 0 : i32
      %dma_start3A_3774 = arith.constant 0 : i32
      %dma_start3A_3775 = tpu.memref_slice %arg6[%dma_start3A_3773, %dma_start3A_3774] : memref<4x80xi32, #tpu.memory_space<vmem>> -> memref<1x80xi32, #tpu.memory_space<vmem>>
      %dma_start3A_3776 = tpu.memref_squeeze %dma_start3A_3775 : memref<1x80xi32, #tpu.memory_space<vmem>> -> memref<80xi32, #tpu.memory_space<vmem>>
      %dma_start3A_3777 = arith.constant 0 : i32
      %dma_start3A_3778 = arith.constant 0 : i32
      %dma_start3A_3779 = tpu.memref_slice %arg5[%dma_start3A_3777, %dma_start3A_3778] : memref<10000x128xf32, #tpu.memory_space<vmem_shared>> -> memref<10000x128xf32, #tpu.memory_space<vmem_shared>>
      tpu.enqueue_indirect_dma source(%arg11 : memref<80x128xf32, #tpu.memory_space<vmem>>) target(%dma_start3A_3779 : memref<10000x128xf32, #tpu.memory_space<vmem_shared>>) offsets(%dma_start3A_3776 : memref<80xi32, #tpu.memory_space<vmem>>) semaphore(%arg15 : memref<!tpu.dma_semaphore, #tpu.memory_space<semaphore_mem>>) {add = true}
      %dma_wait3A_3780 = arith.constant 3 : i32
      %dma_wait3A_3781 = arith.constant 0 : i32
      %dma_wait3A_3782 = tpu.memref_slice %arg6[%dma_wait3A_3780, %dma_wait3A_3781] : memref<4x80xi32, #tpu.memory_space<vmem>> -> memref<1x80xi32, #tpu.memory_space<vmem>>
      %dma_wait3A_3783 = tpu.memref_squeeze %dma_wait3A_3782 : memref<1x80xi32, #tpu.memory_space<vmem>> -> memref<80xi32, #tpu.memory_space<vmem>>
      %dma_wait3A_3784 = arith.constant 0 : i32
      %dma_wait3A_3785 = arith.constant 0 : i32
      %dma_wait3A_3786 = tpu.memref_slice %arg5[%dma_wait3A_3784, %dma_wait3A_3785] : memref<10000x128xf32, #tpu.memory_space<vmem_shared>> -> memref<10000x128xf32, #tpu.memory_space<vmem_shared>>
      tpu.wait_indirect_dma semaphore(%arg18 : memref<!tpu.dma_semaphore, #tpu.memory_space<semaphore_mem>>) src(%arg14 : memref<80x128xf32, #tpu.memory_space<vmem>>) dst(%dma_wait3A_3786 : memref<10000x128xf32, #tpu.memory_space<vmem_shared>>)
      %add3A_3787 = arith.constant 3 : i32
      %add3A_3788 = arith.addi %add3A_3756, %add3A_3787 : i32
      %mul3A_3789 = arith.constant 10000 : i32
      %mul3A_3790 = arith.muli %add3A, %mul3A_3789 : i32
      %mul3A_3791 = arith.constant 80 : i32
      %mul3A_3792 = arith.muli %add3A_3788, %mul3A_3791 : i32
      %add3A_3793 = arith.addi %mul3A_3790, %mul3A_3792 : i32
      %multiple_of3A_3794 = tpu.assume_multiple %add3A_3793, 80 : i32
      %dma_start3A_3795 = arith.constant 240 : i32
      %dma_start3A_3796 = tpu.memref_slice %arg22[%dma_start3A_3795] : memref<320xi32, #tpu.memory_space<vmem>> -> memref<80xi32, #tpu.memory_space<vmem>>
      %dma_start3A_3797 = tpu.memref_slice %arg3[%multiple_of3A_3794] : memref<640000xi32, #tpu.memory_space<hbm>> -> memref<80xi32, #tpu.memory_space<hbm>>
      %dma_start3A_3798 = arith.constant 240 : i32
      %dma_start3A_3799 = tpu.memref_slice %arg22[%dma_start3A_3798] : memref<320xi32, #tpu.memory_space<vmem>> -> memref<80xi32, #tpu.memory_space<vmem>>
      %dma_start3A_3800 = tpu.memref_slice %arg3[%multiple_of3A_3794] : memref<640000xi32, #tpu.memory_space<hbm>> -> memref<80xi32, #tpu.memory_space<hbm>>
      tpu.enqueue_dma source(%dma_start3A_3800 : memref<80xi32, #tpu.memory_space<hbm>>) target(%dma_start3A_3799 : memref<80xi32, #tpu.memory_space<vmem>>) target_semaphore(%arg21 : memref<!tpu.dma_semaphore, #tpu.memory_space<semaphore_mem>>)
      %add3A_3801 = arith.constant 320000 : i32
      %add3A_3802 = arith.addi %multiple_of3A_3794, %add3A_3801 : i32
      %dma_start3A_3803 = arith.constant 3 : i32
      %dma_start3A_3804 = arith.constant 0 : i32
      %dma_start3A_3805 = tpu.memref_slice %arg6[%dma_start3A_3803, %dma_start3A_3804] : memref<4x80xi32, #tpu.memory_space<vmem>> -> memref<1x80xi32, #tpu.memory_space<vmem>>
      %dma_start3A_3806 = tpu.memref_squeeze %dma_start3A_3805 : memref<1x80xi32, #tpu.memory_space<vmem>> -> memref<80xi32, #tpu.memory_space<vmem>>
      %dma_start3A_3807 = tpu.memref_slice %arg3[%add3A_3802] : memref<640000xi32, #tpu.memory_space<hbm>> -> memref<80xi32, #tpu.memory_space<hbm>>
      %dma_start3A_3808 = arith.constant 0 : i32
      %dma_start3A_3809 = tpu.memref_slice %arg6[%dma_start3A_3803, %dma_start3A_3808] : memref<4x80xi32, #tpu.memory_space<vmem>> -> memref<1x80xi32, #tpu.memory_space<vmem>>
      %dma_start3A_3810 = tpu.memref_squeeze %dma_start3A_3809 : memref<1x80xi32, #tpu.memory_space<vmem>> -> memref<80xi32, #tpu.memory_space<vmem>>
      %dma_start3A_3811 = tpu.memref_slice %arg3[%add3A_3802] : memref<640000xi32, #tpu.memory_space<hbm>> -> memref<80xi32, #tpu.memory_space<hbm>>
      tpu.enqueue_dma source(%dma_start3A_3811 : memref<80xi32, #tpu.memory_space<hbm>>) target(%dma_start3A_3810 : memref<80xi32, #tpu.memory_space<vmem>>) target_semaphore(%arg19 : memref<!tpu.dma_semaphore, #tpu.memory_space<semaphore_mem>>)
      %dma_wait3A_3812 = arith.constant 0 : i32
      %dma_wait3A_3813 = tpu.memref_slice %arg22[%dma_wait3A_3812] : memref<320xi32, #tpu.memory_space<vmem>> -> memref<80xi32, #tpu.memory_space<vmem>>
      %dma_wait3A_3814 = arith.constant 0 : i32
      %dma_wait3A_3815 = tpu.memref_slice %arg3[%dma_wait3A_3814] : memref<640000xi32, #tpu.memory_space<hbm>> -> memref<80xi32, #tpu.memory_space<hbm>>
      %dma_wait3A_3816 = arith.constant 0 : i32
      %dma_wait3A_3817 = tpu.memref_slice %arg22[%dma_wait3A_3816] : memref<320xi32, #tpu.memory_space<vmem>> -> memref<80xi32, #tpu.memory_space<vmem>>
      %dma_wait3A_3818 = arith.constant 0 : i32
      %dma_wait3A_3819 = tpu.memref_slice %arg3[%dma_wait3A_3818] : memref<640000xi32, #tpu.memory_space<hbm>> -> memref<80xi32, #tpu.memory_space<hbm>>
      tpu.wait_dma2 semaphore(%arg21 : memref<!tpu.dma_semaphore, #tpu.memory_space<semaphore_mem>>) src(%dma_wait3A_3819 : memref<80xi32, #tpu.memory_space<hbm>>) dst(%dma_wait3A_3817 : memref<80xi32, #tpu.memory_space<vmem>>)
      %dma_start3A_3820 = arith.constant 160 : i32
      %dma_start3A_3821 = tpu.memref_slice %arg22[%dma_start3A_3820] : memref<320xi32, #tpu.memory_space<vmem>> -> memref<80xi32, #tpu.memory_space<vmem>>
      %dma_start3A_3822 = arith.constant 0 : i32
      %dma_start3A_3823 = arith.constant 0 : i32
      %dma_start3A_3824 = tpu.memref_slice %arg2[%dma_start3A_3822, %dma_start3A_3823] : memref<10000x128xf32, #tpu.memory_space<hbm>> -> memref<10000x128xf32, #tpu.memory_space<hbm>>
      tpu.enqueue_indirect_dma source(%dma_start3A_3824 : memref<10000x128xf32, #tpu.memory_space<hbm>>) target(%arg13 : memref<80x128xf32, #tpu.memory_space<vmem>>) offsets(%dma_start3A_3821 : memref<80xi32, #tpu.memory_space<vmem>>) semaphore(%arg9 : memref<!tpu.dma_semaphore, #tpu.memory_space<semaphore_mem>>)
      %scan3A_3825 = arith.constant 0 : i32
      scf.yield %scan3A_3825 : i32
    }
    %scan3A_3357 = arith.constant 30 : i32
    %dma_wait3A_3358 = arith.constant 80 : i32
    %dma_wait3A_3359 = tpu.memref_slice %arg22[%dma_wait3A_3358] : memref<320xi32, #tpu.memory_space<vmem>> -> memref<80xi32, #tpu.memory_space<vmem>>
    %dma_wait3A_3360 = arith.constant 0 : i32
    %dma_wait3A_3361 = arith.constant 0 : i32
    %dma_wait3A_3362 = tpu.memref_slice %arg2[%dma_wait3A_3360, %dma_wait3A_3361] : memref<10000x128xf32, #tpu.memory_space<hbm>> -> memref<10000x128xf32, #tpu.memory_space<hbm>>
    tpu.wait_indirect_dma semaphore(%arg8 : memref<!tpu.dma_semaphore, #tpu.memory_space<semaphore_mem>>) src(%dma_wait3A_3362 : memref<10000x128xf32, #tpu.memory_space<hbm>>) dst(%arg12 : memref<80x128xf32, #tpu.memory_space<vmem>>)
    %dma_wait3A_3363 = arith.constant 0 : i32
    %dma_wait3A_3364 = arith.constant 0 : i32
    %dma_wait3A_3365 = tpu.memref_slice %arg6[%dma_wait3A_3363, %dma_wait3A_3364] : memref<4x80xi32, #tpu.memory_space<vmem>> -> memref<1x80xi32, #tpu.memory_space<vmem>>
    %dma_wait3A_3366 = tpu.memref_squeeze %dma_wait3A_3365 : memref<1x80xi32, #tpu.memory_space<vmem>> -> memref<80xi32, #tpu.memory_space<vmem>>
    %dma_wait3A_3367 = arith.constant 0 : i32
    %dma_wait3A_3368 = tpu.memref_slice %arg3[%dma_wait3A_3367] : memref<640000xi32, #tpu.memory_space<hbm>> -> memref<80xi32, #tpu.memory_space<hbm>>
    %dma_wait3A_3369 = arith.constant 0 : i32
    %dma_wait3A_3370 = tpu.memref_slice %arg6[%dma_wait3A_3363, %dma_wait3A_3369] : memref<4x80xi32, #tpu.memory_space<vmem>> -> memref<1x80xi32, #tpu.memory_space<vmem>>
    %dma_wait3A_3371 = tpu.memref_squeeze %dma_wait3A_3370 : memref<1x80xi32, #tpu.memory_space<vmem>> -> memref<80xi32, #tpu.memory_space<vmem>>
    %dma_wait3A_3372 = arith.constant 0 : i32
    %dma_wait3A_3373 = tpu.memref_slice %arg3[%dma_wait3A_3372] : memref<640000xi32, #tpu.memory_space<hbm>> -> memref<80xi32, #tpu.memory_space<hbm>>
    tpu.wait_dma2 semaphore(%arg19 : memref<!tpu.dma_semaphore, #tpu.memory_space<semaphore_mem>>) src(%dma_wait3A_3373 : memref<80xi32, #tpu.memory_space<hbm>>) dst(%dma_wait3A_3371 : memref<80xi32, #tpu.memory_space<vmem>>)
    %dma_start3A_3374 = arith.constant 1 : i32
    %dma_start3A_3375 = arith.constant 0 : i32
    %dma_start3A_3376 = tpu.memref_slice %arg6[%dma_start3A_3374, %dma_start3A_3375] : memref<4x80xi32, #tpu.memory_space<vmem>> -> memref<1x80xi32, #tpu.memory_space<vmem>>
    %dma_start3A_3377 = tpu.memref_squeeze %dma_start3A_3376 : memref<1x80xi32, #tpu.memory_space<vmem>> -> memref<80xi32, #tpu.memory_space<vmem>>
    %dma_start3A_3378 = arith.constant 0 : i32
    %dma_start3A_3379 = arith.constant 0 : i32
    %dma_start3A_3380 = tpu.memref_slice %arg5[%dma_start3A_3378, %dma_start3A_3379] : memref<10000x128xf32, #tpu.memory_space<vmem_shared>> -> memref<10000x128xf32, #tpu.memory_space<vmem_shared>>
    tpu.enqueue_indirect_dma source(%arg12 : memref<80x128xf32, #tpu.memory_space<vmem>>) target(%dma_start3A_3380 : memref<10000x128xf32, #tpu.memory_space<vmem_shared>>) offsets(%dma_start3A_3377 : memref<80xi32, #tpu.memory_space<vmem>>) semaphore(%arg16 : memref<!tpu.dma_semaphore, #tpu.memory_space<semaphore_mem>>) {add = true}
    %dma_wait3A_3381 = arith.constant 0 : i32
    %dma_wait3A_3382 = arith.constant 0 : i32
    %dma_wait3A_3383 = tpu.memref_slice %arg6[%dma_wait3A_3381, %dma_wait3A_3382] : memref<4x80xi32, #tpu.memory_space<vmem>> -> memref<1x80xi32, #tpu.memory_space<vmem>>
    %dma_wait3A_3384 = tpu.memref_squeeze %dma_wait3A_3383 : memref<1x80xi32, #tpu.memory_space<vmem>> -> memref<80xi32, #tpu.memory_space<vmem>>
    %dma_wait3A_3385 = arith.constant 0 : i32
    %dma_wait3A_3386 = arith.constant 0 : i32
    %dma_wait3A_3387 = tpu.memref_slice %arg5[%dma_wait3A_3385, %dma_wait3A_3386] : memref<10000x128xf32, #tpu.memory_space<vmem_shared>> -> memref<10000x128xf32, #tpu.memory_space<vmem_shared>>
    tpu.wait_indirect_dma semaphore(%arg15 : memref<!tpu.dma_semaphore, #tpu.memory_space<semaphore_mem>>) src(%arg11 : memref<80x128xf32, #tpu.memory_space<vmem>>) dst(%dma_wait3A_3387 : memref<10000x128xf32, #tpu.memory_space<vmem_shared>>)
    %mul3A_3388 = arith.constant 10000 : i32
    %mul3A_3389 = arith.muli %add3A, %mul3A_3388 : i32
    %add3A_3390 = arith.constant 9920 : i32
    %add3A_3391 = arith.addi %mul3A_3389, %add3A_3390 : i32
    %multiple_of3A_3392 = tpu.assume_multiple %add3A_3391, 80 : i32
    %dma_start3A_3393 = arith.constant 0 : i32
    %dma_start3A_3394 = tpu.memref_slice %arg22[%dma_start3A_3393] : memref<320xi32, #tpu.memory_space<vmem>> -> memref<80xi32, #tpu.memory_space<vmem>>
    %dma_start3A_3395 = tpu.memref_slice %arg3[%multiple_of3A_3392] : memref<640000xi32, #tpu.memory_space<hbm>> -> memref<80xi32, #tpu.memory_space<hbm>>
    %dma_start3A_3396 = arith.constant 0 : i32
    %dma_start3A_3397 = tpu.memref_slice %arg22[%dma_start3A_3396] : memref<320xi32, #tpu.memory_space<vmem>> -> memref<80xi32, #tpu.memory_space<vmem>>
    %dma_start3A_3398 = tpu.memref_slice %arg3[%multiple_of3A_3392] : memref<640000xi32, #tpu.memory_space<hbm>> -> memref<80xi32, #tpu.memory_space<hbm>>
    tpu.enqueue_dma source(%dma_start3A_3398 : memref<80xi32, #tpu.memory_space<hbm>>) target(%dma_start3A_3397 : memref<80xi32, #tpu.memory_space<vmem>>) target_semaphore(%arg21 : memref<!tpu.dma_semaphore, #tpu.memory_space<semaphore_mem>>)
    %add3A_3399 = arith.constant 320000 : i32
    %add3A_3400 = arith.addi %multiple_of3A_3392, %add3A_3399 : i32
    %dma_start3A_3401 = arith.constant 0 : i32
    %dma_start3A_3402 = arith.constant 0 : i32
    %dma_start3A_3403 = tpu.memref_slice %arg6[%dma_start3A_3401, %dma_start3A_3402] : memref<4x80xi32, #tpu.memory_space<vmem>> -> memref<1x80xi32, #tpu.memory_space<vmem>>
    %dma_start3A_3404 = tpu.memref_squeeze %dma_start3A_3403 : memref<1x80xi32, #tpu.memory_space<vmem>> -> memref<80xi32, #tpu.memory_space<vmem>>
    %dma_start3A_3405 = tpu.memref_slice %arg3[%add3A_3400] : memref<640000xi32, #tpu.memory_space<hbm>> -> memref<80xi32, #tpu.memory_space<hbm>>
    %dma_start3A_3406 = arith.constant 0 : i32
    %dma_start3A_3407 = tpu.memref_slice %arg6[%dma_start3A_3401, %dma_start3A_3406] : memref<4x80xi32, #tpu.memory_space<vmem>> -> memref<1x80xi32, #tpu.memory_space<vmem>>
    %dma_start3A_3408 = tpu.memref_squeeze %dma_start3A_3407 : memref<1x80xi32, #tpu.memory_space<vmem>> -> memref<80xi32, #tpu.memory_space<vmem>>
    %dma_start3A_3409 = tpu.memref_slice %arg3[%add3A_3400] : memref<640000xi32, #tpu.memory_space<hbm>> -> memref<80xi32, #tpu.memory_space<hbm>>
    tpu.enqueue_dma source(%dma_start3A_3409 : memref<80xi32, #tpu.memory_space<hbm>>) target(%dma_start3A_3408 : memref<80xi32, #tpu.memory_space<vmem>>) target_semaphore(%arg19 : memref<!tpu.dma_semaphore, #tpu.memory_space<semaphore_mem>>)
    %dma_wait3A_3410 = arith.constant 0 : i32
    %dma_wait3A_3411 = tpu.memref_slice %arg22[%dma_wait3A_3410] : memref<320xi32, #tpu.memory_space<vmem>> -> memref<80xi32, #tpu.memory_space<vmem>>
    %dma_wait3A_3412 = arith.constant 0 : i32
    %dma_wait3A_3413 = tpu.memref_slice %arg3[%dma_wait3A_3412] : memref<640000xi32, #tpu.memory_space<hbm>> -> memref<80xi32, #tpu.memory_space<hbm>>
    %dma_wait3A_3414 = arith.constant 0 : i32
    %dma_wait3A_3415 = tpu.memref_slice %arg22[%dma_wait3A_3414] : memref<320xi32, #tpu.memory_space<vmem>> -> memref<80xi32, #tpu.memory_space<vmem>>
    %dma_wait3A_3416 = arith.constant 0 : i32
    %dma_wait3A_3417 = tpu.memref_slice %arg3[%dma_wait3A_3416] : memref<640000xi32, #tpu.memory_space<hbm>> -> memref<80xi32, #tpu.memory_space<hbm>>
    tpu.wait_dma2 semaphore(%arg21 : memref<!tpu.dma_semaphore, #tpu.memory_space<semaphore_mem>>) src(%dma_wait3A_3417 : memref<80xi32, #tpu.memory_space<hbm>>) dst(%dma_wait3A_3415 : memref<80xi32, #tpu.memory_space<vmem>>)
    %dma_start3A_3418 = arith.constant 240 : i32
    %dma_start3A_3419 = tpu.memref_slice %arg22[%dma_start3A_3418] : memref<320xi32, #tpu.memory_space<vmem>> -> memref<80xi32, #tpu.memory_space<vmem>>
    %dma_start3A_3420 = arith.constant 0 : i32
    %dma_start3A_3421 = arith.constant 0 : i32
    %dma_start3A_3422 = tpu.memref_slice %arg2[%dma_start3A_3420, %dma_start3A_3421] : memref<10000x128xf32, #tpu.memory_space<hbm>> -> memref<10000x128xf32, #tpu.memory_space<hbm>>
    tpu.enqueue_indirect_dma source(%dma_start3A_3422 : memref<10000x128xf32, #tpu.memory_space<hbm>>) target(%arg14 : memref<80x128xf32, #tpu.memory_space<vmem>>) offsets(%dma_start3A_3419 : memref<80xi32, #tpu.memory_space<vmem>>) semaphore(%arg10 : memref<!tpu.dma_semaphore, #tpu.memory_space<semaphore_mem>>)
    %dma_wait3A_3423 = arith.constant 160 : i32
    %dma_wait3A_3424 = tpu.memref_slice %arg22[%dma_wait3A_3423] : memref<320xi32, #tpu.memory_space<vmem>> -> memref<80xi32, #tpu.memory_space<vmem>>
    %dma_wait3A_3425 = arith.constant 0 : i32
    %dma_wait3A_3426 = arith.constant 0 : i32
    %dma_wait3A_3427 = tpu.memref_slice %arg2[%dma_wait3A_3425, %dma_wait3A_3426] : memref<10000x128xf32, #tpu.memory_space<hbm>> -> memref<10000x128xf32, #tpu.memory_space<hbm>>
    tpu.wait_indirect_dma semaphore(%arg9 : memref<!tpu.dma_semaphore, #tpu.memory_space<semaphore_mem>>) src(%dma_wait3A_3427 : memref<10000x128xf32, #tpu.memory_space<hbm>>) dst(%arg13 : memref<80x128xf32, #tpu.memory_space<vmem>>)
    %dma_wait3A_3428 = arith.constant 0 : i32
    %dma_wait3A_3429 = arith.constant 0 : i32
    %dma_wait3A_3430 = tpu.memref_slice %arg6[%dma_wait3A_3428, %dma_wait3A_3429] : memref<4x80xi32, #tpu.memory_space<vmem>> -> memref<1x80xi32, #tpu.memory_space<vmem>>
    %dma_wait3A_3431 = tpu.memref_squeeze %dma_wait3A_3430 : memref<1x80xi32, #tpu.memory_space<vmem>> -> memref<80xi32, #tpu.memory_space<vmem>>
    %dma_wait3A_3432 = arith.constant 0 : i32
    %dma_wait3A_3433 = tpu.memref_slice %arg3[%dma_wait3A_3432] : memref<640000xi32, #tpu.memory_space<hbm>> -> memref<80xi32, #tpu.memory_space<hbm>>
    %dma_wait3A_3434 = arith.constant 0 : i32
    %dma_wait3A_3435 = tpu.memref_slice %arg6[%dma_wait3A_3428, %dma_wait3A_3434] : memref<4x80xi32, #tpu.memory_space<vmem>> -> memref<1x80xi32, #tpu.memory_space<vmem>>
    %dma_wait3A_3436 = tpu.memref_squeeze %dma_wait3A_3435 : memref<1x80xi32, #tpu.memory_space<vmem>> -> memref<80xi32, #tpu.memory_space<vmem>>
    %dma_wait3A_3437 = arith.constant 0 : i32
    %dma_wait3A_3438 = tpu.memref_slice %arg3[%dma_wait3A_3437] : memref<640000xi32, #tpu.memory_space<hbm>> -> memref<80xi32, #tpu.memory_space<hbm>>
    tpu.wait_dma2 semaphore(%arg19 : memref<!tpu.dma_semaphore, #tpu.memory_space<semaphore_mem>>) src(%dma_wait3A_3438 : memref<80xi32, #tpu.memory_space<hbm>>) dst(%dma_wait3A_3436 : memref<80xi32, #tpu.memory_space<vmem>>)
    %dma_start3A_3439 = arith.constant 2 : i32
    %dma_start3A_3440 = arith.constant 0 : i32
    %dma_start3A_3441 = tpu.memref_slice %arg6[%dma_start3A_3439, %dma_start3A_3440] : memref<4x80xi32, #tpu.memory_space<vmem>> -> memref<1x80xi32, #tpu.memory_space<vmem>>
    %dma_start3A_3442 = tpu.memref_squeeze %dma_start3A_3441 : memref<1x80xi32, #tpu.memory_space<vmem>> -> memref<80xi32, #tpu.memory_space<vmem>>
    %dma_start3A_3443 = arith.constant 0 : i32
    %dma_start3A_3444 = arith.constant 0 : i32
    %dma_start3A_3445 = tpu.memref_slice %arg5[%dma_start3A_3443, %dma_start3A_3444] : memref<10000x128xf32, #tpu.memory_space<vmem_shared>> -> memref<10000x128xf32, #tpu.memory_space<vmem_shared>>
    tpu.enqueue_indirect_dma source(%arg13 : memref<80x128xf32, #tpu.memory_space<vmem>>) target(%dma_start3A_3445 : memref<10000x128xf32, #tpu.memory_space<vmem_shared>>) offsets(%dma_start3A_3442 : memref<80xi32, #tpu.memory_space<vmem>>) semaphore(%arg17 : memref<!tpu.dma_semaphore, #tpu.memory_space<semaphore_mem>>) {add = true}
    %dma_wait3A_3446 = arith.constant 1 : i32
    %dma_wait3A_3447 = arith.constant 0 : i32
    %dma_wait3A_3448 = tpu.memref_slice %arg6[%dma_wait3A_3446, %dma_wait3A_3447] : memref<4x80xi32, #tpu.memory_space<vmem>> -> memref<1x80xi32, #tpu.memory_space<vmem>>
    %dma_wait3A_3449 = tpu.memref_squeeze %dma_wait3A_3448 : memref<1x80xi32, #tpu.memory_space<vmem>> -> memref<80xi32, #tpu.memory_space<vmem>>
    %dma_wait3A_3450 = arith.constant 0 : i32
    %dma_wait3A_3451 = arith.constant 0 : i32
    %dma_wait3A_3452 = tpu.memref_slice %arg5[%dma_wait3A_3450, %dma_wait3A_3451] : memref<10000x128xf32, #tpu.memory_space<vmem_shared>> -> memref<10000x128xf32, #tpu.memory_space<vmem_shared>>
    tpu.wait_indirect_dma semaphore(%arg16 : memref<!tpu.dma_semaphore, #tpu.memory_space<semaphore_mem>>) src(%arg12 : memref<80x128xf32, #tpu.memory_space<vmem>>) dst(%dma_wait3A_3452 : memref<10000x128xf32, #tpu.memory_space<vmem_shared>>)
    %dma_wait3A_3453 = arith.constant 0 : i32
    %dma_wait3A_3454 = tpu.memref_slice %arg22[%dma_wait3A_3453] : memref<320xi32, #tpu.memory_space<vmem>> -> memref<80xi32, #tpu.memory_space<vmem>>
    %dma_wait3A_3455 = arith.constant 0 : i32
    %dma_wait3A_3456 = tpu.memref_slice %arg3[%dma_wait3A_3455] : memref<640000xi32, #tpu.memory_space<hbm>> -> memref<80xi32, #tpu.memory_space<hbm>>
    %dma_wait3A_3457 = arith.constant 0 : i32
    %dma_wait3A_3458 = tpu.memref_slice %arg22[%dma_wait3A_3457] : memref<320xi32, #tpu.memory_space<vmem>> -> memref<80xi32, #tpu.memory_space<vmem>>
    %dma_wait3A_3459 = arith.constant 0 : i32
    %dma_wait3A_3460 = tpu.memref_slice %arg3[%dma_wait3A_3459] : memref<640000xi32, #tpu.memory_space<hbm>> -> memref<80xi32, #tpu.memory_space<hbm>>
    tpu.wait_dma2 semaphore(%arg21 : memref<!tpu.dma_semaphore, #tpu.memory_space<semaphore_mem>>) src(%dma_wait3A_3460 : memref<80xi32, #tpu.memory_space<hbm>>) dst(%dma_wait3A_3458 : memref<80xi32, #tpu.memory_space<vmem>>)
    %dma_start3A_3461 = arith.constant 0 : i32
    %dma_start3A_3462 = tpu.memref_slice %arg22[%dma_start3A_3461] : memref<320xi32, #tpu.memory_space<vmem>> -> memref<80xi32, #tpu.memory_space<vmem>>
    %dma_start3A_3463 = arith.constant 0 : i32
    %dma_start3A_3464 = arith.constant 0 : i32
    %dma_start3A_3465 = tpu.memref_slice %arg2[%dma_start3A_3463, %dma_start3A_3464] : memref<10000x128xf32, #tpu.memory_space<hbm>> -> memref<10000x128xf32, #tpu.memory_space<hbm>>
    tpu.enqueue_indirect_dma source(%dma_start3A_3465 : memref<10000x128xf32, #tpu.memory_space<hbm>>) target(%arg11 : memref<80x128xf32, #tpu.memory_space<vmem>>) offsets(%dma_start3A_3462 : memref<80xi32, #tpu.memory_space<vmem>>) semaphore(%arg7 : memref<!tpu.dma_semaphore, #tpu.memory_space<semaphore_mem>>)
    %dma_wait3A_3466 = arith.constant 240 : i32
    %dma_wait3A_3467 = tpu.memref_slice %arg22[%dma_wait3A_3466] : memref<320xi32, #tpu.memory_space<vmem>> -> memref<80xi32, #tpu.memory_space<vmem>>
    %dma_wait3A_3468 = arith.constant 0 : i32
    %dma_wait3A_3469 = arith.constant 0 : i32
    %dma_wait3A_3470 = tpu.memref_slice %arg2[%dma_wait3A_3468, %dma_wait3A_3469] : memref<10000x128xf32, #tpu.memory_space<hbm>> -> memref<10000x128xf32, #tpu.memory_space<hbm>>
    tpu.wait_indirect_dma semaphore(%arg10 : memref<!tpu.dma_semaphore, #tpu.memory_space<semaphore_mem>>) src(%dma_wait3A_3470 : memref<10000x128xf32, #tpu.memory_space<hbm>>) dst(%arg14 : memref<80x128xf32, #tpu.memory_space<vmem>>)
    %dma_wait3A_3471 = arith.constant 0 : i32
    %dma_wait3A_3472 = arith.constant 0 : i32
    %dma_wait3A_3473 = tpu.memref_slice %arg6[%dma_wait3A_3471, %dma_wait3A_3472] : memref<4x80xi32, #tpu.memory_space<vmem>> -> memref<1x80xi32, #tpu.memory_space<vmem>>
    %dma_wait3A_3474 = tpu.memref_squeeze %dma_wait3A_3473 : memref<1x80xi32, #tpu.memory_space<vmem>> -> memref<80xi32, #tpu.memory_space<vmem>>
    %dma_wait3A_3475 = arith.constant 0 : i32
    %dma_wait3A_3476 = tpu.memref_slice %arg3[%dma_wait3A_3475] : memref<640000xi32, #tpu.memory_space<hbm>> -> memref<80xi32, #tpu.memory_space<hbm>>
    %dma_wait3A_3477 = arith.constant 0 : i32
    %dma_wait3A_3478 = tpu.memref_slice %arg6[%dma_wait3A_3471, %dma_wait3A_3477] : memref<4x80xi32, #tpu.memory_space<vmem>> -> memref<1x80xi32, #tpu.memory_space<vmem>>
    %dma_wait3A_3479 = tpu.memref_squeeze %dma_wait3A_3478 : memref<1x80xi32, #tpu.memory_space<vmem>> -> memref<80xi32, #tpu.memory_space<vmem>>
    %dma_wait3A_3480 = arith.constant 0 : i32
    %dma_wait3A_3481 = tpu.memref_slice %arg3[%dma_wait3A_3480] : memref<640000xi32, #tpu.memory_space<hbm>> -> memref<80xi32, #tpu.memory_space<hbm>>
    tpu.wait_dma2 semaphore(%arg19 : memref<!tpu.dma_semaphore, #tpu.memory_space<semaphore_mem>>) src(%dma_wait3A_3481 : memref<80xi32, #tpu.memory_space<hbm>>) dst(%dma_wait3A_3479 : memref<80xi32, #tpu.memory_space<vmem>>)
    %dma_start3A_3482 = arith.constant 3 : i32
    %dma_start3A_3483 = arith.constant 0 : i32
    %dma_start3A_3484 = tpu.memref_slice %arg6[%dma_start3A_3482, %dma_start3A_3483] : memref<4x80xi32, #tpu.memory_space<vmem>> -> memref<1x80xi32, #tpu.memory_space<vmem>>
    %dma_start3A_3485 = tpu.memref_squeeze %dma_start3A_3484 : memref<1x80xi32, #tpu.memory_space<vmem>> -> memref<80xi32, #tpu.memory_space<vmem>>
    %dma_start3A_3486 = arith.constant 0 : i32
    %dma_start3A_3487 = arith.constant 0 : i32
    %dma_start3A_3488 = tpu.memref_slice %arg5[%dma_start3A_3486, %dma_start3A_3487] : memref<10000x128xf32, #tpu.memory_space<vmem_shared>> -> memref<10000x128xf32, #tpu.memory_space<vmem_shared>>
    tpu.enqueue_indirect_dma source(%arg14 : memref<80x128xf32, #tpu.memory_space<vmem>>) target(%dma_start3A_3488 : memref<10000x128xf32, #tpu.memory_space<vmem_shared>>) offsets(%dma_start3A_3485 : memref<80xi32, #tpu.memory_space<vmem>>) semaphore(%arg18 : memref<!tpu.dma_semaphore, #tpu.memory_space<semaphore_mem>>) {add = true}
    %dma_wait3A_3489 = arith.constant 2 : i32
    %dma_wait3A_3490 = arith.constant 0 : i32
    %dma_wait3A_3491 = tpu.memref_slice %arg6[%dma_wait3A_3489, %dma_wait3A_3490] : memref<4x80xi32, #tpu.memory_space<vmem>> -> memref<1x80xi32, #tpu.memory_space<vmem>>
    %dma_wait3A_3492 = tpu.memref_squeeze %dma_wait3A_3491 : memref<1x80xi32, #tpu.memory_space<vmem>> -> memref<80xi32, #tpu.memory_space<vmem>>
    %dma_wait3A_3493 = arith.constant 0 : i32
    %dma_wait3A_3494 = arith.constant 0 : i32
    %dma_wait3A_3495 = tpu.memref_slice %arg5[%dma_wait3A_3493, %dma_wait3A_3494] : memref<10000x128xf32, #tpu.memory_space<vmem_shared>> -> memref<10000x128xf32, #tpu.memory_space<vmem_shared>>
    tpu.wait_indirect_dma semaphore(%arg17 : memref<!tpu.dma_semaphore, #tpu.memory_space<semaphore_mem>>) src(%arg13 : memref<80x128xf32, #tpu.memory_space<vmem>>) dst(%dma_wait3A_3495 : memref<10000x128xf32, #tpu.memory_space<vmem_shared>>)
    %dma_wait3A_3496 = arith.constant 0 : i32
    %dma_wait3A_3497 = tpu.memref_slice %arg22[%dma_wait3A_3496] : memref<320xi32, #tpu.memory_space<vmem>> -> memref<80xi32, #tpu.memory_space<vmem>>
    %dma_wait3A_3498 = arith.constant 0 : i32
    %dma_wait3A_3499 = arith.constant 0 : i32
    %dma_wait3A_3500 = tpu.memref_slice %arg2[%dma_wait3A_3498, %dma_wait3A_3499] : memref<10000x128xf32, #tpu.memory_space<hbm>> -> memref<10000x128xf32, #tpu.memory_space<hbm>>
    tpu.wait_indirect_dma semaphore(%arg7 : memref<!tpu.dma_semaphore, #tpu.memory_space<semaphore_mem>>) src(%dma_wait3A_3500 : memref<10000x128xf32, #tpu.memory_space<hbm>>) dst(%arg11 : memref<80x128xf32, #tpu.memory_space<vmem>>)
    %dma_wait3A_3501 = arith.constant 0 : i32
    %dma_wait3A_3502 = arith.constant 0 : i32
    %dma_wait3A_3503 = tpu.memref_slice %arg6[%dma_wait3A_3501, %dma_wait3A_3502] : memref<4x80xi32, #tpu.memory_space<vmem>> -> memref<1x80xi32, #tpu.memory_space<vmem>>
    %dma_wait3A_3504 = tpu.memref_squeeze %dma_wait3A_3503 : memref<1x80xi32, #tpu.memory_space<vmem>> -> memref<80xi32, #tpu.memory_space<vmem>>
    %dma_wait3A_3505 = arith.constant 0 : i32
    %dma_wait3A_3506 = tpu.memref_slice %arg3[%dma_wait3A_3505] : memref<640000xi32, #tpu.memory_space<hbm>> -> memref<80xi32, #tpu.memory_space<hbm>>
    %dma_wait3A_3507 = arith.constant 0 : i32
    %dma_wait3A_3508 = tpu.memref_slice %arg6[%dma_wait3A_3501, %dma_wait3A_3507] : memref<4x80xi32, #tpu.memory_space<vmem>> -> memref<1x80xi32, #tpu.memory_space<vmem>>
    %dma_wait3A_3509 = tpu.memref_squeeze %dma_wait3A_3508 : memref<1x80xi32, #tpu.memory_space<vmem>> -> memref<80xi32, #tpu.memory_space<vmem>>
    %dma_wait3A_3510 = arith.constant 0 : i32
    %dma_wait3A_3511 = tpu.memref_slice %arg3[%dma_wait3A_3510] : memref<640000xi32, #tpu.memory_space<hbm>> -> memref<80xi32, #tpu.memory_space<hbm>>
    tpu.wait_dma2 semaphore(%arg19 : memref<!tpu.dma_semaphore, #tpu.memory_space<semaphore_mem>>) src(%dma_wait3A_3511 : memref<80xi32, #tpu.memory_space<hbm>>) dst(%dma_wait3A_3509 : memref<80xi32, #tpu.memory_space<vmem>>)
    %dma_start3A_3512 = arith.constant 0 : i32
    %dma_start3A_3513 = arith.constant 0 : i32
    %dma_start3A_3514 = tpu.memref_slice %arg6[%dma_start3A_3512, %dma_start3A_3513] : memref<4x80xi32, #tpu.memory_space<vmem>> -> memref<1x80xi32, #tpu.memory_space<vmem>>
    %dma_start3A_3515 = tpu.memref_squeeze %dma_start3A_3514 : memref<1x80xi32, #tpu.memory_space<vmem>> -> memref<80xi32, #tpu.memory_space<vmem>>
    %dma_start3A_3516 = arith.constant 0 : i32
    %dma_start3A_3517 = arith.constant 0 : i32
    %dma_start3A_3518 = tpu.memref_slice %arg5[%dma_start3A_3516, %dma_start3A_3517] : memref<10000x128xf32, #tpu.memory_space<vmem_shared>> -> memref<10000x128xf32, #tpu.memory_space<vmem_shared>>
    tpu.enqueue_indirect_dma source(%arg11 : memref<80x128xf32, #tpu.memory_space<vmem>>) target(%dma_start3A_3518 : memref<10000x128xf32, #tpu.memory_space<vmem_shared>>) offsets(%dma_start3A_3515 : memref<80xi32, #tpu.memory_space<vmem>>) semaphore(%arg15 : memref<!tpu.dma_semaphore, #tpu.memory_space<semaphore_mem>>) {add = true}
    %dma_wait3A_3519 = arith.constant 3 : i32
    %dma_wait3A_3520 = arith.constant 0 : i32
    %dma_wait3A_3521 = tpu.memref_slice %arg6[%dma_wait3A_3519, %dma_wait3A_3520] : memref<4x80xi32, #tpu.memory_space<vmem>> -> memref<1x80xi32, #tpu.memory_space<vmem>>
    %dma_wait3A_3522 = tpu.memref_squeeze %dma_wait3A_3521 : memref<1x80xi32, #tpu.memory_space<vmem>> -> memref<80xi32, #tpu.memory_space<vmem>>
    %dma_wait3A_3523 = arith.constant 0 : i32
    %dma_wait3A_3524 = arith.constant 0 : i32
    %dma_wait3A_3525 = tpu.memref_slice %arg5[%dma_wait3A_3523, %dma_wait3A_3524] : memref<10000x128xf32, #tpu.memory_space<vmem_shared>> -> memref<10000x128xf32, #tpu.memory_space<vmem_shared>>
    tpu.wait_indirect_dma semaphore(%arg18 : memref<!tpu.dma_semaphore, #tpu.memory_space<semaphore_mem>>) src(%arg14 : memref<80x128xf32, #tpu.memory_space<vmem>>) dst(%dma_wait3A_3525 : memref<10000x128xf32, #tpu.memory_space<vmem_shared>>)
    %dma_wait3A_3526 = arith.constant 0 : i32
    %dma_wait3A_3527 = arith.constant 0 : i32
    %dma_wait3A_3528 = tpu.memref_slice %arg6[%dma_wait3A_3526, %dma_wait3A_3527] : memref<4x80xi32, #tpu.memory_space<vmem>> -> memref<1x80xi32, #tpu.memory_space<vmem>>
    %dma_wait3A_3529 = tpu.memref_squeeze %dma_wait3A_3528 : memref<1x80xi32, #tpu.memory_space<vmem>> -> memref<80xi32, #tpu.memory_space<vmem>>
    %dma_wait3A_3530 = arith.constant 0 : i32
    %dma_wait3A_3531 = arith.constant 0 : i32
    %dma_wait3A_3532 = tpu.memref_slice %arg5[%dma_wait3A_3530, %dma_wait3A_3531] : memref<10000x128xf32, #tpu.memory_space<vmem_shared>> -> memref<10000x128xf32, #tpu.memory_space<vmem_shared>>
    tpu.wait_indirect_dma semaphore(%arg15 : memref<!tpu.dma_semaphore, #tpu.memory_space<semaphore_mem>>) src(%arg11 : memref<80x128xf32, #tpu.memory_space<vmem>>) dst(%dma_wait3A_3532 : memref<10000x128xf32, #tpu.memory_space<vmem_shared>>)
    %barrier3A_3533 = arith.constant 0 : index
    tpu.barrier barrier_id(%barrier3A_3533)
    "tpu.region"() ({
      %run_scoped3A = tpu.sem_alloc : memref<!tpu.dma_semaphore, #tpu.memory_space<semaphore_mem>>
      %dma_start3A_3539 = arith.constant 0 : i32
      %dma_start3A_3540 = tpu.memref_slice %arg4[%arg0, %mul3A_3161, %dma_start3A_3539] : memref<2x10000x128xf32, #tpu.memory_space<hbm>> -> memref<1x624x128xf32, #tpu.memory_space<hbm>>
      %dma_start3A_3541 = tpu.memref_squeeze %dma_start3A_3540 : memref<1x624x128xf32, #tpu.memory_space<hbm>> -> memref<624x128xf32, #tpu.memory_space<hbm>>
      %dma_start3A_3542 = arith.constant 0 : i32
      %dma_start3A_3543 = tpu.memref_slice %arg5[%mul3A_3161, %dma_start3A_3542] : memref<10000x128xf32, #tpu.memory_space<vmem_shared>> -> memref<624x128xf32, #tpu.memory_space<vmem_shared>>
      tpu.enqueue_dma source(%dma_start3A_3543 : memref<624x128xf32, #tpu.memory_space<vmem_shared>>) target(%dma_start3A_3541 : memref<624x128xf32, #tpu.memory_space<hbm>>) target_semaphore(%run_scoped3A : memref<!tpu.dma_semaphore, #tpu.memory_space<semaphore_mem>>)
      %dma_wait3A_3544 = arith.constant 0 : i32
      %dma_wait3A_3545 = tpu.memref_slice %arg4[%arg0, %mul3A_3161, %dma_wait3A_3544] : memref<2x10000x128xf32, #tpu.memory_space<hbm>> -> memref<1x624x128xf32, #tpu.memory_space<hbm>>
      %dma_wait3A_3546 = tpu.memref_squeeze %dma_wait3A_3545 : memref<1x624x128xf32, #tpu.memory_space<hbm>> -> memref<624x128xf32, #tpu.memory_space<hbm>>
      %dma_wait3A_3547 = arith.constant 0 : i32
      %dma_wait3A_3548 = tpu.memref_slice %arg5[%mul3A_3161, %dma_wait3A_3547] : memref<10000x128xf32, #tpu.memory_space<vmem_shared>> -> memref<624x128xf32, #tpu.memory_space<vmem_shared>>
      tpu.wait_dma2 semaphore(%run_scoped3A : memref<!tpu.dma_semaphore, #tpu.memory_space<semaphore_mem>>) src(%dma_wait3A_3548 : memref<624x128xf32, #tpu.memory_space<vmem_shared>>) dst(%dma_wait3A_3546 : memref<624x128xf32, #tpu.memory_space<hbm>>)
      tpu.yield
    }) : () -> ()
    %eq3A_3534 = arith.constant 15 : i32
    %eq3A_3535 = arith.cmpi eq, %arg1, %eq3A_3534 : i32
    %convert_element_type3A_3536 = arith.extui %eq3A_3535 : i1 to i32
    %cond3A_3537 = arith.constant 0 : i32
    %cond3A_3538 = arith.cmpi ne, %convert_element_type3A_3536, %cond3A_3537 : i32
    scf.if %cond3A_3538 {
      "tpu.region"() ({
        %run_scoped3A = tpu.sem_alloc : memref<!tpu.dma_semaphore, #tpu.memory_space<semaphore_mem>>
        %dma_start3A_3539 = arith.constant 9984 : i32
        %dma_start3A_3540 = arith.constant 0 : i32
        %dma_start3A_3541 = tpu.memref_slice %arg4[%arg0, %dma_start3A_3539, %dma_start3A_3540] : memref<2x10000x128xf32, #tpu.memory_space<hbm>> -> memref<1x16x128xf32, #tpu.memory_space<hbm>>
        %dma_start3A_3542 = tpu.memref_squeeze %dma_start3A_3541 : memref<1x16x128xf32, #tpu.memory_space<hbm>> -> memref<16x128xf32, #tpu.memory_space<hbm>>
        %dma_start3A_3543 = arith.constant 9984 : i32
        %dma_start3A_3544 = arith.constant 0 : i32
        %dma_start3A_3545 = tpu.memref_slice %arg5[%dma_start3A_3543, %dma_start3A_3544] : memref<10000x128xf32, #tpu.memory_space<vmem_shared>> -> memref<16x128xf32, #tpu.memory_space<vmem_shared>>
        tpu.enqueue_dma source(%dma_start3A_3545 : memref<16x128xf32, #tpu.memory_space<vmem_shared>>) target(%dma_start3A_3542 : memref<16x128xf32, #tpu.memory_space<hbm>>) target_semaphore(%run_scoped3A : memref<!tpu.dma_semaphore, #tpu.memory_space<semaphore_mem>>)
        %dma_wait3A_3546 = arith.constant 9984 : i32
        %dma_wait3A_3547 = arith.constant 0 : i32
        %dma_wait3A_3548 = tpu.memref_slice %arg4[%arg0, %dma_wait3A_3546, %dma_wait3A_3547] : memref<2x10000x128xf32, #tpu.memory_space<hbm>> -> memref<1x16x128xf32, #tpu.memory_space<hbm>>
        %dma_wait3A_3549 = tpu.memref_squeeze %dma_wait3A_3548 : memref<1x16x128xf32, #tpu.memory_space<hbm>> -> memref<16x128xf32, #tpu.memory_space<hbm>>
        %dma_wait3A_3550 = arith.constant 9984 : i32
        %dma_wait3A_3551 = arith.constant 0 : i32
        %dma_wait3A_3552 = tpu.memref_slice %arg5[%dma_wait3A_3550, %dma_wait3A_3551] : memref<10000x128xf32, #tpu.memory_space<vmem_shared>> -> memref<16x128xf32, #tpu.memory_space<vmem_shared>>
        tpu.wait_dma2 semaphore(%run_scoped3A : memref<!tpu.dma_semaphore, #tpu.memory_space<semaphore_mem>>) src(%dma_wait3A_3552 : memref<16x128xf32, #tpu.memory_space<vmem_shared>>) dst(%dma_wait3A_3549 : memref<16x128xf32, #tpu.memory_space<hbm>>)
        tpu.yield
      }) : () -> ()
    } else {
    }
    return
  }
}

module attributes {stable_mosaic.version = 14 : i64} {
  func.func @body(%arg0: i32, %arg1: memref<2x2000x128xf32, #tpu.memory_space<vmem>>, %arg2: memref<128x128xf32, #tpu.memory_space<vmem>>, %arg3: memref<1x128xf32, #tpu.memory_space<vmem>>, %arg4: memref<2000x128xf32, #tpu.memory_space<vmem>>) attributes {dimension_semantics = [#tpu.dimension_semantics<arbitrary>], iteration_bounds = array<i64: 5>, scalar_prefetch = 0 : i64, scratch_operands = 0 : i64, tpu.core_type = #tpu.core_type<tc>, window_params = [{transform_indices = @transform_0, window_bounds = array<i64: 2, 2000, 128>}, {pipeline_mode = #tpu.pipeline_mode<synchronous>, transform_indices = @transform_1, window_bounds = array<i64: 128, 128>}, {pipeline_mode = #tpu.pipeline_mode<synchronous>, transform_indices = @transform_2, window_bounds = array<i64: 1, 128>}, {transform_indices = @transform_3, window_bounds = array<i64: 2000, 128>}]} {
    %get3A = arith.constant 0 : index
    %get3A_0 = arith.constant 0 : index
    %get3A_1 = arith.constant 0 : index
    %get3A_2 = vector.load %arg1[%get3A, %get3A_0, %get3A_1] : memref<2x2000x128xf32, #tpu.memory_space<vmem>>, vector<1x2000x128xf32>
    %get3A_3 = vector.shape_cast %get3A_2 : vector<1x2000x128xf32> to vector<2000x128xf32>
    %get3A_4 = arith.constant 1 : index
    %get3A_5 = arith.constant 0 : index
    %get3A_6 = arith.constant 0 : index
    %get3A_7 = vector.load %arg1[%get3A_4, %get3A_5, %get3A_6] : memref<2x2000x128xf32, #tpu.memory_space<vmem>>, vector<1x2000x128xf32>
    %get3A_8 = vector.shape_cast %get3A_7 : vector<1x2000x128xf32> to vector<2000x128xf32>
    %add3A = arith.addf %get3A_3, %get3A_8 : vector<2000x128xf32>
    %get3A_9 = arith.constant 0 : index
    %get3A_10 = arith.constant 0 : index
    %get3A_11 = vector.load %arg2[%get3A_9, %get3A_10] : memref<128x128xf32, #tpu.memory_space<vmem>>, vector<128x128xf32>
    %dot_general3A = arith.constant dense<0.000000e+00> : vector<2000x128xf32>
    %dot_general3A_12 = tpu.matmul %add3A, %get3A_11, %dot_general3A {dimension_numbers = #tpu.dot_dimension_numbers<[1], [1], [0], [0], [0, 0, 1, 0], [], []>, transpose_lhs_hint = false} : vector<2000x128xf32>, vector<128x128xf32>, vector<2000x128xf32> -> vector<2000x128xf32>
    %get3A_13 = arith.constant 0 : index
    %get3A_14 = arith.constant 0 : index
    %get3A_15 = vector.load %arg3[%get3A_13, %get3A_14] : memref<1x128xf32, #tpu.memory_space<vmem>>, vector<1x128xf32>
    %add3A_16 = vector.broadcast %get3A_15 : vector<1x128xf32> to vector<2000x128xf32>
    %add3A_17 = arith.addf %dot_general3A_12, %add3A_16 : vector<2000x128xf32>
    %swap3A = arith.constant 0 : index
    %swap3A_18 = arith.constant 0 : index
    %swap3A_19 = vector.load %arg4[%swap3A, %swap3A_18] : memref<2000x128xf32, #tpu.memory_space<vmem>>, vector<2000x128xf32>
    tpu.vector_store %arg4[%swap3A, %swap3A_18], %add3A_17 {strides = array<i32>} : memref<2000x128xf32, #tpu.memory_space<vmem>>, vector<2000x128xf32>,
    return
  }
  func.func @transform_0(%arg0: i32) -> (i32, i32, i32) {
    %c0_i32 = arith.constant 0 : i32
    %c0_i32_0 = arith.constant 0 : i32
    %c0_i32_1 = arith.constant 0 : i32
    return %c0_i32, %arg0, %c0_i32_0 : i32, i32, i32
  }
  func.func @transform_1(%arg0: i32) -> (i32, i32) {
    %c0_i32 = arith.constant 0 : i32
    %c0_i32_0 = arith.constant 0 : i32
    %c0_i32_1 = arith.constant 0 : i32
    return %c0_i32, %c0_i32_0 : i32, i32
  }
  func.func @transform_2(%arg0: i32) -> (i32, i32) {
    %c0_i32 = arith.constant 0 : i32
    %c0_i32_0 = arith.constant 0 : i32
    %c0_i32_1 = arith.constant 0 : i32
    return %c0_i32, %c0_i32_0 : i32, i32
  }
  func.func @transform_3(%arg0: i32) -> (i32, i32) {
    %c0_i32 = arith.constant 0 : i32
    %c0_i32_0 = arith.constant 0 : i32
    return %arg0, %c0_i32 : i32, i32
  }
}

</mosaic_0001>

<sc_bundles>
// kernel: kernel.4.cloned.1.call-start
scs
__scs_entry_jumppad:
0x0: {  	(pc) =	sbr.rel $0x88, $3  }
0x1: {  	(tag) =	ssettag $0x0;
	lr =	simm.s32 $0x1  }
0x2: {  	[smem:$0x3F9D] =	sst lr;
	_ =	strace $0xD0000000  }
0x3: {  	_ = 	snop  }
0x4: {  	_ = 	snop  }
0x5: {  	_ = 	snop  }
0x6: {  	_ = 	snop  }
0x7: {  	_ = 	snop  }
__scs_overlays_trampoline_lowered:
0x8: {  	[smem:$0x3FAC] =	sst s0  }
0x9: {  	[smem:$0x3FAD] =	sst s1  }
0xa: {  	[smem:$0x3FAE] =	sst s2  }
0xb: {  	[smem:$0x3FAF] =	sst s3  }
0xc: {  	[smem:$0x3FB0] =	sst s4  }
0xd: {  	[smem:$0x3FB1] =	sst s5  }
0xe: {  	[smem:$0x3FB2] =	sst s6  }
0xf: {  	[smem:$0x3FB3] =	sst s7  }
0x10: {  	[smem:$0x3FB4] =	sst s8  }
0x11: {  	[smem:$0x3FB5] =	sst s9;
	s0 =	simm.s32 @!p0 $0x0  }
0x12: {  	s1 =	sld [smem:$0x3F9B];
	s0 =	simm.s32 @p0 $0x1  }
0x13: {  	[smem:$0x3FB6] =	sst s0;
	s0 =	simm.s32 @!p1 $0x0  }
0x14: {  	s2 =	sld [smem:$0x3F9A];
	s0 =	simm.s32 @p1 $0x1  }
0x15: {  	[smem:$0x3FB7] =	sst s0;
	s0 =	simm.s32 @!p2 $0x0  }
0x16: {  	s3 =	sld [smem:$0x3FDB];
	s0 =	simm.s32 @p2 $0x1  }
0x17: {  	s4 =	simm.s32 $0x1BF5;
	[smem:$0x3FB9] =	sst s0  }
0x18: {  	s0 =	sld [smem:$0x3F9C];
	_ =	swait.ge [sflag:s4], $0x0  }
0x19: {  	s7 =	sld [smem:$0x3F9D]  }
0x1a: {  	s8 =	sadd.s32 $0xFFFFE003, lr  }
0x1b: {  	s9 =	sadd.s32 $0xFFFFFEF7, lr;
	s5 =	simm.s32 $0xFFFFFFFF;
	p2 =	slt.u32 s8, $0xFFFFF086  }
0x1c: {  	p1 =	slt.u32 s9, $0xF7A;
	s5 =	simm.s32 @!p2 $0x0  }
0x1d: {  	s5 =	simm.s32 @p1 $0x1;
	p0 =	seq.s32 s7, s2  }
0x1e: {  	s7 =	smul.u32 @!p0 $0xF7A, s2;
	p2 =	seq.s32 @!p0 s5, $0x0  }
0x1f: {  	s9 =	smul.u32 $0xF7A, s1;
	s8 =	simm.s32 @!p0 $0x1BF5;
	p2 =	por !p2, p0  }
0x20: {  	[sflag:s8] =	ssyncset.s32 @!p0 $0xFFFFF086;
	s6 =	sadd.s32 @!p0 s3, s7;
	s7 =	simm.s32 @!p0 $0x108  }
0x21: {  	s3 =	sadd.s32 s3, s9;
	s6 =	sadd.s32 @!p0 $0x88, s6;
	s7 =	simm.s32 @p2 $0x1082  }
0x22: {  	[simem:s7], [sflag:s8] =	dma.local @!p0 [hbm:s6], $0xF7A  }
0x23: {  	s9 =	sor.u32 $0xD0000000, s2;
	s6 =	simm.s32 $0x108;
	_ =	swait.ge @!p0 [sflag:s8], $0x0  }
0x24: {  	s3 =	sadd.s32 $0x88, s3;
	s6 =	simm.s32 @!p1 $0x1082;
	[sflag:s4] =	ssyncset.s32 $0xFFFFF086  }
0x25: {  	[simem:s6], [sflag:s4] =	dma.local [hbm:s3], $0xF7A  }
0x26: {  	[smem:$0x3F9D] =	sst s1;
	(tag) =	ssettag s2;
	_ =	strace s9  }
0x27: {  	s1 =	sld [smem:$0x3FAD]  }
0x28: {  	s2 =	sld [smem:$0x3FAE]  }
0x29: {  	s4 =	sld [smem:$0x3FB0]  }
0x2a: {  	p0 =	seq.s32 s5, $0x0;
	s5 =	sld [smem:$0x3FB1]  }
0x2b: {  	s6 =	sld [smem:$0x3FB2]  }
0x2c: {  	s7 =	sld [smem:$0x3FB3]  }
0x2d: {  	s3 =	simm.s32 $0x108;
	s8 =	sld [smem:$0x3FB4]  }
0x2e: {  	s3 =	simm.s32 @!p0 $0x1082;
	s9 =	sld [smem:$0x3FB5]  }
0x2f: {  	lr =	sadd.s32 s0, s3;
	s0 =	sld [smem:$0x3FAC]  }
0x30: {  	s3 =	sld [smem:$0x3FAF]  }
0x31: {  	[smem:$0x3FB8] =	sst s10  }
0x32: {  	s10 =	sld [smem:$0x3FB6];
	_ =	sdelay $0x3  }
0x33: {  	p0 =	seq.s32 s10, $0x1;
	s10 =	sld [smem:$0x3FB8];
	_ =	sdelay $0x3  }
0x34: {  	[smem:$0x3FB8] =	sst s10  }
0x35: {  	s10 =	sld [smem:$0x3FB7];
	_ =	sdelay $0x3  }
0x36: {  	p1 =	seq.s32 s10, $0x1;
	s10 =	sld [smem:$0x3FB8];
	_ =	sdelay $0x3  }
0x37: {  	[smem:$0x3FB8] =	sst s10  }
0x38: {  	s10 =	sld [smem:$0x3FB9]  }
0x39: {  	_ = 	snop;
	(pc) =	sbr.ind lr, $3  }
0x3a: {  	_ = 	snop  }
0x3b: {  	_ = 	snop  }
0x3c: {  	p2 =	seq.s32 s10, $0x1;
	s10 =	sld [smem:$0x3FB8]  }
0x3d: {  	_ =	shalt  }
0x3e: {  	_ =	shalt  }
0x3f: {  	_ =	shalt  }
0x40: {  	_ =	shalt  }
0x41: {  	_ =	shalt  }
0x42: {  	_ =	shalt  }
0x43: {  	_ =	shalt  }
0x44: {  	_ =	shalt  }
0x45: {  	_ =	shalt  }
0x46: {  	_ =	shalt  }
0x47: {  	_ =	shalt  }
0x48: {  	_ =	shalt  }
0x49: {  	_ =	shalt  }
0x4a: {  	_ =	shalt  }
0x4b: {  	_ =	shalt  }
0x4c: {  	_ =	shalt  }
0x4d: {  	_ =	shalt  }
0x4e: {  	_ =	shalt  }
0x4f: {  	_ =	shalt  }
0x50: {  	_ =	shalt  }
0x51: {  	_ =	shalt  }
0x52: {  	_ =	shalt  }
0x53: {  	_ =	shalt  }
0x54: {  	_ =	shalt  }
0x55: {  	_ =	shalt  }
0x56: {  	_ =	shalt  }
0x57: {  	_ =	shalt  }
0x58: {  	_ =	shalt  }
0x59: {  	_ =	shalt  }
0x5a: {  	_ =	shalt  }
0x5b: {  	_ =	shalt  }
0x5c: {  	_ =	shalt  }
0x5d: {  	_ =	shalt  }
0x5e: {  	_ =	shalt  }
0x5f: {  	_ =	shalt  }
0x60: {  	_ =	shalt  }
0x61: {  	_ =	shalt  }
0x62: {  	_ =	shalt  }
0x63: {  	_ =	shalt  }
0x64: {  	_ =	shalt  }
0x65: {  	_ =	shalt  }
0x66: {  	_ =	shalt  }
0x67: {  	_ =	shalt  }
0x68: {  	_ =	shalt  }
0x69: {  	_ =	shalt  }
0x6a: {  	_ =	shalt  }
0x6b: {  	_ =	shalt  }
0x6c: {  	_ =	shalt  }
0x6d: {  	_ =	shalt  }
0x6e: {  	_ =	shalt  }
0x6f: {  	_ =	shalt  }
0x70: {  	_ =	shalt  }
0x71: {  	_ =	shalt  }
0x72: {  	_ =	shalt  }
0x73: {  	_ =	shalt  }
0x74: {  	_ =	shalt  }
0x75: {  	_ =	shalt  }
0x76: {  	_ =	shalt  }
0x77: {  	_ =	shalt  }
0x78: {  	_ =	shalt  }
0x79: {  	_ =	shalt  }
0x7a: {  	_ =	shalt  }
0x7b: {  	_ =	shalt  }
0x7c: {  	_ =	shalt  }
0x7d: {  	_ =	shalt  }
0x7e: {  	_ =	shalt  }
0x7f: {  	_ =	shalt  }
0x80: {  	_ =	shalt  }
0x81: {  	_ =	shalt  }
0x82: {  	_ =	shalt  }
0x83: {  	_ =	shalt  }
0x84: {  	_ =	shalt  }
0x85: {  	_ =	shalt  }
0x86: {  	_ =	shalt  }
0x87: {  	_ =	shalt  }
.Lfunc_end0:
.L_simem_size_0:
called_computation_lowered:
.L_overlay_start_0:
0x88: {  	s2 =	sld [smem:$0x3FD9]  }
0x89: {  	s3 =	sld [smem:$0x3FFE];
	_ =	sdelay $0x1  }
0x8a: {  	s1 =	srdreg.scid  }
0x8b: {  	s0 =	sand.u32 $0x1, s1  }
0x8c: {  	s17 =	sshll.u32 s0, $0xA;
	s2 =	sadd.s32 s3, s2  }
0x8d: {  	s2 =	sadd.s32 s2, s17  }
0x8e: {  	[smem:$0x3FC4] =	sst s2  }
0x8f: {  	_ = 	snop  }
0x90: {  	s2 =	sld [smem:$0x3FC9]  }
0x91: {  	s18 =	sld [smem:$0x3FD0];
	(tm) =	ssettm $0x1  }
0x92: {  	s4 =	sld [smem:$0x3FFB];
	_ =	sdelay $0x3  }
0x93: {  	_ =	strace s4  }
0x94: {  	s4 =	sld [smem:$0x3FFC];
	_ =	sdelay $0x3  }
0x95: {  	_ =	strace s4  }
0x96: {  	s4 =	sld [smem:$0x3FFD];
	_ =	sdelay $0x3  }
0x97: {  	_ =	strace s4  }
0x98: {  	_ =	strace $0x8FFFFFFF  }
0x99: {  	s19 =	sld [smem:$0x3FDB];
	_ =	sdelay $0x1  }
0x9a: {  	s5 =	simm.s32 $_scs_section_size  }
0x9b: {  	s6 =	simm.s32 $_size__tile_overlayer_lowered;
	s7 =	simm.s32 $_tile_overlayer_lowered  }
0x9c: {  	s22 =	simm.s32 $0x1BFF;
	s21 =	sshll.u32 s7, $0x1;
	s4 =	sadd.s32 s5, s19  }
0x9d: {  	s8 =	simm.s32 $0x0;
	s20 =	sshll.u32 s6, $0x1;
	s6 =	sadd.s32 s21, s4  }
0x9e: {  	[timem:s8], [sflag:s22] =	dma.local [hbm:s6], s20  }
0x9f: {  	_ =	swait.ge [sflag:s22], s20  }
0xa0: {  	s5 =	ssub.s32 $0x0, s20;
	[sflag:s22] =	ssyncset.done $0x0  }
0xa1: {  	[sflag:s22] =	ssyncadd.s32 s5;
	_ =	sdelay $0x1  }
0xa2: {  	s23 =	simm.s32 $0x1B8B  }
0xa3: {  	_ =	swait.ge [sflag:s23], $0x1  }
0xa4: {  	[sflag:s23] =	ssyncset.done $0x0  }
0xa5: {  	s25 =	simm.s32 $0x1B8E;
	s24 =	sld [smem:$0x3FFE];
	[sflag:s23] =	ssyncadd.s32 $0xFFFFFFFF  }
0xa6: {  	s26 =	simm.s32 $execute0_lowered;
	[smem:$0x3FD2] =	sst s25  }
0xa7: {  	s6 =	sshll.u32 s26, $0x1;
	_ =	strace $0x80000046;
	[dreg:$0x1] =	wrdreg $0xFFFFFFFF  }
0xa8: {  	s28 =	simm.s32 $_size_execute0_lowered;
	s4 =	sadd.s32 s4, s6;
	[dreg:$0x0] =	wrdreg $0x0  }
0xa9: {  	s6 =	sshll.u32 s28, $0x1;
	[dreg:$0x2] =	wrdreg s4  }
0xaa: {  	[dreg:$0x3] =	wrdreg s6  }
0xab: {  	[dreg:$0x4] =	wrdreg $0xC0  }
0xac: {  	_ =	task [dreg:s8], $0x5FFFF  }
0xad: {  	[dreg:$0x1] =	wrdreg $0xFFFFFFFF  }
0xae: {  	[dreg:$0x0] =	wrdreg $0x60  }
0xaf: {  	[dreg:$0x2] =	wrdreg s2  }
0xb0: {  	[dreg:$0x3] =	wrdreg s18  }
0xb1: {  	[dreg:$0x4] =	wrdreg s24  }
0xb2: {  	[dreg:$0x5] =	wrdreg $0x0  }
0xb3: {  	[dreg:$0x6] =	wrdreg $0x9  }
0xb4: {  	_ =	task.clear_ibuf [dreg:s8], $0x7FFFF;
	_ =	strace $0x90000046  }
0xb5: {  	s29 =	simm.s32 $0x9;
	_ =	strace $0x80000048  }
0xb6: {  	_ =	swait.ge [sflag:s29], $0x1  }
0xb7: {  	[sflag:s29] =	ssyncadd.s32 $0xFFFFFFFF  }
0xb8: {  	_ =	strace $0x90000048  }
0xb9: {  	_ =	sfence  }
0xba: {  	s30 =	sld [smem:$0x0];
	_ =	sdelay $0x2  }
0xbb: {  	s31 =	sshll.u32 s1, $0xD;
	s1 =	sshrl.u32 s1, $0x2  }
0xbc: {  	s3 =	sand.u32 $0x4000, s31;
	s1 =	sadd.s32 s1, s30  }
0xbd: {  	s0 =	sor.u32 s3, s0;
	s1 =	sshll.u32 s1, $0x11  }
0xbe: {  	s0 =	sor.u32 s1, s0  }
0xbf: {  	s0 =	sadd.s32 $0x8F2B, s0  }
0xc0: {  	[sflag:s0] =	ssyncadd.remote.s32 $0x1  }
0xc1: {  	_ =	sfence.sel $0xFFFF  }
0xc2: {  	[dreg:$0x0] =	wrdreg $0xFFFFFFFF;
	(pc) =	sbr.abs _section_cstart, $3  }
0xc3: {  	[dreg:$0x1] =	wrdreg $0xFFFFFFFF  }
0xc4: {  	_ =	task.clear_ibuf [dreg:s8], $0x2FFFF;
	_ =	strace $0x9FFFFFFF  }
0xc5: {  	(tm) =	ssettm $0x7FFFFFFF  }
tec
execute0_lowered:
.L_overlay_start_1:
0x0: {  	(tag) =	ssettag $0x1  }
0x1: {  	s1 =	rddreg [dreg:$0x0]  }
0x2: {  	s20 =	rddreg [dreg:$0x1]  }
0x3: {  	s3 =	srdreg.scid;
	s2 =	stileid.u32  }
0x4: {  	s0 =	rddreg [dreg:$0x2];
	s3 =	sand.u32 $0x1, s3;
	s6 =	sshll.u32 s2, $0x1  }
0x5: {  	s4 =	rddreg [dreg:$0x3];
	s5 =	simm.s32 $0x0;
	s6 =	sor.u32 s3, s6  }
0x6: {  	s28 =	simm.s32 $0x2;
	s29 =	simm.s32 $0x5;
	s6 =	smul.u32 $0x2710, s6  }
0x7: {  	[smem:$0x7FF] =	sst s5;
	s0 =	sadd.s32 $0xA00, s0;
	s26 =	smul.u32 $0x4E000, s2  }
0x8: {  	s14 =	smul.u32 $0x13800, s2;
	s30 =	sadd.s32 $0x138000, s4;
	s6 =	sshrl.u32 s6, $0x3  }
0x9: {  	_ =	strace $0x80000047;
	[smem:$0x7FD] =	sst s30;
	s10 =	sadd.s32 s20, s6  }
0xa: {  	s15 =	smul.u32 $0x4E20, s2;
	s11 =	sadd.s32 $0x9C40, s10;
	[dreg:$0xc] =	wrdreg s10  }
0xb: {  	s7 =	ssub.s32 $0x2, s3;
	s12 =	sadd.s32 $0xA, s10;
	[dreg:$0xd] =	wrdreg s11  }
0xc: {  	s13 =	smul.u32 $0x138800, s3;
	s9 =	sadd.s32 $0x9C4A, s10;
	[dreg:$0xe] =	wrdreg s12  }
0xd: {  	s6 =	sshrl.u32 s26, $0x2;
	s16 =	sadd.s32 $0x9C54, s10;
	[dreg:$0xf] =	wrdreg s9  }
0xe: {  	s3 =	smul.u32 $0x2710, s3;
	s19 =	sadd.s32 s6, s4;
	[dreg:$0x12] =	wrdreg s16  }
0xf: {  	s8 =	sshrl.u32 s7, $0x1;
	s11 =	sadd.s32 $0x14, s10;
	[dreg:$0x11] =	wrdreg s19  }
0x10: {  	s7 =	ssub.s32 s7, s8;
	s17 =	sadd.s32 $0x1800, s19;
	[dreg:$0x10] =	wrdreg s11  }
0x11: {  	s3 =	sadd.s32 s3, s15;
	s18 =	sadd.s32 $0x3000, s19;
	[dreg:$0x13] =	wrdreg s17  }
0x12: {  	s26 =	sadd.s32 $0x230, s3;
	s21 =	sadd.s32 $0x4800, s19;
	[dreg:$0x14] =	wrdreg s18  }
0x13: {  	s22 =	sadd.s32 $0x6000, s19;
	s23 =	sadd.s32 $0x7800, s19;
	[dreg:$0x15] =	wrdreg s21  }
0x14: {  	s9 =	sadd.s32 s14, s13;
	s24 =	sadd.s32 $0x9000, s19;
	[dreg:$0x16] =	wrdreg s22  }
0x15: {  	s12 =	sshrl.u32 s26, $0x3;
	s14 =	sadd.s32 $0x4E430, s3;
	[dreg:$0x17] =	wrdreg s23  }
0x16: {  	s16 =	sadd.s32 $0x1E0, s3;
	s26 =	sadd.s32 $0x4E340, s3;
	[dreg:$0x18] =	wrdreg s24  }
0x17: {  	s25 =	sshrl.u32 s9, $0x3;
	s11 =	sshrl.u32 s13, $0x3;
	s13 =	sadd.s32 s12, s20  }
0x18: {  	s15 =	sshrl.u32 s14, $0x3;
	s12 =	sadd.s32 $0xA800, s19;
	[dreg:$0x5] =	wrdreg s13  }
0x19: {  	s8 =	sshrl.u32 s16, $0x3;
	s14 =	sadd.s32 $0xC000, s19;
	[dreg:$0x1a] =	wrdreg s12  }
0x1a: {  	s17 =	sadd.s32 $0x4E3E0, s3;
	s16 =	smax.u32 s7, $0x1;
	[dreg:$0x1b] =	wrdreg s14  }
0x1b: {  	s23 =	sadd.s32 $0x190, s3;
	s6 =	sadd.s32 s0, s25;
	[dreg:$0x1e] =	wrdreg s16  }
0x1c: {  	s0 =	sadd.s32 s0, s11;
	s18 =	sadd.s32 s8, s20;
	[dreg:$0x19] =	wrdreg s6  }
0x1d: {  	s21 =	sshrl.u32 s17, $0x3;
	s17 =	sadd.s32 $0x140, s3;
	[dreg:$0x7] =	wrdreg s18  }
0x1e: {  	s24 =	sshrl.u32 s23, $0x3;
	s23 =	sadd.s32 $0x1E, s10;
	[dreg:$0x1f] =	wrdreg s17  }
0x1f: {  	s11 =	sshrl.u32 s26, $0x3;
	s26 =	sadd.s32 $0xA118, s10;
	[smem:$0x7F9] =	sst s23  }
0x20: {  	s31 =	simm.s32 $0x13A00;
	s6 =	sadd.s32 s15, s20;
	[smem:$0x7FC] =	sst s26  }
0x21: {  	p0 =	sne.s32 s2, $0xF;
	s22 =	sadd.s32 s21, s20;
	[dreg:$0x6] =	wrdreg s6  }
0x22: {  	s7 =	simm.s32 $0x4;
	s13 =	sadd.s32 s11, s20;
	[dreg:$0x8] =	wrdreg s22  }
0x23: {  	s9 =	simm.s32 $0x0;
	s15 =	sadd.s32 $0xD800, s19;
	[dreg:$0xb] =	wrdreg s13  }
0x24: {  	s25 =	sadd.s32 $0x4E390, s3;
	s0 =	sadd.s32 $0x27000, s0;
	[dreg:$0x1c] =	wrdreg s15  }
0x25: {  	s16 =	simm.s32 $0x50;
	s18 =	sadd.s32 $0xF000, s19;
	[dreg:$0x1d] =	wrdreg s0  }
0x26: {  	s3 =	simm.s32 $0x3;
	s21 =	sadd.s32 $0x10800, s19;
	[smem:$0x7F6] =	sst s18  }
0x27: {  	s8 =	sshrl.u32 s25, $0x3;
	s25 =	sadd.s32 $0x4D8, s10;
	[smem:$0x7F7] =	sst s21  }
0x28: {  	s6 =	sadd.s32 s24, s20;
	s8 =	sadd.s32 s8, s20;
	[smem:$0x7FB] =	sst s25  }
0x29: {  	s22 =	sadd.s32 $0x12000, s19;
	s24 =	sadd.s32 $0x9C5E, s10;
	[dreg:$0x9] =	wrdreg s6  }
0x2a: {  	s10 =	simm.s32 $0x1DAD0;
	s15 =	simm.s32 $0xB;
	[dreg:$0xa] =	wrdreg s8  }
0x2b: {  	s0 =	simm.s32 $0x6;
	s25 =	simm.s32 $0x8;
	[smem:$0x7F8] =	sst s22  }
0x2c: {  	v0 =	vimm.f32 $0.0e+00;
	[smem:$0x7FA] =	sst s24;
	s22 =	simm.s32 $0x9;
	s6 =	simm.s32 $0x7  }
.LBB2_1:
0x2d: {  	[smem:$0x7F5] =	sst s9  }
0x2e: {  	s2 =	rddreg [dreg:$0xc];
	s8 =	simm.s32 $0x1DA80  }
0x2f: {  	[tilespmem:s8], [sflag:$0xB] =	stream.linear.gather [hbm4b:s2+s5], $0x50, $0x38;
	[tilespmem:$0x1F400] =	vst v63  }
0x30: {  	s13 =	rddreg [dreg:$0xd];
	s9 =	simm.s32 $0x13880  }
0x31: {  	[tilespmem:s9], [sflag:$0x9] =	stream.linear.gather [hbm4b:s13+s5], $0x50, $0x38;
	[tilespmem:$0x1F400] =	vst v63  }
0x32: {  	s14 =	rddreg [dreg:$0xe]  }
0x33: {  	[tilespmem:s10], [sflag:$0xB] =	stream.linear.gather [hbm4b:s14+s5], $0x50, $0x38;
	[tilespmem:$0x1F400] =	vst v63  }
0x34: {  	s17 =	rddreg [dreg:$0xf];
	s12 =	simm.s32 $0x13900  }
0x35: {  	[tilespmem:s12], [sflag:$0x9] =	stream.linear.gather [hbm4b:s17+s5], $0x50, $0x38;
	[tilespmem:$0x1F400] =	vst v63  }
0x36: {  	s18 =	rddreg [dreg:$0x10];
	s13 =	simm.s32 $0x1DB20  }
0x37: {  	[tilespmem:s13], [sflag:$0xB] =	stream.linear.gather [hbm4b:s18+s5], $0x50, $0x38;
	[tilespmem:$0x1F400] =	vst v63  }
0x38: {  	s21 =	rddreg [dreg:$0x12];
	s14 =	simm.s32 $0x13980  }
0x39: {  	[tilespmem:s14], [sflag:$0x9] =	stream.linear.gather [hbm4b:s21+s5], $0x50, $0x38;
	[tilespmem:$0x1F400] =	vst v63  }
0x3a: {  	_ =	swait.ge [sflag:s15], $0x50  }
0x3b: {  	[sflag:s15] =	ssyncset.done $0x0  }
0x3c: {  	s17 =	simm.s32 $0x13A80;
	[sflag:s15] =	ssyncadd.s32 $0xFFFFFFB0  }
0x3d: {  	[tilespmem:s17], [sflag:$0x1] =	stream.indirect.gather [hbm4b:s1+s16], $0x80, s8, s16, $0xb8;
	[tilespmem:$0x1F400] =	vst v63  }
0x3e: {  	_ =	swait.ge [sflag:s15], $0x50  }
0x3f: {  	[sflag:s15] =	ssyncset.done $0x0  }
0x40: {  	s18 =	simm.s32 $0x16280;
	[sflag:s15] =	ssyncadd.s32 $0xFFFFFFB0  }
0x41: {  	[tilespmem:s18], [sflag:$0x2] =	stream.indirect.gather [hbm4b:s1+s16], $0x80, s10, s16, $0xb8;
	[tilespmem:$0x1F400] =	vst v63  }
0x42: {  	[tilespmem:$0x1DC00] =	vst v0  }
0x43: {  	[tilespmem:$0x1DC10] =	vst v0  }
0x44: {  	[tilespmem:$0x1DC20] =	vst v0  }
0x45: {  	[tilespmem:$0x1DC30] =	vst v0  }
0x46: {  	[tilespmem:$0x1DC40] =	vst v0  }
0x47: {  	[tilespmem:$0x1DC50] =	vst v0  }
0x48: {  	[tilespmem:$0x1DC60] =	vst v0  }
0x49: {  	[tilespmem:$0x1DC70] =	vst v0  }
0x4a: {  	[tilespmem:$0x1DC80] =	vst v0  }
0x4b: {  	[tilespmem:$0x1DC90] =	vst v0  }
0x4c: {  	[tilespmem:$0x1DCA0] =	vst v0  }
0x4d: {  	[tilespmem:$0x1DCB0] =	vst v0  }
0x4e: {  	[tilespmem:$0x1DCC0] =	vst v0  }
0x4f: {  	[tilespmem:$0x1DCD0] =	vst v0  }
0x50: {  	[tilespmem:$0x1DCE0] =	vst v0  }
0x51: {  	[tilespmem:$0x1DCF0] =	vst v0  }
0x52: {  	[tilespmem:$0x1DD00] =	vst v0  }
0x53: {  	[tilespmem:$0x1DD10] =	vst v0  }
0x54: {  	[tilespmem:$0x1DD20] =	vst v0  }
0x55: {  	[tilespmem:$0x1DD30] =	vst v0  }
0x56: {  	[tilespmem:$0x1DD40] =	vst v0  }
0x57: {  	[tilespmem:$0x1DD50] =	vst v0  }
0x58: {  	[tilespmem:$0x1DD60] =	vst v0  }
0x59: {  	[tilespmem:$0x1DD70] =	vst v0  }
0x5a: {  	[tilespmem:$0x1DD80] =	vst v0  }
0x5b: {  	[tilespmem:$0x1DD90] =	vst v0  }
0x5c: {  	[tilespmem:$0x1DDA0] =	vst v0  }
0x5d: {  	[tilespmem:$0x1DDB0] =	vst v0  }
0x5e: {  	[tilespmem:$0x1DDC0] =	vst v0  }
0x5f: {  	[tilespmem:$0x1DDD0] =	vst v0  }
0x60: {  	[tilespmem:$0x1DDE0] =	vst v0  }
0x61: {  	[tilespmem:$0x1DDF0] =	vst v0  }
0x62: {  	[tilespmem:$0x1DE00] =	vst v0  }
0x63: {  	[tilespmem:$0x1DE10] =	vst v0  }
0x64: {  	[tilespmem:$0x1DE20] =	vst v0  }
0x65: {  	[tilespmem:$0x1DE30] =	vst v0  }
0x66: {  	[tilespmem:$0x1DE40] =	vst v0  }
0x67: {  	[tilespmem:$0x1DE50] =	vst v0  }
0x68: {  	[tilespmem:$0x1DE60] =	vst v0  }
0x69: {  	[tilespmem:$0x1DE70] =	vst v0  }
0x6a: {  	[tilespmem:$0x1DE80] =	vst v0  }
0x6b: {  	[tilespmem:$0x1DE90] =	vst v0  }
0x6c: {  	[tilespmem:$0x1DEA0] =	vst v0  }
0x6d: {  	[tilespmem:$0x1DEB0] =	vst v0  }
0x6e: {  	[tilespmem:$0x1DEC0] =	vst v0  }
0x6f: {  	[tilespmem:$0x1DED0] =	vst v0  }
0x70: {  	[tilespmem:$0x1DEE0] =	vst v0  }
0x71: {  	[tilespmem:$0x1DEF0] =	vst v0  }
0x72: {  	[tilespmem:$0x1DF00] =	vst v0  }
0x73: {  	[tilespmem:$0x1DF10] =	vst v0  }
0x74: {  	[tilespmem:$0x1DF20] =	vst v0  }
0x75: {  	[tilespmem:$0x1DF30] =	vst v0  }
0x76: {  	[tilespmem:$0x1DF40] =	vst v0  }
0x77: {  	[tilespmem:$0x1DF50] =	vst v0  }
0x78: {  	[tilespmem:$0x1DF60] =	vst v0  }
0x79: {  	[tilespmem:$0x1DF70] =	vst v0  }
0x7a: {  	[tilespmem:$0x1DF80] =	vst v0  }
0x7b: {  	[tilespmem:$0x1DF90] =	vst v0  }
0x7c: {  	[tilespmem:$0x1DFA0] =	vst v0  }
0x7d: {  	[tilespmem:$0x1DFB0] =	vst v0  }
0x7e: {  	[tilespmem:$0x1DFC0] =	vst v0  }
0x7f: {  	[tilespmem:$0x1DFD0] =	vst v0  }
0x80: {  	[tilespmem:$0x1DFE0] =	vst v0  }
0x81: {  	[tilespmem:$0x1DFF0] =	vst v0  }
0x82: {  	[tilespmem:$0x1E000] =	vst v0  }
0x83: {  	[tilespmem:$0x1E010] =	vst v0  }
0x84: {  	[tilespmem:$0x1E020] =	vst v0  }
0x85: {  	[tilespmem:$0x1E030] =	vst v0  }
0x86: {  	[tilespmem:$0x1E040] =	vst v0  }
0x87: {  	[tilespmem:$0x1E050] =	vst v0  }
0x88: {  	[tilespmem:$0x1E060] =	vst v0  }
0x89: {  	[tilespmem:$0x1E070] =	vst v0  }
0x8a: {  	[tilespmem:$0x1E080] =	vst v0  }
0x8b: {  	[tilespmem:$0x1E090] =	vst v0  }
0x8c: {  	[tilespmem:$0x1E0A0] =	vst v0  }
0x8d: {  	[tilespmem:$0x1E0B0] =	vst v0  }
0x8e: {  	[tilespmem:$0x1E0C0] =	vst v0  }
0x8f: {  	[tilespmem:$0x1E0D0] =	vst v0  }
0x90: {  	[tilespmem:$0x1E0E0] =	vst v0  }
0x91: {  	[tilespmem:$0x1E0F0] =	vst v0  }
0x92: {  	[tilespmem:$0x1E100] =	vst v0  }
0x93: {  	[tilespmem:$0x1E110] =	vst v0  }
0x94: {  	[tilespmem:$0x1E120] =	vst v0  }
0x95: {  	[tilespmem:$0x1E130] =	vst v0  }
0x96: {  	[tilespmem:$0x1E140] =	vst v0  }
0x97: {  	[tilespmem:$0x1E150] =	vst v0  }
0x98: {  	[tilespmem:$0x1E160] =	vst v0  }
0x99: {  	[tilespmem:$0x1E170] =	vst v0  }
0x9a: {  	[tilespmem:$0x1E180] =	vst v0  }
0x9b: {  	[tilespmem:$0x1E190] =	vst v0  }
0x9c: {  	[tilespmem:$0x1E1A0] =	vst v0  }
0x9d: {  	[tilespmem:$0x1E1B0] =	vst v0  }
0x9e: {  	[tilespmem:$0x1E1C0] =	vst v0  }
0x9f: {  	[tilespmem:$0x1E1D0] =	vst v0  }
0xa0: {  	[tilespmem:$0x1E1E0] =	vst v0  }
0xa1: {  	[tilespmem:$0x1E1F0] =	vst v0  }
0xa2: {  	[tilespmem:$0x1E200] =	vst v0  }
0xa3: {  	[tilespmem:$0x1E210] =	vst v0  }
0xa4: {  	[tilespmem:$0x1E220] =	vst v0  }
0xa5: {  	[tilespmem:$0x1E230] =	vst v0  }
0xa6: {  	[tilespmem:$0x1E240] =	vst v0  }
0xa7: {  	[tilespmem:$0x1E250] =	vst v0  }
0xa8: {  	[tilespmem:$0x1E260] =	vst v0  }
0xa9: {  	[tilespmem:$0x1E270] =	vst v0  }
0xaa: {  	[tilespmem:$0x1E280] =	vst v0  }
0xab: {  	[tilespmem:$0x1E290] =	vst v0  }
0xac: {  	[tilespmem:$0x1E2A0] =	vst v0  }
0xad: {  	[tilespmem:$0x1E2B0] =	vst v0  }
0xae: {  	[tilespmem:$0x1E2C0] =	vst v0  }
0xaf: {  	[tilespmem:$0x1E2D0] =	vst v0  }
0xb0: {  	[tilespmem:$0x1E2E0] =	vst v0  }
0xb1: {  	[tilespmem:$0x1E2F0] =	vst v0  }
0xb2: {  	[tilespmem:$0x1E300] =	vst v0  }
0xb3: {  	[tilespmem:$0x1E310] =	vst v0  }
0xb4: {  	[tilespmem:$0x1E320] =	vst v0  }
0xb5: {  	[tilespmem:$0x1E330] =	vst v0  }
0xb6: {  	[tilespmem:$0x1E340] =	vst v0  }
0xb7: {  	[tilespmem:$0x1E350] =	vst v0  }
0xb8: {  	[tilespmem:$0x1E360] =	vst v0  }
0xb9: {  	[tilespmem:$0x1E370] =	vst v0  }
0xba: {  	[tilespmem:$0x1E380] =	vst v0  }
0xbb: {  	[tilespmem:$0x1E390] =	vst v0  }
0xbc: {  	[tilespmem:$0x1E3A0] =	vst v0  }
0xbd: {  	[tilespmem:$0x1E3B0] =	vst v0  }
0xbe: {  	[tilespmem:$0x1E3C0] =	vst v0  }
0xbf: {  	[tilespmem:$0x1E3D0] =	vst v0  }
0xc0: {  	[tilespmem:$0x1E3E0] =	vst v0  }
0xc1: {  	[tilespmem:$0x1E3F0] =	vst v0  }
0xc2: {  	[tilespmem:$0x1E400] =	vst v0  }
0xc3: {  	[tilespmem:$0x1E410] =	vst v0  }
0xc4: {  	[tilespmem:$0x1E420] =	vst v0  }
0xc5: {  	[tilespmem:$0x1E430] =	vst v0  }
0xc6: {  	[tilespmem:$0x1E440] =	vst v0  }
0xc7: {  	[tilespmem:$0x1E450] =	vst v0  }
0xc8: {  	[tilespmem:$0x1E460] =	vst v0  }
0xc9: {  	[tilespmem:$0x1E470] =	vst v0  }
0xca: {  	[tilespmem:$0x1E480] =	vst v0  }
0xcb: {  	[tilespmem:$0x1E490] =	vst v0  }
0xcc: {  	[tilespmem:$0x1E4A0] =	vst v0  }
0xcd: {  	[tilespmem:$0x1E4B0] =	vst v0  }
0xce: {  	[tilespmem:$0x1E4C0] =	vst v0  }
0xcf: {  	[tilespmem:$0x1E4D0] =	vst v0  }
0xd0: {  	[tilespmem:$0x1E4E0] =	vst v0  }
0xd1: {  	[tilespmem:$0x1E4F0] =	vst v0  }
0xd2: {  	[tilespmem:$0x1E500] =	vst v0  }
0xd3: {  	[tilespmem:$0x1E510] =	vst v0  }
0xd4: {  	[tilespmem:$0x1E520] =	vst v0  }
0xd5: {  	[tilespmem:$0x1E530] =	vst v0  }
0xd6: {  	[tilespmem:$0x1E540] =	vst v0  }
0xd7: {  	[tilespmem:$0x1E550] =	vst v0  }
0xd8: {  	[tilespmem:$0x1E560] =	vst v0  }
0xd9: {  	[tilespmem:$0x1E570] =	vst v0  }
0xda: {  	[tilespmem:$0x1E580] =	vst v0  }
0xdb: {  	[tilespmem:$0x1E590] =	vst v0  }
0xdc: {  	[tilespmem:$0x1E5A0] =	vst v0  }
0xdd: {  	[tilespmem:$0x1E5B0] =	vst v0  }
0xde: {  	[tilespmem:$0x1E5C0] =	vst v0  }
0xdf: {  	[tilespmem:$0x1E5D0] =	vst v0  }
0xe0: {  	[tilespmem:$0x1E5E0] =	vst v0  }
0xe1: {  	[tilespmem:$0x1E5F0] =	vst v0  }
0xe2: {  	[tilespmem:$0x1E600] =	vst v0  }
0xe3: {  	[tilespmem:$0x1E610] =	vst v0  }
0xe4: {  	[tilespmem:$0x1E620] =	vst v0  }
0xe5: {  	[tilespmem:$0x1E630] =	vst v0  }
0xe6: {  	[tilespmem:$0x1E640] =	vst v0  }
0xe7: {  	[tilespmem:$0x1E650] =	vst v0  }
0xe8: {  	[tilespmem:$0x1E660] =	vst v0  }
0xe9: {  	[tilespmem:$0x1E670] =	vst v0  }
0xea: {  	[tilespmem:$0x1E680] =	vst v0  }
0xeb: {  	[tilespmem:$0x1E690] =	vst v0  }
0xec: {  	[tilespmem:$0x1E6A0] =	vst v0  }
0xed: {  	[tilespmem:$0x1E6B0] =	vst v0  }
0xee: {  	[tilespmem:$0x1E6C0] =	vst v0  }
0xef: {  	[tilespmem:$0x1E6D0] =	vst v0  }
0xf0: {  	[tilespmem:$0x1E6E0] =	vst v0  }
0xf1: {  	[tilespmem:$0x1E6F0] =	vst v0  }
0xf2: {  	[tilespmem:$0x1E700] =	vst v0  }
0xf3: {  	[tilespmem:$0x1E710] =	vst v0  }
0xf4: {  	[tilespmem:$0x1E720] =	vst v0  }
0xf5: {  	[tilespmem:$0x1E730] =	vst v0  }
0xf6: {  	[tilespmem:$0x1E740] =	vst v0  }
0xf7: {  	[tilespmem:$0x1E750] =	vst v0  }
0xf8: {  	[tilespmem:$0x1E760] =	vst v0  }
0xf9: {  	[tilespmem:$0x1E770] =	vst v0  }
0xfa: {  	[tilespmem:$0x1E780] =	vst v0  }
0xfb: {  	[tilespmem:$0x1E790] =	vst v0  }
0xfc: {  	[tilespmem:$0x1E7A0] =	vst v0  }
0xfd: {  	[tilespmem:$0x1E7B0] =	vst v0  }
0xfe: {  	[tilespmem:$0x1E7C0] =	vst v0  }
0xff: {  	[tilespmem:$0x1E7D0] =	vst v0  }
0x100: {  	[tilespmem:$0x1E7E0] =	vst v0  }
0x101: {  	[tilespmem:$0x1E7F0] =	vst v0  }
0x102: {  	[tilespmem:$0x1E800] =	vst v0  }
0x103: {  	[tilespmem:$0x1E810] =	vst v0  }
0x104: {  	[tilespmem:$0x1E820] =	vst v0  }
0x105: {  	[tilespmem:$0x1E830] =	vst v0  }
0x106: {  	[tilespmem:$0x1E840] =	vst v0  }
0x107: {  	[tilespmem:$0x1E850] =	vst v0  }
0x108: {  	[tilespmem:$0x1E860] =	vst v0  }
0x109: {  	[tilespmem:$0x1E870] =	vst v0  }
0x10a: {  	[tilespmem:$0x1E880] =	vst v0  }
0x10b: {  	[tilespmem:$0x1E890] =	vst v0  }
0x10c: {  	[tilespmem:$0x1E8A0] =	vst v0  }
0x10d: {  	[tilespmem:$0x1E8B0] =	vst v0  }
0x10e: {  	[tilespmem:$0x1E8C0] =	vst v0  }
0x10f: {  	[tilespmem:$0x1E8D0] =	vst v0  }
0x110: {  	[tilespmem:$0x1E8E0] =	vst v0  }
0x111: {  	[tilespmem:$0x1E8F0] =	vst v0  }
0x112: {  	[tilespmem:$0x1E900] =	vst v0  }
0x113: {  	[tilespmem:$0x1E910] =	vst v0  }
0x114: {  	[tilespmem:$0x1E920] =	vst v0  }
0x115: {  	[tilespmem:$0x1E930] =	vst v0  }
0x116: {  	[tilespmem:$0x1E940] =	vst v0  }
0x117: {  	[tilespmem:$0x1E950] =	vst v0  }
0x118: {  	[tilespmem:$0x1E960] =	vst v0  }
0x119: {  	[tilespmem:$0x1E970] =	vst v0  }
0x11a: {  	[tilespmem:$0x1E980] =	vst v0  }
0x11b: {  	[tilespmem:$0x1E990] =	vst v0  }
0x11c: {  	[tilespmem:$0x1E9A0] =	vst v0  }
0x11d: {  	[tilespmem:$0x1E9B0] =	vst v0  }
0x11e: {  	[tilespmem:$0x1E9C0] =	vst v0  }
0x11f: {  	[tilespmem:$0x1E9D0] =	vst v0  }
0x120: {  	[tilespmem:$0x1E9E0] =	vst v0  }
0x121: {  	[tilespmem:$0x1E9F0] =	vst v0  }
0x122: {  	[tilespmem:$0x1EA00] =	vst v0  }
0x123: {  	[tilespmem:$0x1EA10] =	vst v0  }
0x124: {  	[tilespmem:$0x1EA20] =	vst v0  }
0x125: {  	[tilespmem:$0x1EA30] =	vst v0  }
0x126: {  	[tilespmem:$0x1EA40] =	vst v0  }
0x127: {  	[tilespmem:$0x1EA50] =	vst v0  }
0x128: {  	[tilespmem:$0x1EA60] =	vst v0  }
0x129: {  	[tilespmem:$0x1EA70] =	vst v0  }
0x12a: {  	[tilespmem:$0x1EA80] =	vst v0  }
0x12b: {  	[tilespmem:$0x1EA90] =	vst v0  }
0x12c: {  	[tilespmem:$0x1EAA0] =	vst v0  }
0x12d: {  	[tilespmem:$0x1EAB0] =	vst v0  }
0x12e: {  	[tilespmem:$0x1EAC0] =	vst v0  }
0x12f: {  	[tilespmem:$0x1EAD0] =	vst v0  }
0x130: {  	[tilespmem:$0x1EAE0] =	vst v0  }
0x131: {  	[tilespmem:$0x1EAF0] =	vst v0  }
0x132: {  	[tilespmem:$0x1EB00] =	vst v0  }
0x133: {  	[tilespmem:$0x1EB10] =	vst v0  }
0x134: {  	[tilespmem:$0x1EB20] =	vst v0  }
0x135: {  	[tilespmem:$0x1EB30] =	vst v0  }
0x136: {  	[tilespmem:$0x1EB40] =	vst v0  }
0x137: {  	[tilespmem:$0x1EB50] =	vst v0  }
0x138: {  	[tilespmem:$0x1EB60] =	vst v0  }
0x139: {  	[tilespmem:$0x1EB70] =	vst v0  }
0x13a: {  	[tilespmem:$0x1EB80] =	vst v0  }
0x13b: {  	[tilespmem:$0x1EB90] =	vst v0  }
0x13c: {  	[tilespmem:$0x1EBA0] =	vst v0  }
0x13d: {  	[tilespmem:$0x1EBB0] =	vst v0  }
0x13e: {  	[tilespmem:$0x1EBC0] =	vst v0  }
0x13f: {  	[tilespmem:$0x1EBD0] =	vst v0  }
0x140: {  	[tilespmem:$0x1EBE0] =	vst v0  }
0x141: {  	[tilespmem:$0x1F3E0] =	vst v0  }
0x142: {  	[tilespmem:$0x1F3D0] =	vst v0  }
0x143: {  	[tilespmem:$0x1F3C0] =	vst v0  }
0x144: {  	[tilespmem:$0x1F3B0] =	vst v0  }
0x145: {  	[tilespmem:$0x1F3A0] =	vst v0  }
0x146: {  	[tilespmem:$0x1F380] =	vst v0  }
0x147: {  	[tilespmem:$0x1F3F0] =	vst v0  }
0x148: {  	[tilespmem:$0x1EBF0] =	vst v0  }
0x149: {  	[tilespmem:$0x1EC00] =	vst v0  }
0x14a: {  	[tilespmem:$0x1EC10] =	vst v0  }
0x14b: {  	[tilespmem:$0x1EC20] =	vst v0  }
0x14c: {  	[tilespmem:$0x1EC30] =	vst v0  }
0x14d: {  	[tilespmem:$0x1EC40] =	vst v0  }
0x14e: {  	[tilespmem:$0x1EC50] =	vst v0  }
0x14f: {  	[tilespmem:$0x1EC60] =	vst v0  }
0x150: {  	[tilespmem:$0x1EC70] =	vst v0  }
0x151: {  	[tilespmem:$0x1EC80] =	vst v0  }
0x152: {  	[tilespmem:$0x1EC90] =	vst v0  }
0x153: {  	[tilespmem:$0x1ECA0] =	vst v0  }
0x154: {  	[tilespmem:$0x1ECB0] =	vst v0  }
0x155: {  	[tilespmem:$0x1ECC0] =	vst v0  }
0x156: {  	[tilespmem:$0x1ECD0] =	vst v0  }
0x157: {  	[tilespmem:$0x1ECE0] =	vst v0  }
0x158: {  	[tilespmem:$0x1ECF0] =	vst v0  }
0x159: {  	[tilespmem:$0x1ED00] =	vst v0  }
0x15a: {  	[tilespmem:$0x1ED10] =	vst v0  }
0x15b: {  	[tilespmem:$0x1ED20] =	vst v0  }
0x15c: {  	[tilespmem:$0x1ED30] =	vst v0  }
0x15d: {  	[tilespmem:$0x1ED40] =	vst v0  }
0x15e: {  	[tilespmem:$0x1ED50] =	vst v0  }
0x15f: {  	[tilespmem:$0x1ED60] =	vst v0  }
0x160: {  	[tilespmem:$0x1ED70] =	vst v0  }
0x161: {  	[tilespmem:$0x1ED80] =	vst v0  }
0x162: {  	[tilespmem:$0x1ED90] =	vst v0  }
0x163: {  	[tilespmem:$0x1EDA0] =	vst v0  }
0x164: {  	[tilespmem:$0x1EDB0] =	vst v0  }
0x165: {  	[tilespmem:$0x1EDC0] =	vst v0  }
0x166: {  	[tilespmem:$0x1EDD0] =	vst v0  }
0x167: {  	[tilespmem:$0x1EDE0] =	vst v0  }
0x168: {  	[tilespmem:$0x1EDF0] =	vst v0  }
0x169: {  	[tilespmem:$0x1EE00] =	vst v0  }
0x16a: {  	[tilespmem:$0x1EE10] =	vst v0  }
0x16b: {  	[tilespmem:$0x1EE20] =	vst v0  }
0x16c: {  	[tilespmem:$0x1EE30] =	vst v0  }
0x16d: {  	[tilespmem:$0x1EE40] =	vst v0  }
0x16e: {  	[tilespmem:$0x1EE50] =	vst v0  }
0x16f: {  	[tilespmem:$0x1EE60] =	vst v0  }
0x170: {  	[tilespmem:$0x1EE70] =	vst v0  }
0x171: {  	[tilespmem:$0x1EE80] =	vst v0  }
0x172: {  	[tilespmem:$0x1EE90] =	vst v0  }
0x173: {  	[tilespmem:$0x1EEA0] =	vst v0  }
0x174: {  	[tilespmem:$0x1EEB0] =	vst v0  }
0x175: {  	[tilespmem:$0x1EEC0] =	vst v0  }
0x176: {  	[tilespmem:$0x1EED0] =	vst v0  }
0x177: {  	[tilespmem:$0x1EEE0] =	vst v0  }
0x178: {  	[tilespmem:$0x1EEF0] =	vst v0  }
0x179: {  	[tilespmem:$0x1EF00] =	vst v0  }
0x17a: {  	[tilespmem:$0x1EF10] =	vst v0  }
0x17b: {  	[tilespmem:$0x1EF20] =	vst v0  }
0x17c: {  	[tilespmem:$0x1EF30] =	vst v0  }
0x17d: {  	[tilespmem:$0x1EF40] =	vst v0  }
0x17e: {  	[tilespmem:$0x1EF50] =	vst v0  }
0x17f: {  	[tilespmem:$0x1EF60] =	vst v0  }
0x180: {  	[tilespmem:$0x1EF70] =	vst v0  }
0x181: {  	[tilespmem:$0x1EF80] =	vst v0  }
0x182: {  	[tilespmem:$0x1EF90] =	vst v0  }
0x183: {  	[tilespmem:$0x1EFA0] =	vst v0  }
0x184: {  	[tilespmem:$0x1EFB0] =	vst v0  }
0x185: {  	[tilespmem:$0x1EFC0] =	vst v0  }
0x186: {  	[tilespmem:$0x1EFD0] =	vst v0  }
0x187: {  	[tilespmem:$0x1EFE0] =	vst v0  }
0x188: {  	[tilespmem:$0x1EFF0] =	vst v0  }
0x189: {  	[tilespmem:$0x1F000] =	vst v0  }
0x18a: {  	[tilespmem:$0x1F010] =	vst v0  }
0x18b: {  	[tilespmem:$0x1F020] =	vst v0  }
0x18c: {  	[tilespmem:$0x1F030] =	vst v0  }
0x18d: {  	[tilespmem:$0x1F040] =	vst v0  }
0x18e: {  	[tilespmem:$0x1F050] =	vst v0  }
0x18f: {  	[tilespmem:$0x1F060] =	vst v0  }
0x190: {  	[tilespmem:$0x1F070] =	vst v0  }
0x191: {  	[tilespmem:$0x1F080] =	vst v0  }
0x192: {  	[tilespmem:$0x1F090] =	vst v0  }
0x193: {  	[tilespmem:$0x1F0A0] =	vst v0  }
0x194: {  	[tilespmem:$0x1F0B0] =	vst v0  }
0x195: {  	[tilespmem:$0x1F0C0] =	vst v0  }
0x196: {  	[tilespmem:$0x1F0D0] =	vst v0  }
0x197: {  	[tilespmem:$0x1F0E0] =	vst v0  }
0x198: {  	[tilespmem:$0x1F0F0] =	vst v0  }
0x199: {  	[tilespmem:$0x1F100] =	vst v0  }
0x19a: {  	[tilespmem:$0x1F110] =	vst v0  }
0x19b: {  	[tilespmem:$0x1F120] =	vst v0  }
0x19c: {  	[tilespmem:$0x1F130] =	vst v0  }
0x19d: {  	[tilespmem:$0x1F140] =	vst v0  }
0x19e: {  	[tilespmem:$0x1F150] =	vst v0  }
0x19f: {  	[tilespmem:$0x1F160] =	vst v0  }
0x1a0: {  	[tilespmem:$0x1F170] =	vst v0  }
0x1a1: {  	[tilespmem:$0x1F180] =	vst v0  }
0x1a2: {  	[tilespmem:$0x1F190] =	vst v0  }
0x1a3: {  	[tilespmem:$0x1F1A0] =	vst v0  }
0x1a4: {  	[tilespmem:$0x1F1B0] =	vst v0  }
0x1a5: {  	[tilespmem:$0x1F1C0] =	vst v0  }
0x1a6: {  	[tilespmem:$0x1F1D0] =	vst v0  }
0x1a7: {  	[tilespmem:$0x1F1E0] =	vst v0  }
0x1a8: {  	[tilespmem:$0x1F1F0] =	vst v0  }
0x1a9: {  	[tilespmem:$0x1F200] =	vst v0  }
0x1aa: {  	[tilespmem:$0x1F210] =	vst v0  }
0x1ab: {  	[tilespmem:$0x1F220] =	vst v0  }
0x1ac: {  	[tilespmem:$0x1F230] =	vst v0  }
0x1ad: {  	[tilespmem:$0x1F240] =	vst v0  }
0x1ae: {  	[tilespmem:$0x1F250] =	vst v0  }
0x1af: {  	[tilespmem:$0x1F260] =	vst v0  }
0x1b0: {  	[tilespmem:$0x1F270] =	vst v0  }
0x1b1: {  	[tilespmem:$0x1F280] =	vst v0  }
0x1b2: {  	[tilespmem:$0x1F290] =	vst v0  }
0x1b3: {  	[tilespmem:$0x1F2A0] =	vst v0  }
0x1b4: {  	[tilespmem:$0x1F2B0] =	vst v0  }
0x1b5: {  	[tilespmem:$0x1F2C0] =	vst v0  }
0x1b6: {  	[tilespmem:$0x1F2D0] =	vst v0  }
0x1b7: {  	[tilespmem:$0x1F2E0] =	vst v0  }
0x1b8: {  	[tilespmem:$0x1F2F0] =	vst v0  }
0x1b9: {  	[tilespmem:$0x1F300] =	vst v0  }
0x1ba: {  	[tilespmem:$0x1F310] =	vst v0  }
0x1bb: {  	[tilespmem:$0x1F320] =	vst v0  }
0x1bc: {  	[tilespmem:$0x1F330] =	vst v0  }
0x1bd: {  	[tilespmem:$0x1F340] =	vst v0  }
0x1be: {  	[tilespmem:$0x1F350] =	vst v0  }
0x1bf: {  	[tilespmem:$0x1F360] =	vst v0  }
0x1c0: {  	[tilespmem:$0x1F370] =	vst v0  }
0x1c1: {  	s11 =	simm.s32 $0x1DC00;
	[tilespmem:$0x1F390] =	vst v0  }
0x1c2: {  	[spmem:s19] =	stream.linear.scatter [tilespmem:s11], [sflag:$0xA], $0x1800, $0x38;
	[tilespmem:$0x1F400] =	vst v63  }
0x1c3: {  	s23 =	rddreg [dreg:$0x13]  }
0x1c4: {  	s24 =	rddreg [dreg:$0x14]  }
0x1c5: {  	[spmem:s23] =	stream.linear.scatter [tilespmem:s11], [sflag:$0xA], $0x1800, $0x38;
	[tilespmem:$0x1F400] =	vst v63  }
0x1c6: {  	s26 =	rddreg [dreg:$0x15]  }
0x1c7: {  	[spmem:s24] =	stream.linear.scatter [tilespmem:s11], [sflag:$0xA], $0x1800, $0x38;
	[tilespmem:$0x1F400] =	vst v63  }
0x1c8: {  	s19 =	rddreg [dreg:$0x16]  }
0x1c9: {  	[spmem:s26] =	stream.linear.scatter [tilespmem:s11], [sflag:$0xA], $0x1800, $0x38;
	[tilespmem:$0x1F400] =	vst v63  }
0x1ca: {  	s21 =	rddreg [dreg:$0x17]  }
0x1cb: {  	[spmem:s19] =	stream.linear.scatter [tilespmem:s11], [sflag:$0xA], $0x1800, $0x38;
	[tilespmem:$0x1F400] =	vst v63  }
0x1cc: {  	s23 =	rddreg [dreg:$0x18]  }
0x1cd: {  	[spmem:s21] =	stream.linear.scatter [tilespmem:s11], [sflag:$0xA], $0x1800, $0x38;
	[tilespmem:$0x1F400] =	vst v63  }
0x1ce: {  	s24 =	rddreg [dreg:$0x1a]  }
0x1cf: {  	[spmem:s23] =	stream.linear.scatter [tilespmem:s11], [sflag:$0xA], $0x1800, $0x38;
	[tilespmem:$0x1F400] =	vst v63  }
0x1d0: {  	s26 =	rddreg [dreg:$0x1b]  }
0x1d1: {  	[spmem:s24] =	stream.linear.scatter [tilespmem:s11], [sflag:$0xA], $0x1800, $0x38;
	[tilespmem:$0x1F400] =	vst v63  }
0x1d2: {  	s19 =	rddreg [dreg:$0x1c]  }
0x1d3: {  	[spmem:s26] =	stream.linear.scatter [tilespmem:s11], [sflag:$0xA], $0x1800, $0x38;
	[tilespmem:$0x1F400] =	vst v63  }
0x1d4: {  	s21 =	sld [smem:$0x7F6]  }
0x1d5: {  	[spmem:s19] =	stream.linear.scatter [tilespmem:s11], [sflag:$0xA], $0x1800, $0x38;
	[tilespmem:$0x1F400] =	vst v63  }
0x1d6: {  	s23 =	sld [smem:$0x7F7]  }
0x1d7: {  	[spmem:s21] =	stream.linear.scatter [tilespmem:s11], [sflag:$0xA], $0x1800, $0x38;
	[tilespmem:$0x1F400] =	vst v63  }
0x1d8: {  	s24 =	sld [smem:$0x7F8]  }
0x1d9: {  	[spmem:s23] =	stream.linear.scatter [tilespmem:s11], [sflag:$0xA], $0x1800, $0x38;
	[tilespmem:$0x1F400] =	vst v63  }
0x1da: {  	_ = 	snop  }
0x1db: {  	[spmem:s24] =	stream.linear.scatter [tilespmem:s11], [sflag:$0xA], $0x1800, $0x38;
	[tilespmem:$0x1F400] =	vst v63  }
0x1dc: {  	s11 =	simm.s32 @!p0 $0x1DC00  }
0x1dd: {  	[spmem:s30] =	stream.linear.scatter @!p0 [tilespmem:s11], [sflag:$0xA], $0x800, $0x38;
	[tilespmem:$0x1F400] =	vst v63  }
0x1de: {  	s11 =	simm.s32 @!p0 $0xA  }
0x1df: {  	_ =	swait.ge @!p0 [sflag:s11], $0x800  }
0x1e0: {  	[sflag:s11] =	ssyncset.done @!p0 $0x0  }
0x1e1: {  	s26 =	simm.s32 $0xA;
	[sflag:s11] =	ssyncadd.s32 @!p0 $0xFFFFF800  }
0x1e2: {  	_ =	swait.ge [sflag:s26], $0x1800  }
0x1e3: {  	[sflag:s26] =	ssyncset.done $0x0  }
0x1e4: {  	[sflag:s26] =	ssyncadd.s32 $0xFFFFE800  }
0x1e5: {  	_ =	swait.ge [sflag:s26], $0x1800  }
0x1e6: {  	[sflag:s26] =	ssyncset.done $0x0  }
0x1e7: {  	[sflag:s26] =	ssyncadd.s32 $0xFFFFE800  }
0x1e8: {  	_ =	swait.ge [sflag:s26], $0x1800  }
0x1e9: {  	[sflag:s26] =	ssyncset.done $0x0  }
0x1ea: {  	[sflag:s26] =	ssyncadd.s32 $0xFFFFE800  }
0x1eb: {  	_ =	swait.ge [sflag:s26], $0x1800  }
0x1ec: {  	[sflag:s26] =	ssyncset.done $0x0  }
0x1ed: {  	[sflag:s26] =	ssyncadd.s32 $0xFFFFE800  }
0x1ee: {  	_ =	swait.ge [sflag:s26], $0x1800  }
0x1ef: {  	[sflag:s26] =	ssyncset.done $0x0  }
0x1f0: {  	[sflag:s26] =	ssyncadd.s32 $0xFFFFE800  }
0x1f1: {  	_ =	swait.ge [sflag:s26], $0x1800  }
0x1f2: {  	[sflag:s26] =	ssyncset.done $0x0  }
0x1f3: {  	[sflag:s26] =	ssyncadd.s32 $0xFFFFE800  }
0x1f4: {  	_ =	swait.ge [sflag:s26], $0x1800  }
0x1f5: {  	[sflag:s26] =	ssyncset.done $0x0  }
0x1f6: {  	[sflag:s26] =	ssyncadd.s32 $0xFFFFE800  }
0x1f7: {  	_ =	swait.ge [sflag:s26], $0x1800  }
0x1f8: {  	[sflag:s26] =	ssyncset.done $0x0  }
0x1f9: {  	[sflag:s26] =	ssyncadd.s32 $0xFFFFE800  }
0x1fa: {  	_ =	swait.ge [sflag:s26], $0x1800  }
0x1fb: {  	[sflag:s26] =	ssyncset.done $0x0  }
0x1fc: {  	[sflag:s26] =	ssyncadd.s32 $0xFFFFE800  }
0x1fd: {  	_ =	swait.ge [sflag:s26], $0x1800  }
0x1fe: {  	[sflag:s26] =	ssyncset.done $0x0  }
0x1ff: {  	[sflag:s26] =	ssyncadd.s32 $0xFFFFE800  }
0x200: {  	_ =	swait.ge [sflag:s26], $0x1800  }
0x201: {  	[sflag:s26] =	ssyncset.done $0x0  }
0x202: {  	[sflag:s26] =	ssyncadd.s32 $0xFFFFE800  }
0x203: {  	_ =	swait.ge [sflag:s26], $0x1800  }
0x204: {  	[sflag:s26] =	ssyncset.done $0x0  }
0x205: {  	[sflag:s26] =	ssyncadd.s32 $0xFFFFE800  }
0x206: {  	_ =	swait.ge [sflag:s26], $0x1800  }
0x207: {  	[sflag:s26] =	ssyncset.done $0x0  }
0x208: {  	[sflag:s26] =	ssyncadd.s32 $0xFFFFE800  }
0x209: {  	s21 =	simm.s32 $0x1;
	[bflag:$0x0] =	sbarrier.arrive $0xFFFF  }
0x20a: {  	_ =	swait.ge [sflag:s21], $0x2800  }
0x20b: {  	[sflag:s21] =	ssyncset.done $0x0  }
0x20c: {  	[sflag:s21] =	ssyncadd.s32 $0xFFFFD800  }
0x20d: {  	_ =	swait.ge [sflag:s22], $0x50  }
0x20e: {  	[sflag:s22] =	ssyncset.done $0x0  }
0x20f: {  	s30 =	sld [smem:$0x7F9];
	[sflag:s22] =	ssyncadd.s32 $0xFFFFFFB0  }
0x210: {  	[spmem:s4] =	stream.indirect.scatter.add.f32 [tilespmem:s17], [sflag:$0x5], $0x80, s9, s16, $0xb8;
	[tilespmem:$0x1F400] =	vst v63  }
0x211: {  	s23 =	simm.s32 $0x1DB70;
	s11 =	sld [smem:$0x7FA]  }
0x212: {  	[tilespmem:s23], [sflag:$0xB] =	stream.linear.gather [hbm4b:s30+s5], $0x50, $0x38;
	[tilespmem:$0x1F400] =	vst v63  }
0x213: {  	s24 =	simm.s32 $0x13A00  }
0x214: {  	[tilespmem:s24], [sflag:$0x9] =	stream.linear.gather [hbm4b:s11+s5], $0x50, $0x38;
	[tilespmem:$0x1F400] =	vst v63  }
0x215: {  	_ =	swait.ge [sflag:s15], $0x50  }
0x216: {  	[sflag:s15] =	ssyncset.done $0x0  }
0x217: {  	s26 =	simm.s32 $0x18A80;
	[sflag:s15] =	ssyncadd.s32 $0xFFFFFFB0  }
0x218: {  	[tilespmem:s26], [sflag:$0x3] =	stream.indirect.gather [hbm4b:s1+s16], $0x80, s13, s16, $0xb8;
	[tilespmem:$0x1F400] =	vst v63  }
0x219: {  	_ =	swait.ge [sflag:s28], $0x2800  }
0x21a: {  	[sflag:s28] =	ssyncset.done $0x0  }
0x21b: {  	[sflag:s28] =	ssyncadd.s32 $0xFFFFD800  }
0x21c: {  	_ =	swait.ge [sflag:s22], $0x50  }
0x21d: {  	[sflag:s22] =	ssyncset.done $0x0  }
0x21e: {  	[sflag:s22] =	ssyncadd.s32 $0xFFFFFFB0  }
0x21f: {  	[spmem:s4] =	stream.indirect.scatter.add.f32 [tilespmem:s18], [sflag:$0x6], $0x80, s12, s16, $0xb8;
	[tilespmem:$0x1F400] =	vst v63  }
0x220: {  	_ =	swait.ge [sflag:s29], $0x2800  }
0x221: {  	s2 =	rddreg [dreg:$0x1f]  }
0x222: {  	[sflag:s29] =	ssyncset.done $0x0;
	s19 =	sshrl.u32 s2, $0x3  }
0x223: {  	s30 =	rddreg [dreg:$0xb];
	[sflag:s29] =	ssyncadd.s32 $0xFFFFD800;
	s11 =	sadd.s32 s20, s19  }
0x224: {  	[tilespmem:s8], [sflag:$0xB] =	stream.linear.gather [hbm4b:s11+s5], $0x50, $0x38;
	[tilespmem:$0x1F400] =	vst v63  }
0x225: {  	s30 =	sadd.s32 $0x0, s30  }
0x226: {  	[tilespmem:s9], [sflag:$0x9] =	stream.linear.gather [hbm4b:s30+s5], $0x50, $0x38;
	[tilespmem:$0x1F400] =	vst v63  }
0x227: {  	_ =	swait.ge [sflag:s15], $0x50  }
0x228: {  	[sflag:s15] =	ssyncset.done $0x0  }
0x229: {  	s30 =	simm.s32 $0x1B280;
	[sflag:s15] =	ssyncadd.s32 $0xFFFFFFB0  }
0x22a: {  	[tilespmem:s30], [sflag:$0x4] =	stream.indirect.gather [hbm4b:s1+s16], $0x80, s23, s16, $0xb8;
	[tilespmem:$0x1F400] =	vst v63  }
0x22b: {  	_ =	swait.ge [sflag:s3], $0x2800  }
0x22c: {  	[sflag:s3] =	ssyncset.done $0x0  }
0x22d: {  	[sflag:s3] =	ssyncadd.s32 $0xFFFFD800  }
0x22e: {  	_ =	swait.ge [sflag:s22], $0x50  }
0x22f: {  	[sflag:s22] =	ssyncset.done $0x0  }
0x230: {  	[sflag:s22] =	ssyncadd.s32 $0xFFFFFFB0  }
0x231: {  	[spmem:s4] =	stream.indirect.scatter.add.f32 [tilespmem:s26], [sflag:$0x7], $0x80, s14, s16, $0xb8;
	[tilespmem:$0x1F400] =	vst v63  }
0x232: {  	_ =	swait.ge [sflag:s0], $0x2800  }
0x233: {  	s19 =	rddreg [dreg:$0x9];
	[sflag:s0] =	ssyncset.done $0x0  }
0x234: {  	s26 =	rddreg [dreg:$0xa];
	[sflag:s0] =	ssyncadd.s32 $0xFFFFD800;
	s11 =	sadd.s32 $0x0, s19  }
0x235: {  	[tilespmem:s10], [sflag:$0xB] =	stream.linear.gather [hbm4b:s11+s5], $0x50, $0x38;
	[tilespmem:$0x1F400] =	vst v63  }
0x236: {  	s26 =	sadd.s32 $0x0, s26  }
0x237: {  	[tilespmem:s12], [sflag:$0x9] =	stream.linear.gather [hbm4b:s26+s5], $0x50, $0x38;
	[tilespmem:$0x1F400] =	vst v63  }
0x238: {  	_ =	swait.ge [sflag:s15], $0x50  }
0x239: {  	[sflag:s15] =	ssyncset.done $0x0  }
0x23a: {  	[sflag:s15] =	ssyncadd.s32 $0xFFFFFFB0  }
0x23b: {  	[tilespmem:s17], [sflag:$0x1] =	stream.indirect.gather [hbm4b:s1+s16], $0x80, s8, s16, $0xb8;
	[tilespmem:$0x1F400] =	vst v63  }
0x23c: {  	_ =	swait.ge [sflag:s7], $0x2800  }
0x23d: {  	[sflag:s7] =	ssyncset.done $0x0  }
0x23e: {  	[sflag:s7] =	ssyncadd.s32 $0xFFFFD800  }
0x23f: {  	_ =	swait.ge [sflag:s22], $0x50  }
0x240: {  	[sflag:s22] =	ssyncset.done $0x0  }
0x241: {  	[sflag:s22] =	ssyncadd.s32 $0xFFFFFFB0  }
0x242: {  	[spmem:s4] =	stream.indirect.scatter.add.f32 [tilespmem:s30], [sflag:$0x8], $0x80, s24, s16, $0xb8;
	[tilespmem:$0x1F400] =	vst v63  }
0x243: {  	_ =	swait.ge [sflag:s6], $0x2800  }
0x244: {  	s8 =	rddreg [dreg:$0x7];
	[sflag:s6] =	ssyncset.done $0x0  }
0x245: {  	s12 =	rddreg [dreg:$0x8];
	[sflag:s6] =	ssyncadd.s32 $0xFFFFD800;
	s11 =	sadd.s32 $0x0, s8  }
0x246: {  	[tilespmem:s13], [sflag:$0xB] =	stream.linear.gather [hbm4b:s11+s5], $0x50, $0x38;
	[tilespmem:$0x1F400] =	vst v63  }
0x247: {  	s19 =	sadd.s32 $0x0, s12  }
0x248: {  	[tilespmem:s14], [sflag:$0x9] =	stream.linear.gather [hbm4b:s19+s5], $0x50, $0x38;
	[tilespmem:$0x1F400] =	vst v63  }
0x249: {  	_ =	swait.ge [sflag:s15], $0x50  }
0x24a: {  	[sflag:s15] =	ssyncset.done $0x0  }
0x24b: {  	[sflag:s15] =	ssyncadd.s32 $0xFFFFFFB0  }
0x24c: {  	[tilespmem:s18], [sflag:$0x2] =	stream.indirect.gather [hbm4b:s1+s16], $0x80, s10, s16, $0xb8;
	[tilespmem:$0x1F400] =	vst v63  }
0x24d: {  	_ =	swait.ge [sflag:s21], $0x2800  }
0x24e: {  	[sflag:s21] =	ssyncset.done $0x0  }
0x24f: {  	[sflag:s21] =	ssyncadd.s32 $0xFFFFD800  }
0x250: {  	_ =	swait.ge [sflag:s22], $0x50  }
0x251: {  	[sflag:s22] =	ssyncset.done $0x0  }
0x252: {  	[sflag:s22] =	ssyncadd.s32 $0xFFFFFFB0  }
0x253: {  	[spmem:s4] =	stream.indirect.scatter.add.f32 [tilespmem:s17], [sflag:$0x5], $0x80, s9, s16, $0xb8;
	[tilespmem:$0x1F400] =	vst v63  }
0x254: {  	_ =	swait.ge [sflag:s25], $0x2800  }
0x255: {  	s21 =	rddreg [dreg:$0x5];
	[sflag:s25] =	ssyncset.done $0x0  }
0x256: {  	s26 =	rddreg [dreg:$0x6];
	[sflag:s25] =	ssyncadd.s32 $0xFFFFD800;
	s11 =	sadd.s32 $0x0, s21  }
0x257: {  	[tilespmem:s23], [sflag:$0xB] =	stream.linear.gather [hbm4b:s11+s5], $0x50, $0x38;
	[tilespmem:$0x1F400] =	vst v63  }
0x258: {  	s30 =	sadd.s32 $0x0, s26  }
0x259: {  	[tilespmem:s24], [sflag:$0x9] =	stream.linear.gather [hbm4b:s30+s5], $0x50, $0x38;
	[tilespmem:$0x1F400] =	vst v63  }
0x25a: {  	_ =	swait.ge [sflag:s15], $0x50  }
0x25b: {  	s8 =	smov.u32 s20;
	s12 =	simm.s32 $0x1DAD0;
	[sflag:s15] =	ssyncset.done $0x0  }
0x25c: {  	s19 =	sadd.s32 $0x140, s2;
	s11 =	simm.s32 $0x28;
	[sflag:s15] =	ssyncadd.s32 $0xFFFFFFB0  }
.LBB2_2:
0x25d: {  	s17 =	simm.s32 $0x1DB20;
	s13 =	simm.s32 $0x18A80  }
0x25e: {  	[tilespmem:s13], [sflag:$0x3] =	stream.indirect.gather [hbm4b:s1+s16], $0x80, s17, s16, $0xb8;
	[tilespmem:$0x1F400] =	vst v63  }
0x25f: {  	_ =	swait.ge [sflag:s28], $0x2800  }
0x260: {  	[sflag:s28] =	ssyncset.done $0x0  }
0x261: {  	[sflag:s28] =	ssyncadd.s32 $0xFFFFD800  }
0x262: {  	_ =	swait.ge [sflag:s22], $0x50  }
0x263: {  	[sflag:s22] =	ssyncset.done $0x0  }
0x264: {  	s14 =	simm.s32 $0x13900;
	s24 =	simm.s32 $0x16280;
	[sflag:s22] =	ssyncadd.s32 $0xFFFFFFB0  }
0x265: {  	[spmem:s4] =	stream.indirect.scatter.add.f32 [tilespmem:s24], [sflag:$0x6], $0x80, s14, s16, $0xb8;
	[tilespmem:$0x1F400] =	vst v63  }
0x266: {  	s30 =	smov.u32 s11;
	_ =	swait.ge [sflag:s29], $0x2800  }
0x267: {  	s20 =	sshrl.u32 s19, $0x3;
	s9 =	simm.s32 $0x1DA80;
	[sflag:s29] =	ssyncset.done $0x0  }
0x268: {  	s20 =	sadd.s32 s8, s20;
	s2 =	rddreg [dreg:$0xb];
	[sflag:s29] =	ssyncadd.s32 $0xFFFFD800  }
0x269: {  	[tilespmem:s9], [sflag:$0xB] =	stream.linear.gather [hbm4b:s20+s5], $0x50, $0x38;
	[tilespmem:$0x1F400] =	vst v63  }
0x26a: {  	s10 =	simm.s32 $0x13880;
	s2 =	sadd.s32 s30, s2  }
0x26b: {  	[tilespmem:s10], [sflag:$0x9] =	stream.linear.gather [hbm4b:s2+s5], $0x50, $0x38;
	[tilespmem:$0x1F400] =	vst v63  }
0x26c: {  	_ =	swait.ge [sflag:s15], $0x50  }
0x26d: {  	[sflag:s15] =	ssyncset.done $0x0  }
0x26e: {  	s26 =	simm.s32 $0x1DB70;
	s21 =	simm.s32 $0x1B280;
	[sflag:s15] =	ssyncadd.s32 $0xFFFFFFB0  }
0x26f: {  	[tilespmem:s21], [sflag:$0x4] =	stream.indirect.gather [hbm4b:s1+s16], $0x80, s26, s16, $0xb8;
	[tilespmem:$0x1F400] =	vst v63  }
0x270: {  	_ =	swait.ge [sflag:s3], $0x2800  }
0x271: {  	[sflag:s3] =	ssyncset.done $0x0  }
0x272: {  	[sflag:s3] =	ssyncadd.s32 $0xFFFFD800  }
0x273: {  	_ =	swait.ge [sflag:s22], $0x50  }
0x274: {  	[sflag:s22] =	ssyncset.done $0x0  }
0x275: {  	s18 =	simm.s32 $0x13980;
	[sflag:s22] =	ssyncadd.s32 $0xFFFFFFB0  }
0x276: {  	[spmem:s4] =	stream.indirect.scatter.add.f32 [tilespmem:s13], [sflag:$0x7], $0x80, s18, s16, $0xb8;
	[tilespmem:$0x1F400] =	vst v63  }
0x277: {  	_ =	swait.ge [sflag:s0], $0x2800  }
0x278: {  	s23 =	rddreg [dreg:$0x9];
	[sflag:s0] =	ssyncset.done $0x0  }
0x279: {  	s13 =	rddreg [dreg:$0xa];
	[sflag:s0] =	ssyncadd.s32 $0xFFFFD800;
	s2 =	sadd.s32 s30, s23  }
0x27a: {  	[tilespmem:s12], [sflag:$0xB] =	stream.linear.gather [hbm4b:s2+s5], $0x50, $0x38;
	[tilespmem:$0x1F400] =	vst v63  }
0x27b: {  	s23 =	sadd.s32 s30, s13  }
0x27c: {  	[tilespmem:s14], [sflag:$0x9] =	stream.linear.gather [hbm4b:s23+s5], $0x50, $0x38;
	[tilespmem:$0x1F400] =	vst v63  }
0x27d: {  	_ =	swait.ge [sflag:s15], $0x50  }
0x27e: {  	[sflag:s15] =	ssyncset.done $0x0  }
0x27f: {  	s23 =	simm.s32 $0x13A80;
	[sflag:s15] =	ssyncadd.s32 $0xFFFFFFB0  }
0x280: {  	[tilespmem:s23], [sflag:$0x1] =	stream.indirect.gather [hbm4b:s1+s16], $0x80, s9, s16, $0xb8;
	[tilespmem:$0x1F400] =	vst v63  }
0x281: {  	_ =	swait.ge [sflag:s7], $0x2800  }
0x282: {  	[sflag:s7] =	ssyncset.done $0x0  }
0x283: {  	[sflag:s7] =	ssyncadd.s32 $0xFFFFD800  }
0x284: {  	_ =	swait.ge [sflag:s22], $0x50  }
0x285: {  	[sflag:s22] =	ssyncset.done $0x0  }
0x286: {  	[sflag:s22] =	ssyncadd.s32 $0xFFFFFFB0  }
0x287: {  	[spmem:s4] =	stream.indirect.scatter.add.f32 [tilespmem:s21], [sflag:$0x8], $0x80, s31, s16, $0xb8;
	[tilespmem:$0x1F400] =	vst v63  }
0x288: {  	_ =	swait.ge [sflag:s6], $0x2800  }
0x289: {  	s9 =	rddreg [dreg:$0x7];
	[sflag:s6] =	ssyncset.done $0x0  }
0x28a: {  	s14 =	rddreg [dreg:$0x8];
	[sflag:s6] =	ssyncadd.s32 $0xFFFFD800;
	s2 =	sadd.s32 s30, s9  }
0x28b: {  	[tilespmem:s17], [sflag:$0xB] =	stream.linear.gather [hbm4b:s2+s5], $0x50, $0x38;
	[tilespmem:$0x1F400] =	vst v63  }
0x28c: {  	s20 =	sadd.s32 s30, s14  }
0x28d: {  	[tilespmem:s18], [sflag:$0x9] =	stream.linear.gather [hbm4b:s20+s5], $0x50, $0x38;
	[tilespmem:$0x1F400] =	vst v63  }
0x28e: {  	_ =	swait.ge [sflag:s15], $0x50  }
0x28f: {  	[sflag:s15] =	ssyncset.done $0x0  }
0x290: {  	s21 =	simm.s32 $0x1;
	[sflag:s15] =	ssyncadd.s32 $0xFFFFFFB0  }
0x291: {  	[tilespmem:s24], [sflag:$0x2] =	stream.indirect.gather [hbm4b:s1+s16], $0x80, s12, s16, $0xb8;
	[tilespmem:$0x1F400] =	vst v63  }
0x292: {  	_ =	swait.ge [sflag:s21], $0x2800  }
0x293: {  	[sflag:s21] =	ssyncset.done $0x0  }
0x294: {  	[sflag:s21] =	ssyncadd.s32 $0xFFFFD800  }
0x295: {  	_ =	swait.ge [sflag:s22], $0x50  }
0x296: {  	[sflag:s22] =	ssyncset.done $0x0  }
0x297: {  	[sflag:s22] =	ssyncadd.s32 $0xFFFFFFB0  }
0x298: {  	[spmem:s4] =	stream.indirect.scatter.add.f32 [tilespmem:s23], [sflag:$0x5], $0x80, s10, s16, $0xb8;
	[tilespmem:$0x1F400] =	vst v63  }
0x299: {  	p1 =	sne.s32 s11, $0x488;
	_ =	swait.ge [sflag:s25], $0x2800  }
0x29a: {  	s11 =	sadd.s32 $0x28, s11;
	s23 =	rddreg [dreg:$0x5];
	[sflag:s25] =	ssyncset.done $0x0  }
0x29b: {  	s24 =	rddreg [dreg:$0x6];
	[sflag:s25] =	ssyncadd.s32 $0xFFFFD800;
	s2 =	sadd.s32 s30, s23  }
0x29c: {  	[tilespmem:s26], [sflag:$0xB] =	stream.linear.gather [hbm4b:s2+s5], $0x50, $0x38;
	[tilespmem:$0x1F400] =	vst v63  }
.Ltmp0:
0x29d: {  	s19 =	sadd.s32 $0x140, s19;
	s30 =	sadd.s32 s30, s24;
	(pc) =	sbr.rel @p1 .LBB2_2-.Ltmp0, $4  }
0x29e: {  	[tilespmem:s31], [sflag:$0x9] =	stream.linear.gather [hbm4b:s30+s5], $0x50, $0x38;
	[tilespmem:$0x1F400] =	vst v63  }
0x29f: {  	s13 =	simm.s32 $0x13900;
	s9 =	simm.s32 $0x1DB20;
	_ =	swait.ge [sflag:s15], $0x50  }
0x2a0: {  	s14 =	simm.s32 $0x13980;
	s17 =	simm.s32 $0x16280;
	[sflag:s15] =	ssyncset.done $0x0  }
0x2a1: {  	s18 =	simm.s32 $0x1DB70;
	s20 =	simm.s32 $0x13A00;
	[sflag:s15] =	ssyncadd.s32 $0xFFFFFFB0  }
0x2a2: {  	s11 =	simm.s32 $0x18A80  }
0x2a3: {  	[tilespmem:s11], [sflag:$0x3] =	stream.indirect.gather [hbm4b:s1+s16], $0x80, s9, s16, $0xb8;
	[tilespmem:$0x1F400] =	vst v63  }
0x2a4: {  	_ =	swait.ge [sflag:s28], $0x2800  }
0x2a5: {  	[sflag:s28] =	ssyncset.done $0x0  }
0x2a6: {  	[sflag:s28] =	ssyncadd.s32 $0xFFFFD800  }
0x2a7: {  	_ =	swait.ge [sflag:s22], $0x50  }
0x2a8: {  	[sflag:s22] =	ssyncset.done $0x0  }
0x2a9: {  	[sflag:s22] =	ssyncadd.s32 $0xFFFFFFB0  }
0x2aa: {  	[spmem:s4] =	stream.indirect.scatter.add.f32 [tilespmem:s17], [sflag:$0x6], $0x80, s13, s16, $0xb8;
	[tilespmem:$0x1F400] =	vst v63  }
0x2ab: {  	_ =	swait.ge [sflag:s29], $0x2800  }
0x2ac: {  	s2 =	sld [smem:$0x7FB]  }
0x2ad: {  	[sflag:s29] =	ssyncset.done $0x0  }
0x2ae: {  	s26 =	simm.s32 $0x1DA80;
	s13 =	sld [smem:$0x7FC];
	[sflag:s29] =	ssyncadd.s32 $0xFFFFD800  }
0x2af: {  	[tilespmem:s26], [sflag:$0xB] =	stream.linear.gather [hbm4b:s2+s5], $0x50, $0x38;
	[tilespmem:$0x1F400] =	vst v63  }
0x2b0: {  	s10 =	simm.s32 $0x13880  }
0x2b1: {  	[tilespmem:s10], [sflag:$0x9] =	stream.linear.gather [hbm4b:s13+s5], $0x50, $0x38;
	[tilespmem:$0x1F400] =	vst v63  }
0x2b2: {  	_ =	swait.ge [sflag:s15], $0x50  }
0x2b3: {  	[sflag:s15] =	ssyncset.done $0x0  }
0x2b4: {  	s12 =	simm.s32 $0x1B280;
	[sflag:s15] =	ssyncadd.s32 $0xFFFFFFB0  }
0x2b5: {  	[tilespmem:s12], [sflag:$0x4] =	stream.indirect.gather [hbm4b:s1+s16], $0x80, s18, s16, $0xb8;
	[tilespmem:$0x1F400] =	vst v63  }
0x2b6: {  	_ =	swait.ge [sflag:s3], $0x2800  }
0x2b7: {  	[sflag:s3] =	ssyncset.done $0x0  }
0x2b8: {  	[sflag:s3] =	ssyncadd.s32 $0xFFFFD800  }
0x2b9: {  	_ =	swait.ge [sflag:s22], $0x50  }
0x2ba: {  	[sflag:s22] =	ssyncset.done $0x0  }
0x2bb: {  	[sflag:s22] =	ssyncadd.s32 $0xFFFFFFB0  }
0x2bc: {  	[spmem:s4] =	stream.indirect.scatter.add.f32 [tilespmem:s11], [sflag:$0x7], $0x80, s14, s16, $0xb8;
	[tilespmem:$0x1F400] =	vst v63  }
0x2bd: {  	_ =	swait.ge [sflag:s0], $0x2800  }
0x2be: {  	[sflag:s0] =	ssyncset.done $0x0  }
0x2bf: {  	[sflag:s0] =	ssyncadd.s32 $0xFFFFD800  }
0x2c0: {  	_ =	swait.ge [sflag:s15], $0x50  }
0x2c1: {  	[sflag:s15] =	ssyncset.done $0x0  }
0x2c2: {  	s17 =	simm.s32 $0x13A80;
	[sflag:s15] =	ssyncadd.s32 $0xFFFFFFB0  }
0x2c3: {  	[tilespmem:s17], [sflag:$0x1] =	stream.indirect.gather [hbm4b:s1+s16], $0x80, s26, s16, $0xb8;
	[tilespmem:$0x1F400] =	vst v63  }
0x2c4: {  	_ =	swait.ge [sflag:s7], $0x2800  }
0x2c5: {  	[sflag:s7] =	ssyncset.done $0x0  }
0x2c6: {  	[sflag:s7] =	ssyncadd.s32 $0xFFFFD800  }
0x2c7: {  	_ =	swait.ge [sflag:s22], $0x50  }
0x2c8: {  	[sflag:s22] =	ssyncset.done $0x0  }
0x2c9: {  	[sflag:s22] =	ssyncadd.s32 $0xFFFFFFB0  }
0x2ca: {  	[spmem:s4] =	stream.indirect.scatter.add.f32 [tilespmem:s12], [sflag:$0x8], $0x80, s20, s16, $0xb8;
	[tilespmem:$0x1F400] =	vst v63  }
0x2cb: {  	_ =	swait.ge [sflag:s6], $0x2800  }
0x2cc: {  	[sflag:s6] =	ssyncset.done $0x0  }
0x2cd: {  	s18 =	simm.s32 $0x1;
	[sflag:s6] =	ssyncadd.s32 $0xFFFFD800  }
0x2ce: {  	_ =	swait.ge [sflag:s18], $0x2800  }
0x2cf: {  	[sflag:s18] =	ssyncset.done $0x0  }
0x2d0: {  	[sflag:s18] =	ssyncadd.s32 $0xFFFFD800  }
0x2d1: {  	_ =	swait.ge [sflag:s22], $0x50  }
0x2d2: {  	[sflag:s22] =	ssyncset.done $0x0  }
0x2d3: {  	[sflag:s22] =	ssyncadd.s32 $0xFFFFFFB0  }
0x2d4: {  	[spmem:s4] =	stream.indirect.scatter.add.f32 [tilespmem:s17], [sflag:$0x5], $0x80, s10, s16, $0xb8;
	[tilespmem:$0x1F400] =	vst v63  }
0x2d5: {  	_ =	swait.ge [sflag:s25], $0x2800  }
0x2d6: {  	[sflag:s25] =	ssyncset.done $0x0  }
0x2d7: {  	[sflag:s25] =	ssyncadd.s32 $0xFFFFD800  }
0x2d8: {  	_ =	swait.ge [sflag:s29], $0x2800  }
0x2d9: {  	[sflag:s29] =	ssyncset.done $0x0  }
0x2da: {  	[sflag:s29] =	ssyncadd.s32 $0xFFFFD800  }
0x2db: {  	s19 =	stileid.u32;
	[bflag:$0x0] =	sbarrier.arrive $0xFFFF  }
0x2dc: {  	s23 =	simm.s32 $0xC;
	s2 =	sshll.u32 s19, $0x6;
	s19 =	rddreg [dreg:$0x11]  }
0x2dd: {  	s2 =	sor.u32 $0x1C0C, s2;
	s21 =	rddreg [dreg:$0x19];
	s20 =	sshrl.u32 s19, $0x3  }
0x2de: {  	[hbm:s21], [sflag:s2] =	dma.local [spmem:s20], $0x2700  }
0x2df: {  	_ =	swait.ge [sflag:s23], $0x2700  }
0x2e0: {  	s30 =	sld [smem:$0x7FD];
	_ =	sdelay $0x1  }
0x2e1: {  	[sflag:s23] =	ssyncset.done $0x0  }
0x2e2: {  	s20 =	rddreg [dreg:$0x1d];
	[sflag:s23] =	ssyncadd.s32 $0xFFFFD900;
	s11 =	sshrl.u32 @!p0 s30, $0x3  }
0x2e3: {  	[hbm:s20], [sflag:s2] =	dma.local @!p0 [spmem:s11], $0x100  }
0x2e4: {  	s2 =	simm.s32 @!p0 $0xC  }
0x2e5: {  	_ =	swait.ge @!p0 [sflag:s2], $0x100  }
0x2e6: {  	s24 =	sld [smem:$0x7F5];
	_ =	sdelay $0x2  }
0x2e7: {  	s26 =	rddreg [dreg:$0x1e];
	s9 =	sadd.s32 $0x1, s24  }
0x2e8: {  	p1 =	sne.s32 s9, s26  }
.Ltmp1:
0x2e9: {  	_ = 	snop;
	(pc) =	sbr.rel @p1 .LBB2_1-.Ltmp1, $3  }
0x2ea: {  	_ =	sdelay $0x1  }
0x2eb: {  	[sflag:s2] =	ssyncset.done @!p0 $0x0  }
0x2ec: {  	s10 =	simm.s32 $0x1DAD0;
	s20 =	smov.u32 s8;
	[sflag:s2] =	ssyncadd.s32 @!p0 $0xFFFFFF00  }
0x2ed: {  	_ =	sfence.sel $0x180000  }
0x2ee: {  	[bflag:$0x0] =	sbarrier.arrive $0xFFFF  }
0x2ef: {  	_ =	strace $0x90000047  }
0x2f0: {  	s0 =	stileid.u32;
	[bflag:$0x2] =	sbarrier.arrive $0xFFFF  }
0x2f1: {  	p0 =	sne.s32 s0, $0x0;
	s0 =	rddreg [dreg:$0x4]  }
0x2f2: {  	s0 =	sadd.s32 @!p0 $0x100000, s0  }
0x2f3: {  	[sflag:s0] =	ssyncadd.tile.s32 @!p0 $0x1;
	_ =	shalt  }
.Lfunc_end2:
_tile_overlayer_lowered:
.L_overlay_start_2:
0x2f4: {  	(tag) =	ssettag $0x2  }
0x2f5: {  	s0 =	rddreg [dreg:$0x0];
	s2 =	stileid.u32  }
0x2f6: {  	s1 =	rddreg [dreg:$0x1];
	p0 =	sne.s32 s2, $0x0  }
0x2f7: {  	s3 =	rddreg [dreg:$0x2];
	[bflag:$0x3] =	sbarrier.arrive $0xFFFF;
	s2 =	simm.s32 @!p0 $0x1C0C  }
0x2f8: {  	[timem:s3], [sflag:s2] =	dma.local @!p0 [hbm:s0], s1  }
0x2f9: {  	s0 =	simm.s32 @!p0 $0xC  }
0x2fa: {  	_ =	swait.ge @!p0 [sflag:s0], s1  }
0x2fb: {  	s1 =	ssub.s32 @!p0 $0x0, s1;
	[sflag:s0] =	ssyncset.done @!p0 $0x0  }
0x2fc: {  	[sflag:s0] =	ssyncadd.s32 @!p0 s1  }
0x2fd: {  	[bflag:$0x3] =	sbarrier.arrive $0xFFFF  }
0x2fe: {  	_ =	shalt  }

</sc_bundles>
